<compile_context>
chip_gen: v7x
topology: tpu7x:2x2x1
jax: 0.10.2.dev20260603
libtpu: 0.0.44.dev20260713+nightly
codegen_flags: <defaults>
</compile_context>

<pallas_src>
import functools

import jax
import jax.numpy as jnp
from jax import lax
from jax.experimental import pallas as pl
from jax.experimental.pallas import tpu as pltpu
from jax.experimental.pallas import tpu_sc as plsc

BATCH = 16384
DIM = 64
VOCAB1 = 1000001

_NC = 2
_NS = 16
_NW = _NC * _NS
_I_PER_W = 31360
_WIN = 512
_N_WIN = 62
_PHYS_MINOR = 1000064
_MAX_BASE = _PHYS_MINOR - _WIN
_LCAP = BATCH + 16
_E2_ROWS = BATCH + 16
_JBITS = 15
_JMASK = (1 << _JBITS) - 1


def _sc_gather(idx, table_t):
    mesh = plsc.VectorSubcoreMesh(core_axis_name="c", subcore_axis_name="s")

    @functools.partial(
        pl.kernel,
        mesh=mesh,
        out_type=jax.ShapeDtypeStruct((_E2_ROWS, 128), jnp.float32),
        scratch_types=[
            pltpu.VMEM((BATCH,), jnp.int32),
            pltpu.VMEM((_LCAP,), jnp.int32),
            pltpu.VMEM((_LCAP,), jnp.int32),
            pltpu.VMEM((DIM, _WIN), jnp.float32),
            pltpu.VMEM((DIM, _WIN), jnp.float32),
            pltpu.VMEM((16, 128), jnp.float32),
            pltpu.VMEM((1, 16), jnp.int32),
            pltpu.SemaphoreType.DMA,
            pltpu.SemaphoreType.DMA,
        ],
        compiler_params=pltpu.CompilerParams(needs_layout_passes=False),
    )
    def gather_kernel(idx_hbm, table_hbm, e2_hbm, idx_v, l_v, m_v,
                      win0, win1, stage, jbuf, sem_w, sem_s):
        wid = lax.axis_index("s") * _NC + lax.axis_index("c")
        i0 = wid * _I_PER_W
        i1 = jnp.minimum(i0 + _I_PER_W, VOCAB1)
        rel1 = i1 - i0
        lanes = lax.iota(jnp.int32, 16)
        sent = jnp.full((16,), 2**31 - 1, jnp.int32)

        pltpu.sync_copy(idx_hbm, idx_v)

        def compact_store(dst, pv, m, cnt):
            keys = jnp.where(m, pv, sent)
            sk, _ = plsc.sort_key_val(keys, pv)
            dst[pl.ds(cnt, 16)] = sk
            c = plsc.all_reduce_population_count(m)
            return cnt + c[0]

        def filt(k, cnt):
            vi = idx_v[pl.ds(k * 16, 16)]
            m = (vi >= i0) & (vi < i1)
            pv = ((vi - i0) << _JBITS) | (lanes + k * 16)
            return compact_store(l_v, pv, m, cnt)

        cnt = lax.fori_loop(0, BATCH // 16, filt, 0)
        nch = (cnt + 15) // 16

        def band_base(w):
            return pl.multiple_of(
                jnp.minimum(i0 + w * _WIN, _MAX_BASE), 128
            )

        def start_band(w, buf):
            pltpu.make_async_copy(
                table_hbm.at[:, pl.ds(band_base(w), _WIN)], buf, sem_w
            ).start()

        start_band(0, win0)
        start_band(1, win1)

        def do_window(w, buf, nxt, sc_issued):
            base_rel = band_base(w) - i0
            s0r = w * _WIN
            s1r = s0r + _WIN
            pltpu.make_async_copy(
                table_hbm.at[:, pl.ds(base_rel + i0, _WIN)], buf, sem_w
            ).wait()

            def sel(k, mcnt):
                pv = l_v[pl.ds(k * 16, 16)]
                pr = pv >> _JBITS
                valid = (k * 16 + lanes) < cnt
                m = (pr >= s0r) & (pr < s1r) & valid
                pm = pv - (base_rel << _JBITS)
                return compact_store(m_v, pm, m, mcnt)

            mcnt = lax.fori_loop(0, nch, sel, 0)
            m_v[pl.ds(mcnt, 16)] = jnp.full((16,), BATCH, jnp.int32) + lanes

            def chunk(c, issued):
                qb = c * 16

                @pl.when(issued > 0)
                def _():
                    pltpu.make_async_copy(
                        stage, e2_hbm.at[jbuf.at[0]], sem_s
                    ).wait()

                pm = m_v[pl.ds(qb, 16)]
                vrel = jnp.clip(pm >> _JBITS, 0, _WIN - 1)
                jbuf[0, pl.ds(0, 16)] = pm & _JMASK
                for l in range(16):
                    col = jnp.broadcast_to(vrel[l], (16,))
                    for h in range(4):
                        stage[l, pl.ds(h * 16, 16)] = plsc.load_gather(
                            buf, [lanes + h * 16, col]
                        )
                pltpu.make_async_copy(
                    stage, e2_hbm.at[jbuf.at[0]], sem_s
                ).start()
                return issued + 1

            out = lax.fori_loop(0, (mcnt + 15) // 16, chunk, sc_issued)

            @pl.when(w + 2 < _N_WIN)
            def _():
                start_band(w + 2, nxt)

            return out

        def wpair(p, sc_issued):
            sc_issued = do_window(2 * p, win0, win0, sc_issued)
            return do_window(2 * p + 1, win1, win1, sc_issued)

        sc_issued = lax.fori_loop(0, _N_WIN // 2, wpair, 0)

        @pl.when(sc_issued > 0)
        def _():
            pltpu.make_async_copy(stage, e2_hbm.at[jbuf.at[0]], sem_s).wait()

    return gather_kernel(idx, table_t)


def _fnn_body(e_ref, w1_ref, b1_ref, w2_ref, b2_ref, out_ref):
    x = e_ref[...][:, :DIM]
    h = jnp.dot(x, w1_ref[...], preferred_element_type=jnp.float32)
    h = jnp.maximum(h + b1_ref[...], 0.0)
    out_ref[...] = (
        jnp.dot(h, w2_ref[...], preferred_element_type=jnp.float32)
        + b2_ref[...]
    )


def _tc_fnn(e2, W1, b1, W2, b2):
    blk = 2048
    grid = (BATCH // blk,)
    return pl.pallas_call(
        _fnn_body,
        grid=grid,
        in_specs=[
            pl.BlockSpec((blk, 128), lambda i: (i, 0)),
            pl.BlockSpec((DIM, DIM), lambda i: (0, 0)),
            pl.BlockSpec((1, DIM), lambda i: (0, 0)),
            pl.BlockSpec((DIM, DIM), lambda i: (0, 0)),
            pl.BlockSpec((1, DIM), lambda i: (0, 0)),
        ],
        out_specs=pl.BlockSpec((blk, DIM), lambda i: (i, 0)),
        out_shape=jax.ShapeDtypeStruct((BATCH, DIM), jnp.float32),
    )(e2, W1, b1, W2, b2)


def kernel(pk_idx, emb_table, W1, b1, W2, b2):
    idx = pk_idx.astype(jnp.int32)
    table_t = jnp.swapaxes(emb_table, 0, 1)
    e2 = _sc_gather(idx, table_t)
    return _tc_fnn(e2, W1, b1.reshape(1, DIM), W2, b2.reshape(1, DIM))

# --- scband reference (transcript-rebuilt; emitter-appended) ---
"""Pipeline reference for scband-item-catalog-embedding-6116033430023 (READ-ONLY COPY).

The authoritative reference and input builder live on the scoring server;
editing this copy changes nothing except your own understanding.
"""

import jax, jax.numpy as jnp
import numpy as np

VOCAB = 1_000_000  # len(pk_index_list); table has VOCAB+1 rows (StringLookup OOV row)
DIM = 64           # item_space_dim
BATCH = 16384


def setup_inputs(seed: int = 0) -> dict:
    key = jax.random.key(seed)
    k1, k2, k3, k4 = jax.random.split(key, 4)
    pk_idx = jax.random.randint(k1, (BATCH,), 0, VOCAB + 1)
    emb_table = jax.random.normal(k2, (VOCAB + 1, DIM), dtype=jnp.float32) * 0.05
    W1 = jax.random.normal(k3, (DIM, DIM), dtype=jnp.float32) * (1.0 / np.sqrt(DIM))
    b1 = jnp.zeros((DIM,), dtype=jnp.float32)
    W2 = jax.random.normal(k4, (DIM, DIM), dtype=jnp.float32) * (1.0 / np.sqrt(DIM))
    b2 = jnp.zeros((DIM,), dtype=jnp.float32)
    return {"pk_idx": pk_idx, "emb_table": emb_table, "W1": W1, "b1": b1, "W2": W2, "b2": b2}


def reference(pk_idx, emb_table, W1, b1, W2, b2):
    # pk_embedding: StringLookup (indices precomputed) -> Embedding gather
    emb = jnp.take(emb_table, pk_idx, axis=0)          # [B, DIM]
    # fnn: Dense(relu) -> Dense  (only layers[0] is used by the original forward)
    h = jax.nn.relu(emb @ W1 + b1)
    out = h @ W2 + b2
    return out

if __name__ == "__main__":
    import jax
    _d = setup_inputs()
    print(jax.jit(kernel)(*tuple(_d.values())))

</pallas_src>

<mosaic_0001>
#map = affine_map<(d0, d1) -> (0)>
#map1 = affine_map<(d0, d1) -> (0, 0)>
module attributes {stable_mosaic.version = 14 : i64} {
  func.func @gather_kernel(%arg0: i32, %arg1: i32, %arg2: memref<16384xi32, #tpu.memory_space<hbm>>, %arg3: memref<64x1000001xf32, #tpu.memory_space<hbm>>, %arg4: memref<16400x128xf32, #tpu.memory_space<hbm>>, %arg5: memref<16384xi32, #tpu.memory_space<vmem>>, %arg6: memref<16400xi32, #tpu.memory_space<vmem>>, %arg7: memref<16400xi32, #tpu.memory_space<vmem>>, %arg8: memref<64x512xf32, #tpu.memory_space<vmem>>, %arg9: memref<64x512xf32, #tpu.memory_space<vmem>>, %arg10: memref<16x128xf32, #tpu.memory_space<vmem>>, %arg11: memref<1x16xi32, #tpu.memory_space<vmem>>, %arg12: memref<!tpu.dma_semaphore, #tpu.memory_space<semaphore_mem>>, %arg13: memref<!tpu.dma_semaphore, #tpu.memory_space<semaphore_mem>>) attributes {dimension_semantics = [#tpu.dimension_semantics<core_parallel>, #tpu.dimension_semantics<subcore_parallel>], iteration_bounds = array<i64: 2, 16>, scalar_prefetch = 0 : i64, scratch_operands = 9 : i64, tpu.core_type = #tpu.core_type<sc_vector_subcore>, window_params = [{transform_indices = #map}, {transform_indices = #map1}, {transform_indices = #map1}]} {
    %mul3A = arith.constant 2 : i32
    %mul3A_0 = arith.muli %arg1, %mul3A : i32
    %add3A = arith.addi %mul3A_0, %arg0 : i32
    %mul3A_1 = arith.constant 31360 : i32
    %mul3A_2 = arith.muli %add3A, %mul3A_1 : i32
    %add3A_3 = arith.constant 31360 : i32
    %add3A_4 = arith.addi %mul3A_2, %add3A_3 : i32
    %min3A = arith.constant 1000001 : i32
    %min3A_5 = arith.minsi %add3A_4, %min3A : i32
    %sub3A = arith.subi %min3A_5, %mul3A_2 : i32
    %iota3A = tpu.iota {dimensions = array<i32: 0>} : vector<16xi32>
    %broadcast_in_dim3A = arith.constant 2147483647 : i32
    %broadcast_in_dim3A_6 = vector.broadcast %broadcast_in_dim3A : i32 to vector<16xi32>
    "tpu.region"() ({
      %run_scoped3A = tpu.sem_alloc : memref<!tpu.dma_semaphore, #tpu.memory_space<semaphore_mem>>
      tpu.enqueue_dma source(%arg2 : memref<16384xi32, #tpu.memory_space<hbm>>) target(%arg5 : memref<16384xi32, #tpu.memory_space<vmem>>) target_semaphore(%run_scoped3A : memref<!tpu.dma_semaphore, #tpu.memory_space<semaphore_mem>>)
      tpu.wait_dma2 semaphore(%run_scoped3A : memref<!tpu.dma_semaphore, #tpu.memory_space<semaphore_mem>>) src(%arg2 : memref<16384xi32, #tpu.memory_space<hbm>>) dst(%arg5 : memref<16384xi32, #tpu.memory_space<vmem>>)
      tpu.yield
    }) : () -> ()
    %scan3A = arith.constant 0 : i32
    %scan3A_7 = arith.constant 0 : i32
    %scan3A_8 = arith.constant 1024 : i32
    %scan3A_9 = arith.addi %scan3A_7, %scan3A_8 : i32
    %scan3A_10 = arith.constant 1 : i32
    %scan3A_11 = scf.for %scan3A_57 = %scan3A_7 to %scan3A_9 step %scan3A_10 iter_args(%scan3A_58 = %scan3A) -> (i32)  : i32 {
      %mul3A_59 = arith.constant 16 : i32
      %mul3A_60 = arith.muli %scan3A_57, %mul3A_59 : i32
      %get3A = arith.index_cast %mul3A_60 : i32 to index
      %get3A_61 = tpu.vector_load %arg5[%get3A] {strides = array<i32>} : memref<16384xi32, #tpu.memory_space<vmem>>, vector<16xi32>,
      %ge3A = vector.broadcast %mul3A_2 : i32 to vector<16xi32>
      %ge3A_62 = arith.cmpi sge, %get3A_61, %ge3A : vector<16xi32>
      %lt3A = vector.broadcast %min3A_5 : i32 to vector<16xi32>
      %lt3A_63 = arith.cmpi slt, %get3A_61, %lt3A : vector<16xi32>
      %and3A_64 = arith.andi %ge3A_62, %lt3A_63 : vector<16xi1>
      %sub3A_65 = vector.broadcast %mul3A_2 : i32 to vector<16xi32>
      %sub3A_66 = arith.subi %get3A_61, %sub3A_65 : vector<16xi32>
      %shift_left3A = arith.constant 15 : i32
      %shift_left3A_67 = vector.broadcast %shift_left3A : i32 to vector<16xi32>
      %shift_left3A_68 = arith.shli %sub3A_66, %shift_left3A_67 : vector<16xi32>
      %mul3A_69 = arith.constant 16 : i32
      %mul3A_70 = arith.muli %scan3A_57, %mul3A_69 : i32
      %add3A_71 = vector.broadcast %mul3A_70 : i32 to vector<16xi32>
      %add3A_72 = arith.addi %iota3A, %add3A_71 : vector<16xi32>
      %or3A = arith.ori %shift_left3A_68, %add3A_72 : vector<16xi32>
      %select_n3A_73 = arith.select %and3A_64, %or3A, %broadcast_in_dim3A_6 : vector<16xi1>, vector<16xi32>
      %masked_sort3A = arith.constant dense<true> : vector<16xi1>
      %masked_sort3A_74 = arith.constant -2147483648 : i32
      %masked_sort3A_75 = vector.broadcast %masked_sort3A_74 : i32 to vector<16xi32>
      %masked_sort3A_76 = arith.xori %select_n3A_73, %masked_sort3A_75 : vector<16xi32>
      %masked_sort3A_77, %masked_sort3A_78, %masked_sort3A_79 = tpu.sort %masked_sort3A_76, %or3A masked %masked_sort3A : (vector<16xi32>, vector<16xi32>, vector<16xi1>) -> (vector<16xi1>, vector<16xi32>, vector<16xi32>)
      %masked_sort3A_80 = arith.xori %masked_sort3A_78, %masked_sort3A_75 : vector<16xi32>
      %swap3A = arith.index_cast %scan3A_58 : i32 to index
      %swap3A_81 = tpu.vector_load %arg6[%swap3A] {strides = array<i32>} : memref<16400xi32, #tpu.memory_space<vmem>>, vector<16xi32>,
      tpu.vector_store %arg6[%swap3A], %masked_sort3A_80 {strides = array<i32>} : memref<16400xi32, #tpu.memory_space<vmem>>, vector<16xi32>,
      %all_reduce_population_count3A = tpu.all_reduce %and3A_64 {dim = 0 : i64, kind = #tpu.reduction_kind<sum>} : vector<16xi1> -> vector<16xi32>
      %slice3A = vector.extract_strided_slice %all_reduce_population_count3A {offsets = [0], sizes = [1], strides = [1]} : vector<16xi32> to vector<1xi32>
      %squeeze3A = vector.extract %slice3A[0] : i32 from vector<1xi32>
      %add3A_82 = arith.addi %scan3A_58, %squeeze3A : i32
      scf.yield %add3A_82 : i32
    }
    %scan3A_12 = arith.constant 1024 : i32
    %add3A_13 = arith.constant 15 : i32
    %add3A_14 = arith.addi %scan3A_11, %add3A_13 : i32
    %jit3A = arith.constant 16 : i32
    %div3A = arith.divsi %add3A_14, %jit3A : i32
    %sign3A = arith.constant 0 : i32
    %sign3A_15 = arith.cmpi sgt, %add3A_14, %sign3A : i32
    %sign3A_16 = arith.extui %sign3A_15 : i1 to i32
    %sign3A_17 = arith.constant 0 : i32
    %sign3A_18 = arith.cmpi slt, %add3A_14, %sign3A_17 : i32
    %sign3A_19 = arith.extui %sign3A_18 : i1 to i32
    %sign3A_20 = arith.subi %sign3A_16, %sign3A_19 : i32
    %sign3A_21 = arith.constant 0 : i32
    %sign3A_22 = arith.cmpi sgt, %jit3A, %sign3A_21 : i32
    %sign3A_23 = arith.extui %sign3A_22 : i1 to i32
    %sign3A_24 = arith.constant 0 : i32
    %sign3A_25 = arith.cmpi slt, %jit3A, %sign3A_24 : i32
    %sign3A_26 = arith.extui %sign3A_25 : i1 to i32
    %sign3A_27 = arith.subi %sign3A_23, %sign3A_26 : i32
    %ne3A = arith.cmpi ne, %sign3A_20, %sign3A_27 : i32
    %rem3A = arith.remsi %add3A_14, %jit3A : i32
    %ne3A_28 = arith.constant 0 : i32
    %ne3A_29 = arith.cmpi ne, %rem3A, %ne3A_28 : i32
    %and3A = arith.andi %ne3A, %ne3A_29 : i1
    %sub3A_30 = arith.constant 1 : i32
    %sub3A_31 = arith.subi %div3A, %sub3A_30 : i32
    %select_n3A = arith.select %and3A, %sub3A_31, %div3A : i32
    %add3A_32 = arith.constant 0 : i32
    %add3A_33 = arith.addi %mul3A_2, %add3A_32 : i32
    %min3A_34 = arith.constant 999552 : i32
    %min3A_35 = arith.minsi %add3A_33, %min3A_34 : i32
    %multiple_of3A = tpu.assume_multiple %min3A_35, 128 : i32
    %dma_start3A = arith.constant 0 : i32
    %dma_start3A_36 = tpu.memref_slice %arg3[%dma_start3A, %multiple_of3A] : memref<64x1000001xf32, #tpu.memory_space<hbm>> -> memref<64x512xf32, #tpu.memory_space<hbm>>
    %dma_start3A_37 = arith.constant 0 : i32
    %dma_start3A_38 = tpu.memref_slice %arg3[%dma_start3A_37, %multiple_of3A] : memref<64x1000001xf32, #tpu.memory_space<hbm>> -> memref<64x512xf32, #tpu.memory_space<hbm>>
    tpu.enqueue_dma source(%dma_start3A_38 : memref<64x512xf32, #tpu.memory_space<hbm>>) target(%arg8 : memref<64x512xf32, #tpu.memory_space<vmem>>) target_semaphore(%arg12 : memref<!tpu.dma_semaphore, #tpu.memory_space<semaphore_mem>>)
    %add3A_39 = arith.constant 512 : i32
    %add3A_40 = arith.addi %mul3A_2, %add3A_39 : i32
    %min3A_41 = arith.constant 999552 : i32
    %min3A_42 = arith.minsi %add3A_40, %min3A_41 : i32
    %multiple_of3A_43 = tpu.assume_multiple %min3A_42, 128 : i32
    %dma_start3A_44 = arith.constant 0 : i32
    %dma_start3A_45 = tpu.memref_slice %arg3[%dma_start3A_44, %multiple_of3A_43] : memref<64x1000001xf32, #tpu.memory_space<hbm>> -> memref<64x512xf32, #tpu.memory_space<hbm>>
    %dma_start3A_46 = arith.constant 0 : i32
    %dma_start3A_47 = tpu.memref_slice %arg3[%dma_start3A_46, %multiple_of3A_43] : memref<64x1000001xf32, #tpu.memory_space<hbm>> -> memref<64x512xf32, #tpu.memory_space<hbm>>
    tpu.enqueue_dma source(%dma_start3A_47 : memref<64x512xf32, #tpu.memory_space<hbm>>) target(%arg9 : memref<64x512xf32, #tpu.memory_space<vmem>>) target_semaphore(%arg12 : memref<!tpu.dma_semaphore, #tpu.memory_space<semaphore_mem>>)
    %scan3A_48 = arith.constant 0 : i32
    %scan3A_49 = arith.constant 0 : i32
    %scan3A_50 = arith.constant 31 : i32
    %scan3A_51 = arith.addi %scan3A_49, %scan3A_50 : i32
    %scan3A_52 = arith.constant 1 : i32
    %scan3A_53 = scf.for %scan3A_57 = %scan3A_49 to %scan3A_51 step %scan3A_52 iter_args(%scan3A_58 = %scan3A_48) -> (i32)  : i32 {
      %mul3A_59 = arith.constant 2 : i32
      %mul3A_60 = arith.muli %mul3A_59, %scan3A_57 : i32
      %mul3A_61 = arith.constant 512 : i32
      %mul3A_62 = arith.muli %mul3A_60, %mul3A_61 : i32
      %add3A_63 = arith.addi %mul3A_2, %mul3A_62 : i32
      %min3A_64 = arith.constant 999552 : i32
      %min3A_65 = arith.minsi %add3A_63, %min3A_64 : i32
      %multiple_of3A_66 = tpu.assume_multiple %min3A_65, 128 : i32
      %sub3A_67 = arith.subi %multiple_of3A_66, %mul3A_2 : i32
      %mul3A_68 = arith.constant 512 : i32
      %mul3A_69 = arith.muli %mul3A_60, %mul3A_68 : i32
      %add3A_70 = arith.constant 512 : i32
      %add3A_71 = arith.addi %mul3A_69, %add3A_70 : i32
      %add3A_72 = arith.addi %sub3A_67, %mul3A_2 : i32
      %dma_wait3A = arith.constant 0 : i32
      %dma_wait3A_73 = tpu.memref_slice %arg3[%dma_wait3A, %add3A_72] : memref<64x1000001xf32, #tpu.memory_space<hbm>> -> memref<64x512xf32, #tpu.memory_space<hbm>>
      %dma_wait3A_74 = arith.constant 0 : i32
      %dma_wait3A_75 = tpu.memref_slice %arg3[%dma_wait3A_74, %add3A_72] : memref<64x1000001xf32, #tpu.memory_space<hbm>> -> memref<64x512xf32, #tpu.memory_space<hbm>>
      tpu.wait_dma2 semaphore(%arg12 : memref<!tpu.dma_semaphore, #tpu.memory_space<semaphore_mem>>) src(%dma_wait3A_75 : memref<64x512xf32, #tpu.memory_space<hbm>>) dst(%arg8 : memref<64x512xf32, #tpu.memory_space<vmem>>)
      %while3A = arith.constant 0 : i32
      %while3A_76 = arith.constant 0 : i32
      %while3A_77 = arith.subi %select_n3A, %while3A : i32
      %while3A_78 = arith.addi %while3A, %while3A_77 : i32
      %while3A_79 = arith.constant 1 : i32
      %while3A_80 = arith.divsi %while3A_77, %while3A_79 : i32
      %while3A_81 = arith.muli %while3A_80, %while3A_79 : i32
      %while3A_82 = arith.addi %while3A, %while3A_81 : i32
      %while3A_83 = arith.constant 1 : i32
      %while3A_84 = scf.for %while3A_215 = %while3A to %while3A_82 step %while3A_83 iter_args(%while3A_216 = %while3A_76) -> (i32)  : i32 {
        %mul3A_217 = arith.constant 16 : i32
        %mul3A_218 = arith.muli %while3A_215, %mul3A_217 : i32
        %get3A = arith.index_cast %mul3A_218 : i32 to index
        %get3A_219 = tpu.vector_load %arg6[%get3A] {strides = array<i32>} : memref<16400xi32, #tpu.memory_space<vmem>>, vector<16xi32>,
        %shift_right_arithmetic3A = arith.constant 15 : i32
        %shift_right_arithmetic3A_220 = vector.broadcast %shift_right_arithmetic3A : i32 to vector<16xi32>
        %shift_right_arithmetic3A_221 = arith.shrsi %get3A_219, %shift_right_arithmetic3A_220 : vector<16xi32>
        %mul3A_222 = arith.constant 16 : i32
        %mul3A_223 = arith.muli %while3A_215, %mul3A_222 : i32
        %add3A_224 = vector.broadcast %mul3A_223 : i32 to vector<16xi32>
        %add3A_225 = arith.addi %add3A_224, %iota3A : vector<16xi32>
        %lt3A_226 = vector.broadcast %scan3A_11 : i32 to vector<16xi32>
        %lt3A_227 = arith.cmpi slt, %add3A_225, %lt3A_226 : vector<16xi32>
        %ge3A = vector.broadcast %mul3A_69 : i32 to vector<16xi32>
        %ge3A_228 = arith.cmpi sge, %shift_right_arithmetic3A_221, %ge3A : vector<16xi32>
        %lt3A_229 = vector.broadcast %add3A_71 : i32 to vector<16xi32>
        %lt3A_230 = arith.cmpi slt, %shift_right_arithmetic3A_221, %lt3A_229 : vector<16xi32>
        %and3A_231 = arith.andi %ge3A_228, %lt3A_230 : vector<16xi1>
        %and3A_232 = arith.andi %and3A_231, %lt3A_227 : vector<16xi1>
        %shift_left3A = arith.constant 15 : i32
        %shift_left3A_233 = arith.shli %sub3A_67, %shift_left3A : i32
        %sub3A_234 = vector.broadcast %shift_left3A_233 : i32 to vector<16xi32>
        %sub3A_235 = arith.subi %get3A_219, %sub3A_234 : vector<16xi32>
        %select_n3A_236 = arith.select %and3A_232, %sub3A_235, %broadcast_in_dim3A_6 : vector<16xi1>, vector<16xi32>
        %masked_sort3A = arith.constant dense<true> : vector<16xi1>
        %masked_sort3A_237 = arith.constant -2147483648 : i32
        %masked_sort3A_238 = vector.broadcast %masked_sort3A_237 : i32 to vector<16xi32>
        %masked_sort3A_239 = arith.xori %select_n3A_236, %masked_sort3A_238 : vector<16xi32>
        %masked_sort3A_240, %masked_sort3A_241, %masked_sort3A_242 = tpu.sort %masked_sort3A_239, %sub3A_235 masked %masked_sort3A : (vector<16xi32>, vector<16xi32>, vector<16xi1>) -> (vector<16xi1>, vector<16xi32>, vector<16xi32>)
        %masked_sort3A_243 = arith.xori %masked_sort3A_241, %masked_sort3A_238 : vector<16xi32>
        %swap3A_244 = arith.index_cast %while3A_216 : i32 to index
        %swap3A_245 = tpu.vector_load %arg7[%swap3A_244] {strides = array<i32>} : memref<16400xi32, #tpu.memory_space<vmem>>, vector<16xi32>,
        tpu.vector_store %arg7[%swap3A_244], %masked_sort3A_243 {strides = array<i32>} : memref<16400xi32, #tpu.memory_space<vmem>>, vector<16xi32>,
        %all_reduce_population_count3A = tpu.all_reduce %and3A_232 {dim = 0 : i64, kind = #tpu.reduction_kind<sum>} : vector<16xi1> -> vector<16xi32>
        %slice3A = vector.extract_strided_slice %all_reduce_population_count3A {offsets = [0], sizes = [1], strides = [1]} : vector<16xi32> to vector<1xi32>
        %squeeze3A = vector.extract %slice3A[0] : i32 from vector<1xi32>
        %add3A_246 = arith.addi %while3A_216, %squeeze3A : i32
        scf.yield %add3A_246 : i32
      }
      %while3A_85 = arith.constant 1 : i32
      %while3A_86 = scf.for %while3A_215 = %while3A_82 to %while3A_78 step %while3A_85 iter_args(%while3A_216 = %while3A_84) -> (i32)  : i32 {
        %mul3A_217 = arith.constant 16 : i32
        %mul3A_218 = arith.muli %while3A_215, %mul3A_217 : i32
        %get3A = arith.index_cast %mul3A_218 : i32 to index
        %get3A_219 = tpu.vector_load %arg6[%get3A] {strides = array<i32>} : memref<16400xi32, #tpu.memory_space<vmem>>, vector<16xi32>,
        %shift_right_arithmetic3A = arith.constant 15 : i32
        %shift_right_arithmetic3A_220 = vector.broadcast %shift_right_arithmetic3A : i32 to vector<16xi32>
        %shift_right_arithmetic3A_221 = arith.shrsi %get3A_219, %shift_right_arithmetic3A_220 : vector<16xi32>
        %mul3A_222 = arith.constant 16 : i32
        %mul3A_223 = arith.muli %while3A_215, %mul3A_222 : i32
        %add3A_224 = vector.broadcast %mul3A_223 : i32 to vector<16xi32>
        %add3A_225 = arith.addi %add3A_224, %iota3A : vector<16xi32>
        %lt3A_226 = vector.broadcast %scan3A_11 : i32 to vector<16xi32>
        %lt3A_227 = arith.cmpi slt, %add3A_225, %lt3A_226 : vector<16xi32>
        %ge3A = vector.broadcast %mul3A_69 : i32 to vector<16xi32>
        %ge3A_228 = arith.cmpi sge, %shift_right_arithmetic3A_221, %ge3A : vector<16xi32>
        %lt3A_229 = vector.broadcast %add3A_71 : i32 to vector<16xi32>
        %lt3A_230 = arith.cmpi slt, %shift_right_arithmetic3A_221, %lt3A_229 : vector<16xi32>
        %and3A_231 = arith.andi %ge3A_228, %lt3A_230 : vector<16xi1>
        %and3A_232 = arith.andi %and3A_231, %lt3A_227 : vector<16xi1>
        %shift_left3A = arith.constant 15 : i32
        %shift_left3A_233 = arith.shli %sub3A_67, %shift_left3A : i32
        %sub3A_234 = vector.broadcast %shift_left3A_233 : i32 to vector<16xi32>
        %sub3A_235 = arith.subi %get3A_219, %sub3A_234 : vector<16xi32>
        %select_n3A_236 = arith.select %and3A_232, %sub3A_235, %broadcast_in_dim3A_6 : vector<16xi1>, vector<16xi32>
        %masked_sort3A = arith.constant dense<true> : vector<16xi1>
        %masked_sort3A_237 = arith.constant -2147483648 : i32
        %masked_sort3A_238 = vector.broadcast %masked_sort3A_237 : i32 to vector<16xi32>
        %masked_sort3A_239 = arith.xori %select_n3A_236, %masked_sort3A_238 : vector<16xi32>
        %masked_sort3A_240, %masked_sort3A_241, %masked_sort3A_242 = tpu.sort %masked_sort3A_239, %sub3A_235 masked %masked_sort3A : (vector<16xi32>, vector<16xi32>, vector<16xi1>) -> (vector<16xi1>, vector<16xi32>, vector<16xi32>)
        %masked_sort3A_243 = arith.xori %masked_sort3A_241, %masked_sort3A_238 : vector<16xi32>
        %swap3A_244 = arith.index_cast %while3A_216 : i32 to index
        %swap3A_245 = tpu.vector_load %arg7[%swap3A_244] {strides = array<i32>} : memref<16400xi32, #tpu.memory_space<vmem>>, vector<16xi32>,
        tpu.vector_store %arg7[%swap3A_244], %masked_sort3A_243 {strides = array<i32>} : memref<16400xi32, #tpu.memory_space<vmem>>, vector<16xi32>,
        %all_reduce_population_count3A = tpu.all_reduce %and3A_232 {dim = 0 : i64, kind = #tpu.reduction_kind<sum>} : vector<16xi1> -> vector<16xi32>
        %slice3A = vector.extract_strided_slice %all_reduce_population_count3A {offsets = [0], sizes = [1], strides = [1]} : vector<16xi32> to vector<1xi32>
        %squeeze3A = vector.extract %slice3A[0] : i32 from vector<1xi32>
        %add3A_246 = arith.addi %while3A_216, %squeeze3A : i32
        scf.yield %add3A_246 : i32
      }
      %broadcast_in_dim3A_87 = arith.constant 16384 : i32
      %broadcast_in_dim3A_88 = vector.broadcast %broadcast_in_dim3A_87 : i32 to vector<16xi32>
      %add3A_89 = arith.addi %broadcast_in_dim3A_88, %iota3A : vector<16xi32>
      %swap3A = arith.index_cast %while3A_86 : i32 to index
      %swap3A_90 = tpu.vector_load %arg7[%swap3A] {strides = array<i32>} : memref<16400xi32, #tpu.memory_space<vmem>>, vector<16xi32>,
      tpu.vector_store %arg7[%swap3A], %add3A_89 {strides = array<i32>} : memref<16400xi32, #tpu.memory_space<vmem>>, vector<16xi32>,
      %add3A_91 = arith.constant 15 : i32
      %add3A_92 = arith.addi %while3A_86, %add3A_91 : i32
      %jit3A_93 = arith.constant 16 : i32
      %div3A_94 = arith.divsi %add3A_92, %jit3A_93 : i32
      %sign3A_95 = arith.constant 0 : i32
      %sign3A_96 = arith.cmpi sgt, %add3A_92, %sign3A_95 : i32
      %sign3A_97 = arith.extui %sign3A_96 : i1 to i32
      %sign3A_98 = arith.constant 0 : i32
      %sign3A_99 = arith.cmpi slt, %add3A_92, %sign3A_98 : i32
      %sign3A_100 = arith.extui %sign3A_99 : i1 to i32
      %sign3A_101 = arith.subi %sign3A_97, %sign3A_100 : i32
      %sign3A_102 = arith.constant 0 : i32
      %sign3A_103 = arith.cmpi sgt, %jit3A_93, %sign3A_102 : i32
      %sign3A_104 = arith.extui %sign3A_103 : i1 to i32
      %sign3A_105 = arith.constant 0 : i32
      %sign3A_106 = arith.cmpi slt, %jit3A_93, %sign3A_105 : i32
      %sign3A_107 = arith.extui %sign3A_106 : i1 to i32
      %sign3A_108 = arith.subi %sign3A_104, %sign3A_107 : i32
      %ne3A_109 = arith.cmpi ne, %sign3A_101, %sign3A_108 : i32
      %rem3A_110 = arith.remsi %add3A_92, %jit3A_93 : i32
      %ne3A_111 = arith.constant 0 : i32
      %ne3A_112 = arith.cmpi ne, %rem3A_110, %ne3A_111 : i32
      %and3A_113 = arith.andi %ne3A_109, %ne3A_112 : i1
      %sub3A_114 = arith.constant 1 : i32
      %sub3A_115 = arith.subi %div3A_94, %sub3A_114 : i32
      %select_n3A_116 = arith.select %and3A_113, %sub3A_115, %div3A_94 : i32
      %while3A_117 = arith.constant 0 : i32
      %while3A_118 = arith.subi %select_n3A_116, %while3A_117 : i32
      %while3A_119 = arith.addi %while3A_117, %while3A_118 : i32
      %while3A_120 = arith.constant 1 : i32
      %while3A_121 = arith.divsi %while3A_118, %while3A_120 : i32
      %while3A_122 = arith.muli %while3A_121, %while3A_120 : i32
      %while3A_123 = arith.addi %while3A_117, %while3A_122 : i32
      %while3A_124 = arith.constant 1 : i32
      %while3A_125 = scf.for %while3A_215 = %while3A_117 to %while3A_123 step %while3A_124 iter_args(%while3A_216 = %scan3A_58) -> (i32)  : i32 {
        %mul3A_217 = arith.constant 16 : i32
        %mul3A_218 = arith.muli %while3A_215, %mul3A_217 : i32
        %gt3A_219 = arith.constant 0 : i32
        %gt3A_220 = arith.cmpi sgt, %while3A_216, %gt3A_219 : i32
        %convert_element_type3A_221 = arith.extui %gt3A_220 : i1 to i32
        %cond3A_222 = arith.constant 0 : i32
        %cond3A_223 = arith.cmpi ne, %convert_element_type3A_221, %cond3A_222 : i32
        scf.if %cond3A_223 {
          %dma_wait3A_805 = arith.constant 0 : i32
          %dma_wait3A_806 = arith.constant 0 : i32
          %dma_wait3A_807 = tpu.memref_slice %arg11[%dma_wait3A_805, %dma_wait3A_806] : memref<1x16xi32, #tpu.memory_space<vmem>> -> memref<1x16xi32, #tpu.memory_space<vmem>>
          %dma_wait3A_808 = tpu.memref_squeeze %dma_wait3A_807 : memref<1x16xi32, #tpu.memory_space<vmem>> -> memref<16xi32, #tpu.memory_space<vmem>>
          %dma_wait3A_809 = arith.constant 0 : i32
          %dma_wait3A_810 = arith.constant 0 : i32
          %dma_wait3A_811 = tpu.memref_slice %arg4[%dma_wait3A_809, %dma_wait3A_810] : memref<16400x128xf32, #tpu.memory_space<hbm>> -> memref<16400x128xf32, #tpu.memory_space<hbm>>
          tpu.wait_indirect_dma semaphore(%arg13 : memref<!tpu.dma_semaphore, #tpu.memory_space<semaphore_mem>>) src(%arg10 : memref<16x128xf32, #tpu.memory_space<vmem>>) dst(%dma_wait3A_811 : memref<16400x128xf32, #tpu.memory_space<hbm>>)
        } else {
        }
        %get3A = arith.index_cast %mul3A_218 : i32 to index
        %get3A_224 = tpu.vector_load %arg7[%get3A] {strides = array<i32>} : memref<16400xi32, #tpu.memory_space<vmem>>, vector<16xi32>,
        %shift_right_arithmetic3A = arith.constant 15 : i32
        %shift_right_arithmetic3A_225 = vector.broadcast %shift_right_arithmetic3A : i32 to vector<16xi32>
        %shift_right_arithmetic3A_226 = arith.shrsi %get3A_224, %shift_right_arithmetic3A_225 : vector<16xi32>
        %jit3A_227 = arith.constant 0 : i32
        %jit3A_228 = arith.constant 511 : i32
        %max3A = vector.broadcast %jit3A_227 : i32 to vector<16xi32>
        %max3A_229 = arith.maxsi %max3A, %shift_right_arithmetic3A_226 : vector<16xi32>
        %min3A_230 = vector.broadcast %jit3A_228 : i32 to vector<16xi32>
        %min3A_231 = arith.minsi %min3A_230, %max3A_229 : vector<16xi32>
        %and3A_232 = arith.constant 32767 : i32
        %and3A_233 = vector.broadcast %and3A_232 : i32 to vector<16xi32>
        %and3A_234 = arith.andi %get3A_224, %and3A_233 : vector<16xi32>
        %swap3A_235 = arith.constant 0 : i32
        %swap3A_236 = arith.index_cast %swap3A_235 : i32 to index
        %swap3A_237 = arith.constant 0 : index
        %swap3A_238 = tpu.vector_load %arg11[%swap3A_236, %swap3A_237] {strides = array<i32>} : memref<1x16xi32, #tpu.memory_space<vmem>>, vector<16xi32>,
        tpu.vector_store %arg11[%swap3A_236, %swap3A_237], %and3A_234 {strides = array<i32>} : memref<1x16xi32, #tpu.memory_space<vmem>>, vector<16xi32>,
        %slice3A = vector.extract_strided_slice %min3A_231 {offsets = [0], sizes = [1], strides = [1]} : vector<16xi32> to vector<1xi32>
        %squeeze3A = vector.extract %slice3A[0] : i32 from vector<1xi32>
        %broadcast_in_dim3A_239 = vector.broadcast %squeeze3A : i32 to vector<16xi32>
        %add3A_240 = arith.constant 0 : i32
        %add3A_241 = vector.broadcast %add3A_240 : i32 to vector<16xi32>
        %add3A_242 = arith.addi %iota3A, %add3A_241 : vector<16xi32>
        %gather3A = tpu.vector_load_idx %arg8[%add3A_242, %broadcast_in_dim3A_239] : memref<64x512xf32, #tpu.memory_space<vmem>>[vector<16xi32>, vector<16xi32>], vector<16xf32>,
        %swap3A_243 = arith.constant 0 : i32
        %swap3A_244 = arith.index_cast %swap3A_243 : i32 to index
        %swap3A_245 = arith.constant 0 : index
        %swap3A_246 = tpu.vector_load %arg10[%swap3A_244, %swap3A_245] {strides = array<i32>} : memref<16x128xf32, #tpu.memory_space<vmem>>, vector<16xf32>,
        tpu.vector_store %arg10[%swap3A_244, %swap3A_245], %gather3A {strides = array<i32>} : memref<16x128xf32, #tpu.memory_space<vmem>>, vector<16xf32>,
        %add3A_247 = arith.constant 16 : i32
        %add3A_248 = vector.broadcast %add3A_247 : i32 to vector<16xi32>
        %add3A_249 = arith.addi %iota3A, %add3A_248 : vector<16xi32>
        %gather3A_250 = tpu.vector_load_idx %arg8[%add3A_249, %broadcast_in_dim3A_239] : memref<64x512xf32, #tpu.memory_space<vmem>>[vector<16xi32>, vector<16xi32>], vector<16xf32>,
        %swap3A_251 = arith.constant 0 : i32
        %swap3A_252 = arith.index_cast %swap3A_251 : i32 to index
        %swap3A_253 = arith.constant 16 : index
        %swap3A_254 = tpu.vector_load %arg10[%swap3A_252, %swap3A_253] {strides = array<i32>} : memref<16x128xf32, #tpu.memory_space<vmem>>, vector<16xf32>,
        tpu.vector_store %arg10[%swap3A_252, %swap3A_253], %gather3A_250 {strides = array<i32>} : memref<16x128xf32, #tpu.memory_space<vmem>>, vector<16xf32>,
        %add3A_255 = arith.constant 32 : i32
        %add3A_256 = vector.broadcast %add3A_255 : i32 to vector<16xi32>
        %add3A_257 = arith.addi %iota3A, %add3A_256 : vector<16xi32>
        %gather3A_258 = tpu.vector_load_idx %arg8[%add3A_257, %broadcast_in_dim3A_239] : memref<64x512xf32, #tpu.memory_space<vmem>>[vector<16xi32>, vector<16xi32>], vector<16xf32>,
        %swap3A_259 = arith.constant 0 : i32
        %swap3A_260 = arith.index_cast %swap3A_259 : i32 to index
        %swap3A_261 = arith.constant 32 : index
        %swap3A_262 = tpu.vector_load %arg10[%swap3A_260, %swap3A_261] {strides = array<i32>} : memref<16x128xf32, #tpu.memory_space<vmem>>, vector<16xf32>,
        tpu.vector_store %arg10[%swap3A_260, %swap3A_261], %gather3A_258 {strides = array<i32>} : memref<16x128xf32, #tpu.memory_space<vmem>>, vector<16xf32>,
        %add3A_263 = arith.constant 48 : i32
        %add3A_264 = vector.broadcast %add3A_263 : i32 to vector<16xi32>
        %add3A_265 = arith.addi %iota3A, %add3A_264 : vector<16xi32>
        %gather3A_266 = tpu.vector_load_idx %arg8[%add3A_265, %broadcast_in_dim3A_239] : memref<64x512xf32, #tpu.memory_space<vmem>>[vector<16xi32>, vector<16xi32>], vector<16xf32>,
        %swap3A_267 = arith.constant 0 : i32
        %swap3A_268 = arith.index_cast %swap3A_267 : i32 to index
        %swap3A_269 = arith.constant 48 : index
        %swap3A_270 = tpu.vector_load %arg10[%swap3A_268, %swap3A_269] {strides = array<i32>} : memref<16x128xf32, #tpu.memory_space<vmem>>, vector<16xf32>,
        tpu.vector_store %arg10[%swap3A_268, %swap3A_269], %gather3A_266 {strides = array<i32>} : memref<16x128xf32, #tpu.memory_space<vmem>>, vector<16xf32>,
        %slice3A_271 = vector.extract_strided_slice %min3A_231 {offsets = [1], sizes = [1], strides = [1]} : vector<16xi32> to vector<1xi32>
        %squeeze3A_272 = vector.extract %slice3A_271[0] : i32 from vector<1xi32>
        %broadcast_in_dim3A_273 = vector.broadcast %squeeze3A_272 : i32 to vector<16xi32>
        %add3A_274 = arith.constant 0 : i32
        %add3A_275 = vector.broadcast %add3A_274 : i32 to vector<16xi32>
        %add3A_276 = arith.addi %iota3A, %add3A_275 : vector<16xi32>
        %gather3A_277 = tpu.vector_load_idx %arg8[%add3A_276, %broadcast_in_dim3A_273] : memref<64x512xf32, #tpu.memory_space<vmem>>[vector<16xi32>, vector<16xi32>], vector<16xf32>,
        %swap3A_278 = arith.constant 1 : i32
        %swap3A_279 = arith.index_cast %swap3A_278 : i32 to index
        %swap3A_280 = arith.constant 0 : index
        %swap3A_281 = tpu.vector_load %arg10[%swap3A_279, %swap3A_280] {strides = array<i32>} : memref<16x128xf32, #tpu.memory_space<vmem>>, vector<16xf32>,
        tpu.vector_store %arg10[%swap3A_279, %swap3A_280], %gather3A_277 {strides = array<i32>} : memref<16x128xf32, #tpu.memory_space<vmem>>, vector<16xf32>,
        %add3A_282 = arith.constant 16 : i32
        %add3A_283 = vector.broadcast %add3A_282 : i32 to vector<16xi32>
        %add3A_284 = arith.addi %iota3A, %add3A_283 : vector<16xi32>
        %gather3A_285 = tpu.vector_load_idx %arg8[%add3A_284, %broadcast_in_dim3A_273] : memref<64x512xf32, #tpu.memory_space<vmem>>[vector<16xi32>, vector<16xi32>], vector<16xf32>,
        %swap3A_286 = arith.constant 1 : i32
        %swap3A_287 = arith.index_cast %swap3A_286 : i32 to index
        %swap3A_288 = arith.constant 16 : index
        %swap3A_289 = tpu.vector_load %arg10[%swap3A_287, %swap3A_288] {strides = array<i32>} : memref<16x128xf32, #tpu.memory_space<vmem>>, vector<16xf32>,
        tpu.vector_store %arg10[%swap3A_287, %swap3A_288], %gather3A_285 {strides = array<i32>} : memref<16x128xf32, #tpu.memory_space<vmem>>, vector<16xf32>,
        %add3A_290 = arith.constant 32 : i32
        %add3A_291 = vector.broadcast %add3A_290 : i32 to vector<16xi32>
        %add3A_292 = arith.addi %iota3A, %add3A_291 : vector<16xi32>
        %gather3A_293 = tpu.vector_load_idx %arg8[%add3A_292, %broadcast_in_dim3A_273] : memref<64x512xf32, #tpu.memory_space<vmem>>[vector<16xi32>, vector<16xi32>], vector<16xf32>,
        %swap3A_294 = arith.constant 1 : i32
        %swap3A_295 = arith.index_cast %swap3A_294 : i32 to index
        %swap3A_296 = arith.constant 32 : index
        %swap3A_297 = tpu.vector_load %arg10[%swap3A_295, %swap3A_296] {strides = array<i32>} : memref<16x128xf32, #tpu.memory_space<vmem>>, vector<16xf32>,
        tpu.vector_store %arg10[%swap3A_295, %swap3A_296], %gather3A_293 {strides = array<i32>} : memref<16x128xf32, #tpu.memory_space<vmem>>, vector<16xf32>,
        %add3A_298 = arith.constant 48 : i32
        %add3A_299 = vector.broadcast %add3A_298 : i32 to vector<16xi32>
        %add3A_300 = arith.addi %iota3A, %add3A_299 : vector<16xi32>
        %gather3A_301 = tpu.vector_load_idx %arg8[%add3A_300, %broadcast_in_dim3A_273] : memref<64x512xf32, #tpu.memory_space<vmem>>[vector<16xi32>, vector<16xi32>], vector<16xf32>,
        %swap3A_302 = arith.constant 1 : i32
        %swap3A_303 = arith.index_cast %swap3A_302 : i32 to index
        %swap3A_304 = arith.constant 48 : index
        %swap3A_305 = tpu.vector_load %arg10[%swap3A_303, %swap3A_304] {strides = array<i32>} : memref<16x128xf32, #tpu.memory_space<vmem>>, vector<16xf32>,
        tpu.vector_store %arg10[%swap3A_303, %swap3A_304], %gather3A_301 {strides = array<i32>} : memref<16x128xf32, #tpu.memory_space<vmem>>, vector<16xf32>,
        %slice3A_306 = vector.extract_strided_slice %min3A_231 {offsets = [2], sizes = [1], strides = [1]} : vector<16xi32> to vector<1xi32>
        %squeeze3A_307 = vector.extract %slice3A_306[0] : i32 from vector<1xi32>
        %broadcast_in_dim3A_308 = vector.broadcast %squeeze3A_307 : i32 to vector<16xi32>
        %add3A_309 = arith.constant 0 : i32
        %add3A_310 = vector.broadcast %add3A_309 : i32 to vector<16xi32>
        %add3A_311 = arith.addi %iota3A, %add3A_310 : vector<16xi32>
        %gather3A_312 = tpu.vector_load_idx %arg8[%add3A_311, %broadcast_in_dim3A_308] : memref<64x512xf32, #tpu.memory_space<vmem>>[vector<16xi32>, vector<16xi32>], vector<16xf32>,
        %swap3A_313 = arith.constant 2 : i32
        %swap3A_314 = arith.index_cast %swap3A_313 : i32 to index
        %swap3A_315 = arith.constant 0 : index
        %swap3A_316 = tpu.vector_load %arg10[%swap3A_314, %swap3A_315] {strides = array<i32>} : memref<16x128xf32, #tpu.memory_space<vmem>>, vector<16xf32>,
        tpu.vector_store %arg10[%swap3A_314, %swap3A_315], %gather3A_312 {strides = array<i32>} : memref<16x128xf32, #tpu.memory_space<vmem>>, vector<16xf32>,
        %add3A_317 = arith.constant 16 : i32
        %add3A_318 = vector.broadcast %add3A_317 : i32 to vector<16xi32>
        %add3A_319 = arith.addi %iota3A, %add3A_318 : vector<16xi32>
        %gather3A_320 = tpu.vector_load_idx %arg8[%add3A_319, %broadcast_in_dim3A_308] : memref<64x512xf32, #tpu.memory_space<vmem>>[vector<16xi32>, vector<16xi32>], vector<16xf32>,
        %swap3A_321 = arith.constant 2 : i32
        %swap3A_322 = arith.index_cast %swap3A_321 : i32 to index
        %swap3A_323 = arith.constant 16 : index
        %swap3A_324 = tpu.vector_load %arg10[%swap3A_322, %swap3A_323] {strides = array<i32>} : memref<16x128xf32, #tpu.memory_space<vmem>>, vector<16xf32>,
        tpu.vector_store %arg10[%swap3A_322, %swap3A_323], %gather3A_320 {strides = array<i32>} : memref<16x128xf32, #tpu.memory_space<vmem>>, vector<16xf32>,
        %add3A_325 = arith.constant 32 : i32
        %add3A_326 = vector.broadcast %add3A_325 : i32 to vector<16xi32>
        %add3A_327 = arith.addi %iota3A, %add3A_326 : vector<16xi32>
        %gather3A_328 = tpu.vector_load_idx %arg8[%add3A_327, %broadcast_in_dim3A_308] : memref<64x512xf32, #tpu.memory_space<vmem>>[vector<16xi32>, vector<16xi32>], vector<16xf32>,
        %swap3A_329 = arith.constant 2 : i32
        %swap3A_330 = arith.index_cast %swap3A_329 : i32 to index
        %swap3A_331 = arith.constant 32 : index
        %swap3A_332 = tpu.vector_load %arg10[%swap3A_330, %swap3A_331] {strides = array<i32>} : memref<16x128xf32, #tpu.memory_space<vmem>>, vector<16xf32>,
        tpu.vector_store %arg10[%swap3A_330, %swap3A_331], %gather3A_328 {strides = array<i32>} : memref<16x128xf32, #tpu.memory_space<vmem>>, vector<16xf32>,
        %add3A_333 = arith.constant 48 : i32
        %add3A_334 = vector.broadcast %add3A_333 : i32 to vector<16xi32>
        %add3A_335 = arith.addi %iota3A, %add3A_334 : vector<16xi32>
        %gather3A_336 = tpu.vector_load_idx %arg8[%add3A_335, %broadcast_in_dim3A_308] : memref<64x512xf32, #tpu.memory_space<vmem>>[vector<16xi32>, vector<16xi32>], vector<16xf32>,
        %swap3A_337 = arith.constant 2 : i32
        %swap3A_338 = arith.index_cast %swap3A_337 : i32 to index
        %swap3A_339 = arith.constant 48 : index
        %swap3A_340 = tpu.vector_load %arg10[%swap3A_338, %swap3A_339] {strides = array<i32>} : memref<16x128xf32, #tpu.memory_space<vmem>>, vector<16xf32>,
        tpu.vector_store %arg10[%swap3A_338, %swap3A_339], %gather3A_336 {strides = array<i32>} : memref<16x128xf32, #tpu.memory_space<vmem>>, vector<16xf32>,
        %slice3A_341 = vector.extract_strided_slice %min3A_231 {offsets = [3], sizes = [1], strides = [1]} : vector<16xi32> to vector<1xi32>
        %squeeze3A_342 = vector.extract %slice3A_341[0] : i32 from vector<1xi32>
        %broadcast_in_dim3A_343 = vector.broadcast %squeeze3A_342 : i32 to vector<16xi32>
        %add3A_344 = arith.constant 0 : i32
        %add3A_345 = vector.broadcast %add3A_344 : i32 to vector<16xi32>
        %add3A_346 = arith.addi %iota3A, %add3A_345 : vector<16xi32>
        %gather3A_347 = tpu.vector_load_idx %arg8[%add3A_346, %broadcast_in_dim3A_343] : memref<64x512xf32, #tpu.memory_space<vmem>>[vector<16xi32>, vector<16xi32>], vector<16xf32>,
        %swap3A_348 = arith.constant 3 : i32
        %swap3A_349 = arith.index_cast %swap3A_348 : i32 to index
        %swap3A_350 = arith.constant 0 : index
        %swap3A_351 = tpu.vector_load %arg10[%swap3A_349, %swap3A_350] {strides = array<i32>} : memref<16x128xf32, #tpu.memory_space<vmem>>, vector<16xf32>,
        tpu.vector_store %arg10[%swap3A_349, %swap3A_350], %gather3A_347 {strides = array<i32>} : memref<16x128xf32, #tpu.memory_space<vmem>>, vector<16xf32>,
        %add3A_352 = arith.constant 16 : i32
        %add3A_353 = vector.broadcast %add3A_352 : i32 to vector<16xi32>
        %add3A_354 = arith.addi %iota3A, %add3A_353 : vector<16xi32>
        %gather3A_355 = tpu.vector_load_idx %arg8[%add3A_354, %broadcast_in_dim3A_343] : memref<64x512xf32, #tpu.memory_space<vmem>>[vector<16xi32>, vector<16xi32>], vector<16xf32>,
        %swap3A_356 = arith.constant 3 : i32
        %swap3A_357 = arith.index_cast %swap3A_356 : i32 to index
        %swap3A_358 = arith.constant 16 : index
        %swap3A_359 = tpu.vector_load %arg10[%swap3A_357, %swap3A_358] {strides = array<i32>} : memref<16x128xf32, #tpu.memory_space<vmem>>, vector<16xf32>,
        tpu.vector_store %arg10[%swap3A_357, %swap3A_358], %gather3A_355 {strides = array<i32>} : memref<16x128xf32, #tpu.memory_space<vmem>>, vector<16xf32>,
        %add3A_360 = arith.constant 32 : i32
        %add3A_361 = vector.broadcast %add3A_360 : i32 to vector<16xi32>
        %add3A_362 = arith.addi %iota3A, %add3A_361 : vector<16xi32>
        %gather3A_363 = tpu.vector_load_idx %arg8[%add3A_362, %broadcast_in_dim3A_343] : memref<64x512xf32, #tpu.memory_space<vmem>>[vector<16xi32>, vector<16xi32>], vector<16xf32>,
        %swap3A_364 = arith.constant 3 : i32
        %swap3A_365 = arith.index_cast %swap3A_364 : i32 to index
        %swap3A_366 = arith.constant 32 : index
        %swap3A_367 = tpu.vector_load %arg10[%swap3A_365, %swap3A_366] {strides = array<i32>} : memref<16x128xf32, #tpu.memory_space<vmem>>, vector<16xf32>,
        tpu.vector_store %arg10[%swap3A_365, %swap3A_366], %gather3A_363 {strides = array<i32>} : memref<16x128xf32, #tpu.memory_space<vmem>>, vector<16xf32>,
        %add3A_368 = arith.constant 48 : i32
        %add3A_369 = vector.broadcast %add3A_368 : i32 to vector<16xi32>
        %add3A_370 = arith.addi %iota3A, %add3A_369 : vector<16xi32>
        %gather3A_371 = tpu.vector_load_idx %arg8[%add3A_370, %broadcast_in_dim3A_343] : memref<64x512xf32, #tpu.memory_space<vmem>>[vector<16xi32>, vector<16xi32>], vector<16xf32>,
        %swap3A_372 = arith.constant 3 : i32
        %swap3A_373 = arith.index_cast %swap3A_372 : i32 to index
        %swap3A_374 = arith.constant 48 : index
        %swap3A_375 = tpu.vector_load %arg10[%swap3A_373, %swap3A_374] {strides = array<i32>} : memref<16x128xf32, #tpu.memory_space<vmem>>, vector<16xf32>,
        tpu.vector_store %arg10[%swap3A_373, %swap3A_374], %gather3A_371 {strides = array<i32>} : memref<16x128xf32, #tpu.memory_space<vmem>>, vector<16xf32>,
        %slice3A_376 = vector.extract_strided_slice %min3A_231 {offsets = [4], sizes = [1], strides = [1]} : vector<16xi32> to vector<1xi32>
        %squeeze3A_377 = vector.extract %slice3A_376[0] : i32 from vector<1xi32>
        %broadcast_in_dim3A_378 = vector.broadcast %squeeze3A_377 : i32 to vector<16xi32>
        %add3A_379 = arith.constant 0 : i32
        %add3A_380 = vector.broadcast %add3A_379 : i32 to vector<16xi32>
        %add3A_381 = arith.addi %iota3A, %add3A_380 : vector<16xi32>
        %gather3A_382 = tpu.vector_load_idx %arg8[%add3A_381, %broadcast_in_dim3A_378] : memref<64x512xf32, #tpu.memory_space<vmem>>[vector<16xi32>, vector<16xi32>], vector<16xf32>,
        %swap3A_383 = arith.constant 4 : i32
        %swap3A_384 = arith.index_cast %swap3A_383 : i32 to index
        %swap3A_385 = arith.constant 0 : index
        %swap3A_386 = tpu.vector_load %arg10[%swap3A_384, %swap3A_385] {strides = array<i32>} : memref<16x128xf32, #tpu.memory_space<vmem>>, vector<16xf32>,
        tpu.vector_store %arg10[%swap3A_384, %swap3A_385], %gather3A_382 {strides = array<i32>} : memref<16x128xf32, #tpu.memory_space<vmem>>, vector<16xf32>,
        %add3A_387 = arith.constant 16 : i32
        %add3A_388 = vector.broadcast %add3A_387 : i32 to vector<16xi32>
        %add3A_389 = arith.addi %iota3A, %add3A_388 : vector<16xi32>
        %gather3A_390 = tpu.vector_load_idx %arg8[%add3A_389, %broadcast_in_dim3A_378] : memref<64x512xf32, #tpu.memory_space<vmem>>[vector<16xi32>, vector<16xi32>], vector<16xf32>,
        %swap3A_391 = arith.constant 4 : i32
        %swap3A_392 = arith.index_cast %swap3A_391 : i32 to index
        %swap3A_393 = arith.constant 16 : index
        %swap3A_394 = tpu.vector_load %arg10[%swap3A_392, %swap3A_393] {strides = array<i32>} : memref<16x128xf32, #tpu.memory_space<vmem>>, vector<16xf32>,
        tpu.vector_store %arg10[%swap3A_392, %swap3A_393], %gather3A_390 {strides = array<i32>} : memref<16x128xf32, #tpu.memory_space<vmem>>, vector<16xf32>,
        %add3A_395 = arith.constant 32 : i32
        %add3A_396 = vector.broadcast %add3A_395 : i32 to vector<16xi32>
        %add3A_397 = arith.addi %iota3A, %add3A_396 : vector<16xi32>
        %gather3A_398 = tpu.vector_load_idx %arg8[%add3A_397, %broadcast_in_dim3A_378] : memref<64x512xf32, #tpu.memory_space<vmem>>[vector<16xi32>, vector<16xi32>], vector<16xf32>,
        %swap3A_399 = arith.constant 4 : i32
        %swap3A_400 = arith.index_cast %swap3A_399 : i32 to index
        %swap3A_401 = arith.constant 32 : index
        %swap3A_402 = tpu.vector_load %arg10[%swap3A_400, %swap3A_401] {strides = array<i32>} : memref<16x128xf32, #tpu.memory_space<vmem>>, vector<16xf32>,
        tpu.vector_store %arg10[%swap3A_400, %swap3A_401], %gather3A_398 {strides = array<i32>} : memref<16x128xf32, #tpu.memory_space<vmem>>, vector<16xf32>,
        %add3A_403 = arith.constant 48 : i32
        %add3A_404 = vector.broadcast %add3A_403 : i32 to vector<16xi32>
        %add3A_405 = arith.addi %iota3A, %add3A_404 : vector<16xi32>
        %gather3A_406 = tpu.vector_load_idx %arg8[%add3A_405, %broadcast_in_dim3A_378] : memref<64x512xf32, #tpu.memory_space<vmem>>[vector<16xi32>, vector<16xi32>], vector<16xf32>,
        %swap3A_407 = arith.constant 4 : i32
        %swap3A_408 = arith.index_cast %swap3A_407 : i32 to index
        %swap3A_409 = arith.constant 48 : index
        %swap3A_410 = tpu.vector_load %arg10[%swap3A_408, %swap3A_409] {strides = array<i32>} : memref<16x128xf32, #tpu.memory_space<vmem>>, vector<16xf32>,
        tpu.vector_store %arg10[%swap3A_408, %swap3A_409], %gather3A_406 {strides = array<i32>} : memref<16x128xf32, #tpu.memory_space<vmem>>, vector<16xf32>,
        %slice3A_411 = vector.extract_strided_slice %min3A_231 {offsets = [5], sizes = [1], strides = [1]} : vector<16xi32> to vector<1xi32>
        %squeeze3A_412 = vector.extract %slice3A_411[0] : i32 from vector<1xi32>
        %broadcast_in_dim3A_413 = vector.broadcast %squeeze3A_412 : i32 to vector<16xi32>
        %add3A_414 = arith.constant 0 : i32
        %add3A_415 = vector.broadcast %add3A_414 : i32 to vector<16xi32>
        %add3A_416 = arith.addi %iota3A, %add3A_415 : vector<16xi32>
        %gather3A_417 = tpu.vector_load_idx %arg8[%add3A_416, %broadcast_in_dim3A_413] : memref<64x512xf32, #tpu.memory_space<vmem>>[vector<16xi32>, vector<16xi32>], vector<16xf32>,
        %swap3A_418 = arith.constant 5 : i32
        %swap3A_419 = arith.index_cast %swap3A_418 : i32 to index
        %swap3A_420 = arith.constant 0 : index
        %swap3A_421 = tpu.vector_load %arg10[%swap3A_419, %swap3A_420] {strides = array<i32>} : memref<16x128xf32, #tpu.memory_space<vmem>>, vector<16xf32>,
        tpu.vector_store %arg10[%swap3A_419, %swap3A_420], %gather3A_417 {strides = array<i32>} : memref<16x128xf32, #tpu.memory_space<vmem>>, vector<16xf32>,
        %add3A_422 = arith.constant 16 : i32
        %add3A_423 = vector.broadcast %add3A_422 : i32 to vector<16xi32>
        %add3A_424 = arith.addi %iota3A, %add3A_423 : vector<16xi32>
        %gather3A_425 = tpu.vector_load_idx %arg8[%add3A_424, %broadcast_in_dim3A_413] : memref<64x512xf32, #tpu.memory_space<vmem>>[vector<16xi32>, vector<16xi32>], vector<16xf32>,
        %swap3A_426 = arith.constant 5 : i32
        %swap3A_427 = arith.index_cast %swap3A_426 : i32 to index
        %swap3A_428 = arith.constant 16 : index
        %swap3A_429 = tpu.vector_load %arg10[%swap3A_427, %swap3A_428] {strides = array<i32>} : memref<16x128xf32, #tpu.memory_space<vmem>>, vector<16xf32>,
        tpu.vector_store %arg10[%swap3A_427, %swap3A_428], %gather3A_425 {strides = array<i32>} : memref<16x128xf32, #tpu.memory_space<vmem>>, vector<16xf32>,
        %add3A_430 = arith.constant 32 : i32
        %add3A_431 = vector.broadcast %add3A_430 : i32 to vector<16xi32>
        %add3A_432 = arith.addi %iota3A, %add3A_431 : vector<16xi32>
        %gather3A_433 = tpu.vector_load_idx %arg8[%add3A_432, %broadcast_in_dim3A_413] : memref<64x512xf32, #tpu.memory_space<vmem>>[vector<16xi32>, vector<16xi32>], vector<16xf32>,
        %swap3A_434 = arith.constant 5 : i32
        %swap3A_435 = arith.index_cast %swap3A_434 : i32 to index
        %swap3A_436 = arith.constant 32 : index
        %swap3A_437 = tpu.vector_load %arg10[%swap3A_435, %swap3A_436] {strides = array<i32>} : memref<16x128xf32, #tpu.memory_space<vmem>>, vector<16xf32>,
        tpu.vector_store %arg10[%swap3A_435, %swap3A_436], %gather3A_433 {strides = array<i32>} : memref<16x128xf32, #tpu.memory_space<vmem>>, vector<16xf32>,
        %add3A_438 = arith.constant 48 : i32
        %add3A_439 = vector.broadcast %add3A_438 : i32 to vector<16xi32>
        %add3A_440 = arith.addi %iota3A, %add3A_439 : vector<16xi32>
        %gather3A_441 = tpu.vector_load_idx %arg8[%add3A_440, %broadcast_in_dim3A_413] : memref<64x512xf32, #tpu.memory_space<vmem>>[vector<16xi32>, vector<16xi32>], vector<16xf32>,
        %swap3A_442 = arith.constant 5 : i32
        %swap3A_443 = arith.index_cast %swap3A_442 : i32 to index
        %swap3A_444 = arith.constant 48 : index
        %swap3A_445 = tpu.vector_load %arg10[%swap3A_443, %swap3A_444] {strides = array<i32>} : memref<16x128xf32, #tpu.memory_space<vmem>>, vector<16xf32>,
        tpu.vector_store %arg10[%swap3A_443, %swap3A_444], %gather3A_441 {strides = array<i32>} : memref<16x128xf32, #tpu.memory_space<vmem>>, vector<16xf32>,
        %slice3A_446 = vector.extract_strided_slice %min3A_231 {offsets = [6], sizes = [1], strides = [1]} : vector<16xi32> to vector<1xi32>
        %squeeze3A_447 = vector.extract %slice3A_446[0] : i32 from vector<1xi32>
        %broadcast_in_dim3A_448 = vector.broadcast %squeeze3A_447 : i32 to vector<16xi32>
        %add3A_449 = arith.constant 0 : i32
        %add3A_450 = vector.broadcast %add3A_449 : i32 to vector<16xi32>
        %add3A_451 = arith.addi %iota3A, %add3A_450 : vector<16xi32>
        %gather3A_452 = tpu.vector_load_idx %arg8[%add3A_451, %broadcast_in_dim3A_448] : memref<64x512xf32, #tpu.memory_space<vmem>>[vector<16xi32>, vector<16xi32>], vector<16xf32>,
        %swap3A_453 = arith.constant 6 : i32
        %swap3A_454 = arith.index_cast %swap3A_453 : i32 to index
        %swap3A_455 = arith.constant 0 : index
        %swap3A_456 = tpu.vector_load %arg10[%swap3A_454, %swap3A_455] {strides = array<i32>} : memref<16x128xf32, #tpu.memory_space<vmem>>, vector<16xf32>,
        tpu.vector_store %arg10[%swap3A_454, %swap3A_455], %gather3A_452 {strides = array<i32>} : memref<16x128xf32, #tpu.memory_space<vmem>>, vector<16xf32>,
        %add3A_457 = arith.constant 16 : i32
        %add3A_458 = vector.broadcast %add3A_457 : i32 to vector<16xi32>
        %add3A_459 = arith.addi %iota3A, %add3A_458 : vector<16xi32>
        %gather3A_460 = tpu.vector_load_idx %arg8[%add3A_459, %broadcast_in_dim3A_448] : memref<64x512xf32, #tpu.memory_space<vmem>>[vector<16xi32>, vector<16xi32>], vector<16xf32>,
        %swap3A_461 = arith.constant 6 : i32
        %swap3A_462 = arith.index_cast %swap3A_461 : i32 to index
        %swap3A_463 = arith.constant 16 : index
        %swap3A_464 = tpu.vector_load %arg10[%swap3A_462, %swap3A_463] {strides = array<i32>} : memref<16x128xf32, #tpu.memory_space<vmem>>, vector<16xf32>,
        tpu.vector_store %arg10[%swap3A_462, %swap3A_463], %gather3A_460 {strides = array<i32>} : memref<16x128xf32, #tpu.memory_space<vmem>>, vector<16xf32>,
        %add3A_465 = arith.constant 32 : i32
        %add3A_466 = vector.broadcast %add3A_465 : i32 to vector<16xi32>
        %add3A_467 = arith.addi %iota3A, %add3A_466 : vector<16xi32>
        %gather3A_468 = tpu.vector_load_idx %arg8[%add3A_467, %broadcast_in_dim3A_448] : memref<64x512xf32, #tpu.memory_space<vmem>>[vector<16xi32>, vector<16xi32>], vector<16xf32>,
        %swap3A_469 = arith.constant 6 : i32
        %swap3A_470 = arith.index_cast %swap3A_469 : i32 to index
        %swap3A_471 = arith.constant 32 : index
        %swap3A_472 = tpu.vector_load %arg10[%swap3A_470, %swap3A_471] {strides = array<i32>} : memref<16x128xf32, #tpu.memory_space<vmem>>, vector<16xf32>,
        tpu.vector_store %arg10[%swap3A_470, %swap3A_471], %gather3A_468 {strides = array<i32>} : memref<16x128xf32, #tpu.memory_space<vmem>>, vector<16xf32>,
        %add3A_473 = arith.constant 48 : i32
        %add3A_474 = vector.broadcast %add3A_473 : i32 to vector<16xi32>
        %add3A_475 = arith.addi %iota3A, %add3A_474 : vector<16xi32>
        %gather3A_476 = tpu.vector_load_idx %arg8[%add3A_475, %broadcast_in_dim3A_448] : memref<64x512xf32, #tpu.memory_space<vmem>>[vector<16xi32>, vector<16xi32>], vector<16xf32>,
        %swap3A_477 = arith.constant 6 : i32
        %swap3A_478 = arith.index_cast %swap3A_477 : i32 to index
        %swap3A_479 = arith.constant 48 : index
        %swap3A_480 = tpu.vector_load %arg10[%swap3A_478, %swap3A_479] {strides = array<i32>} : memref<16x128xf32, #tpu.memory_space<vmem>>, vector<16xf32>,
        tpu.vector_store %arg10[%swap3A_478, %swap3A_479], %gather3A_476 {strides = array<i32>} : memref<16x128xf32, #tpu.memory_space<vmem>>, vector<16xf32>,
        %slice3A_481 = vector.extract_strided_slice %min3A_231 {offsets = [7], sizes = [1], strides = [1]} : vector<16xi32> to vector<1xi32>
        %squeeze3A_482 = vector.extract %slice3A_481[0] : i32 from vector<1xi32>
        %broadcast_in_dim3A_483 = vector.broadcast %squeeze3A_482 : i32 to vector<16xi32>
        %add3A_484 = arith.constant 0 : i32
        %add3A_485 = vector.broadcast %add3A_484 : i32 to vector<16xi32>
        %add3A_486 = arith.addi %iota3A, %add3A_485 : vector<16xi32>
        %gather3A_487 = tpu.vector_load_idx %arg8[%add3A_486, %broadcast_in_dim3A_483] : memref<64x512xf32, #tpu.memory_space<vmem>>[vector<16xi32>, vector<16xi32>], vector<16xf32>,
        %swap3A_488 = arith.constant 7 : i32
        %swap3A_489 = arith.index_cast %swap3A_488 : i32 to index
        %swap3A_490 = arith.constant 0 : index
        %swap3A_491 = tpu.vector_load %arg10[%swap3A_489, %swap3A_490] {strides = array<i32>} : memref<16x128xf32, #tpu.memory_space<vmem>>, vector<16xf32>,
        tpu.vector_store %arg10[%swap3A_489, %swap3A_490], %gather3A_487 {strides = array<i32>} : memref<16x128xf32, #tpu.memory_space<vmem>>, vector<16xf32>,
        %add3A_492 = arith.constant 16 : i32
        %add3A_493 = vector.broadcast %add3A_492 : i32 to vector<16xi32>
        %add3A_494 = arith.addi %iota3A, %add3A_493 : vector<16xi32>
        %gather3A_495 = tpu.vector_load_idx %arg8[%add3A_494, %broadcast_in_dim3A_483] : memref<64x512xf32, #tpu.memory_space<vmem>>[vector<16xi32>, vector<16xi32>], vector<16xf32>,
        %swap3A_496 = arith.constant 7 : i32
        %swap3A_497 = arith.index_cast %swap3A_496 : i32 to index
        %swap3A_498 = arith.constant 16 : index
        %swap3A_499 = tpu.vector_load %arg10[%swap3A_497, %swap3A_498] {strides = array<i32>} : memref<16x128xf32, #tpu.memory_space<vmem>>, vector<16xf32>,
        tpu.vector_store %arg10[%swap3A_497, %swap3A_498], %gather3A_495 {strides = array<i32>} : memref<16x128xf32, #tpu.memory_space<vmem>>, vector<16xf32>,
        %add3A_500 = arith.constant 32 : i32
        %add3A_501 = vector.broadcast %add3A_500 : i32 to vector<16xi32>
        %add3A_502 = arith.addi %iota3A, %add3A_501 : vector<16xi32>
        %gather3A_503 = tpu.vector_load_idx %arg8[%add3A_502, %broadcast_in_dim3A_483] : memref<64x512xf32, #tpu.memory_space<vmem>>[vector<16xi32>, vector<16xi32>], vector<16xf32>,
        %swap3A_504 = arith.constant 7 : i32
        %swap3A_505 = arith.index_cast %swap3A_504 : i32 to index
        %swap3A_506 = arith.constant 32 : index
        %swap3A_507 = tpu.vector_load %arg10[%swap3A_505, %swap3A_506] {strides = array<i32>} : memref<16x128xf32, #tpu.memory_space<vmem>>, vector<16xf32>,
        tpu.vector_store %arg10[%swap3A_505, %swap3A_506], %gather3A_503 {strides = array<i32>} : memref<16x128xf32, #tpu.memory_space<vmem>>, vector<16xf32>,
        %add3A_508 = arith.constant 48 : i32
        %add3A_509 = vector.broadcast %add3A_508 : i32 to vector<16xi32>
        %add3A_510 = arith.addi %iota3A, %add3A_509 : vector<16xi32>
        %gather3A_511 = tpu.vector_load_idx %arg8[%add3A_510, %broadcast_in_dim3A_483] : memref<64x512xf32, #tpu.memory_space<vmem>>[vector<16xi32>, vector<16xi32>], vector<16xf32>,
        %swap3A_512 = arith.constant 7 : i32
        %swap3A_513 = arith.index_cast %swap3A_512 : i32 to index
        %swap3A_514 = arith.constant 48 : index
        %swap3A_515 = tpu.vector_load %arg10[%swap3A_513, %swap3A_514] {strides = array<i32>} : memref<16x128xf32, #tpu.memory_space<vmem>>, vector<16xf32>,
        tpu.vector_store %arg10[%swap3A_513, %swap3A_514], %gather3A_511 {strides = array<i32>} : memref<16x128xf32, #tpu.memory_space<vmem>>, vector<16xf32>,
        %slice3A_516 = vector.extract_strided_slice %min3A_231 {offsets = [8], sizes = [1], strides = [1]} : vector<16xi32> to vector<1xi32>
        %squeeze3A_517 = vector.extract %slice3A_516[0] : i32 from vector<1xi32>
        %broadcast_in_dim3A_518 = vector.broadcast %squeeze3A_517 : i32 to vector<16xi32>
        %add3A_519 = arith.constant 0 : i32
        %add3A_520 = vector.broadcast %add3A_519 : i32 to vector<16xi32>
        %add3A_521 = arith.addi %iota3A, %add3A_520 : vector<16xi32>
        %gather3A_522 = tpu.vector_load_idx %arg8[%add3A_521, %broadcast_in_dim3A_518] : memref<64x512xf32, #tpu.memory_space<vmem>>[vector<16xi32>, vector<16xi32>], vector<16xf32>,
        %swap3A_523 = arith.constant 8 : i32
        %swap3A_524 = arith.index_cast %swap3A_523 : i32 to index
        %swap3A_525 = arith.constant 0 : index
        %swap3A_526 = tpu.vector_load %arg10[%swap3A_524, %swap3A_525] {strides = array<i32>} : memref<16x128xf32, #tpu.memory_space<vmem>>, vector<16xf32>,
        tpu.vector_store %arg10[%swap3A_524, %swap3A_525], %gather3A_522 {strides = array<i32>} : memref<16x128xf32, #tpu.memory_space<vmem>>, vector<16xf32>,
        %add3A_527 = arith.constant 16 : i32
        %add3A_528 = vector.broadcast %add3A_527 : i32 to vector<16xi32>
        %add3A_529 = arith.addi %iota3A, %add3A_528 : vector<16xi32>
        %gather3A_530 = tpu.vector_load_idx %arg8[%add3A_529, %broadcast_in_dim3A_518] : memref<64x512xf32, #tpu.memory_space<vmem>>[vector<16xi32>, vector<16xi32>], vector<16xf32>,
        %swap3A_531 = arith.constant 8 : i32
        %swap3A_532 = arith.index_cast %swap3A_531 : i32 to index
        %swap3A_533 = arith.constant 16 : index
        %swap3A_534 = tpu.vector_load %arg10[%swap3A_532, %swap3A_533] {strides = array<i32>} : memref<16x128xf32, #tpu.memory_space<vmem>>, vector<16xf32>,
        tpu.vector_store %arg10[%swap3A_532, %swap3A_533], %gather3A_530 {strides = array<i32>} : memref<16x128xf32, #tpu.memory_space<vmem>>, vector<16xf32>,
        %add3A_535 = arith.constant 32 : i32
        %add3A_536 = vector.broadcast %add3A_535 : i32 to vector<16xi32>
        %add3A_537 = arith.addi %iota3A, %add3A_536 : vector<16xi32>
        %gather3A_538 = tpu.vector_load_idx %arg8[%add3A_537, %broadcast_in_dim3A_518] : memref<64x512xf32, #tpu.memory_space<vmem>>[vector<16xi32>, vector<16xi32>], vector<16xf32>,
        %swap3A_539 = arith.constant 8 : i32
        %swap3A_540 = arith.index_cast %swap3A_539 : i32 to index
        %swap3A_541 = arith.constant 32 : index
        %swap3A_542 = tpu.vector_load %arg10[%swap3A_540, %swap3A_541] {strides = array<i32>} : memref<16x128xf32, #tpu.memory_space<vmem>>, vector<16xf32>,
        tpu.vector_store %arg10[%swap3A_540, %swap3A_541], %gather3A_538 {strides = array<i32>} : memref<16x128xf32, #tpu.memory_space<vmem>>, vector<16xf32>,
        %add3A_543 = arith.constant 48 : i32
        %add3A_544 = vector.broadcast %add3A_543 : i32 to vector<16xi32>
        %add3A_545 = arith.addi %iota3A, %add3A_544 : vector<16xi32>
        %gather3A_546 = tpu.vector_load_idx %arg8[%add3A_545, %broadcast_in_dim3A_518] : memref<64x512xf32, #tpu.memory_space<vmem>>[vector<16xi32>, vector<16xi32>], vector<16xf32>,
        %swap3A_547 = arith.constant 8 : i32
        %swap3A_548 = arith.index_cast %swap3A_547 : i32 to index
        %swap3A_549 = arith.constant 48 : index
        %swap3A_550 = tpu.vector_load %arg10[%swap3A_548, %swap3A_549] {strides = array<i32>} : memref<16x128xf32, #tpu.memory_space<vmem>>, vector<16xf32>,
        tpu.vector_store %arg10[%swap3A_548, %swap3A_549], %gather3A_546 {strides = array<i32>} : memref<16x128xf32, #tpu.memory_space<vmem>>, vector<16xf32>,
        %slice3A_551 = vector.extract_strided_slice %min3A_231 {offsets = [9], sizes = [1], strides = [1]} : vector<16xi32> to vector<1xi32>
        %squeeze3A_552 = vector.extract %slice3A_551[0] : i32 from vector<1xi32>
        %broadcast_in_dim3A_553 = vector.broadcast %squeeze3A_552 : i32 to vector<16xi32>
        %add3A_554 = arith.constant 0 : i32
        %add3A_555 = vector.broadcast %add3A_554 : i32 to vector<16xi32>
        %add3A_556 = arith.addi %iota3A, %add3A_555 : vector<16xi32>
        %gather3A_557 = tpu.vector_load_idx %arg8[%add3A_556, %broadcast_in_dim3A_553] : memref<64x512xf32, #tpu.memory_space<vmem>>[vector<16xi32>, vector<16xi32>], vector<16xf32>,
        %swap3A_558 = arith.constant 9 : i32
        %swap3A_559 = arith.index_cast %swap3A_558 : i32 to index
        %swap3A_560 = arith.constant 0 : index
        %swap3A_561 = tpu.vector_load %arg10[%swap3A_559, %swap3A_560] {strides = array<i32>} : memref<16x128xf32, #tpu.memory_space<vmem>>, vector<16xf32>,
        tpu.vector_store %arg10[%swap3A_559, %swap3A_560], %gather3A_557 {strides = array<i32>} : memref<16x128xf32, #tpu.memory_space<vmem>>, vector<16xf32>,
        %add3A_562 = arith.constant 16 : i32
        %add3A_563 = vector.broadcast %add3A_562 : i32 to vector<16xi32>
        %add3A_564 = arith.addi %iota3A, %add3A_563 : vector<16xi32>
        %gather3A_565 = tpu.vector_load_idx %arg8[%add3A_564, %broadcast_in_dim3A_553] : memref<64x512xf32, #tpu.memory_space<vmem>>[vector<16xi32>, vector<16xi32>], vector<16xf32>,
        %swap3A_566 = arith.constant 9 : i32
        %swap3A_567 = arith.index_cast %swap3A_566 : i32 to index
        %swap3A_568 = arith.constant 16 : index
        %swap3A_569 = tpu.vector_load %arg10[%swap3A_567, %swap3A_568] {strides = array<i32>} : memref<16x128xf32, #tpu.memory_space<vmem>>, vector<16xf32>,
        tpu.vector_store %arg10[%swap3A_567, %swap3A_568], %gather3A_565 {strides = array<i32>} : memref<16x128xf32, #tpu.memory_space<vmem>>, vector<16xf32>,
        %add3A_570 = arith.constant 32 : i32
        %add3A_571 = vector.broadcast %add3A_570 : i32 to vector<16xi32>
        %add3A_572 = arith.addi %iota3A, %add3A_571 : vector<16xi32>
        %gather3A_573 = tpu.vector_load_idx %arg8[%add3A_572, %broadcast_in_dim3A_553] : memref<64x512xf32, #tpu.memory_space<vmem>>[vector<16xi32>, vector<16xi32>], vector<16xf32>,
        %swap3A_574 = arith.constant 9 : i32
        %swap3A_575 = arith.index_cast %swap3A_574 : i32 to index
        %swap3A_576 = arith.constant 32 : index
        %swap3A_577 = tpu.vector_load %arg10[%swap3A_575, %swap3A_576] {strides = array<i32>} : memref<16x128xf32, #tpu.memory_space<vmem>>, vector<16xf32>,
        tpu.vector_store %arg10[%swap3A_575, %swap3A_576], %gather3A_573 {strides = array<i32>} : memref<16x128xf32, #tpu.memory_space<vmem>>, vector<16xf32>,
        %add3A_578 = arith.constant 48 : i32
        %add3A_579 = vector.broadcast %add3A_578 : i32 to vector<16xi32>
        %add3A_580 = arith.addi %iota3A, %add3A_579 : vector<16xi32>
        %gather3A_581 = tpu.vector_load_idx %arg8[%add3A_580, %broadcast_in_dim3A_553] : memref<64x512xf32, #tpu.memory_space<vmem>>[vector<16xi32>, vector<16xi32>], vector<16xf32>,
        %swap3A_582 = arith.constant 9 : i32
        %swap3A_583 = arith.index_cast %swap3A_582 : i32 to index
        %swap3A_584 = arith.constant 48 : index
        %swap3A_585 = tpu.vector_load %arg10[%swap3A_583, %swap3A_584] {strides = array<i32>} : memref<16x128xf32, #tpu.memory_space<vmem>>, vector<16xf32>,
        tpu.vector_store %arg10[%swap3A_583, %swap3A_584], %gather3A_581 {strides = array<i32>} : memref<16x128xf32, #tpu.memory_space<vmem>>, vector<16xf32>,
        %slice3A_586 = vector.extract_strided_slice %min3A_231 {offsets = [10], sizes = [1], strides = [1]} : vector<16xi32> to vector<1xi32>
        %squeeze3A_587 = vector.extract %slice3A_586[0] : i32 from vector<1xi32>
        %broadcast_in_dim3A_588 = vector.broadcast %squeeze3A_587 : i32 to vector<16xi32>
        %add3A_589 = arith.constant 0 : i32
        %add3A_590 = vector.broadcast %add3A_589 : i32 to vector<16xi32>
        %add3A_591 = arith.addi %iota3A, %add3A_590 : vector<16xi32>
        %gather3A_592 = tpu.vector_load_idx %arg8[%add3A_591, %broadcast_in_dim3A_588] : memref<64x512xf32, #tpu.memory_space<vmem>>[vector<16xi32>, vector<16xi32>], vector<16xf32>,
        %swap3A_593 = arith.constant 10 : i32
        %swap3A_594 = arith.index_cast %swap3A_593 : i32 to index
        %swap3A_595 = arith.constant 0 : index
        %swap3A_596 = tpu.vector_load %arg10[%swap3A_594, %swap3A_595] {strides = array<i32>} : memref<16x128xf32, #tpu.memory_space<vmem>>, vector<16xf32>,
        tpu.vector_store %arg10[%swap3A_594, %swap3A_595], %gather3A_592 {strides = array<i32>} : memref<16x128xf32, #tpu.memory_space<vmem>>, vector<16xf32>,
        %add3A_597 = arith.constant 16 : i32
        %add3A_598 = vector.broadcast %add3A_597 : i32 to vector<16xi32>
        %add3A_599 = arith.addi %iota3A, %add3A_598 : vector<16xi32>
        %gather3A_600 = tpu.vector_load_idx %arg8[%add3A_599, %broadcast_in_dim3A_588] : memref<64x512xf32, #tpu.memory_space<vmem>>[vector<16xi32>, vector<16xi32>], vector<16xf32>,
        %swap3A_601 = arith.constant 10 : i32
        %swap3A_602 = arith.index_cast %swap3A_601 : i32 to index
        %swap3A_603 = arith.constant 16 : index
        %swap3A_604 = tpu.vector_load %arg10[%swap3A_602, %swap3A_603] {strides = array<i32>} : memref<16x128xf32, #tpu.memory_space<vmem>>, vector<16xf32>,
        tpu.vector_store %arg10[%swap3A_602, %swap3A_603], %gather3A_600 {strides = array<i32>} : memref<16x128xf32, #tpu.memory_space<vmem>>, vector<16xf32>,
        %add3A_605 = arith.constant 32 : i32
        %add3A_606 = vector.broadcast %add3A_605 : i32 to vector<16xi32>
        %add3A_607 = arith.addi %iota3A, %add3A_606 : vector<16xi32>
        %gather3A_608 = tpu.vector_load_idx %arg8[%add3A_607, %broadcast_in_dim3A_588] : memref<64x512xf32, #tpu.memory_space<vmem>>[vector<16xi32>, vector<16xi32>], vector<16xf32>,
        %swap3A_609 = arith.constant 10 : i32
        %swap3A_610 = arith.index_cast %swap3A_609 : i32 to index
        %swap3A_611 = arith.constant 32 : index
        %swap3A_612 = tpu.vector_load %arg10[%swap3A_610, %swap3A_611] {strides = array<i32>} : memref<16x128xf32, #tpu.memory_space<vmem>>, vector<16xf32>,
        tpu.vector_store %arg10[%swap3A_610, %swap3A_611], %gather3A_608 {strides = array<i32>} : memref<16x128xf32, #tpu.memory_space<vmem>>, vector<16xf32>,
        %add3A_613 = arith.constant 48 : i32
        %add3A_614 = vector.broadcast %add3A_613 : i32 to vector<16xi32>
        %add3A_615 = arith.addi %iota3A, %add3A_614 : vector<16xi32>
        %gather3A_616 = tpu.vector_load_idx %arg8[%add3A_615, %broadcast_in_dim3A_588] : memref<64x512xf32, #tpu.memory_space<vmem>>[vector<16xi32>, vector<16xi32>], vector<16xf32>,
        %swap3A_617 = arith.constant 10 : i32
        %swap3A_618 = arith.index_cast %swap3A_617 : i32 to index
        %swap3A_619 = arith.constant 48 : index
        %swap3A_620 = tpu.vector_load %arg10[%swap3A_618, %swap3A_619] {strides = array<i32>} : memref<16x128xf32, #tpu.memory_space<vmem>>, vector<16xf32>,
        tpu.vector_store %arg10[%swap3A_618, %swap3A_619], %gather3A_616 {strides = array<i32>} : memref<16x128xf32, #tpu.memory_space<vmem>>, vector<16xf32>,
        %slice3A_621 = vector.extract_strided_slice %min3A_231 {offsets = [11], sizes = [1], strides = [1]} : vector<16xi32> to vector<1xi32>
        %squeeze3A_622 = vector.extract %slice3A_621[0] : i32 from vector<1xi32>
        %broadcast_in_dim3A_623 = vector.broadcast %squeeze3A_622 : i32 to vector<16xi32>
        %add3A_624 = arith.constant 0 : i32
        %add3A_625 = vector.broadcast %add3A_624 : i32 to vector<16xi32>
        %add3A_626 = arith.addi %iota3A, %add3A_625 : vector<16xi32>
        %gather3A_627 = tpu.vector_load_idx %arg8[%add3A_626, %broadcast_in_dim3A_623] : memref<64x512xf32, #tpu.memory_space<vmem>>[vector<16xi32>, vector<16xi32>], vector<16xf32>,
        %swap3A_628 = arith.constant 11 : i32
        %swap3A_629 = arith.index_cast %swap3A_628 : i32 to index
        %swap3A_630 = arith.constant 0 : index
        %swap3A_631 = tpu.vector_load %arg10[%swap3A_629, %swap3A_630] {strides = array<i32>} : memref<16x128xf32, #tpu.memory_space<vmem>>, vector<16xf32>,
        tpu.vector_store %arg10[%swap3A_629, %swap3A_630], %gather3A_627 {strides = array<i32>} : memref<16x128xf32, #tpu.memory_space<vmem>>, vector<16xf32>,
        %add3A_632 = arith.constant 16 : i32
        %add3A_633 = vector.broadcast %add3A_632 : i32 to vector<16xi32>
        %add3A_634 = arith.addi %iota3A, %add3A_633 : vector<16xi32>
        %gather3A_635 = tpu.vector_load_idx %arg8[%add3A_634, %broadcast_in_dim3A_623] : memref<64x512xf32, #tpu.memory_space<vmem>>[vector<16xi32>, vector<16xi32>], vector<16xf32>,
        %swap3A_636 = arith.constant 11 : i32
        %swap3A_637 = arith.index_cast %swap3A_636 : i32 to index
        %swap3A_638 = arith.constant 16 : index
        %swap3A_639 = tpu.vector_load %arg10[%swap3A_637, %swap3A_638] {strides = array<i32>} : memref<16x128xf32, #tpu.memory_space<vmem>>, vector<16xf32>,
        tpu.vector_store %arg10[%swap3A_637, %swap3A_638], %gather3A_635 {strides = array<i32>} : memref<16x128xf32, #tpu.memory_space<vmem>>, vector<16xf32>,
        %add3A_640 = arith.constant 32 : i32
        %add3A_641 = vector.broadcast %add3A_640 : i32 to vector<16xi32>
        %add3A_642 = arith.addi %iota3A, %add3A_641 : vector<16xi32>
        %gather3A_643 = tpu.vector_load_idx %arg8[%add3A_642, %broadcast_in_dim3A_623] : memref<64x512xf32, #tpu.memory_space<vmem>>[vector<16xi32>, vector<16xi32>], vector<16xf32>,
        %swap3A_644 = arith.constant 11 : i32
        %swap3A_645 = arith.index_cast %swap3A_644 : i32 to index
        %swap3A_646 = arith.constant 32 : index
        %swap3A_647 = tpu.vector_load %arg10[%swap3A_645, %swap3A_646] {strides = array<i32>} : memref<16x128xf32, #tpu.memory_space<vmem>>, vector<16xf32>,
        tpu.vector_store %arg10[%swap3A_645, %swap3A_646], %gather3A_643 {strides = array<i32>} : memref<16x128xf32, #tpu.memory_space<vmem>>, vector<16xf32>,
        %add3A_648 = arith.constant 48 : i32
        %add3A_649 = vector.broadcast %add3A_648 : i32 to vector<16xi32>
        %add3A_650 = arith.addi %iota3A, %add3A_649 : vector<16xi32>
        %gather3A_651 = tpu.vector_load_idx %arg8[%add3A_650, %broadcast_in_dim3A_623] : memref<64x512xf32, #tpu.memory_space<vmem>>[vector<16xi32>, vector<16xi32>], vector<16xf32>,
        %swap3A_652 = arith.constant 11 : i32
        %swap3A_653 = arith.index_cast %swap3A_652 : i32 to index
        %swap3A_654 = arith.constant 48 : index
        %swap3A_655 = tpu.vector_load %arg10[%swap3A_653, %swap3A_654] {strides = array<i32>} : memref<16x128xf32, #tpu.memory_space<vmem>>, vector<16xf32>,
        tpu.vector_store %arg10[%swap3A_653, %swap3A_654], %gather3A_651 {strides = array<i32>} : memref<16x128xf32, #tpu.memory_space<vmem>>, vector<16xf32>,
        %slice3A_656 = vector.extract_strided_slice %min3A_231 {offsets = [12], sizes = [1], strides = [1]} : vector<16xi32> to vector<1xi32>
        %squeeze3A_657 = vector.extract %slice3A_656[0] : i32 from vector<1xi32>
        %broadcast_in_dim3A_658 = vector.broadcast %squeeze3A_657 : i32 to vector<16xi32>
        %add3A_659 = arith.constant 0 : i32
        %add3A_660 = vector.broadcast %add3A_659 : i32 to vector<16xi32>
        %add3A_661 = arith.addi %iota3A, %add3A_660 : vector<16xi32>
        %gather3A_662 = tpu.vector_load_idx %arg8[%add3A_661, %broadcast_in_dim3A_658] : memref<64x512xf32, #tpu.memory_space<vmem>>[vector<16xi32>, vector<16xi32>], vector<16xf32>,
        %swap3A_663 = arith.constant 12 : i32
        %swap3A_664 = arith.index_cast %swap3A_663 : i32 to index
        %swap3A_665 = arith.constant 0 : index
        %swap3A_666 = tpu.vector_load %arg10[%swap3A_664, %swap3A_665] {strides = array<i32>} : memref<16x128xf32, #tpu.memory_space<vmem>>, vector<16xf32>,
        tpu.vector_store %arg10[%swap3A_664, %swap3A_665], %gather3A_662 {strides = array<i32>} : memref<16x128xf32, #tpu.memory_space<vmem>>, vector<16xf32>,
        %add3A_667 = arith.constant 16 : i32
        %add3A_668 = vector.broadcast %add3A_667 : i32 to vector<16xi32>
        %add3A_669 = arith.addi %iota3A, %add3A_668 : vector<16xi32>
        %gather3A_670 = tpu.vector_load_idx %arg8[%add3A_669, %broadcast_in_dim3A_658] : memref<64x512xf32, #tpu.memory_space<vmem>>[vector<16xi32>, vector<16xi32>], vector<16xf32>,
        %swap3A_671 = arith.constant 12 : i32
        %swap3A_672 = arith.index_cast %swap3A_671 : i32 to index
        %swap3A_673 = arith.constant 16 : index
        %swap3A_674 = tpu.vector_load %arg10[%swap3A_672, %swap3A_673] {strides = array<i32>} : memref<16x128xf32, #tpu.memory_space<vmem>>, vector<16xf32>,
        tpu.vector_store %arg10[%swap3A_672, %swap3A_673], %gather3A_670 {strides = array<i32>} : memref<16x128xf32, #tpu.memory_space<vmem>>, vector<16xf32>,
        %add3A_675 = arith.constant 32 : i32
        %add3A_676 = vector.broadcast %add3A_675 : i32 to vector<16xi32>
        %add3A_677 = arith.addi %iota3A, %add3A_676 : vector<16xi32>
        %gather3A_678 = tpu.vector_load_idx %arg8[%add3A_677, %broadcast_in_dim3A_658] : memref<64x512xf32, #tpu.memory_space<vmem>>[vector<16xi32>, vector<16xi32>], vector<16xf32>,
        %swap3A_679 = arith.constant 12 : i32
        %swap3A_680 = arith.index_cast %swap3A_679 : i32 to index
        %swap3A_681 = arith.constant 32 : index
        %swap3A_682 = tpu.vector_load %arg10[%swap3A_680, %swap3A_681] {strides = array<i32>} : memref<16x128xf32, #tpu.memory_space<vmem>>, vector<16xf32>,
        tpu.vector_store %arg10[%swap3A_680, %swap3A_681], %gather3A_678 {strides = array<i32>} : memref<16x128xf32, #tpu.memory_space<vmem>>, vector<16xf32>,
        %add3A_683 = arith.constant 48 : i32
        %add3A_684 = vector.broadcast %add3A_683 : i32 to vector<16xi32>
        %add3A_685 = arith.addi %iota3A, %add3A_684 : vector<16xi32>
        %gather3A_686 = tpu.vector_load_idx %arg8[%add3A_685, %broadcast_in_dim3A_658] : memref<64x512xf32, #tpu.memory_space<vmem>>[vector<16xi32>, vector<16xi32>], vector<16xf32>,
        %swap3A_687 = arith.constant 12 : i32
        %swap3A_688 = arith.index_cast %swap3A_687 : i32 to index
        %swap3A_689 = arith.constant 48 : index
        %swap3A_690 = tpu.vector_load %arg10[%swap3A_688, %swap3A_689] {strides = array<i32>} : memref<16x128xf32, #tpu.memory_space<vmem>>, vector<16xf32>,
        tpu.vector_store %arg10[%swap3A_688, %swap3A_689], %gather3A_686 {strides = array<i32>} : memref<16x128xf32, #tpu.memory_space<vmem>>, vector<16xf32>,
        %slice3A_691 = vector.extract_strided_slice %min3A_231 {offsets = [13], sizes = [1], strides = [1]} : vector<16xi32> to vector<1xi32>
        %squeeze3A_692 = vector.extract %slice3A_691[0] : i32 from vector<1xi32>
        %broadcast_in_dim3A_693 = vector.broadcast %squeeze3A_692 : i32 to vector<16xi32>
        %add3A_694 = arith.constant 0 : i32
        %add3A_695 = vector.broadcast %add3A_694 : i32 to vector<16xi32>
        %add3A_696 = arith.addi %iota3A, %add3A_695 : vector<16xi32>
        %gather3A_697 = tpu.vector_load_idx %arg8[%add3A_696, %broadcast_in_dim3A_693] : memref<64x512xf32, #tpu.memory_space<vmem>>[vector<16xi32>, vector<16xi32>], vector<16xf32>,
        %swap3A_698 = arith.constant 13 : i32
        %swap3A_699 = arith.index_cast %swap3A_698 : i32 to index
        %swap3A_700 = arith.constant 0 : index
        %swap3A_701 = tpu.vector_load %arg10[%swap3A_699, %swap3A_700] {strides = array<i32>} : memref<16x128xf32, #tpu.memory_space<vmem>>, vector<16xf32>,
        tpu.vector_store %arg10[%swap3A_699, %swap3A_700], %gather3A_697 {strides = array<i32>} : memref<16x128xf32, #tpu.memory_space<vmem>>, vector<16xf32>,
        %add3A_702 = arith.constant 16 : i32
        %add3A_703 = vector.broadcast %add3A_702 : i32 to vector<16xi32>
        %add3A_704 = arith.addi %iota3A, %add3A_703 : vector<16xi32>
        %gather3A_705 = tpu.vector_load_idx %arg8[%add3A_704, %broadcast_in_dim3A_693] : memref<64x512xf32, #tpu.memory_space<vmem>>[vector<16xi32>, vector<16xi32>], vector<16xf32>,
        %swap3A_706 = arith.constant 13 : i32
        %swap3A_707 = arith.index_cast %swap3A_706 : i32 to index
        %swap3A_708 = arith.constant 16 : index
        %swap3A_709 = tpu.vector_load %arg10[%swap3A_707, %swap3A_708] {strides = array<i32>} : memref<16x128xf32, #tpu.memory_space<vmem>>, vector<16xf32>,
        tpu.vector_store %arg10[%swap3A_707, %swap3A_708], %gather3A_705 {strides = array<i32>} : memref<16x128xf32, #tpu.memory_space<vmem>>, vector<16xf32>,
        %add3A_710 = arith.constant 32 : i32
        %add3A_711 = vector.broadcast %add3A_710 : i32 to vector<16xi32>
        %add3A_712 = arith.addi %iota3A, %add3A_711 : vector<16xi32>
        %gather3A_713 = tpu.vector_load_idx %arg8[%add3A_712, %broadcast_in_dim3A_693] : memref<64x512xf32, #tpu.memory_space<vmem>>[vector<16xi32>, vector<16xi32>], vector<16xf32>,
        %swap3A_714 = arith.constant 13 : i32
        %swap3A_715 = arith.index_cast %swap3A_714 : i32 to index
        %swap3A_716 = arith.constant 32 : index
        %swap3A_717 = tpu.vector_load %arg10[%swap3A_715, %swap3A_716] {strides = array<i32>} : memref<16x128xf32, #tpu.memory_space<vmem>>, vector<16xf32>,
        tpu.vector_store %arg10[%swap3A_715, %swap3A_716], %gather3A_713 {strides = array<i32>} : memref<16x128xf32, #tpu.memory_space<vmem>>, vector<16xf32>,
        %add3A_718 = arith.constant 48 : i32
        %add3A_719 = vector.broadcast %add3A_718 : i32 to vector<16xi32>
        %add3A_720 = arith.addi %iota3A, %add3A_719 : vector<16xi32>
        %gather3A_721 = tpu.vector_load_idx %arg8[%add3A_720, %broadcast_in_dim3A_693] : memref<64x512xf32, #tpu.memory_space<vmem>>[vector<16xi32>, vector<16xi32>], vector<16xf32>,
        %swap3A_722 = arith.constant 13 : i32
        %swap3A_723 = arith.index_cast %swap3A_722 : i32 to index
        %swap3A_724 = arith.constant 48 : index
        %swap3A_725 = tpu.vector_load %arg10[%swap3A_723, %swap3A_724] {strides = array<i32>} : memref<16x128xf32, #tpu.memory_space<vmem>>, vector<16xf32>,
        tpu.vector_store %arg10[%swap3A_723, %swap3A_724], %gather3A_721 {strides = array<i32>} : memref<16x128xf32, #tpu.memory_space<vmem>>, vector<16xf32>,
        %slice3A_726 = vector.extract_strided_slice %min3A_231 {offsets = [14], sizes = [1], strides = [1]} : vector<16xi32> to vector<1xi32>
        %squeeze3A_727 = vector.extract %slice3A_726[0] : i32 from vector<1xi32>
        %broadcast_in_dim3A_728 = vector.broadcast %squeeze3A_727 : i32 to vector<16xi32>
        %add3A_729 = arith.constant 0 : i32
        %add3A_730 = vector.broadcast %add3A_729 : i32 to vector<16xi32>
        %add3A_731 = arith.addi %iota3A, %add3A_730 : vector<16xi32>
        %gather3A_732 = tpu.vector_load_idx %arg8[%add3A_731, %broadcast_in_dim3A_728] : memref<64x512xf32, #tpu.memory_space<vmem>>[vector<16xi32>, vector<16xi32>], vector<16xf32>,
        %swap3A_733 = arith.constant 14 : i32
        %swap3A_734 = arith.index_cast %swap3A_733 : i32 to index
        %swap3A_735 = arith.constant 0 : index
        %swap3A_736 = tpu.vector_load %arg10[%swap3A_734, %swap3A_735] {strides = array<i32>} : memref<16x128xf32, #tpu.memory_space<vmem>>, vector<16xf32>,
        tpu.vector_store %arg10[%swap3A_734, %swap3A_735], %gather3A_732 {strides = array<i32>} : memref<16x128xf32, #tpu.memory_space<vmem>>, vector<16xf32>,
        %add3A_737 = arith.constant 16 : i32
        %add3A_738 = vector.broadcast %add3A_737 : i32 to vector<16xi32>
        %add3A_739 = arith.addi %iota3A, %add3A_738 : vector<16xi32>
        %gather3A_740 = tpu.vector_load_idx %arg8[%add3A_739, %broadcast_in_dim3A_728] : memref<64x512xf32, #tpu.memory_space<vmem>>[vector<16xi32>, vector<16xi32>], vector<16xf32>,
        %swap3A_741 = arith.constant 14 : i32
        %swap3A_742 = arith.index_cast %swap3A_741 : i32 to index
        %swap3A_743 = arith.constant 16 : index
        %swap3A_744 = tpu.vector_load %arg10[%swap3A_742, %swap3A_743] {strides = array<i32>} : memref<16x128xf32, #tpu.memory_space<vmem>>, vector<16xf32>,
        tpu.vector_store %arg10[%swap3A_742, %swap3A_743], %gather3A_740 {strides = array<i32>} : memref<16x128xf32, #tpu.memory_space<vmem>>, vector<16xf32>,
        %add3A_745 = arith.constant 32 : i32
        %add3A_746 = vector.broadcast %add3A_745 : i32 to vector<16xi32>
        %add3A_747 = arith.addi %iota3A, %add3A_746 : vector<16xi32>
        %gather3A_748 = tpu.vector_load_idx %arg8[%add3A_747, %broadcast_in_dim3A_728] : memref<64x512xf32, #tpu.memory_space<vmem>>[vector<16xi32>, vector<16xi32>], vector<16xf32>,
        %swap3A_749 = arith.constant 14 : i32
        %swap3A_750 = arith.index_cast %swap3A_749 : i32 to index
        %swap3A_751 = arith.constant 32 : index
        %swap3A_752 = tpu.vector_load %arg10[%swap3A_750, %swap3A_751] {strides = array<i32>} : memref<16x128xf32, #tpu.memory_space<vmem>>, vector<16xf32>,
        tpu.vector_store %arg10[%swap3A_750, %swap3A_751], %gather3A_748 {strides = array<i32>} : memref<16x128xf32, #tpu.memory_space<vmem>>, vector<16xf32>,
        %add3A_753 = arith.constant 48 : i32
        %add3A_754 = vector.broadcast %add3A_753 : i32 to vector<16xi32>
        %add3A_755 = arith.addi %iota3A, %add3A_754 : vector<16xi32>
        %gather3A_756 = tpu.vector_load_idx %arg8[%add3A_755, %broadcast_in_dim3A_728] : memref<64x512xf32, #tpu.memory_space<vmem>>[vector<16xi32>, vector<16xi32>], vector<16xf32>,
        %swap3A_757 = arith.constant 14 : i32
        %swap3A_758 = arith.index_cast %swap3A_757 : i32 to index
        %swap3A_759 = arith.constant 48 : index
        %swap3A_760 = tpu.vector_load %arg10[%swap3A_758, %swap3A_759] {strides = array<i32>} : memref<16x128xf32, #tpu.memory_space<vmem>>, vector<16xf32>,
        tpu.vector_store %arg10[%swap3A_758, %swap3A_759], %gather3A_756 {strides = array<i32>} : memref<16x128xf32, #tpu.memory_space<vmem>>, vector<16xf32>,
        %slice3A_761 = vector.extract_strided_slice %min3A_231 {offsets = [15], sizes = [1], strides = [1]} : vector<16xi32> to vector<1xi32>
        %squeeze3A_762 = vector.extract %slice3A_761[0] : i32 from vector<1xi32>
        %broadcast_in_dim3A_763 = vector.broadcast %squeeze3A_762 : i32 to vector<16xi32>
        %add3A_764 = arith.constant 0 : i32
        %add3A_765 = vector.broadcast %add3A_764 : i32 to vector<16xi32>
        %add3A_766 = arith.addi %iota3A, %add3A_765 : vector<16xi32>
        %gather3A_767 = tpu.vector_load_idx %arg8[%add3A_766, %broadcast_in_dim3A_763] : memref<64x512xf32, #tpu.memory_space<vmem>>[vector<16xi32>, vector<16xi32>], vector<16xf32>,
        %swap3A_768 = arith.constant 15 : i32
        %swap3A_769 = arith.index_cast %swap3A_768 : i32 to index
        %swap3A_770 = arith.constant 0 : index
        %swap3A_771 = tpu.vector_load %arg10[%swap3A_769, %swap3A_770] {strides = array<i32>} : memref<16x128xf32, #tpu.memory_space<vmem>>, vector<16xf32>,
        tpu.vector_store %arg10[%swap3A_769, %swap3A_770], %gather3A_767 {strides = array<i32>} : memref<16x128xf32, #tpu.memory_space<vmem>>, vector<16xf32>,
        %add3A_772 = arith.constant 16 : i32
        %add3A_773 = vector.broadcast %add3A_772 : i32 to vector<16xi32>
        %add3A_774 = arith.addi %iota3A, %add3A_773 : vector<16xi32>
        %gather3A_775 = tpu.vector_load_idx %arg8[%add3A_774, %broadcast_in_dim3A_763] : memref<64x512xf32, #tpu.memory_space<vmem>>[vector<16xi32>, vector<16xi32>], vector<16xf32>,
        %swap3A_776 = arith.constant 15 : i32
        %swap3A_777 = arith.index_cast %swap3A_776 : i32 to index
        %swap3A_778 = arith.constant 16 : index
        %swap3A_779 = tpu.vector_load %arg10[%swap3A_777, %swap3A_778] {strides = array<i32>} : memref<16x128xf32, #tpu.memory_space<vmem>>, vector<16xf32>,
        tpu.vector_store %arg10[%swap3A_777, %swap3A_778], %gather3A_775 {strides = array<i32>} : memref<16x128xf32, #tpu.memory_space<vmem>>, vector<16xf32>,
        %add3A_780 = arith.constant 32 : i32
        %add3A_781 = vector.broadcast %add3A_780 : i32 to vector<16xi32>
        %add3A_782 = arith.addi %iota3A, %add3A_781 : vector<16xi32>
        %gather3A_783 = tpu.vector_load_idx %arg8[%add3A_782, %broadcast_in_dim3A_763] : memref<64x512xf32, #tpu.memory_space<vmem>>[vector<16xi32>, vector<16xi32>], vector<16xf32>,
        %swap3A_784 = arith.constant 15 : i32
        %swap3A_785 = arith.index_cast %swap3A_784 : i32 to index
        %swap3A_786 = arith.constant 32 : index
        %swap3A_787 = tpu.vector_load %arg10[%swap3A_785, %swap3A_786] {strides = array<i32>} : memref<16x128xf32, #tpu.memory_space<vmem>>, vector<16xf32>,
        tpu.vector_store %arg10[%swap3A_785, %swap3A_786], %gather3A_783 {strides = array<i32>} : memref<16x128xf32, #tpu.memory_space<vmem>>, vector<16xf32>,
        %add3A_788 = arith.constant 48 : i32
        %add3A_789 = vector.broadcast %add3A_788 : i32 to vector<16xi32>
        %add3A_790 = arith.addi %iota3A, %add3A_789 : vector<16xi32>
        %gather3A_791 = tpu.vector_load_idx %arg8[%add3A_790, %broadcast_in_dim3A_763] : memref<64x512xf32, #tpu.memory_space<vmem>>[vector<16xi32>, vector<16xi32>], vector<16xf32>,
        %swap3A_792 = arith.constant 15 : i32
        %swap3A_793 = arith.index_cast %swap3A_792 : i32 to index
        %swap3A_794 = arith.constant 48 : index
        %swap3A_795 = tpu.vector_load %arg10[%swap3A_793, %swap3A_794] {strides = array<i32>} : memref<16x128xf32, #tpu.memory_space<vmem>>, vector<16xf32>,
        tpu.vector_store %arg10[%swap3A_793, %swap3A_794], %gather3A_791 {strides = array<i32>} : memref<16x128xf32, #tpu.memory_space<vmem>>, vector<16xf32>,
        %dma_start3A_796 = arith.constant 0 : i32
        %dma_start3A_797 = arith.constant 0 : i32
        %dma_start3A_798 = tpu.memref_slice %arg11[%dma_start3A_796, %dma_start3A_797] : memref<1x16xi32, #tpu.memory_space<vmem>> -> memref<1x16xi32, #tpu.memory_space<vmem>>
        %dma_start3A_799 = tpu.memref_squeeze %dma_start3A_798 : memref<1x16xi32, #tpu.memory_space<vmem>> -> memref<16xi32, #tpu.memory_space<vmem>>
        %dma_start3A_800 = arith.constant 0 : i32
        %dma_start3A_801 = arith.constant 0 : i32
        %dma_start3A_802 = tpu.memref_slice %arg4[%dma_start3A_800, %dma_start3A_801] : memref<16400x128xf32, #tpu.memory_space<hbm>> -> memref<16400x128xf32, #tpu.memory_space<hbm>>
        tpu.enqueue_indirect_dma source(%arg10 : memref<16x128xf32, #tpu.memory_space<vmem>>) target(%dma_start3A_802 : memref<16400x128xf32, #tpu.memory_space<hbm>>) offsets(%dma_start3A_799 : memref<16xi32, #tpu.memory_space<vmem>>) semaphore(%arg13 : memref<!tpu.dma_semaphore, #tpu.memory_space<semaphore_mem>>)
        %add3A_803 = arith.constant 1 : i32
        %add3A_804 = arith.addi %while3A_216, %add3A_803 : i32
        scf.yield %add3A_804 : i32
      }
      %while3A_126 = arith.constant 1 : i32
      %while3A_127 = scf.for %while3A_215 = %while3A_123 to %while3A_119 step %while3A_126 iter_args(%while3A_216 = %while3A_125) -> (i32)  : i32 {
        %mul3A_217 = arith.constant 16 : i32
        %mul3A_218 = arith.muli %while3A_215, %mul3A_217 : i32
        %gt3A_219 = arith.constant 0 : i32
        %gt3A_220 = arith.cmpi sgt, %while3A_216, %gt3A_219 : i32
        %convert_element_type3A_221 = arith.extui %gt3A_220 : i1 to i32
        %cond3A_222 = arith.constant 0 : i32
        %cond3A_223 = arith.cmpi ne, %convert_element_type3A_221, %cond3A_222 : i32
        scf.if %cond3A_223 {
          %dma_wait3A_805 = arith.constant 0 : i32
          %dma_wait3A_806 = arith.constant 0 : i32
          %dma_wait3A_807 = tpu.memref_slice %arg11[%dma_wait3A_805, %dma_wait3A_806] : memref<1x16xi32, #tpu.memory_space<vmem>> -> memref<1x16xi32, #tpu.memory_space<vmem>>
          %dma_wait3A_808 = tpu.memref_squeeze %dma_wait3A_807 : memref<1x16xi32, #tpu.memory_space<vmem>> -> memref<16xi32, #tpu.memory_space<vmem>>
          %dma_wait3A_809 = arith.constant 0 : i32
          %dma_wait3A_810 = arith.constant 0 : i32
          %dma_wait3A_811 = tpu.memref_slice %arg4[%dma_wait3A_809, %dma_wait3A_810] : memref<16400x128xf32, #tpu.memory_space<hbm>> -> memref<16400x128xf32, #tpu.memory_space<hbm>>
          tpu.wait_indirect_dma semaphore(%arg13 : memref<!tpu.dma_semaphore, #tpu.memory_space<semaphore_mem>>) src(%arg10 : memref<16x128xf32, #tpu.memory_space<vmem>>) dst(%dma_wait3A_811 : memref<16400x128xf32, #tpu.memory_space<hbm>>)
        } else {
        }
        %get3A = arith.index_cast %mul3A_218 : i32 to index
        %get3A_224 = tpu.vector_load %arg7[%get3A] {strides = array<i32>} : memref<16400xi32, #tpu.memory_space<vmem>>, vector<16xi32>,
        %shift_right_arithmetic3A = arith.constant 15 : i32
        %shift_right_arithmetic3A_225 = vector.broadcast %shift_right_arithmetic3A : i32 to vector<16xi32>
        %shift_right_arithmetic3A_226 = arith.shrsi %get3A_224, %shift_right_arithmetic3A_225 : vector<16xi32>
        %jit3A_227 = arith.constant 0 : i32
        %jit3A_228 = arith.constant 511 : i32
        %max3A = vector.broadcast %jit3A_227 : i32 to vector<16xi32>
        %max3A_229 = arith.maxsi %max3A, %shift_right_arithmetic3A_226 : vector<16xi32>
        %min3A_230 = vector.broadcast %jit3A_228 : i32 to vector<16xi32>
        %min3A_231 = arith.minsi %min3A_230, %max3A_229 : vector<16xi32>
        %and3A_232 = arith.constant 32767 : i32
        %and3A_233 = vector.broadcast %and3A_232 : i32 to vector<16xi32>
        %and3A_234 = arith.andi %get3A_224, %and3A_233 : vector<16xi32>
        %swap3A_235 = arith.constant 0 : i32
        %swap3A_236 = arith.index_cast %swap3A_235 : i32 to index
        %swap3A_237 = arith.constant 0 : index
        %swap3A_238 = tpu.vector_load %arg11[%swap3A_236, %swap3A_237] {strides = array<i32>} : memref<1x16xi32, #tpu.memory_space<vmem>>, vector<16xi32>,
        tpu.vector_store %arg11[%swap3A_236, %swap3A_237], %and3A_234 {strides = array<i32>} : memref<1x16xi32, #tpu.memory_space<vmem>>, vector<16xi32>,
        %slice3A = vector.extract_strided_slice %min3A_231 {offsets = [0], sizes = [1], strides = [1]} : vector<16xi32> to vector<1xi32>
        %squeeze3A = vector.extract %slice3A[0] : i32 from vector<1xi32>
        %broadcast_in_dim3A_239 = vector.broadcast %squeeze3A : i32 to vector<16xi32>
        %add3A_240 = arith.constant 0 : i32
        %add3A_241 = vector.broadcast %add3A_240 : i32 to vector<16xi32>
        %add3A_242 = arith.addi %iota3A, %add3A_241 : vector<16xi32>
        %gather3A = tpu.vector_load_idx %arg8[%add3A_242, %broadcast_in_dim3A_239] : memref<64x512xf32, #tpu.memory_space<vmem>>[vector<16xi32>, vector<16xi32>], vector<16xf32>,
        %swap3A_243 = arith.constant 0 : i32
        %swap3A_244 = arith.index_cast %swap3A_243 : i32 to index
        %swap3A_245 = arith.constant 0 : index
        %swap3A_246 = tpu.vector_load %arg10[%swap3A_244, %swap3A_245] {strides = array<i32>} : memref<16x128xf32, #tpu.memory_space<vmem>>, vector<16xf32>,
        tpu.vector_store %arg10[%swap3A_244, %swap3A_245], %gather3A {strides = array<i32>} : memref<16x128xf32, #tpu.memory_space<vmem>>, vector<16xf32>,
        %add3A_247 = arith.constant 16 : i32
        %add3A_248 = vector.broadcast %add3A_247 : i32 to vector<16xi32>
        %add3A_249 = arith.addi %iota3A, %add3A_248 : vector<16xi32>
        %gather3A_250 = tpu.vector_load_idx %arg8[%add3A_249, %broadcast_in_dim3A_239] : memref<64x512xf32, #tpu.memory_space<vmem>>[vector<16xi32>, vector<16xi32>], vector<16xf32>,
        %swap3A_251 = arith.constant 0 : i32
        %swap3A_252 = arith.index_cast %swap3A_251 : i32 to index
        %swap3A_253 = arith.constant 16 : index
        %swap3A_254 = tpu.vector_load %arg10[%swap3A_252, %swap3A_253] {strides = array<i32>} : memref<16x128xf32, #tpu.memory_space<vmem>>, vector<16xf32>,
        tpu.vector_store %arg10[%swap3A_252, %swap3A_253], %gather3A_250 {strides = array<i32>} : memref<16x128xf32, #tpu.memory_space<vmem>>, vector<16xf32>,
        %add3A_255 = arith.constant 32 : i32
        %add3A_256 = vector.broadcast %add3A_255 : i32 to vector<16xi32>
        %add3A_257 = arith.addi %iota3A, %add3A_256 : vector<16xi32>
        %gather3A_258 = tpu.vector_load_idx %arg8[%add3A_257, %broadcast_in_dim3A_239] : memref<64x512xf32, #tpu.memory_space<vmem>>[vector<16xi32>, vector<16xi32>], vector<16xf32>,
        %swap3A_259 = arith.constant 0 : i32
        %swap3A_260 = arith.index_cast %swap3A_259 : i32 to index
        %swap3A_261 = arith.constant 32 : index
        %swap3A_262 = tpu.vector_load %arg10[%swap3A_260, %swap3A_261] {strides = array<i32>} : memref<16x128xf32, #tpu.memory_space<vmem>>, vector<16xf32>,
        tpu.vector_store %arg10[%swap3A_260, %swap3A_261], %gather3A_258 {strides = array<i32>} : memref<16x128xf32, #tpu.memory_space<vmem>>, vector<16xf32>,
        %add3A_263 = arith.constant 48 : i32
        %add3A_264 = vector.broadcast %add3A_263 : i32 to vector<16xi32>
        %add3A_265 = arith.addi %iota3A, %add3A_264 : vector<16xi32>
        %gather3A_266 = tpu.vector_load_idx %arg8[%add3A_265, %broadcast_in_dim3A_239] : memref<64x512xf32, #tpu.memory_space<vmem>>[vector<16xi32>, vector<16xi32>], vector<16xf32>,
        %swap3A_267 = arith.constant 0 : i32
        %swap3A_268 = arith.index_cast %swap3A_267 : i32 to index
        %swap3A_269 = arith.constant 48 : index
        %swap3A_270 = tpu.vector_load %arg10[%swap3A_268, %swap3A_269] {strides = array<i32>} : memref<16x128xf32, #tpu.memory_space<vmem>>, vector<16xf32>,
        tpu.vector_store %arg10[%swap3A_268, %swap3A_269], %gather3A_266 {strides = array<i32>} : memref<16x128xf32, #tpu.memory_space<vmem>>, vector<16xf32>,
        %slice3A_271 = vector.extract_strided_slice %min3A_231 {offsets = [1], sizes = [1], strides = [1]} : vector<16xi32> to vector<1xi32>
        %squeeze3A_272 = vector.extract %slice3A_271[0] : i32 from vector<1xi32>
        %broadcast_in_dim3A_273 = vector.broadcast %squeeze3A_272 : i32 to vector<16xi32>
        %add3A_274 = arith.constant 0 : i32
        %add3A_275 = vector.broadcast %add3A_274 : i32 to vector<16xi32>
        %add3A_276 = arith.addi %iota3A, %add3A_275 : vector<16xi32>
        %gather3A_277 = tpu.vector_load_idx %arg8[%add3A_276, %broadcast_in_dim3A_273] : memref<64x512xf32, #tpu.memory_space<vmem>>[vector<16xi32>, vector<16xi32>], vector<16xf32>,
        %swap3A_278 = arith.constant 1 : i32
        %swap3A_279 = arith.index_cast %swap3A_278 : i32 to index
        %swap3A_280 = arith.constant 0 : index
        %swap3A_281 = tpu.vector_load %arg10[%swap3A_279, %swap3A_280] {strides = array<i32>} : memref<16x128xf32, #tpu.memory_space<vmem>>, vector<16xf32>,
        tpu.vector_store %arg10[%swap3A_279, %swap3A_280], %gather3A_277 {strides = array<i32>} : memref<16x128xf32, #tpu.memory_space<vmem>>, vector<16xf32>,
        %add3A_282 = arith.constant 16 : i32
        %add3A_283 = vector.broadcast %add3A_282 : i32 to vector<16xi32>
        %add3A_284 = arith.addi %iota3A, %add3A_283 : vector<16xi32>
        %gather3A_285 = tpu.vector_load_idx %arg8[%add3A_284, %broadcast_in_dim3A_273] : memref<64x512xf32, #tpu.memory_space<vmem>>[vector<16xi32>, vector<16xi32>], vector<16xf32>,
        %swap3A_286 = arith.constant 1 : i32
        %swap3A_287 = arith.index_cast %swap3A_286 : i32 to index
        %swap3A_288 = arith.constant 16 : index
        %swap3A_289 = tpu.vector_load %arg10[%swap3A_287, %swap3A_288] {strides = array<i32>} : memref<16x128xf32, #tpu.memory_space<vmem>>, vector<16xf32>,
        tpu.vector_store %arg10[%swap3A_287, %swap3A_288], %gather3A_285 {strides = array<i32>} : memref<16x128xf32, #tpu.memory_space<vmem>>, vector<16xf32>,
        %add3A_290 = arith.constant 32 : i32
        %add3A_291 = vector.broadcast %add3A_290 : i32 to vector<16xi32>
        %add3A_292 = arith.addi %iota3A, %add3A_291 : vector<16xi32>
        %gather3A_293 = tpu.vector_load_idx %arg8[%add3A_292, %broadcast_in_dim3A_273] : memref<64x512xf32, #tpu.memory_space<vmem>>[vector<16xi32>, vector<16xi32>], vector<16xf32>,
        %swap3A_294 = arith.constant 1 : i32
        %swap3A_295 = arith.index_cast %swap3A_294 : i32 to index
        %swap3A_296 = arith.constant 32 : index
        %swap3A_297 = tpu.vector_load %arg10[%swap3A_295, %swap3A_296] {strides = array<i32>} : memref<16x128xf32, #tpu.memory_space<vmem>>, vector<16xf32>,
        tpu.vector_store %arg10[%swap3A_295, %swap3A_296], %gather3A_293 {strides = array<i32>} : memref<16x128xf32, #tpu.memory_space<vmem>>, vector<16xf32>,
        %add3A_298 = arith.constant 48 : i32
        %add3A_299 = vector.broadcast %add3A_298 : i32 to vector<16xi32>
        %add3A_300 = arith.addi %iota3A, %add3A_299 : vector<16xi32>
        %gather3A_301 = tpu.vector_load_idx %arg8[%add3A_300, %broadcast_in_dim3A_273] : memref<64x512xf32, #tpu.memory_space<vmem>>[vector<16xi32>, vector<16xi32>], vector<16xf32>,
        %swap3A_302 = arith.constant 1 : i32
        %swap3A_303 = arith.index_cast %swap3A_302 : i32 to index
        %swap3A_304 = arith.constant 48 : index
        %swap3A_305 = tpu.vector_load %arg10[%swap3A_303, %swap3A_304] {strides = array<i32>} : memref<16x128xf32, #tpu.memory_space<vmem>>, vector<16xf32>,
        tpu.vector_store %arg10[%swap3A_303, %swap3A_304], %gather3A_301 {strides = array<i32>} : memref<16x128xf32, #tpu.memory_space<vmem>>, vector<16xf32>,
        %slice3A_306 = vector.extract_strided_slice %min3A_231 {offsets = [2], sizes = [1], strides = [1]} : vector<16xi32> to vector<1xi32>
        %squeeze3A_307 = vector.extract %slice3A_306[0] : i32 from vector<1xi32>
        %broadcast_in_dim3A_308 = vector.broadcast %squeeze3A_307 : i32 to vector<16xi32>
        %add3A_309 = arith.constant 0 : i32
        %add3A_310 = vector.broadcast %add3A_309 : i32 to vector<16xi32>
        %add3A_311 = arith.addi %iota3A, %add3A_310 : vector<16xi32>
        %gather3A_312 = tpu.vector_load_idx %arg8[%add3A_311, %broadcast_in_dim3A_308] : memref<64x512xf32, #tpu.memory_space<vmem>>[vector<16xi32>, vector<16xi32>], vector<16xf32>,
        %swap3A_313 = arith.constant 2 : i32
        %swap3A_314 = arith.index_cast %swap3A_313 : i32 to index
        %swap3A_315 = arith.constant 0 : index
        %swap3A_316 = tpu.vector_load %arg10[%swap3A_314, %swap3A_315] {strides = array<i32>} : memref<16x128xf32, #tpu.memory_space<vmem>>, vector<16xf32>,
        tpu.vector_store %arg10[%swap3A_314, %swap3A_315], %gather3A_312 {strides = array<i32>} : memref<16x128xf32, #tpu.memory_space<vmem>>, vector<16xf32>,
        %add3A_317 = arith.constant 16 : i32
        %add3A_318 = vector.broadcast %add3A_317 : i32 to vector<16xi32>
        %add3A_319 = arith.addi %iota3A, %add3A_318 : vector<16xi32>
        %gather3A_320 = tpu.vector_load_idx %arg8[%add3A_319, %broadcast_in_dim3A_308] : memref<64x512xf32, #tpu.memory_space<vmem>>[vector<16xi32>, vector<16xi32>], vector<16xf32>,
        %swap3A_321 = arith.constant 2 : i32
        %swap3A_322 = arith.index_cast %swap3A_321 : i32 to index
        %swap3A_323 = arith.constant 16 : index
        %swap3A_324 = tpu.vector_load %arg10[%swap3A_322, %swap3A_323] {strides = array<i32>} : memref<16x128xf32, #tpu.memory_space<vmem>>, vector<16xf32>,
        tpu.vector_store %arg10[%swap3A_322, %swap3A_323], %gather3A_320 {strides = array<i32>} : memref<16x128xf32, #tpu.memory_space<vmem>>, vector<16xf32>,
        %add3A_325 = arith.constant 32 : i32
        %add3A_326 = vector.broadcast %add3A_325 : i32 to vector<16xi32>
        %add3A_327 = arith.addi %iota3A, %add3A_326 : vector<16xi32>
        %gather3A_328 = tpu.vector_load_idx %arg8[%add3A_327, %broadcast_in_dim3A_308] : memref<64x512xf32, #tpu.memory_space<vmem>>[vector<16xi32>, vector<16xi32>], vector<16xf32>,
        %swap3A_329 = arith.constant 2 : i32
        %swap3A_330 = arith.index_cast %swap3A_329 : i32 to index
        %swap3A_331 = arith.constant 32 : index
        %swap3A_332 = tpu.vector_load %arg10[%swap3A_330, %swap3A_331] {strides = array<i32>} : memref<16x128xf32, #tpu.memory_space<vmem>>, vector<16xf32>,
        tpu.vector_store %arg10[%swap3A_330, %swap3A_331], %gather3A_328 {strides = array<i32>} : memref<16x128xf32, #tpu.memory_space<vmem>>, vector<16xf32>,
        %add3A_333 = arith.constant 48 : i32
        %add3A_334 = vector.broadcast %add3A_333 : i32 to vector<16xi32>
        %add3A_335 = arith.addi %iota3A, %add3A_334 : vector<16xi32>
        %gather3A_336 = tpu.vector_load_idx %arg8[%add3A_335, %broadcast_in_dim3A_308] : memref<64x512xf32, #tpu.memory_space<vmem>>[vector<16xi32>, vector<16xi32>], vector<16xf32>,
        %swap3A_337 = arith.constant 2 : i32
        %swap3A_338 = arith.index_cast %swap3A_337 : i32 to index
        %swap3A_339 = arith.constant 48 : index
        %swap3A_340 = tpu.vector_load %arg10[%swap3A_338, %swap3A_339] {strides = array<i32>} : memref<16x128xf32, #tpu.memory_space<vmem>>, vector<16xf32>,
        tpu.vector_store %arg10[%swap3A_338, %swap3A_339], %gather3A_336 {strides = array<i32>} : memref<16x128xf32, #tpu.memory_space<vmem>>, vector<16xf32>,
        %slice3A_341 = vector.extract_strided_slice %min3A_231 {offsets = [3], sizes = [1], strides = [1]} : vector<16xi32> to vector<1xi32>
        %squeeze3A_342 = vector.extract %slice3A_341[0] : i32 from vector<1xi32>
        %broadcast_in_dim3A_343 = vector.broadcast %squeeze3A_342 : i32 to vector<16xi32>
        %add3A_344 = arith.constant 0 : i32
        %add3A_345 = vector.broadcast %add3A_344 : i32 to vector<16xi32>
        %add3A_346 = arith.addi %iota3A, %add3A_345 : vector<16xi32>
        %gather3A_347 = tpu.vector_load_idx %arg8[%add3A_346, %broadcast_in_dim3A_343] : memref<64x512xf32, #tpu.memory_space<vmem>>[vector<16xi32>, vector<16xi32>], vector<16xf32>,
        %swap3A_348 = arith.constant 3 : i32
        %swap3A_349 = arith.index_cast %swap3A_348 : i32 to index
        %swap3A_350 = arith.constant 0 : index
        %swap3A_351 = tpu.vector_load %arg10[%swap3A_349, %swap3A_350] {strides = array<i32>} : memref<16x128xf32, #tpu.memory_space<vmem>>, vector<16xf32>,
        tpu.vector_store %arg10[%swap3A_349, %swap3A_350], %gather3A_347 {strides = array<i32>} : memref<16x128xf32, #tpu.memory_space<vmem>>, vector<16xf32>,
        %add3A_352 = arith.constant 16 : i32
        %add3A_353 = vector.broadcast %add3A_352 : i32 to vector<16xi32>
        %add3A_354 = arith.addi %iota3A, %add3A_353 : vector<16xi32>
        %gather3A_355 = tpu.vector_load_idx %arg8[%add3A_354, %broadcast_in_dim3A_343] : memref<64x512xf32, #tpu.memory_space<vmem>>[vector<16xi32>, vector<16xi32>], vector<16xf32>,
        %swap3A_356 = arith.constant 3 : i32
        %swap3A_357 = arith.index_cast %swap3A_356 : i32 to index
        %swap3A_358 = arith.constant 16 : index
        %swap3A_359 = tpu.vector_load %arg10[%swap3A_357, %swap3A_358] {strides = array<i32>} : memref<16x128xf32, #tpu.memory_space<vmem>>, vector<16xf32>,
        tpu.vector_store %arg10[%swap3A_357, %swap3A_358], %gather3A_355 {strides = array<i32>} : memref<16x128xf32, #tpu.memory_space<vmem>>, vector<16xf32>,
        %add3A_360 = arith.constant 32 : i32
        %add3A_361 = vector.broadcast %add3A_360 : i32 to vector<16xi32>
        %add3A_362 = arith.addi %iota3A, %add3A_361 : vector<16xi32>
        %gather3A_363 = tpu.vector_load_idx %arg8[%add3A_362, %broadcast_in_dim3A_343] : memref<64x512xf32, #tpu.memory_space<vmem>>[vector<16xi32>, vector<16xi32>], vector<16xf32>,
        %swap3A_364 = arith.constant 3 : i32
        %swap3A_365 = arith.index_cast %swap3A_364 : i32 to index
        %swap3A_366 = arith.constant 32 : index
        %swap3A_367 = tpu.vector_load %arg10[%swap3A_365, %swap3A_366] {strides = array<i32>} : memref<16x128xf32, #tpu.memory_space<vmem>>, vector<16xf32>,
        tpu.vector_store %arg10[%swap3A_365, %swap3A_366], %gather3A_363 {strides = array<i32>} : memref<16x128xf32, #tpu.memory_space<vmem>>, vector<16xf32>,
        %add3A_368 = arith.constant 48 : i32
        %add3A_369 = vector.broadcast %add3A_368 : i32 to vector<16xi32>
        %add3A_370 = arith.addi %iota3A, %add3A_369 : vector<16xi32>
        %gather3A_371 = tpu.vector_load_idx %arg8[%add3A_370, %broadcast_in_dim3A_343] : memref<64x512xf32, #tpu.memory_space<vmem>>[vector<16xi32>, vector<16xi32>], vector<16xf32>,
        %swap3A_372 = arith.constant 3 : i32
        %swap3A_373 = arith.index_cast %swap3A_372 : i32 to index
        %swap3A_374 = arith.constant 48 : index
        %swap3A_375 = tpu.vector_load %arg10[%swap3A_373, %swap3A_374] {strides = array<i32>} : memref<16x128xf32, #tpu.memory_space<vmem>>, vector<16xf32>,
        tpu.vector_store %arg10[%swap3A_373, %swap3A_374], %gather3A_371 {strides = array<i32>} : memref<16x128xf32, #tpu.memory_space<vmem>>, vector<16xf32>,
        %slice3A_376 = vector.extract_strided_slice %min3A_231 {offsets = [4], sizes = [1], strides = [1]} : vector<16xi32> to vector<1xi32>
        %squeeze3A_377 = vector.extract %slice3A_376[0] : i32 from vector<1xi32>
        %broadcast_in_dim3A_378 = vector.broadcast %squeeze3A_377 : i32 to vector<16xi32>
        %add3A_379 = arith.constant 0 : i32
        %add3A_380 = vector.broadcast %add3A_379 : i32 to vector<16xi32>
        %add3A_381 = arith.addi %iota3A, %add3A_380 : vector<16xi32>
        %gather3A_382 = tpu.vector_load_idx %arg8[%add3A_381, %broadcast_in_dim3A_378] : memref<64x512xf32, #tpu.memory_space<vmem>>[vector<16xi32>, vector<16xi32>], vector<16xf32>,
        %swap3A_383 = arith.constant 4 : i32
        %swap3A_384 = arith.index_cast %swap3A_383 : i32 to index
        %swap3A_385 = arith.constant 0 : index
        %swap3A_386 = tpu.vector_load %arg10[%swap3A_384, %swap3A_385] {strides = array<i32>} : memref<16x128xf32, #tpu.memory_space<vmem>>, vector<16xf32>,
        tpu.vector_store %arg10[%swap3A_384, %swap3A_385], %gather3A_382 {strides = array<i32>} : memref<16x128xf32, #tpu.memory_space<vmem>>, vector<16xf32>,
        %add3A_387 = arith.constant 16 : i32
        %add3A_388 = vector.broadcast %add3A_387 : i32 to vector<16xi32>
        %add3A_389 = arith.addi %iota3A, %add3A_388 : vector<16xi32>
        %gather3A_390 = tpu.vector_load_idx %arg8[%add3A_389, %broadcast_in_dim3A_378] : memref<64x512xf32, #tpu.memory_space<vmem>>[vector<16xi32>, vector<16xi32>], vector<16xf32>,
        %swap3A_391 = arith.constant 4 : i32
        %swap3A_392 = arith.index_cast %swap3A_391 : i32 to index
        %swap3A_393 = arith.constant 16 : index
        %swap3A_394 = tpu.vector_load %arg10[%swap3A_392, %swap3A_393] {strides = array<i32>} : memref<16x128xf32, #tpu.memory_space<vmem>>, vector<16xf32>,
        tpu.vector_store %arg10[%swap3A_392, %swap3A_393], %gather3A_390 {strides = array<i32>} : memref<16x128xf32, #tpu.memory_space<vmem>>, vector<16xf32>,
        %add3A_395 = arith.constant 32 : i32
        %add3A_396 = vector.broadcast %add3A_395 : i32 to vector<16xi32>
        %add3A_397 = arith.addi %iota3A, %add3A_396 : vector<16xi32>
        %gather3A_398 = tpu.vector_load_idx %arg8[%add3A_397, %broadcast_in_dim3A_378] : memref<64x512xf32, #tpu.memory_space<vmem>>[vector<16xi32>, vector<16xi32>], vector<16xf32>,
        %swap3A_399 = arith.constant 4 : i32
        %swap3A_400 = arith.index_cast %swap3A_399 : i32 to index
        %swap3A_401 = arith.constant 32 : index
        %swap3A_402 = tpu.vector_load %arg10[%swap3A_400, %swap3A_401] {strides = array<i32>} : memref<16x128xf32, #tpu.memory_space<vmem>>, vector<16xf32>,
        tpu.vector_store %arg10[%swap3A_400, %swap3A_401], %gather3A_398 {strides = array<i32>} : memref<16x128xf32, #tpu.memory_space<vmem>>, vector<16xf32>,
        %add3A_403 = arith.constant 48 : i32
        %add3A_404 = vector.broadcast %add3A_403 : i32 to vector<16xi32>
        %add3A_405 = arith.addi %iota3A, %add3A_404 : vector<16xi32>
        %gather3A_406 = tpu.vector_load_idx %arg8[%add3A_405, %broadcast_in_dim3A_378] : memref<64x512xf32, #tpu.memory_space<vmem>>[vector<16xi32>, vector<16xi32>], vector<16xf32>,
        %swap3A_407 = arith.constant 4 : i32
        %swap3A_408 = arith.index_cast %swap3A_407 : i32 to index
        %swap3A_409 = arith.constant 48 : index
        %swap3A_410 = tpu.vector_load %arg10[%swap3A_408, %swap3A_409] {strides = array<i32>} : memref<16x128xf32, #tpu.memory_space<vmem>>, vector<16xf32>,
        tpu.vector_store %arg10[%swap3A_408, %swap3A_409], %gather3A_406 {strides = array<i32>} : memref<16x128xf32, #tpu.memory_space<vmem>>, vector<16xf32>,
        %slice3A_411 = vector.extract_strided_slice %min3A_231 {offsets = [5], sizes = [1], strides = [1]} : vector<16xi32> to vector<1xi32>
        %squeeze3A_412 = vector.extract %slice3A_411[0] : i32 from vector<1xi32>
        %broadcast_in_dim3A_413 = vector.broadcast %squeeze3A_412 : i32 to vector<16xi32>
        %add3A_414 = arith.constant 0 : i32
        %add3A_415 = vector.broadcast %add3A_414 : i32 to vector<16xi32>
        %add3A_416 = arith.addi %iota3A, %add3A_415 : vector<16xi32>
        %gather3A_417 = tpu.vector_load_idx %arg8[%add3A_416, %broadcast_in_dim3A_413] : memref<64x512xf32, #tpu.memory_space<vmem>>[vector<16xi32>, vector<16xi32>], vector<16xf32>,
        %swap3A_418 = arith.constant 5 : i32
        %swap3A_419 = arith.index_cast %swap3A_418 : i32 to index
        %swap3A_420 = arith.constant 0 : index
        %swap3A_421 = tpu.vector_load %arg10[%swap3A_419, %swap3A_420] {strides = array<i32>} : memref<16x128xf32, #tpu.memory_space<vmem>>, vector<16xf32>,
        tpu.vector_store %arg10[%swap3A_419, %swap3A_420], %gather3A_417 {strides = array<i32>} : memref<16x128xf32, #tpu.memory_space<vmem>>, vector<16xf32>,
        %add3A_422 = arith.constant 16 : i32
        %add3A_423 = vector.broadcast %add3A_422 : i32 to vector<16xi32>
        %add3A_424 = arith.addi %iota3A, %add3A_423 : vector<16xi32>
        %gather3A_425 = tpu.vector_load_idx %arg8[%add3A_424, %broadcast_in_dim3A_413] : memref<64x512xf32, #tpu.memory_space<vmem>>[vector<16xi32>, vector<16xi32>], vector<16xf32>,
        %swap3A_426 = arith.constant 5 : i32
        %swap3A_427 = arith.index_cast %swap3A_426 : i32 to index
        %swap3A_428 = arith.constant 16 : index
        %swap3A_429 = tpu.vector_load %arg10[%swap3A_427, %swap3A_428] {strides = array<i32>} : memref<16x128xf32, #tpu.memory_space<vmem>>, vector<16xf32>,
        tpu.vector_store %arg10[%swap3A_427, %swap3A_428], %gather3A_425 {strides = array<i32>} : memref<16x128xf32, #tpu.memory_space<vmem>>, vector<16xf32>,
        %add3A_430 = arith.constant 32 : i32
        %add3A_431 = vector.broadcast %add3A_430 : i32 to vector<16xi32>
        %add3A_432 = arith.addi %iota3A, %add3A_431 : vector<16xi32>
        %gather3A_433 = tpu.vector_load_idx %arg8[%add3A_432, %broadcast_in_dim3A_413] : memref<64x512xf32, #tpu.memory_space<vmem>>[vector<16xi32>, vector<16xi32>], vector<16xf32>,
        %swap3A_434 = arith.constant 5 : i32
        %swap3A_435 = arith.index_cast %swap3A_434 : i32 to index
        %swap3A_436 = arith.constant 32 : index
        %swap3A_437 = tpu.vector_load %arg10[%swap3A_435, %swap3A_436] {strides = array<i32>} : memref<16x128xf32, #tpu.memory_space<vmem>>, vector<16xf32>,
        tpu.vector_store %arg10[%swap3A_435, %swap3A_436], %gather3A_433 {strides = array<i32>} : memref<16x128xf32, #tpu.memory_space<vmem>>, vector<16xf32>,
        %add3A_438 = arith.constant 48 : i32
        %add3A_439 = vector.broadcast %add3A_438 : i32 to vector<16xi32>
        %add3A_440 = arith.addi %iota3A, %add3A_439 : vector<16xi32>
        %gather3A_441 = tpu.vector_load_idx %arg8[%add3A_440, %broadcast_in_dim3A_413] : memref<64x512xf32, #tpu.memory_space<vmem>>[vector<16xi32>, vector<16xi32>], vector<16xf32>,
        %swap3A_442 = arith.constant 5 : i32
        %swap3A_443 = arith.index_cast %swap3A_442 : i32 to index
        %swap3A_444 = arith.constant 48 : index
        %swap3A_445 = tpu.vector_load %arg10[%swap3A_443, %swap3A_444] {strides = array<i32>} : memref<16x128xf32, #tpu.memory_space<vmem>>, vector<16xf32>,
        tpu.vector_store %arg10[%swap3A_443, %swap3A_444], %gather3A_441 {strides = array<i32>} : memref<16x128xf32, #tpu.memory_space<vmem>>, vector<16xf32>,
        %slice3A_446 = vector.extract_strided_slice %min3A_231 {offsets = [6], sizes = [1], strides = [1]} : vector<16xi32> to vector<1xi32>
        %squeeze3A_447 = vector.extract %slice3A_446[0] : i32 from vector<1xi32>
        %broadcast_in_dim3A_448 = vector.broadcast %squeeze3A_447 : i32 to vector<16xi32>
        %add3A_449 = arith.constant 0 : i32
        %add3A_450 = vector.broadcast %add3A_449 : i32 to vector<16xi32>
        %add3A_451 = arith.addi %iota3A, %add3A_450 : vector<16xi32>
        %gather3A_452 = tpu.vector_load_idx %arg8[%add3A_451, %broadcast_in_dim3A_448] : memref<64x512xf32, #tpu.memory_space<vmem>>[vector<16xi32>, vector<16xi32>], vector<16xf32>,
        %swap3A_453 = arith.constant 6 : i32
        %swap3A_454 = arith.index_cast %swap3A_453 : i32 to index
        %swap3A_455 = arith.constant 0 : index
        %swap3A_456 = tpu.vector_load %arg10[%swap3A_454, %swap3A_455] {strides = array<i32>} : memref<16x128xf32, #tpu.memory_space<vmem>>, vector<16xf32>,
        tpu.vector_store %arg10[%swap3A_454, %swap3A_455], %gather3A_452 {strides = array<i32>} : memref<16x128xf32, #tpu.memory_space<vmem>>, vector<16xf32>,
        %add3A_457 = arith.constant 16 : i32
        %add3A_458 = vector.broadcast %add3A_457 : i32 to vector<16xi32>
        %add3A_459 = arith.addi %iota3A, %add3A_458 : vector<16xi32>
        %gather3A_460 = tpu.vector_load_idx %arg8[%add3A_459, %broadcast_in_dim3A_448] : memref<64x512xf32, #tpu.memory_space<vmem>>[vector<16xi32>, vector<16xi32>], vector<16xf32>,
        %swap3A_461 = arith.constant 6 : i32
        %swap3A_462 = arith.index_cast %swap3A_461 : i32 to index
        %swap3A_463 = arith.constant 16 : index
        %swap3A_464 = tpu.vector_load %arg10[%swap3A_462, %swap3A_463] {strides = array<i32>} : memref<16x128xf32, #tpu.memory_space<vmem>>, vector<16xf32>,
        tpu.vector_store %arg10[%swap3A_462, %swap3A_463], %gather3A_460 {strides = array<i32>} : memref<16x128xf32, #tpu.memory_space<vmem>>, vector<16xf32>,
        %add3A_465 = arith.constant 32 : i32
        %add3A_466 = vector.broadcast %add3A_465 : i32 to vector<16xi32>
        %add3A_467 = arith.addi %iota3A, %add3A_466 : vector<16xi32>
        %gather3A_468 = tpu.vector_load_idx %arg8[%add3A_467, %broadcast_in_dim3A_448] : memref<64x512xf32, #tpu.memory_space<vmem>>[vector<16xi32>, vector<16xi32>], vector<16xf32>,
        %swap3A_469 = arith.constant 6 : i32
        %swap3A_470 = arith.index_cast %swap3A_469 : i32 to index
        %swap3A_471 = arith.constant 32 : index
        %swap3A_472 = tpu.vector_load %arg10[%swap3A_470, %swap3A_471] {strides = array<i32>} : memref<16x128xf32, #tpu.memory_space<vmem>>, vector<16xf32>,
        tpu.vector_store %arg10[%swap3A_470, %swap3A_471], %gather3A_468 {strides = array<i32>} : memref<16x128xf32, #tpu.memory_space<vmem>>, vector<16xf32>,
        %add3A_473 = arith.constant 48 : i32
        %add3A_474 = vector.broadcast %add3A_473 : i32 to vector<16xi32>
        %add3A_475 = arith.addi %iota3A, %add3A_474 : vector<16xi32>
        %gather3A_476 = tpu.vector_load_idx %arg8[%add3A_475, %broadcast_in_dim3A_448] : memref<64x512xf32, #tpu.memory_space<vmem>>[vector<16xi32>, vector<16xi32>], vector<16xf32>,
        %swap3A_477 = arith.constant 6 : i32
        %swap3A_478 = arith.index_cast %swap3A_477 : i32 to index
        %swap3A_479 = arith.constant 48 : index
        %swap3A_480 = tpu.vector_load %arg10[%swap3A_478, %swap3A_479] {strides = array<i32>} : memref<16x128xf32, #tpu.memory_space<vmem>>, vector<16xf32>,
        tpu.vector_store %arg10[%swap3A_478, %swap3A_479], %gather3A_476 {strides = array<i32>} : memref<16x128xf32, #tpu.memory_space<vmem>>, vector<16xf32>,
        %slice3A_481 = vector.extract_strided_slice %min3A_231 {offsets = [7], sizes = [1], strides = [1]} : vector<16xi32> to vector<1xi32>
        %squeeze3A_482 = vector.extract %slice3A_481[0] : i32 from vector<1xi32>
        %broadcast_in_dim3A_483 = vector.broadcast %squeeze3A_482 : i32 to vector<16xi32>
        %add3A_484 = arith.constant 0 : i32
        %add3A_485 = vector.broadcast %add3A_484 : i32 to vector<16xi32>
        %add3A_486 = arith.addi %iota3A, %add3A_485 : vector<16xi32>
        %gather3A_487 = tpu.vector_load_idx %arg8[%add3A_486, %broadcast_in_dim3A_483] : memref<64x512xf32, #tpu.memory_space<vmem>>[vector<16xi32>, vector<16xi32>], vector<16xf32>,
        %swap3A_488 = arith.constant 7 : i32
        %swap3A_489 = arith.index_cast %swap3A_488 : i32 to index
        %swap3A_490 = arith.constant 0 : index
        %swap3A_491 = tpu.vector_load %arg10[%swap3A_489, %swap3A_490] {strides = array<i32>} : memref<16x128xf32, #tpu.memory_space<vmem>>, vector<16xf32>,
        tpu.vector_store %arg10[%swap3A_489, %swap3A_490], %gather3A_487 {strides = array<i32>} : memref<16x128xf32, #tpu.memory_space<vmem>>, vector<16xf32>,
        %add3A_492 = arith.constant 16 : i32
        %add3A_493 = vector.broadcast %add3A_492 : i32 to vector<16xi32>
        %add3A_494 = arith.addi %iota3A, %add3A_493 : vector<16xi32>
        %gather3A_495 = tpu.vector_load_idx %arg8[%add3A_494, %broadcast_in_dim3A_483] : memref<64x512xf32, #tpu.memory_space<vmem>>[vector<16xi32>, vector<16xi32>], vector<16xf32>,
        %swap3A_496 = arith.constant 7 : i32
        %swap3A_497 = arith.index_cast %swap3A_496 : i32 to index
        %swap3A_498 = arith.constant 16 : index
        %swap3A_499 = tpu.vector_load %arg10[%swap3A_497, %swap3A_498] {strides = array<i32>} : memref<16x128xf32, #tpu.memory_space<vmem>>, vector<16xf32>,
        tpu.vector_store %arg10[%swap3A_497, %swap3A_498], %gather3A_495 {strides = array<i32>} : memref<16x128xf32, #tpu.memory_space<vmem>>, vector<16xf32>,
        %add3A_500 = arith.constant 32 : i32
        %add3A_501 = vector.broadcast %add3A_500 : i32 to vector<16xi32>
        %add3A_502 = arith.addi %iota3A, %add3A_501 : vector<16xi32>
        %gather3A_503 = tpu.vector_load_idx %arg8[%add3A_502, %broadcast_in_dim3A_483] : memref<64x512xf32, #tpu.memory_space<vmem>>[vector<16xi32>, vector<16xi32>], vector<16xf32>,
        %swap3A_504 = arith.constant 7 : i32
        %swap3A_505 = arith.index_cast %swap3A_504 : i32 to index
        %swap3A_506 = arith.constant 32 : index
        %swap3A_507 = tpu.vector_load %arg10[%swap3A_505, %swap3A_506] {strides = array<i32>} : memref<16x128xf32, #tpu.memory_space<vmem>>, vector<16xf32>,
        tpu.vector_store %arg10[%swap3A_505, %swap3A_506], %gather3A_503 {strides = array<i32>} : memref<16x128xf32, #tpu.memory_space<vmem>>, vector<16xf32>,
        %add3A_508 = arith.constant 48 : i32
        %add3A_509 = vector.broadcast %add3A_508 : i32 to vector<16xi32>
        %add3A_510 = arith.addi %iota3A, %add3A_509 : vector<16xi32>
        %gather3A_511 = tpu.vector_load_idx %arg8[%add3A_510, %broadcast_in_dim3A_483] : memref<64x512xf32, #tpu.memory_space<vmem>>[vector<16xi32>, vector<16xi32>], vector<16xf32>,
        %swap3A_512 = arith.constant 7 : i32
        %swap3A_513 = arith.index_cast %swap3A_512 : i32 to index
        %swap3A_514 = arith.constant 48 : index
        %swap3A_515 = tpu.vector_load %arg10[%swap3A_513, %swap3A_514] {strides = array<i32>} : memref<16x128xf32, #tpu.memory_space<vmem>>, vector<16xf32>,
        tpu.vector_store %arg10[%swap3A_513, %swap3A_514], %gather3A_511 {strides = array<i32>} : memref<16x128xf32, #tpu.memory_space<vmem>>, vector<16xf32>,
        %slice3A_516 = vector.extract_strided_slice %min3A_231 {offsets = [8], sizes = [1], strides = [1]} : vector<16xi32> to vector<1xi32>
        %squeeze3A_517 = vector.extract %slice3A_516[0] : i32 from vector<1xi32>
        %broadcast_in_dim3A_518 = vector.broadcast %squeeze3A_517 : i32 to vector<16xi32>
        %add3A_519 = arith.constant 0 : i32
        %add3A_520 = vector.broadcast %add3A_519 : i32 to vector<16xi32>
        %add3A_521 = arith.addi %iota3A, %add3A_520 : vector<16xi32>
        %gather3A_522 = tpu.vector_load_idx %arg8[%add3A_521, %broadcast_in_dim3A_518] : memref<64x512xf32, #tpu.memory_space<vmem>>[vector<16xi32>, vector<16xi32>], vector<16xf32>,
        %swap3A_523 = arith.constant 8 : i32
        %swap3A_524 = arith.index_cast %swap3A_523 : i32 to index
        %swap3A_525 = arith.constant 0 : index
        %swap3A_526 = tpu.vector_load %arg10[%swap3A_524, %swap3A_525] {strides = array<i32>} : memref<16x128xf32, #tpu.memory_space<vmem>>, vector<16xf32>,
        tpu.vector_store %arg10[%swap3A_524, %swap3A_525], %gather3A_522 {strides = array<i32>} : memref<16x128xf32, #tpu.memory_space<vmem>>, vector<16xf32>,
        %add3A_527 = arith.constant 16 : i32
        %add3A_528 = vector.broadcast %add3A_527 : i32 to vector<16xi32>
        %add3A_529 = arith.addi %iota3A, %add3A_528 : vector<16xi32>
        %gather3A_530 = tpu.vector_load_idx %arg8[%add3A_529, %broadcast_in_dim3A_518] : memref<64x512xf32, #tpu.memory_space<vmem>>[vector<16xi32>, vector<16xi32>], vector<16xf32>,
        %swap3A_531 = arith.constant 8 : i32
        %swap3A_532 = arith.index_cast %swap3A_531 : i32 to index
        %swap3A_533 = arith.constant 16 : index
        %swap3A_534 = tpu.vector_load %arg10[%swap3A_532, %swap3A_533] {strides = array<i32>} : memref<16x128xf32, #tpu.memory_space<vmem>>, vector<16xf32>,
        tpu.vector_store %arg10[%swap3A_532, %swap3A_533], %gather3A_530 {strides = array<i32>} : memref<16x128xf32, #tpu.memory_space<vmem>>, vector<16xf32>,
        %add3A_535 = arith.constant 32 : i32
        %add3A_536 = vector.broadcast %add3A_535 : i32 to vector<16xi32>
        %add3A_537 = arith.addi %iota3A, %add3A_536 : vector<16xi32>
        %gather3A_538 = tpu.vector_load_idx %arg8[%add3A_537, %broadcast_in_dim3A_518] : memref<64x512xf32, #tpu.memory_space<vmem>>[vector<16xi32>, vector<16xi32>], vector<16xf32>,
        %swap3A_539 = arith.constant 8 : i32
        %swap3A_540 = arith.index_cast %swap3A_539 : i32 to index
        %swap3A_541 = arith.constant 32 : index
        %swap3A_542 = tpu.vector_load %arg10[%swap3A_540, %swap3A_541] {strides = array<i32>} : memref<16x128xf32, #tpu.memory_space<vmem>>, vector<16xf32>,
        tpu.vector_store %arg10[%swap3A_540, %swap3A_541], %gather3A_538 {strides = array<i32>} : memref<16x128xf32, #tpu.memory_space<vmem>>, vector<16xf32>,
        %add3A_543 = arith.constant 48 : i32
        %add3A_544 = vector.broadcast %add3A_543 : i32 to vector<16xi32>
        %add3A_545 = arith.addi %iota3A, %add3A_544 : vector<16xi32>
        %gather3A_546 = tpu.vector_load_idx %arg8[%add3A_545, %broadcast_in_dim3A_518] : memref<64x512xf32, #tpu.memory_space<vmem>>[vector<16xi32>, vector<16xi32>], vector<16xf32>,
        %swap3A_547 = arith.constant 8 : i32
        %swap3A_548 = arith.index_cast %swap3A_547 : i32 to index
        %swap3A_549 = arith.constant 48 : index
        %swap3A_550 = tpu.vector_load %arg10[%swap3A_548, %swap3A_549] {strides = array<i32>} : memref<16x128xf32, #tpu.memory_space<vmem>>, vector<16xf32>,
        tpu.vector_store %arg10[%swap3A_548, %swap3A_549], %gather3A_546 {strides = array<i32>} : memref<16x128xf32, #tpu.memory_space<vmem>>, vector<16xf32>,
        %slice3A_551 = vector.extract_strided_slice %min3A_231 {offsets = [9], sizes = [1], strides = [1]} : vector<16xi32> to vector<1xi32>
        %squeeze3A_552 = vector.extract %slice3A_551[0] : i32 from vector<1xi32>
        %broadcast_in_dim3A_553 = vector.broadcast %squeeze3A_552 : i32 to vector<16xi32>
        %add3A_554 = arith.constant 0 : i32
        %add3A_555 = vector.broadcast %add3A_554 : i32 to vector<16xi32>
        %add3A_556 = arith.addi %iota3A, %add3A_555 : vector<16xi32>
        %gather3A_557 = tpu.vector_load_idx %arg8[%add3A_556, %broadcast_in_dim3A_553] : memref<64x512xf32, #tpu.memory_space<vmem>>[vector<16xi32>, vector<16xi32>], vector<16xf32>,
        %swap3A_558 = arith.constant 9 : i32
        %swap3A_559 = arith.index_cast %swap3A_558 : i32 to index
        %swap3A_560 = arith.constant 0 : index
        %swap3A_561 = tpu.vector_load %arg10[%swap3A_559, %swap3A_560] {strides = array<i32>} : memref<16x128xf32, #tpu.memory_space<vmem>>, vector<16xf32>,
        tpu.vector_store %arg10[%swap3A_559, %swap3A_560], %gather3A_557 {strides = array<i32>} : memref<16x128xf32, #tpu.memory_space<vmem>>, vector<16xf32>,
        %add3A_562 = arith.constant 16 : i32
        %add3A_563 = vector.broadcast %add3A_562 : i32 to vector<16xi32>
        %add3A_564 = arith.addi %iota3A, %add3A_563 : vector<16xi32>
        %gather3A_565 = tpu.vector_load_idx %arg8[%add3A_564, %broadcast_in_dim3A_553] : memref<64x512xf32, #tpu.memory_space<vmem>>[vector<16xi32>, vector<16xi32>], vector<16xf32>,
        %swap3A_566 = arith.constant 9 : i32
        %swap3A_567 = arith.index_cast %swap3A_566 : i32 to index
        %swap3A_568 = arith.constant 16 : index
        %swap3A_569 = tpu.vector_load %arg10[%swap3A_567, %swap3A_568] {strides = array<i32>} : memref<16x128xf32, #tpu.memory_space<vmem>>, vector<16xf32>,
        tpu.vector_store %arg10[%swap3A_567, %swap3A_568], %gather3A_565 {strides = array<i32>} : memref<16x128xf32, #tpu.memory_space<vmem>>, vector<16xf32>,
        %add3A_570 = arith.constant 32 : i32
        %add3A_571 = vector.broadcast %add3A_570 : i32 to vector<16xi32>
        %add3A_572 = arith.addi %iota3A, %add3A_571 : vector<16xi32>
        %gather3A_573 = tpu.vector_load_idx %arg8[%add3A_572, %broadcast_in_dim3A_553] : memref<64x512xf32, #tpu.memory_space<vmem>>[vector<16xi32>, vector<16xi32>], vector<16xf32>,
        %swap3A_574 = arith.constant 9 : i32
        %swap3A_575 = arith.index_cast %swap3A_574 : i32 to index
        %swap3A_576 = arith.constant 32 : index
        %swap3A_577 = tpu.vector_load %arg10[%swap3A_575, %swap3A_576] {strides = array<i32>} : memref<16x128xf32, #tpu.memory_space<vmem>>, vector<16xf32>,
        tpu.vector_store %arg10[%swap3A_575, %swap3A_576], %gather3A_573 {strides = array<i32>} : memref<16x128xf32, #tpu.memory_space<vmem>>, vector<16xf32>,
        %add3A_578 = arith.constant 48 : i32
        %add3A_579 = vector.broadcast %add3A_578 : i32 to vector<16xi32>
        %add3A_580 = arith.addi %iota3A, %add3A_579 : vector<16xi32>
        %gather3A_581 = tpu.vector_load_idx %arg8[%add3A_580, %broadcast_in_dim3A_553] : memref<64x512xf32, #tpu.memory_space<vmem>>[vector<16xi32>, vector<16xi32>], vector<16xf32>,
        %swap3A_582 = arith.constant 9 : i32
        %swap3A_583 = arith.index_cast %swap3A_582 : i32 to index
        %swap3A_584 = arith.constant 48 : index
        %swap3A_585 = tpu.vector_load %arg10[%swap3A_583, %swap3A_584] {strides = array<i32>} : memref<16x128xf32, #tpu.memory_space<vmem>>, vector<16xf32>,
        tpu.vector_store %arg10[%swap3A_583, %swap3A_584], %gather3A_581 {strides = array<i32>} : memref<16x128xf32, #tpu.memory_space<vmem>>, vector<16xf32>,
        %slice3A_586 = vector.extract_strided_slice %min3A_231 {offsets = [10], sizes = [1], strides = [1]} : vector<16xi32> to vector<1xi32>
        %squeeze3A_587 = vector.extract %slice3A_586[0] : i32 from vector<1xi32>
        %broadcast_in_dim3A_588 = vector.broadcast %squeeze3A_587 : i32 to vector<16xi32>
        %add3A_589 = arith.constant 0 : i32
        %add3A_590 = vector.broadcast %add3A_589 : i32 to vector<16xi32>
        %add3A_591 = arith.addi %iota3A, %add3A_590 : vector<16xi32>
        %gather3A_592 = tpu.vector_load_idx %arg8[%add3A_591, %broadcast_in_dim3A_588] : memref<64x512xf32, #tpu.memory_space<vmem>>[vector<16xi32>, vector<16xi32>], vector<16xf32>,
        %swap3A_593 = arith.constant 10 : i32
        %swap3A_594 = arith.index_cast %swap3A_593 : i32 to index
        %swap3A_595 = arith.constant 0 : index
        %swap3A_596 = tpu.vector_load %arg10[%swap3A_594, %swap3A_595] {strides = array<i32>} : memref<16x128xf32, #tpu.memory_space<vmem>>, vector<16xf32>,
        tpu.vector_store %arg10[%swap3A_594, %swap3A_595], %gather3A_592 {strides = array<i32>} : memref<16x128xf32, #tpu.memory_space<vmem>>, vector<16xf32>,
        %add3A_597 = arith.constant 16 : i32
        %add3A_598 = vector.broadcast %add3A_597 : i32 to vector<16xi32>
        %add3A_599 = arith.addi %iota3A, %add3A_598 : vector<16xi32>
        %gather3A_600 = tpu.vector_load_idx %arg8[%add3A_599, %broadcast_in_dim3A_588] : memref<64x512xf32, #tpu.memory_space<vmem>>[vector<16xi32>, vector<16xi32>], vector<16xf32>,
        %swap3A_601 = arith.constant 10 : i32
        %swap3A_602 = arith.index_cast %swap3A_601 : i32 to index
        %swap3A_603 = arith.constant 16 : index
        %swap3A_604 = tpu.vector_load %arg10[%swap3A_602, %swap3A_603] {strides = array<i32>} : memref<16x128xf32, #tpu.memory_space<vmem>>, vector<16xf32>,
        tpu.vector_store %arg10[%swap3A_602, %swap3A_603], %gather3A_600 {strides = array<i32>} : memref<16x128xf32, #tpu.memory_space<vmem>>, vector<16xf32>,
        %add3A_605 = arith.constant 32 : i32
        %add3A_606 = vector.broadcast %add3A_605 : i32 to vector<16xi32>
        %add3A_607 = arith.addi %iota3A, %add3A_606 : vector<16xi32>
        %gather3A_608 = tpu.vector_load_idx %arg8[%add3A_607, %broadcast_in_dim3A_588] : memref<64x512xf32, #tpu.memory_space<vmem>>[vector<16xi32>, vector<16xi32>], vector<16xf32>,
        %swap3A_609 = arith.constant 10 : i32
        %swap3A_610 = arith.index_cast %swap3A_609 : i32 to index
        %swap3A_611 = arith.constant 32 : index
        %swap3A_612 = tpu.vector_load %arg10[%swap3A_610, %swap3A_611] {strides = array<i32>} : memref<16x128xf32, #tpu.memory_space<vmem>>, vector<16xf32>,
        tpu.vector_store %arg10[%swap3A_610, %swap3A_611], %gather3A_608 {strides = array<i32>} : memref<16x128xf32, #tpu.memory_space<vmem>>, vector<16xf32>,
        %add3A_613 = arith.constant 48 : i32
        %add3A_614 = vector.broadcast %add3A_613 : i32 to vector<16xi32>
        %add3A_615 = arith.addi %iota3A, %add3A_614 : vector<16xi32>
        %gather3A_616 = tpu.vector_load_idx %arg8[%add3A_615, %broadcast_in_dim3A_588] : memref<64x512xf32, #tpu.memory_space<vmem>>[vector<16xi32>, vector<16xi32>], vector<16xf32>,
        %swap3A_617 = arith.constant 10 : i32
        %swap3A_618 = arith.index_cast %swap3A_617 : i32 to index
        %swap3A_619 = arith.constant 48 : index
        %swap3A_620 = tpu.vector_load %arg10[%swap3A_618, %swap3A_619] {strides = array<i32>} : memref<16x128xf32, #tpu.memory_space<vmem>>, vector<16xf32>,
        tpu.vector_store %arg10[%swap3A_618, %swap3A_619], %gather3A_616 {strides = array<i32>} : memref<16x128xf32, #tpu.memory_space<vmem>>, vector<16xf32>,
        %slice3A_621 = vector.extract_strided_slice %min3A_231 {offsets = [11], sizes = [1], strides = [1]} : vector<16xi32> to vector<1xi32>
        %squeeze3A_622 = vector.extract %slice3A_621[0] : i32 from vector<1xi32>
        %broadcast_in_dim3A_623 = vector.broadcast %squeeze3A_622 : i32 to vector<16xi32>
        %add3A_624 = arith.constant 0 : i32
        %add3A_625 = vector.broadcast %add3A_624 : i32 to vector<16xi32>
        %add3A_626 = arith.addi %iota3A, %add3A_625 : vector<16xi32>
        %gather3A_627 = tpu.vector_load_idx %arg8[%add3A_626, %broadcast_in_dim3A_623] : memref<64x512xf32, #tpu.memory_space<vmem>>[vector<16xi32>, vector<16xi32>], vector<16xf32>,
        %swap3A_628 = arith.constant 11 : i32
        %swap3A_629 = arith.index_cast %swap3A_628 : i32 to index
        %swap3A_630 = arith.constant 0 : index
        %swap3A_631 = tpu.vector_load %arg10[%swap3A_629, %swap3A_630] {strides = array<i32>} : memref<16x128xf32, #tpu.memory_space<vmem>>, vector<16xf32>,
        tpu.vector_store %arg10[%swap3A_629, %swap3A_630], %gather3A_627 {strides = array<i32>} : memref<16x128xf32, #tpu.memory_space<vmem>>, vector<16xf32>,
        %add3A_632 = arith.constant 16 : i32
        %add3A_633 = vector.broadcast %add3A_632 : i32 to vector<16xi32>
        %add3A_634 = arith.addi %iota3A, %add3A_633 : vector<16xi32>
        %gather3A_635 = tpu.vector_load_idx %arg8[%add3A_634, %broadcast_in_dim3A_623] : memref<64x512xf32, #tpu.memory_space<vmem>>[vector<16xi32>, vector<16xi32>], vector<16xf32>,
        %swap3A_636 = arith.constant 11 : i32
        %swap3A_637 = arith.index_cast %swap3A_636 : i32 to index
        %swap3A_638 = arith.constant 16 : index
        %swap3A_639 = tpu.vector_load %arg10[%swap3A_637, %swap3A_638] {strides = array<i32>} : memref<16x128xf32, #tpu.memory_space<vmem>>, vector<16xf32>,
        tpu.vector_store %arg10[%swap3A_637, %swap3A_638], %gather3A_635 {strides = array<i32>} : memref<16x128xf32, #tpu.memory_space<vmem>>, vector<16xf32>,
        %add3A_640 = arith.constant 32 : i32
        %add3A_641 = vector.broadcast %add3A_640 : i32 to vector<16xi32>
        %add3A_642 = arith.addi %iota3A, %add3A_641 : vector<16xi32>
        %gather3A_643 = tpu.vector_load_idx %arg8[%add3A_642, %broadcast_in_dim3A_623] : memref<64x512xf32, #tpu.memory_space<vmem>>[vector<16xi32>, vector<16xi32>], vector<16xf32>,
        %swap3A_644 = arith.constant 11 : i32
        %swap3A_645 = arith.index_cast %swap3A_644 : i32 to index
        %swap3A_646 = arith.constant 32 : index
        %swap3A_647 = tpu.vector_load %arg10[%swap3A_645, %swap3A_646] {strides = array<i32>} : memref<16x128xf32, #tpu.memory_space<vmem>>, vector<16xf32>,
        tpu.vector_store %arg10[%swap3A_645, %swap3A_646], %gather3A_643 {strides = array<i32>} : memref<16x128xf32, #tpu.memory_space<vmem>>, vector<16xf32>,
        %add3A_648 = arith.constant 48 : i32
        %add3A_649 = vector.broadcast %add3A_648 : i32 to vector<16xi32>
        %add3A_650 = arith.addi %iota3A, %add3A_649 : vector<16xi32>
        %gather3A_651 = tpu.vector_load_idx %arg8[%add3A_650, %broadcast_in_dim3A_623] : memref<64x512xf32, #tpu.memory_space<vmem>>[vector<16xi32>, vector<16xi32>], vector<16xf32>,
        %swap3A_652 = arith.constant 11 : i32
        %swap3A_653 = arith.index_cast %swap3A_652 : i32 to index
        %swap3A_654 = arith.constant 48 : index
        %swap3A_655 = tpu.vector_load %arg10[%swap3A_653, %swap3A_654] {strides = array<i32>} : memref<16x128xf32, #tpu.memory_space<vmem>>, vector<16xf32>,
        tpu.vector_store %arg10[%swap3A_653, %swap3A_654], %gather3A_651 {strides = array<i32>} : memref<16x128xf32, #tpu.memory_space<vmem>>, vector<16xf32>,
        %slice3A_656 = vector.extract_strided_slice %min3A_231 {offsets = [12], sizes = [1], strides = [1]} : vector<16xi32> to vector<1xi32>
        %squeeze3A_657 = vector.extract %slice3A_656[0] : i32 from vector<1xi32>
        %broadcast_in_dim3A_658 = vector.broadcast %squeeze3A_657 : i32 to vector<16xi32>
        %add3A_659 = arith.constant 0 : i32
        %add3A_660 = vector.broadcast %add3A_659 : i32 to vector<16xi32>
        %add3A_661 = arith.addi %iota3A, %add3A_660 : vector<16xi32>
        %gather3A_662 = tpu.vector_load_idx %arg8[%add3A_661, %broadcast_in_dim3A_658] : memref<64x512xf32, #tpu.memory_space<vmem>>[vector<16xi32>, vector<16xi32>], vector<16xf32>,
        %swap3A_663 = arith.constant 12 : i32
        %swap3A_664 = arith.index_cast %swap3A_663 : i32 to index
        %swap3A_665 = arith.constant 0 : index
        %swap3A_666 = tpu.vector_load %arg10[%swap3A_664, %swap3A_665] {strides = array<i32>} : memref<16x128xf32, #tpu.memory_space<vmem>>, vector<16xf32>,
        tpu.vector_store %arg10[%swap3A_664, %swap3A_665], %gather3A_662 {strides = array<i32>} : memref<16x128xf32, #tpu.memory_space<vmem>>, vector<16xf32>,
        %add3A_667 = arith.constant 16 : i32
        %add3A_668 = vector.broadcast %add3A_667 : i32 to vector<16xi32>
        %add3A_669 = arith.addi %iota3A, %add3A_668 : vector<16xi32>
        %gather3A_670 = tpu.vector_load_idx %arg8[%add3A_669, %broadcast_in_dim3A_658] : memref<64x512xf32, #tpu.memory_space<vmem>>[vector<16xi32>, vector<16xi32>], vector<16xf32>,
        %swap3A_671 = arith.constant 12 : i32
        %swap3A_672 = arith.index_cast %swap3A_671 : i32 to index
        %swap3A_673 = arith.constant 16 : index
        %swap3A_674 = tpu.vector_load %arg10[%swap3A_672, %swap3A_673] {strides = array<i32>} : memref<16x128xf32, #tpu.memory_space<vmem>>, vector<16xf32>,
        tpu.vector_store %arg10[%swap3A_672, %swap3A_673], %gather3A_670 {strides = array<i32>} : memref<16x128xf32, #tpu.memory_space<vmem>>, vector<16xf32>,
        %add3A_675 = arith.constant 32 : i32
        %add3A_676 = vector.broadcast %add3A_675 : i32 to vector<16xi32>
        %add3A_677 = arith.addi %iota3A, %add3A_676 : vector<16xi32>
        %gather3A_678 = tpu.vector_load_idx %arg8[%add3A_677, %broadcast_in_dim3A_658] : memref<64x512xf32, #tpu.memory_space<vmem>>[vector<16xi32>, vector<16xi32>], vector<16xf32>,
        %swap3A_679 = arith.constant 12 : i32
        %swap3A_680 = arith.index_cast %swap3A_679 : i32 to index
        %swap3A_681 = arith.constant 32 : index
        %swap3A_682 = tpu.vector_load %arg10[%swap3A_680, %swap3A_681] {strides = array<i32>} : memref<16x128xf32, #tpu.memory_space<vmem>>, vector<16xf32>,
        tpu.vector_store %arg10[%swap3A_680, %swap3A_681], %gather3A_678 {strides = array<i32>} : memref<16x128xf32, #tpu.memory_space<vmem>>, vector<16xf32>,
        %add3A_683 = arith.constant 48 : i32
        %add3A_684 = vector.broadcast %add3A_683 : i32 to vector<16xi32>
        %add3A_685 = arith.addi %iota3A, %add3A_684 : vector<16xi32>
        %gather3A_686 = tpu.vector_load_idx %arg8[%add3A_685, %broadcast_in_dim3A_658] : memref<64x512xf32, #tpu.memory_space<vmem>>[vector<16xi32>, vector<16xi32>], vector<16xf32>,
        %swap3A_687 = arith.constant 12 : i32
        %swap3A_688 = arith.index_cast %swap3A_687 : i32 to index
        %swap3A_689 = arith.constant 48 : index
        %swap3A_690 = tpu.vector_load %arg10[%swap3A_688, %swap3A_689] {strides = array<i32>} : memref<16x128xf32, #tpu.memory_space<vmem>>, vector<16xf32>,
        tpu.vector_store %arg10[%swap3A_688, %swap3A_689], %gather3A_686 {strides = array<i32>} : memref<16x128xf32, #tpu.memory_space<vmem>>, vector<16xf32>,
        %slice3A_691 = vector.extract_strided_slice %min3A_231 {offsets = [13], sizes = [1], strides = [1]} : vector<16xi32> to vector<1xi32>
        %squeeze3A_692 = vector.extract %slice3A_691[0] : i32 from vector<1xi32>
        %broadcast_in_dim3A_693 = vector.broadcast %squeeze3A_692 : i32 to vector<16xi32>
        %add3A_694 = arith.constant 0 : i32
        %add3A_695 = vector.broadcast %add3A_694 : i32 to vector<16xi32>
        %add3A_696 = arith.addi %iota3A, %add3A_695 : vector<16xi32>
        %gather3A_697 = tpu.vector_load_idx %arg8[%add3A_696, %broadcast_in_dim3A_693] : memref<64x512xf32, #tpu.memory_space<vmem>>[vector<16xi32>, vector<16xi32>], vector<16xf32>,
        %swap3A_698 = arith.constant 13 : i32
        %swap3A_699 = arith.index_cast %swap3A_698 : i32 to index
        %swap3A_700 = arith.constant 0 : index
        %swap3A_701 = tpu.vector_load %arg10[%swap3A_699, %swap3A_700] {strides = array<i32>} : memref<16x128xf32, #tpu.memory_space<vmem>>, vector<16xf32>,
        tpu.vector_store %arg10[%swap3A_699, %swap3A_700], %gather3A_697 {strides = array<i32>} : memref<16x128xf32, #tpu.memory_space<vmem>>, vector<16xf32>,
        %add3A_702 = arith.constant 16 : i32
        %add3A_703 = vector.broadcast %add3A_702 : i32 to vector<16xi32>
        %add3A_704 = arith.addi %iota3A, %add3A_703 : vector<16xi32>
        %gather3A_705 = tpu.vector_load_idx %arg8[%add3A_704, %broadcast_in_dim3A_693] : memref<64x512xf32, #tpu.memory_space<vmem>>[vector<16xi32>, vector<16xi32>], vector<16xf32>,
        %swap3A_706 = arith.constant 13 : i32
        %swap3A_707 = arith.index_cast %swap3A_706 : i32 to index
        %swap3A_708 = arith.constant 16 : index
        %swap3A_709 = tpu.vector_load %arg10[%swap3A_707, %swap3A_708] {strides = array<i32>} : memref<16x128xf32, #tpu.memory_space<vmem>>, vector<16xf32>,
        tpu.vector_store %arg10[%swap3A_707, %swap3A_708], %gather3A_705 {strides = array<i32>} : memref<16x128xf32, #tpu.memory_space<vmem>>, vector<16xf32>,
        %add3A_710 = arith.constant 32 : i32
        %add3A_711 = vector.broadcast %add3A_710 : i32 to vector<16xi32>
        %add3A_712 = arith.addi %iota3A, %add3A_711 : vector<16xi32>
        %gather3A_713 = tpu.vector_load_idx %arg8[%add3A_712, %broadcast_in_dim3A_693] : memref<64x512xf32, #tpu.memory_space<vmem>>[vector<16xi32>, vector<16xi32>], vector<16xf32>,
        %swap3A_714 = arith.constant 13 : i32
        %swap3A_715 = arith.index_cast %swap3A_714 : i32 to index
        %swap3A_716 = arith.constant 32 : index
        %swap3A_717 = tpu.vector_load %arg10[%swap3A_715, %swap3A_716] {strides = array<i32>} : memref<16x128xf32, #tpu.memory_space<vmem>>, vector<16xf32>,
        tpu.vector_store %arg10[%swap3A_715, %swap3A_716], %gather3A_713 {strides = array<i32>} : memref<16x128xf32, #tpu.memory_space<vmem>>, vector<16xf32>,
        %add3A_718 = arith.constant 48 : i32
        %add3A_719 = vector.broadcast %add3A_718 : i32 to vector<16xi32>
        %add3A_720 = arith.addi %iota3A, %add3A_719 : vector<16xi32>
        %gather3A_721 = tpu.vector_load_idx %arg8[%add3A_720, %broadcast_in_dim3A_693] : memref<64x512xf32, #tpu.memory_space<vmem>>[vector<16xi32>, vector<16xi32>], vector<16xf32>,
        %swap3A_722 = arith.constant 13 : i32
        %swap3A_723 = arith.index_cast %swap3A_722 : i32 to index
        %swap3A_724 = arith.constant 48 : index
        %swap3A_725 = tpu.vector_load %arg10[%swap3A_723, %swap3A_724] {strides = array<i32>} : memref<16x128xf32, #tpu.memory_space<vmem>>, vector<16xf32>,
        tpu.vector_store %arg10[%swap3A_723, %swap3A_724], %gather3A_721 {strides = array<i32>} : memref<16x128xf32, #tpu.memory_space<vmem>>, vector<16xf32>,
        %slice3A_726 = vector.extract_strided_slice %min3A_231 {offsets = [14], sizes = [1], strides = [1]} : vector<16xi32> to vector<1xi32>
        %squeeze3A_727 = vector.extract %slice3A_726[0] : i32 from vector<1xi32>
        %broadcast_in_dim3A_728 = vector.broadcast %squeeze3A_727 : i32 to vector<16xi32>
        %add3A_729 = arith.constant 0 : i32
        %add3A_730 = vector.broadcast %add3A_729 : i32 to vector<16xi32>
        %add3A_731 = arith.addi %iota3A, %add3A_730 : vector<16xi32>
        %gather3A_732 = tpu.vector_load_idx %arg8[%add3A_731, %broadcast_in_dim3A_728] : memref<64x512xf32, #tpu.memory_space<vmem>>[vector<16xi32>, vector<16xi32>], vector<16xf32>,
        %swap3A_733 = arith.constant 14 : i32
        %swap3A_734 = arith.index_cast %swap3A_733 : i32 to index
        %swap3A_735 = arith.constant 0 : index
        %swap3A_736 = tpu.vector_load %arg10[%swap3A_734, %swap3A_735] {strides = array<i32>} : memref<16x128xf32, #tpu.memory_space<vmem>>, vector<16xf32>,
        tpu.vector_store %arg10[%swap3A_734, %swap3A_735], %gather3A_732 {strides = array<i32>} : memref<16x128xf32, #tpu.memory_space<vmem>>, vector<16xf32>,
        %add3A_737 = arith.constant 16 : i32
        %add3A_738 = vector.broadcast %add3A_737 : i32 to vector<16xi32>
        %add3A_739 = arith.addi %iota3A, %add3A_738 : vector<16xi32>
        %gather3A_740 = tpu.vector_load_idx %arg8[%add3A_739, %broadcast_in_dim3A_728] : memref<64x512xf32, #tpu.memory_space<vmem>>[vector<16xi32>, vector<16xi32>], vector<16xf32>,
        %swap3A_741 = arith.constant 14 : i32
        %swap3A_742 = arith.index_cast %swap3A_741 : i32 to index
        %swap3A_743 = arith.constant 16 : index
        %swap3A_744 = tpu.vector_load %arg10[%swap3A_742, %swap3A_743] {strides = array<i32>} : memref<16x128xf32, #tpu.memory_space<vmem>>, vector<16xf32>,
        tpu.vector_store %arg10[%swap3A_742, %swap3A_743], %gather3A_740 {strides = array<i32>} : memref<16x128xf32, #tpu.memory_space<vmem>>, vector<16xf32>,
        %add3A_745 = arith.constant 32 : i32
        %add3A_746 = vector.broadcast %add3A_745 : i32 to vector<16xi32>
        %add3A_747 = arith.addi %iota3A, %add3A_746 : vector<16xi32>
        %gather3A_748 = tpu.vector_load_idx %arg8[%add3A_747, %broadcast_in_dim3A_728] : memref<64x512xf32, #tpu.memory_space<vmem>>[vector<16xi32>, vector<16xi32>], vector<16xf32>,
        %swap3A_749 = arith.constant 14 : i32
        %swap3A_750 = arith.index_cast %swap3A_749 : i32 to index
        %swap3A_751 = arith.constant 32 : index
        %swap3A_752 = tpu.vector_load %arg10[%swap3A_750, %swap3A_751] {strides = array<i32>} : memref<16x128xf32, #tpu.memory_space<vmem>>, vector<16xf32>,
        tpu.vector_store %arg10[%swap3A_750, %swap3A_751], %gather3A_748 {strides = array<i32>} : memref<16x128xf32, #tpu.memory_space<vmem>>, vector<16xf32>,
        %add3A_753 = arith.constant 48 : i32
        %add3A_754 = vector.broadcast %add3A_753 : i32 to vector<16xi32>
        %add3A_755 = arith.addi %iota3A, %add3A_754 : vector<16xi32>
        %gather3A_756 = tpu.vector_load_idx %arg8[%add3A_755, %broadcast_in_dim3A_728] : memref<64x512xf32, #tpu.memory_space<vmem>>[vector<16xi32>, vector<16xi32>], vector<16xf32>,
        %swap3A_757 = arith.constant 14 : i32
        %swap3A_758 = arith.index_cast %swap3A_757 : i32 to index
        %swap3A_759 = arith.constant 48 : index
        %swap3A_760 = tpu.vector_load %arg10[%swap3A_758, %swap3A_759] {strides = array<i32>} : memref<16x128xf32, #tpu.memory_space<vmem>>, vector<16xf32>,
        tpu.vector_store %arg10[%swap3A_758, %swap3A_759], %gather3A_756 {strides = array<i32>} : memref<16x128xf32, #tpu.memory_space<vmem>>, vector<16xf32>,
        %slice3A_761 = vector.extract_strided_slice %min3A_231 {offsets = [15], sizes = [1], strides = [1]} : vector<16xi32> to vector<1xi32>
        %squeeze3A_762 = vector.extract %slice3A_761[0] : i32 from vector<1xi32>
        %broadcast_in_dim3A_763 = vector.broadcast %squeeze3A_762 : i32 to vector<16xi32>
        %add3A_764 = arith.constant 0 : i32
        %add3A_765 = vector.broadcast %add3A_764 : i32 to vector<16xi32>
        %add3A_766 = arith.addi %iota3A, %add3A_765 : vector<16xi32>
        %gather3A_767 = tpu.vector_load_idx %arg8[%add3A_766, %broadcast_in_dim3A_763] : memref<64x512xf32, #tpu.memory_space<vmem>>[vector<16xi32>, vector<16xi32>], vector<16xf32>,
        %swap3A_768 = arith.constant 15 : i32
        %swap3A_769 = arith.index_cast %swap3A_768 : i32 to index
        %swap3A_770 = arith.constant 0 : index
        %swap3A_771 = tpu.vector_load %arg10[%swap3A_769, %swap3A_770] {strides = array<i32>} : memref<16x128xf32, #tpu.memory_space<vmem>>, vector<16xf32>,
        tpu.vector_store %arg10[%swap3A_769, %swap3A_770], %gather3A_767 {strides = array<i32>} : memref<16x128xf32, #tpu.memory_space<vmem>>, vector<16xf32>,
        %add3A_772 = arith.constant 16 : i32
        %add3A_773 = vector.broadcast %add3A_772 : i32 to vector<16xi32>
        %add3A_774 = arith.addi %iota3A, %add3A_773 : vector<16xi32>
        %gather3A_775 = tpu.vector_load_idx %arg8[%add3A_774, %broadcast_in_dim3A_763] : memref<64x512xf32, #tpu.memory_space<vmem>>[vector<16xi32>, vector<16xi32>], vector<16xf32>,
        %swap3A_776 = arith.constant 15 : i32
        %swap3A_777 = arith.index_cast %swap3A_776 : i32 to index
        %swap3A_778 = arith.constant 16 : index
        %swap3A_779 = tpu.vector_load %arg10[%swap3A_777, %swap3A_778] {strides = array<i32>} : memref<16x128xf32, #tpu.memory_space<vmem>>, vector<16xf32>,
        tpu.vector_store %arg10[%swap3A_777, %swap3A_778], %gather3A_775 {strides = array<i32>} : memref<16x128xf32, #tpu.memory_space<vmem>>, vector<16xf32>,
        %add3A_780 = arith.constant 32 : i32
        %add3A_781 = vector.broadcast %add3A_780 : i32 to vector<16xi32>
        %add3A_782 = arith.addi %iota3A, %add3A_781 : vector<16xi32>
        %gather3A_783 = tpu.vector_load_idx %arg8[%add3A_782, %broadcast_in_dim3A_763] : memref<64x512xf32, #tpu.memory_space<vmem>>[vector<16xi32>, vector<16xi32>], vector<16xf32>,
        %swap3A_784 = arith.constant 15 : i32
        %swap3A_785 = arith.index_cast %swap3A_784 : i32 to index
        %swap3A_786 = arith.constant 32 : index
        %swap3A_787 = tpu.vector_load %arg10[%swap3A_785, %swap3A_786] {strides = array<i32>} : memref<16x128xf32, #tpu.memory_space<vmem>>, vector<16xf32>,
        tpu.vector_store %arg10[%swap3A_785, %swap3A_786], %gather3A_783 {strides = array<i32>} : memref<16x128xf32, #tpu.memory_space<vmem>>, vector<16xf32>,
        %add3A_788 = arith.constant 48 : i32
        %add3A_789 = vector.broadcast %add3A_788 : i32 to vector<16xi32>
        %add3A_790 = arith.addi %iota3A, %add3A_789 : vector<16xi32>
        %gather3A_791 = tpu.vector_load_idx %arg8[%add3A_790, %broadcast_in_dim3A_763] : memref<64x512xf32, #tpu.memory_space<vmem>>[vector<16xi32>, vector<16xi32>], vector<16xf32>,
        %swap3A_792 = arith.constant 15 : i32
        %swap3A_793 = arith.index_cast %swap3A_792 : i32 to index
        %swap3A_794 = arith.constant 48 : index
        %swap3A_795 = tpu.vector_load %arg10[%swap3A_793, %swap3A_794] {strides = array<i32>} : memref<16x128xf32, #tpu.memory_space<vmem>>, vector<16xf32>,
        tpu.vector_store %arg10[%swap3A_793, %swap3A_794], %gather3A_791 {strides = array<i32>} : memref<16x128xf32, #tpu.memory_space<vmem>>, vector<16xf32>,
        %dma_start3A_796 = arith.constant 0 : i32
        %dma_start3A_797 = arith.constant 0 : i32
        %dma_start3A_798 = tpu.memref_slice %arg11[%dma_start3A_796, %dma_start3A_797] : memref<1x16xi32, #tpu.memory_space<vmem>> -> memref<1x16xi32, #tpu.memory_space<vmem>>
        %dma_start3A_799 = tpu.memref_squeeze %dma_start3A_798 : memref<1x16xi32, #tpu.memory_space<vmem>> -> memref<16xi32, #tpu.memory_space<vmem>>
        %dma_start3A_800 = arith.constant 0 : i32
        %dma_start3A_801 = arith.constant 0 : i32
        %dma_start3A_802 = tpu.memref_slice %arg4[%dma_start3A_800, %dma_start3A_801] : memref<16400x128xf32, #tpu.memory_space<hbm>> -> memref<16400x128xf32, #tpu.memory_space<hbm>>
        tpu.enqueue_indirect_dma source(%arg10 : memref<16x128xf32, #tpu.memory_space<vmem>>) target(%dma_start3A_802 : memref<16400x128xf32, #tpu.memory_space<hbm>>) offsets(%dma_start3A_799 : memref<16xi32, #tpu.memory_space<vmem>>) semaphore(%arg13 : memref<!tpu.dma_semaphore, #tpu.memory_space<semaphore_mem>>)
        %add3A_803 = arith.constant 1 : i32
        %add3A_804 = arith.addi %while3A_216, %add3A_803 : i32
        scf.yield %add3A_804 : i32
      }
      %add3A_128 = arith.constant 2 : i32
      %add3A_129 = arith.addi %mul3A_60, %add3A_128 : i32
      %lt3A = arith.constant 62 : i32
      %lt3A_130 = arith.cmpi slt, %add3A_129, %lt3A : i32
      %convert_element_type3A_131 = arith.extui %lt3A_130 : i1 to i32
      %cond3A_132 = arith.constant 0 : i32
      %cond3A_133 = arith.cmpi ne, %convert_element_type3A_131, %cond3A_132 : i32
      scf.if %cond3A_133 {
        %add3A_215 = arith.constant 2 : i32
        %add3A_216 = arith.addi %mul3A_60, %add3A_215 : i32
        %mul3A_217 = arith.constant 512 : i32
        %mul3A_218 = arith.muli %add3A_216, %mul3A_217 : i32
        %add3A_219 = arith.addi %mul3A_2, %mul3A_218 : i32
        %min3A_220 = arith.constant 999552 : i32
        %min3A_221 = arith.minsi %add3A_219, %min3A_220 : i32
        %multiple_of3A_222 = tpu.assume_multiple %min3A_221, 128 : i32
        %dma_start3A_223 = arith.constant 0 : i32
        %dma_start3A_224 = tpu.memref_slice %arg3[%dma_start3A_223, %multiple_of3A_222] : memref<64x1000001xf32, #tpu.memory_space<hbm>> -> memref<64x512xf32, #tpu.memory_space<hbm>>
        %dma_start3A_225 = arith.constant 0 : i32
        %dma_start3A_226 = tpu.memref_slice %arg3[%dma_start3A_225, %multiple_of3A_222] : memref<64x1000001xf32, #tpu.memory_space<hbm>> -> memref<64x512xf32, #tpu.memory_space<hbm>>
        tpu.enqueue_dma source(%dma_start3A_226 : memref<64x512xf32, #tpu.memory_space<hbm>>) target(%arg8 : memref<64x512xf32, #tpu.memory_space<vmem>>) target_semaphore(%arg12 : memref<!tpu.dma_semaphore, #tpu.memory_space<semaphore_mem>>)
      } else {
      }
      %mul3A_134 = arith.constant 2 : i32
      %mul3A_135 = arith.muli %mul3A_134, %scan3A_57 : i32
      %add3A_136 = arith.constant 1 : i32
      %add3A_137 = arith.addi %mul3A_135, %add3A_136 : i32
      %mul3A_138 = arith.constant 512 : i32
      %mul3A_139 = arith.muli %add3A_137, %mul3A_138 : i32
      %add3A_140 = arith.addi %mul3A_2, %mul3A_139 : i32
      %min3A_141 = arith.constant 999552 : i32
      %min3A_142 = arith.minsi %add3A_140, %min3A_141 : i32
      %multiple_of3A_143 = tpu.assume_multiple %min3A_142, 128 : i32
      %sub3A_144 = arith.subi %multiple_of3A_143, %mul3A_2 : i32
      %mul3A_145 = arith.constant 512 : i32
      %mul3A_146 = arith.muli %add3A_137, %mul3A_145 : i32
      %add3A_147 = arith.constant 512 : i32
      %add3A_148 = arith.addi %mul3A_146, %add3A_147 : i32
      %add3A_149 = arith.addi %sub3A_144, %mul3A_2 : i32
      %dma_wait3A_150 = arith.constant 0 : i32
      %dma_wait3A_151 = tpu.memref_slice %arg3[%dma_wait3A_150, %add3A_149] : memref<64x1000001xf32, #tpu.memory_space<hbm>> -> memref<64x512xf32, #tpu.memory_space<hbm>>
      %dma_wait3A_152 = arith.constant 0 : i32
      %dma_wait3A_153 = tpu.memref_slice %arg3[%dma_wait3A_152, %add3A_149] : memref<64x1000001xf32, #tpu.memory_space<hbm>> -> memref<64x512xf32, #tpu.memory_space<hbm>>
      tpu.wait_dma2 semaphore(%arg12 : memref<!tpu.dma_semaphore, #tpu.memory_space<semaphore_mem>>) src(%dma_wait3A_153 : memref<64x512xf32, #tpu.memory_space<hbm>>) dst(%arg9 : memref<64x512xf32, #tpu.memory_space<vmem>>)
      %while3A_154 = arith.constant 0 : i32
      %while3A_155 = arith.constant 0 : i32
      %while3A_156 = arith.subi %select_n3A, %while3A_154 : i32
      %while3A_157 = arith.addi %while3A_154, %while3A_156 : i32
      %while3A_158 = arith.constant 1 : i32
      %while3A_159 = arith.divsi %while3A_156, %while3A_158 : i32
      %while3A_160 = arith.muli %while3A_159, %while3A_158 : i32
      %while3A_161 = arith.addi %while3A_154, %while3A_160 : i32
      %while3A_162 = arith.constant 1 : i32
      %while3A_163 = scf.for %while3A_215 = %while3A_154 to %while3A_161 step %while3A_162 iter_args(%while3A_216 = %while3A_155) -> (i32)  : i32 {
        %mul3A_217 = arith.constant 16 : i32
        %mul3A_218 = arith.muli %while3A_215, %mul3A_217 : i32
        %get3A = arith.index_cast %mul3A_218 : i32 to index
        %get3A_219 = tpu.vector_load %arg6[%get3A] {strides = array<i32>} : memref<16400xi32, #tpu.memory_space<vmem>>, vector<16xi32>,
        %shift_right_arithmetic3A = arith.constant 15 : i32
        %shift_right_arithmetic3A_220 = vector.broadcast %shift_right_arithmetic3A : i32 to vector<16xi32>
        %shift_right_arithmetic3A_221 = arith.shrsi %get3A_219, %shift_right_arithmetic3A_220 : vector<16xi32>
        %mul3A_222 = arith.constant 16 : i32
        %mul3A_223 = arith.muli %while3A_215, %mul3A_222 : i32
        %add3A_224 = vector.broadcast %mul3A_223 : i32 to vector<16xi32>
        %add3A_225 = arith.addi %add3A_224, %iota3A : vector<16xi32>
        %lt3A_226 = vector.broadcast %scan3A_11 : i32 to vector<16xi32>
        %lt3A_227 = arith.cmpi slt, %add3A_225, %lt3A_226 : vector<16xi32>
        %ge3A = vector.broadcast %mul3A_146 : i32 to vector<16xi32>
        %ge3A_228 = arith.cmpi sge, %shift_right_arithmetic3A_221, %ge3A : vector<16xi32>
        %lt3A_229 = vector.broadcast %add3A_148 : i32 to vector<16xi32>
        %lt3A_230 = arith.cmpi slt, %shift_right_arithmetic3A_221, %lt3A_229 : vector<16xi32>
        %and3A_231 = arith.andi %ge3A_228, %lt3A_230 : vector<16xi1>
        %and3A_232 = arith.andi %and3A_231, %lt3A_227 : vector<16xi1>
        %shift_left3A = arith.constant 15 : i32
        %shift_left3A_233 = arith.shli %sub3A_144, %shift_left3A : i32
        %sub3A_234 = vector.broadcast %shift_left3A_233 : i32 to vector<16xi32>
        %sub3A_235 = arith.subi %get3A_219, %sub3A_234 : vector<16xi32>
        %select_n3A_236 = arith.select %and3A_232, %sub3A_235, %broadcast_in_dim3A_6 : vector<16xi1>, vector<16xi32>
        %masked_sort3A = arith.constant dense<true> : vector<16xi1>
        %masked_sort3A_237 = arith.constant -2147483648 : i32
        %masked_sort3A_238 = vector.broadcast %masked_sort3A_237 : i32 to vector<16xi32>
        %masked_sort3A_239 = arith.xori %select_n3A_236, %masked_sort3A_238 : vector<16xi32>
        %masked_sort3A_240, %masked_sort3A_241, %masked_sort3A_242 = tpu.sort %masked_sort3A_239, %sub3A_235 masked %masked_sort3A : (vector<16xi32>, vector<16xi32>, vector<16xi1>) -> (vector<16xi1>, vector<16xi32>, vector<16xi32>)
        %masked_sort3A_243 = arith.xori %masked_sort3A_241, %masked_sort3A_238 : vector<16xi32>
        %swap3A_244 = arith.index_cast %while3A_216 : i32 to index
        %swap3A_245 = tpu.vector_load %arg7[%swap3A_244] {strides = array<i32>} : memref<16400xi32, #tpu.memory_space<vmem>>, vector<16xi32>,
        tpu.vector_store %arg7[%swap3A_244], %masked_sort3A_243 {strides = array<i32>} : memref<16400xi32, #tpu.memory_space<vmem>>, vector<16xi32>,
        %all_reduce_population_count3A = tpu.all_reduce %and3A_232 {dim = 0 : i64, kind = #tpu.reduction_kind<sum>} : vector<16xi1> -> vector<16xi32>
        %slice3A = vector.extract_strided_slice %all_reduce_population_count3A {offsets = [0], sizes = [1], strides = [1]} : vector<16xi32> to vector<1xi32>
        %squeeze3A = vector.extract %slice3A[0] : i32 from vector<1xi32>
        %add3A_246 = arith.addi %while3A_216, %squeeze3A : i32
        scf.yield %add3A_246 : i32
      }
      %while3A_164 = arith.constant 1 : i32
      %while3A_165 = scf.for %while3A_215 = %while3A_161 to %while3A_157 step %while3A_164 iter_args(%while3A_216 = %while3A_163) -> (i32)  : i32 {
        %mul3A_217 = arith.constant 16 : i32
        %mul3A_218 = arith.muli %while3A_215, %mul3A_217 : i32
        %get3A = arith.index_cast %mul3A_218 : i32 to index
        %get3A_219 = tpu.vector_load %arg6[%get3A] {strides = array<i32>} : memref<16400xi32, #tpu.memory_space<vmem>>, vector<16xi32>,
        %shift_right_arithmetic3A = arith.constant 15 : i32
        %shift_right_arithmetic3A_220 = vector.broadcast %shift_right_arithmetic3A : i32 to vector<16xi32>
        %shift_right_arithmetic3A_221 = arith.shrsi %get3A_219, %shift_right_arithmetic3A_220 : vector<16xi32>
        %mul3A_222 = arith.constant 16 : i32
        %mul3A_223 = arith.muli %while3A_215, %mul3A_222 : i32
        %add3A_224 = vector.broadcast %mul3A_223 : i32 to vector<16xi32>
        %add3A_225 = arith.addi %add3A_224, %iota3A : vector<16xi32>
        %lt3A_226 = vector.broadcast %scan3A_11 : i32 to vector<16xi32>
        %lt3A_227 = arith.cmpi slt, %add3A_225, %lt3A_226 : vector<16xi32>
        %ge3A = vector.broadcast %mul3A_146 : i32 to vector<16xi32>
        %ge3A_228 = arith.cmpi sge, %shift_right_arithmetic3A_221, %ge3A : vector<16xi32>
        %lt3A_229 = vector.broadcast %add3A_148 : i32 to vector<16xi32>
        %lt3A_230 = arith.cmpi slt, %shift_right_arithmetic3A_221, %lt3A_229 : vector<16xi32>
        %and3A_231 = arith.andi %ge3A_228, %lt3A_230 : vector<16xi1>
        %and3A_232 = arith.andi %and3A_231, %lt3A_227 : vector<16xi1>
        %shift_left3A = arith.constant 15 : i32
        %shift_left3A_233 = arith.shli %sub3A_144, %shift_left3A : i32
        %sub3A_234 = vector.broadcast %shift_left3A_233 : i32 to vector<16xi32>
        %sub3A_235 = arith.subi %get3A_219, %sub3A_234 : vector<16xi32>
        %select_n3A_236 = arith.select %and3A_232, %sub3A_235, %broadcast_in_dim3A_6 : vector<16xi1>, vector<16xi32>
        %masked_sort3A = arith.constant dense<true> : vector<16xi1>
        %masked_sort3A_237 = arith.constant -2147483648 : i32
        %masked_sort3A_238 = vector.broadcast %masked_sort3A_237 : i32 to vector<16xi32>
        %masked_sort3A_239 = arith.xori %select_n3A_236, %masked_sort3A_238 : vector<16xi32>
        %masked_sort3A_240, %masked_sort3A_241, %masked_sort3A_242 = tpu.sort %masked_sort3A_239, %sub3A_235 masked %masked_sort3A : (vector<16xi32>, vector<16xi32>, vector<16xi1>) -> (vector<16xi1>, vector<16xi32>, vector<16xi32>)
        %masked_sort3A_243 = arith.xori %masked_sort3A_241, %masked_sort3A_238 : vector<16xi32>
        %swap3A_244 = arith.index_cast %while3A_216 : i32 to index
        %swap3A_245 = tpu.vector_load %arg7[%swap3A_244] {strides = array<i32>} : memref<16400xi32, #tpu.memory_space<vmem>>, vector<16xi32>,
        tpu.vector_store %arg7[%swap3A_244], %masked_sort3A_243 {strides = array<i32>} : memref<16400xi32, #tpu.memory_space<vmem>>, vector<16xi32>,
        %all_reduce_population_count3A = tpu.all_reduce %and3A_232 {dim = 0 : i64, kind = #tpu.reduction_kind<sum>} : vector<16xi1> -> vector<16xi32>
        %slice3A = vector.extract_strided_slice %all_reduce_population_count3A {offsets = [0], sizes = [1], strides = [1]} : vector<16xi32> to vector<1xi32>
        %squeeze3A = vector.extract %slice3A[0] : i32 from vector<1xi32>
        %add3A_246 = arith.addi %while3A_216, %squeeze3A : i32
        scf.yield %add3A_246 : i32
      }
      %broadcast_in_dim3A_166 = arith.constant 16384 : i32
      %broadcast_in_dim3A_167 = vector.broadcast %broadcast_in_dim3A_166 : i32 to vector<16xi32>
      %add3A_168 = arith.addi %broadcast_in_dim3A_167, %iota3A : vector<16xi32>
      %swap3A_169 = arith.index_cast %while3A_165 : i32 to index
      %swap3A_170 = tpu.vector_load %arg7[%swap3A_169] {strides = array<i32>} : memref<16400xi32, #tpu.memory_space<vmem>>, vector<16xi32>,
      tpu.vector_store %arg7[%swap3A_169], %add3A_168 {strides = array<i32>} : memref<16400xi32, #tpu.memory_space<vmem>>, vector<16xi32>,
      %add3A_171 = arith.constant 15 : i32
      %add3A_172 = arith.addi %while3A_165, %add3A_171 : i32
      %jit3A_173 = arith.constant 16 : i32
      %div3A_174 = arith.divsi %add3A_172, %jit3A_173 : i32
      %sign3A_175 = arith.constant 0 : i32
      %sign3A_176 = arith.cmpi sgt, %add3A_172, %sign3A_175 : i32
      %sign3A_177 = arith.extui %sign3A_176 : i1 to i32
      %sign3A_178 = arith.constant 0 : i32
      %sign3A_179 = arith.cmpi slt, %add3A_172, %sign3A_178 : i32
      %sign3A_180 = arith.extui %sign3A_179 : i1 to i32
      %sign3A_181 = arith.subi %sign3A_177, %sign3A_180 : i32
      %sign3A_182 = arith.constant 0 : i32
      %sign3A_183 = arith.cmpi sgt, %jit3A_173, %sign3A_182 : i32
      %sign3A_184 = arith.extui %sign3A_183 : i1 to i32
      %sign3A_185 = arith.constant 0 : i32
      %sign3A_186 = arith.cmpi slt, %jit3A_173, %sign3A_185 : i32
      %sign3A_187 = arith.extui %sign3A_186 : i1 to i32
      %sign3A_188 = arith.subi %sign3A_184, %sign3A_187 : i32
      %ne3A_189 = arith.cmpi ne, %sign3A_181, %sign3A_188 : i32
      %rem3A_190 = arith.remsi %add3A_172, %jit3A_173 : i32
      %ne3A_191 = arith.constant 0 : i32
      %ne3A_192 = arith.cmpi ne, %rem3A_190, %ne3A_191 : i32
      %and3A_193 = arith.andi %ne3A_189, %ne3A_192 : i1
      %sub3A_194 = arith.constant 1 : i32
      %sub3A_195 = arith.subi %div3A_174, %sub3A_194 : i32
      %select_n3A_196 = arith.select %and3A_193, %sub3A_195, %div3A_174 : i32
      %while3A_197 = arith.constant 0 : i32
      %while3A_198 = arith.subi %select_n3A_196, %while3A_197 : i32
      %while3A_199 = arith.addi %while3A_197, %while3A_198 : i32
      %while3A_200 = arith.constant 1 : i32
      %while3A_201 = arith.divsi %while3A_198, %while3A_200 : i32
      %while3A_202 = arith.muli %while3A_201, %while3A_200 : i32
      %while3A_203 = arith.addi %while3A_197, %while3A_202 : i32
      %while3A_204 = arith.constant 1 : i32
      %while3A_205 = scf.for %while3A_215 = %while3A_197 to %while3A_203 step %while3A_204 iter_args(%while3A_216 = %while3A_127) -> (i32)  : i32 {
        %mul3A_217 = arith.constant 16 : i32
        %mul3A_218 = arith.muli %while3A_215, %mul3A_217 : i32
        %gt3A_219 = arith.constant 0 : i32
        %gt3A_220 = arith.cmpi sgt, %while3A_216, %gt3A_219 : i32
        %convert_element_type3A_221 = arith.extui %gt3A_220 : i1 to i32
        %cond3A_222 = arith.constant 0 : i32
        %cond3A_223 = arith.cmpi ne, %convert_element_type3A_221, %cond3A_222 : i32
        scf.if %cond3A_223 {
          %dma_wait3A_805 = arith.constant 0 : i32
          %dma_wait3A_806 = arith.constant 0 : i32
          %dma_wait3A_807 = tpu.memref_slice %arg11[%dma_wait3A_805, %dma_wait3A_806] : memref<1x16xi32, #tpu.memory_space<vmem>> -> memref<1x16xi32, #tpu.memory_space<vmem>>
          %dma_wait3A_808 = tpu.memref_squeeze %dma_wait3A_807 : memref<1x16xi32, #tpu.memory_space<vmem>> -> memref<16xi32, #tpu.memory_space<vmem>>
          %dma_wait3A_809 = arith.constant 0 : i32
          %dma_wait3A_810 = arith.constant 0 : i32
          %dma_wait3A_811 = tpu.memref_slice %arg4[%dma_wait3A_809, %dma_wait3A_810] : memref<16400x128xf32, #tpu.memory_space<hbm>> -> memref<16400x128xf32, #tpu.memory_space<hbm>>
          tpu.wait_indirect_dma semaphore(%arg13 : memref<!tpu.dma_semaphore, #tpu.memory_space<semaphore_mem>>) src(%arg10 : memref<16x128xf32, #tpu.memory_space<vmem>>) dst(%dma_wait3A_811 : memref<16400x128xf32, #tpu.memory_space<hbm>>)
        } else {
        }
        %get3A = arith.index_cast %mul3A_218 : i32 to index
        %get3A_224 = tpu.vector_load %arg7[%get3A] {strides = array<i32>} : memref<16400xi32, #tpu.memory_space<vmem>>, vector<16xi32>,
        %shift_right_arithmetic3A = arith.constant 15 : i32
        %shift_right_arithmetic3A_225 = vector.broadcast %shift_right_arithmetic3A : i32 to vector<16xi32>
        %shift_right_arithmetic3A_226 = arith.shrsi %get3A_224, %shift_right_arithmetic3A_225 : vector<16xi32>
        %jit3A_227 = arith.constant 0 : i32
        %jit3A_228 = arith.constant 511 : i32
        %max3A = vector.broadcast %jit3A_227 : i32 to vector<16xi32>
        %max3A_229 = arith.maxsi %max3A, %shift_right_arithmetic3A_226 : vector<16xi32>
        %min3A_230 = vector.broadcast %jit3A_228 : i32 to vector<16xi32>
        %min3A_231 = arith.minsi %min3A_230, %max3A_229 : vector<16xi32>
        %and3A_232 = arith.constant 32767 : i32
        %and3A_233 = vector.broadcast %and3A_232 : i32 to vector<16xi32>
        %and3A_234 = arith.andi %get3A_224, %and3A_233 : vector<16xi32>
        %swap3A_235 = arith.constant 0 : i32
        %swap3A_236 = arith.index_cast %swap3A_235 : i32 to index
        %swap3A_237 = arith.constant 0 : index
        %swap3A_238 = tpu.vector_load %arg11[%swap3A_236, %swap3A_237] {strides = array<i32>} : memref<1x16xi32, #tpu.memory_space<vmem>>, vector<16xi32>,
        tpu.vector_store %arg11[%swap3A_236, %swap3A_237], %and3A_234 {strides = array<i32>} : memref<1x16xi32, #tpu.memory_space<vmem>>, vector<16xi32>,
        %slice3A = vector.extract_strided_slice %min3A_231 {offsets = [0], sizes = [1], strides = [1]} : vector<16xi32> to vector<1xi32>
        %squeeze3A = vector.extract %slice3A[0] : i32 from vector<1xi32>
        %broadcast_in_dim3A_239 = vector.broadcast %squeeze3A : i32 to vector<16xi32>
        %add3A_240 = arith.constant 0 : i32
        %add3A_241 = vector.broadcast %add3A_240 : i32 to vector<16xi32>
        %add3A_242 = arith.addi %iota3A, %add3A_241 : vector<16xi32>
        %gather3A = tpu.vector_load_idx %arg9[%add3A_242, %broadcast_in_dim3A_239] : memref<64x512xf32, #tpu.memory_space<vmem>>[vector<16xi32>, vector<16xi32>], vector<16xf32>,
        %swap3A_243 = arith.constant 0 : i32
        %swap3A_244 = arith.index_cast %swap3A_243 : i32 to index
        %swap3A_245 = arith.constant 0 : index
        %swap3A_246 = tpu.vector_load %arg10[%swap3A_244, %swap3A_245] {strides = array<i32>} : memref<16x128xf32, #tpu.memory_space<vmem>>, vector<16xf32>,
        tpu.vector_store %arg10[%swap3A_244, %swap3A_245], %gather3A {strides = array<i32>} : memref<16x128xf32, #tpu.memory_space<vmem>>, vector<16xf32>,
        %add3A_247 = arith.constant 16 : i32
        %add3A_248 = vector.broadcast %add3A_247 : i32 to vector<16xi32>
        %add3A_249 = arith.addi %iota3A, %add3A_248 : vector<16xi32>
        %gather3A_250 = tpu.vector_load_idx %arg9[%add3A_249, %broadcast_in_dim3A_239] : memref<64x512xf32, #tpu.memory_space<vmem>>[vector<16xi32>, vector<16xi32>], vector<16xf32>,
        %swap3A_251 = arith.constant 0 : i32
        %swap3A_252 = arith.index_cast %swap3A_251 : i32 to index
        %swap3A_253 = arith.constant 16 : index
        %swap3A_254 = tpu.vector_load %arg10[%swap3A_252, %swap3A_253] {strides = array<i32>} : memref<16x128xf32, #tpu.memory_space<vmem>>, vector<16xf32>,
        tpu.vector_store %arg10[%swap3A_252, %swap3A_253], %gather3A_250 {strides = array<i32>} : memref<16x128xf32, #tpu.memory_space<vmem>>, vector<16xf32>,
        %add3A_255 = arith.constant 32 : i32
        %add3A_256 = vector.broadcast %add3A_255 : i32 to vector<16xi32>
        %add3A_257 = arith.addi %iota3A, %add3A_256 : vector<16xi32>
        %gather3A_258 = tpu.vector_load_idx %arg9[%add3A_257, %broadcast_in_dim3A_239] : memref<64x512xf32, #tpu.memory_space<vmem>>[vector<16xi32>, vector<16xi32>], vector<16xf32>,
        %swap3A_259 = arith.constant 0 : i32
        %swap3A_260 = arith.index_cast %swap3A_259 : i32 to index
        %swap3A_261 = arith.constant 32 : index
        %swap3A_262 = tpu.vector_load %arg10[%swap3A_260, %swap3A_261] {strides = array<i32>} : memref<16x128xf32, #tpu.memory_space<vmem>>, vector<16xf32>,
        tpu.vector_store %arg10[%swap3A_260, %swap3A_261], %gather3A_258 {strides = array<i32>} : memref<16x128xf32, #tpu.memory_space<vmem>>, vector<16xf32>,
        %add3A_263 = arith.constant 48 : i32
        %add3A_264 = vector.broadcast %add3A_263 : i32 to vector<16xi32>
        %add3A_265 = arith.addi %iota3A, %add3A_264 : vector<16xi32>
        %gather3A_266 = tpu.vector_load_idx %arg9[%add3A_265, %broadcast_in_dim3A_239] : memref<64x512xf32, #tpu.memory_space<vmem>>[vector<16xi32>, vector<16xi32>], vector<16xf32>,
        %swap3A_267 = arith.constant 0 : i32
        %swap3A_268 = arith.index_cast %swap3A_267 : i32 to index
        %swap3A_269 = arith.constant 48 : index
        %swap3A_270 = tpu.vector_load %arg10[%swap3A_268, %swap3A_269] {strides = array<i32>} : memref<16x128xf32, #tpu.memory_space<vmem>>, vector<16xf32>,
        tpu.vector_store %arg10[%swap3A_268, %swap3A_269], %gather3A_266 {strides = array<i32>} : memref<16x128xf32, #tpu.memory_space<vmem>>, vector<16xf32>,
        %slice3A_271 = vector.extract_strided_slice %min3A_231 {offsets = [1], sizes = [1], strides = [1]} : vector<16xi32> to vector<1xi32>
        %squeeze3A_272 = vector.extract %slice3A_271[0] : i32 from vector<1xi32>
        %broadcast_in_dim3A_273 = vector.broadcast %squeeze3A_272 : i32 to vector<16xi32>
        %add3A_274 = arith.constant 0 : i32
        %add3A_275 = vector.broadcast %add3A_274 : i32 to vector<16xi32>
        %add3A_276 = arith.addi %iota3A, %add3A_275 : vector<16xi32>
        %gather3A_277 = tpu.vector_load_idx %arg9[%add3A_276, %broadcast_in_dim3A_273] : memref<64x512xf32, #tpu.memory_space<vmem>>[vector<16xi32>, vector<16xi32>], vector<16xf32>,
        %swap3A_278 = arith.constant 1 : i32
        %swap3A_279 = arith.index_cast %swap3A_278 : i32 to index
        %swap3A_280 = arith.constant 0 : index
        %swap3A_281 = tpu.vector_load %arg10[%swap3A_279, %swap3A_280] {strides = array<i32>} : memref<16x128xf32, #tpu.memory_space<vmem>>, vector<16xf32>,
        tpu.vector_store %arg10[%swap3A_279, %swap3A_280], %gather3A_277 {strides = array<i32>} : memref<16x128xf32, #tpu.memory_space<vmem>>, vector<16xf32>,
        %add3A_282 = arith.constant 16 : i32
        %add3A_283 = vector.broadcast %add3A_282 : i32 to vector<16xi32>
        %add3A_284 = arith.addi %iota3A, %add3A_283 : vector<16xi32>
        %gather3A_285 = tpu.vector_load_idx %arg9[%add3A_284, %broadcast_in_dim3A_273] : memref<64x512xf32, #tpu.memory_space<vmem>>[vector<16xi32>, vector<16xi32>], vector<16xf32>,
        %swap3A_286 = arith.constant 1 : i32
        %swap3A_287 = arith.index_cast %swap3A_286 : i32 to index
        %swap3A_288 = arith.constant 16 : index
        %swap3A_289 = tpu.vector_load %arg10[%swap3A_287, %swap3A_288] {strides = array<i32>} : memref<16x128xf32, #tpu.memory_space<vmem>>, vector<16xf32>,
        tpu.vector_store %arg10[%swap3A_287, %swap3A_288], %gather3A_285 {strides = array<i32>} : memref<16x128xf32, #tpu.memory_space<vmem>>, vector<16xf32>,
        %add3A_290 = arith.constant 32 : i32
        %add3A_291 = vector.broadcast %add3A_290 : i32 to vector<16xi32>
        %add3A_292 = arith.addi %iota3A, %add3A_291 : vector<16xi32>
        %gather3A_293 = tpu.vector_load_idx %arg9[%add3A_292, %broadcast_in_dim3A_273] : memref<64x512xf32, #tpu.memory_space<vmem>>[vector<16xi32>, vector<16xi32>], vector<16xf32>,
        %swap3A_294 = arith.constant 1 : i32
        %swap3A_295 = arith.index_cast %swap3A_294 : i32 to index
        %swap3A_296 = arith.constant 32 : index
        %swap3A_297 = tpu.vector_load %arg10[%swap3A_295, %swap3A_296] {strides = array<i32>} : memref<16x128xf32, #tpu.memory_space<vmem>>, vector<16xf32>,
        tpu.vector_store %arg10[%swap3A_295, %swap3A_296], %gather3A_293 {strides = array<i32>} : memref<16x128xf32, #tpu.memory_space<vmem>>, vector<16xf32>,
        %add3A_298 = arith.constant 48 : i32
        %add3A_299 = vector.broadcast %add3A_298 : i32 to vector<16xi32>
        %add3A_300 = arith.addi %iota3A, %add3A_299 : vector<16xi32>
        %gather3A_301 = tpu.vector_load_idx %arg9[%add3A_300, %broadcast_in_dim3A_273] : memref<64x512xf32, #tpu.memory_space<vmem>>[vector<16xi32>, vector<16xi32>], vector<16xf32>,
        %swap3A_302 = arith.constant 1 : i32
        %swap3A_303 = arith.index_cast %swap3A_302 : i32 to index
        %swap3A_304 = arith.constant 48 : index
        %swap3A_305 = tpu.vector_load %arg10[%swap3A_303, %swap3A_304] {strides = array<i32>} : memref<16x128xf32, #tpu.memory_space<vmem>>, vector<16xf32>,
        tpu.vector_store %arg10[%swap3A_303, %swap3A_304], %gather3A_301 {strides = array<i32>} : memref<16x128xf32, #tpu.memory_space<vmem>>, vector<16xf32>,
        %slice3A_306 = vector.extract_strided_slice %min3A_231 {offsets = [2], sizes = [1], strides = [1]} : vector<16xi32> to vector<1xi32>
        %squeeze3A_307 = vector.extract %slice3A_306[0] : i32 from vector<1xi32>
        %broadcast_in_dim3A_308 = vector.broadcast %squeeze3A_307 : i32 to vector<16xi32>
        %add3A_309 = arith.constant 0 : i32
        %add3A_310 = vector.broadcast %add3A_309 : i32 to vector<16xi32>
        %add3A_311 = arith.addi %iota3A, %add3A_310 : vector<16xi32>
        %gather3A_312 = tpu.vector_load_idx %arg9[%add3A_311, %broadcast_in_dim3A_308] : memref<64x512xf32, #tpu.memory_space<vmem>>[vector<16xi32>, vector<16xi32>], vector<16xf32>,
        %swap3A_313 = arith.constant 2 : i32
        %swap3A_314 = arith.index_cast %swap3A_313 : i32 to index
        %swap3A_315 = arith.constant 0 : index
        %swap3A_316 = tpu.vector_load %arg10[%swap3A_314, %swap3A_315] {strides = array<i32>} : memref<16x128xf32, #tpu.memory_space<vmem>>, vector<16xf32>,
        tpu.vector_store %arg10[%swap3A_314, %swap3A_315], %gather3A_312 {strides = array<i32>} : memref<16x128xf32, #tpu.memory_space<vmem>>, vector<16xf32>,
        %add3A_317 = arith.constant 16 : i32
        %add3A_318 = vector.broadcast %add3A_317 : i32 to vector<16xi32>
        %add3A_319 = arith.addi %iota3A, %add3A_318 : vector<16xi32>
        %gather3A_320 = tpu.vector_load_idx %arg9[%add3A_319, %broadcast_in_dim3A_308] : memref<64x512xf32, #tpu.memory_space<vmem>>[vector<16xi32>, vector<16xi32>], vector<16xf32>,
        %swap3A_321 = arith.constant 2 : i32
        %swap3A_322 = arith.index_cast %swap3A_321 : i32 to index
        %swap3A_323 = arith.constant 16 : index
        %swap3A_324 = tpu.vector_load %arg10[%swap3A_322, %swap3A_323] {strides = array<i32>} : memref<16x128xf32, #tpu.memory_space<vmem>>, vector<16xf32>,
        tpu.vector_store %arg10[%swap3A_322, %swap3A_323], %gather3A_320 {strides = array<i32>} : memref<16x128xf32, #tpu.memory_space<vmem>>, vector<16xf32>,
        %add3A_325 = arith.constant 32 : i32
        %add3A_326 = vector.broadcast %add3A_325 : i32 to vector<16xi32>
        %add3A_327 = arith.addi %iota3A, %add3A_326 : vector<16xi32>
        %gather3A_328 = tpu.vector_load_idx %arg9[%add3A_327, %broadcast_in_dim3A_308] : memref<64x512xf32, #tpu.memory_space<vmem>>[vector<16xi32>, vector<16xi32>], vector<16xf32>,
        %swap3A_329 = arith.constant 2 : i32
        %swap3A_330 = arith.index_cast %swap3A_329 : i32 to index
        %swap3A_331 = arith.constant 32 : index
        %swap3A_332 = tpu.vector_load %arg10[%swap3A_330, %swap3A_331] {strides = array<i32>} : memref<16x128xf32, #tpu.memory_space<vmem>>, vector<16xf32>,
        tpu.vector_store %arg10[%swap3A_330, %swap3A_331], %gather3A_328 {strides = array<i32>} : memref<16x128xf32, #tpu.memory_space<vmem>>, vector<16xf32>,
        %add3A_333 = arith.constant 48 : i32
        %add3A_334 = vector.broadcast %add3A_333 : i32 to vector<16xi32>
        %add3A_335 = arith.addi %iota3A, %add3A_334 : vector<16xi32>
        %gather3A_336 = tpu.vector_load_idx %arg9[%add3A_335, %broadcast_in_dim3A_308] : memref<64x512xf32, #tpu.memory_space<vmem>>[vector<16xi32>, vector<16xi32>], vector<16xf32>,
        %swap3A_337 = arith.constant 2 : i32
        %swap3A_338 = arith.index_cast %swap3A_337 : i32 to index
        %swap3A_339 = arith.constant 48 : index
        %swap3A_340 = tpu.vector_load %arg10[%swap3A_338, %swap3A_339] {strides = array<i32>} : memref<16x128xf32, #tpu.memory_space<vmem>>, vector<16xf32>,
        tpu.vector_store %arg10[%swap3A_338, %swap3A_339], %gather3A_336 {strides = array<i32>} : memref<16x128xf32, #tpu.memory_space<vmem>>, vector<16xf32>,
        %slice3A_341 = vector.extract_strided_slice %min3A_231 {offsets = [3], sizes = [1], strides = [1]} : vector<16xi32> to vector<1xi32>
        %squeeze3A_342 = vector.extract %slice3A_341[0] : i32 from vector<1xi32>
        %broadcast_in_dim3A_343 = vector.broadcast %squeeze3A_342 : i32 to vector<16xi32>
        %add3A_344 = arith.constant 0 : i32
        %add3A_345 = vector.broadcast %add3A_344 : i32 to vector<16xi32>
        %add3A_346 = arith.addi %iota3A, %add3A_345 : vector<16xi32>
        %gather3A_347 = tpu.vector_load_idx %arg9[%add3A_346, %broadcast_in_dim3A_343] : memref<64x512xf32, #tpu.memory_space<vmem>>[vector<16xi32>, vector<16xi32>], vector<16xf32>,
        %swap3A_348 = arith.constant 3 : i32
        %swap3A_349 = arith.index_cast %swap3A_348 : i32 to index
        %swap3A_350 = arith.constant 0 : index
        %swap3A_351 = tpu.vector_load %arg10[%swap3A_349, %swap3A_350] {strides = array<i32>} : memref<16x128xf32, #tpu.memory_space<vmem>>, vector<16xf32>,
        tpu.vector_store %arg10[%swap3A_349, %swap3A_350], %gather3A_347 {strides = array<i32>} : memref<16x128xf32, #tpu.memory_space<vmem>>, vector<16xf32>,
        %add3A_352 = arith.constant 16 : i32
        %add3A_353 = vector.broadcast %add3A_352 : i32 to vector<16xi32>
        %add3A_354 = arith.addi %iota3A, %add3A_353 : vector<16xi32>
        %gather3A_355 = tpu.vector_load_idx %arg9[%add3A_354, %broadcast_in_dim3A_343] : memref<64x512xf32, #tpu.memory_space<vmem>>[vector<16xi32>, vector<16xi32>], vector<16xf32>,
        %swap3A_356 = arith.constant 3 : i32
        %swap3A_357 = arith.index_cast %swap3A_356 : i32 to index
        %swap3A_358 = arith.constant 16 : index
        %swap3A_359 = tpu.vector_load %arg10[%swap3A_357, %swap3A_358] {strides = array<i32>} : memref<16x128xf32, #tpu.memory_space<vmem>>, vector<16xf32>,
        tpu.vector_store %arg10[%swap3A_357, %swap3A_358], %gather3A_355 {strides = array<i32>} : memref<16x128xf32, #tpu.memory_space<vmem>>, vector<16xf32>,
        %add3A_360 = arith.constant 32 : i32
        %add3A_361 = vector.broadcast %add3A_360 : i32 to vector<16xi32>
        %add3A_362 = arith.addi %iota3A, %add3A_361 : vector<16xi32>
        %gather3A_363 = tpu.vector_load_idx %arg9[%add3A_362, %broadcast_in_dim3A_343] : memref<64x512xf32, #tpu.memory_space<vmem>>[vector<16xi32>, vector<16xi32>], vector<16xf32>,
        %swap3A_364 = arith.constant 3 : i32
        %swap3A_365 = arith.index_cast %swap3A_364 : i32 to index
        %swap3A_366 = arith.constant 32 : index
        %swap3A_367 = tpu.vector_load %arg10[%swap3A_365, %swap3A_366] {strides = array<i32>} : memref<16x128xf32, #tpu.memory_space<vmem>>, vector<16xf32>,
        tpu.vector_store %arg10[%swap3A_365, %swap3A_366], %gather3A_363 {strides = array<i32>} : memref<16x128xf32, #tpu.memory_space<vmem>>, vector<16xf32>,
        %add3A_368 = arith.constant 48 : i32
        %add3A_369 = vector.broadcast %add3A_368 : i32 to vector<16xi32>
        %add3A_370 = arith.addi %iota3A, %add3A_369 : vector<16xi32>
        %gather3A_371 = tpu.vector_load_idx %arg9[%add3A_370, %broadcast_in_dim3A_343] : memref<64x512xf32, #tpu.memory_space<vmem>>[vector<16xi32>, vector<16xi32>], vector<16xf32>,
        %swap3A_372 = arith.constant 3 : i32
        %swap3A_373 = arith.index_cast %swap3A_372 : i32 to index
        %swap3A_374 = arith.constant 48 : index
        %swap3A_375 = tpu.vector_load %arg10[%swap3A_373, %swap3A_374] {strides = array<i32>} : memref<16x128xf32, #tpu.memory_space<vmem>>, vector<16xf32>,
        tpu.vector_store %arg10[%swap3A_373, %swap3A_374], %gather3A_371 {strides = array<i32>} : memref<16x128xf32, #tpu.memory_space<vmem>>, vector<16xf32>,
        %slice3A_376 = vector.extract_strided_slice %min3A_231 {offsets = [4], sizes = [1], strides = [1]} : vector<16xi32> to vector<1xi32>
        %squeeze3A_377 = vector.extract %slice3A_376[0] : i32 from vector<1xi32>
        %broadcast_in_dim3A_378 = vector.broadcast %squeeze3A_377 : i32 to vector<16xi32>
        %add3A_379 = arith.constant 0 : i32
        %add3A_380 = vector.broadcast %add3A_379 : i32 to vector<16xi32>
        %add3A_381 = arith.addi %iota3A, %add3A_380 : vector<16xi32>
        %gather3A_382 = tpu.vector_load_idx %arg9[%add3A_381, %broadcast_in_dim3A_378] : memref<64x512xf32, #tpu.memory_space<vmem>>[vector<16xi32>, vector<16xi32>], vector<16xf32>,
        %swap3A_383 = arith.constant 4 : i32
        %swap3A_384 = arith.index_cast %swap3A_383 : i32 to index
        %swap3A_385 = arith.constant 0 : index
        %swap3A_386 = tpu.vector_load %arg10[%swap3A_384, %swap3A_385] {strides = array<i32>} : memref<16x128xf32, #tpu.memory_space<vmem>>, vector<16xf32>,
        tpu.vector_store %arg10[%swap3A_384, %swap3A_385], %gather3A_382 {strides = array<i32>} : memref<16x128xf32, #tpu.memory_space<vmem>>, vector<16xf32>,
        %add3A_387 = arith.constant 16 : i32
        %add3A_388 = vector.broadcast %add3A_387 : i32 to vector<16xi32>
        %add3A_389 = arith.addi %iota3A, %add3A_388 : vector<16xi32>
        %gather3A_390 = tpu.vector_load_idx %arg9[%add3A_389, %broadcast_in_dim3A_378] : memref<64x512xf32, #tpu.memory_space<vmem>>[vector<16xi32>, vector<16xi32>], vector<16xf32>,
        %swap3A_391 = arith.constant 4 : i32
        %swap3A_392 = arith.index_cast %swap3A_391 : i32 to index
        %swap3A_393 = arith.constant 16 : index
        %swap3A_394 = tpu.vector_load %arg10[%swap3A_392, %swap3A_393] {strides = array<i32>} : memref<16x128xf32, #tpu.memory_space<vmem>>, vector<16xf32>,
        tpu.vector_store %arg10[%swap3A_392, %swap3A_393], %gather3A_390 {strides = array<i32>} : memref<16x128xf32, #tpu.memory_space<vmem>>, vector<16xf32>,
        %add3A_395 = arith.constant 32 : i32
        %add3A_396 = vector.broadcast %add3A_395 : i32 to vector<16xi32>
        %add3A_397 = arith.addi %iota3A, %add3A_396 : vector<16xi32>
        %gather3A_398 = tpu.vector_load_idx %arg9[%add3A_397, %broadcast_in_dim3A_378] : memref<64x512xf32, #tpu.memory_space<vmem>>[vector<16xi32>, vector<16xi32>], vector<16xf32>,
        %swap3A_399 = arith.constant 4 : i32
        %swap3A_400 = arith.index_cast %swap3A_399 : i32 to index
        %swap3A_401 = arith.constant 32 : index
        %swap3A_402 = tpu.vector_load %arg10[%swap3A_400, %swap3A_401] {strides = array<i32>} : memref<16x128xf32, #tpu.memory_space<vmem>>, vector<16xf32>,
        tpu.vector_store %arg10[%swap3A_400, %swap3A_401], %gather3A_398 {strides = array<i32>} : memref<16x128xf32, #tpu.memory_space<vmem>>, vector<16xf32>,
        %add3A_403 = arith.constant 48 : i32
        %add3A_404 = vector.broadcast %add3A_403 : i32 to vector<16xi32>
        %add3A_405 = arith.addi %iota3A, %add3A_404 : vector<16xi32>
        %gather3A_406 = tpu.vector_load_idx %arg9[%add3A_405, %broadcast_in_dim3A_378] : memref<64x512xf32, #tpu.memory_space<vmem>>[vector<16xi32>, vector<16xi32>], vector<16xf32>,
        %swap3A_407 = arith.constant 4 : i32
        %swap3A_408 = arith.index_cast %swap3A_407 : i32 to index
        %swap3A_409 = arith.constant 48 : index
        %swap3A_410 = tpu.vector_load %arg10[%swap3A_408, %swap3A_409] {strides = array<i32>} : memref<16x128xf32, #tpu.memory_space<vmem>>, vector<16xf32>,
        tpu.vector_store %arg10[%swap3A_408, %swap3A_409], %gather3A_406 {strides = array<i32>} : memref<16x128xf32, #tpu.memory_space<vmem>>, vector<16xf32>,
        %slice3A_411 = vector.extract_strided_slice %min3A_231 {offsets = [5], sizes = [1], strides = [1]} : vector<16xi32> to vector<1xi32>
        %squeeze3A_412 = vector.extract %slice3A_411[0] : i32 from vector<1xi32>
        %broadcast_in_dim3A_413 = vector.broadcast %squeeze3A_412 : i32 to vector<16xi32>
        %add3A_414 = arith.constant 0 : i32
        %add3A_415 = vector.broadcast %add3A_414 : i32 to vector<16xi32>
        %add3A_416 = arith.addi %iota3A, %add3A_415 : vector<16xi32>
        %gather3A_417 = tpu.vector_load_idx %arg9[%add3A_416, %broadcast_in_dim3A_413] : memref<64x512xf32, #tpu.memory_space<vmem>>[vector<16xi32>, vector<16xi32>], vector<16xf32>,
        %swap3A_418 = arith.constant 5 : i32
        %swap3A_419 = arith.index_cast %swap3A_418 : i32 to index
        %swap3A_420 = arith.constant 0 : index
        %swap3A_421 = tpu.vector_load %arg10[%swap3A_419, %swap3A_420] {strides = array<i32>} : memref<16x128xf32, #tpu.memory_space<vmem>>, vector<16xf32>,
        tpu.vector_store %arg10[%swap3A_419, %swap3A_420], %gather3A_417 {strides = array<i32>} : memref<16x128xf32, #tpu.memory_space<vmem>>, vector<16xf32>,
        %add3A_422 = arith.constant 16 : i32
        %add3A_423 = vector.broadcast %add3A_422 : i32 to vector<16xi32>
        %add3A_424 = arith.addi %iota3A, %add3A_423 : vector<16xi32>
        %gather3A_425 = tpu.vector_load_idx %arg9[%add3A_424, %broadcast_in_dim3A_413] : memref<64x512xf32, #tpu.memory_space<vmem>>[vector<16xi32>, vector<16xi32>], vector<16xf32>,
        %swap3A_426 = arith.constant 5 : i32
        %swap3A_427 = arith.index_cast %swap3A_426 : i32 to index
        %swap3A_428 = arith.constant 16 : index
        %swap3A_429 = tpu.vector_load %arg10[%swap3A_427, %swap3A_428] {strides = array<i32>} : memref<16x128xf32, #tpu.memory_space<vmem>>, vector<16xf32>,
        tpu.vector_store %arg10[%swap3A_427, %swap3A_428], %gather3A_425 {strides = array<i32>} : memref<16x128xf32, #tpu.memory_space<vmem>>, vector<16xf32>,
        %add3A_430 = arith.constant 32 : i32
        %add3A_431 = vector.broadcast %add3A_430 : i32 to vector<16xi32>
        %add3A_432 = arith.addi %iota3A, %add3A_431 : vector<16xi32>
        %gather3A_433 = tpu.vector_load_idx %arg9[%add3A_432, %broadcast_in_dim3A_413] : memref<64x512xf32, #tpu.memory_space<vmem>>[vector<16xi32>, vector<16xi32>], vector<16xf32>,
        %swap3A_434 = arith.constant 5 : i32
        %swap3A_435 = arith.index_cast %swap3A_434 : i32 to index
        %swap3A_436 = arith.constant 32 : index
        %swap3A_437 = tpu.vector_load %arg10[%swap3A_435, %swap3A_436] {strides = array<i32>} : memref<16x128xf32, #tpu.memory_space<vmem>>, vector<16xf32>,
        tpu.vector_store %arg10[%swap3A_435, %swap3A_436], %gather3A_433 {strides = array<i32>} : memref<16x128xf32, #tpu.memory_space<vmem>>, vector<16xf32>,
        %add3A_438 = arith.constant 48 : i32
        %add3A_439 = vector.broadcast %add3A_438 : i32 to vector<16xi32>
        %add3A_440 = arith.addi %iota3A, %add3A_439 : vector<16xi32>
        %gather3A_441 = tpu.vector_load_idx %arg9[%add3A_440, %broadcast_in_dim3A_413] : memref<64x512xf32, #tpu.memory_space<vmem>>[vector<16xi32>, vector<16xi32>], vector<16xf32>,
        %swap3A_442 = arith.constant 5 : i32
        %swap3A_443 = arith.index_cast %swap3A_442 : i32 to index
        %swap3A_444 = arith.constant 48 : index
        %swap3A_445 = tpu.vector_load %arg10[%swap3A_443, %swap3A_444] {strides = array<i32>} : memref<16x128xf32, #tpu.memory_space<vmem>>, vector<16xf32>,
        tpu.vector_store %arg10[%swap3A_443, %swap3A_444], %gather3A_441 {strides = array<i32>} : memref<16x128xf32, #tpu.memory_space<vmem>>, vector<16xf32>,
        %slice3A_446 = vector.extract_strided_slice %min3A_231 {offsets = [6], sizes = [1], strides = [1]} : vector<16xi32> to vector<1xi32>
        %squeeze3A_447 = vector.extract %slice3A_446[0] : i32 from vector<1xi32>
        %broadcast_in_dim3A_448 = vector.broadcast %squeeze3A_447 : i32 to vector<16xi32>
        %add3A_449 = arith.constant 0 : i32
        %add3A_450 = vector.broadcast %add3A_449 : i32 to vector<16xi32>
        %add3A_451 = arith.addi %iota3A, %add3A_450 : vector<16xi32>
        %gather3A_452 = tpu.vector_load_idx %arg9[%add3A_451, %broadcast_in_dim3A_448] : memref<64x512xf32, #tpu.memory_space<vmem>>[vector<16xi32>, vector<16xi32>], vector<16xf32>,
        %swap3A_453 = arith.constant 6 : i32
        %swap3A_454 = arith.index_cast %swap3A_453 : i32 to index
        %swap3A_455 = arith.constant 0 : index
        %swap3A_456 = tpu.vector_load %arg10[%swap3A_454, %swap3A_455] {strides = array<i32>} : memref<16x128xf32, #tpu.memory_space<vmem>>, vector<16xf32>,
        tpu.vector_store %arg10[%swap3A_454, %swap3A_455], %gather3A_452 {strides = array<i32>} : memref<16x128xf32, #tpu.memory_space<vmem>>, vector<16xf32>,
        %add3A_457 = arith.constant 16 : i32
        %add3A_458 = vector.broadcast %add3A_457 : i32 to vector<16xi32>
        %add3A_459 = arith.addi %iota3A, %add3A_458 : vector<16xi32>
        %gather3A_460 = tpu.vector_load_idx %arg9[%add3A_459, %broadcast_in_dim3A_448] : memref<64x512xf32, #tpu.memory_space<vmem>>[vector<16xi32>, vector<16xi32>], vector<16xf32>,
        %swap3A_461 = arith.constant 6 : i32
        %swap3A_462 = arith.index_cast %swap3A_461 : i32 to index
        %swap3A_463 = arith.constant 16 : index
        %swap3A_464 = tpu.vector_load %arg10[%swap3A_462, %swap3A_463] {strides = array<i32>} : memref<16x128xf32, #tpu.memory_space<vmem>>, vector<16xf32>,
        tpu.vector_store %arg10[%swap3A_462, %swap3A_463], %gather3A_460 {strides = array<i32>} : memref<16x128xf32, #tpu.memory_space<vmem>>, vector<16xf32>,
        %add3A_465 = arith.constant 32 : i32
        %add3A_466 = vector.broadcast %add3A_465 : i32 to vector<16xi32>
        %add3A_467 = arith.addi %iota3A, %add3A_466 : vector<16xi32>
        %gather3A_468 = tpu.vector_load_idx %arg9[%add3A_467, %broadcast_in_dim3A_448] : memref<64x512xf32, #tpu.memory_space<vmem>>[vector<16xi32>, vector<16xi32>], vector<16xf32>,
        %swap3A_469 = arith.constant 6 : i32
        %swap3A_470 = arith.index_cast %swap3A_469 : i32 to index
        %swap3A_471 = arith.constant 32 : index
        %swap3A_472 = tpu.vector_load %arg10[%swap3A_470, %swap3A_471] {strides = array<i32>} : memref<16x128xf32, #tpu.memory_space<vmem>>, vector<16xf32>,
        tpu.vector_store %arg10[%swap3A_470, %swap3A_471], %gather3A_468 {strides = array<i32>} : memref<16x128xf32, #tpu.memory_space<vmem>>, vector<16xf32>,
        %add3A_473 = arith.constant 48 : i32
        %add3A_474 = vector.broadcast %add3A_473 : i32 to vector<16xi32>
        %add3A_475 = arith.addi %iota3A, %add3A_474 : vector<16xi32>
        %gather3A_476 = tpu.vector_load_idx %arg9[%add3A_475, %broadcast_in_dim3A_448] : memref<64x512xf32, #tpu.memory_space<vmem>>[vector<16xi32>, vector<16xi32>], vector<16xf32>,
        %swap3A_477 = arith.constant 6 : i32
        %swap3A_478 = arith.index_cast %swap3A_477 : i32 to index
        %swap3A_479 = arith.constant 48 : index
        %swap3A_480 = tpu.vector_load %arg10[%swap3A_478, %swap3A_479] {strides = array<i32>} : memref<16x128xf32, #tpu.memory_space<vmem>>, vector<16xf32>,
        tpu.vector_store %arg10[%swap3A_478, %swap3A_479], %gather3A_476 {strides = array<i32>} : memref<16x128xf32, #tpu.memory_space<vmem>>, vector<16xf32>,
        %slice3A_481 = vector.extract_strided_slice %min3A_231 {offsets = [7], sizes = [1], strides = [1]} : vector<16xi32> to vector<1xi32>
        %squeeze3A_482 = vector.extract %slice3A_481[0] : i32 from vector<1xi32>
        %broadcast_in_dim3A_483 = vector.broadcast %squeeze3A_482 : i32 to vector<16xi32>
        %add3A_484 = arith.constant 0 : i32
        %add3A_485 = vector.broadcast %add3A_484 : i32 to vector<16xi32>
        %add3A_486 = arith.addi %iota3A, %add3A_485 : vector<16xi32>
        %gather3A_487 = tpu.vector_load_idx %arg9[%add3A_486, %broadcast_in_dim3A_483] : memref<64x512xf32, #tpu.memory_space<vmem>>[vector<16xi32>, vector<16xi32>], vector<16xf32>,
        %swap3A_488 = arith.constant 7 : i32
        %swap3A_489 = arith.index_cast %swap3A_488 : i32 to index
        %swap3A_490 = arith.constant 0 : index
        %swap3A_491 = tpu.vector_load %arg10[%swap3A_489, %swap3A_490] {strides = array<i32>} : memref<16x128xf32, #tpu.memory_space<vmem>>, vector<16xf32>,
        tpu.vector_store %arg10[%swap3A_489, %swap3A_490], %gather3A_487 {strides = array<i32>} : memref<16x128xf32, #tpu.memory_space<vmem>>, vector<16xf32>,
        %add3A_492 = arith.constant 16 : i32
        %add3A_493 = vector.broadcast %add3A_492 : i32 to vector<16xi32>
        %add3A_494 = arith.addi %iota3A, %add3A_493 : vector<16xi32>
        %gather3A_495 = tpu.vector_load_idx %arg9[%add3A_494, %broadcast_in_dim3A_483] : memref<64x512xf32, #tpu.memory_space<vmem>>[vector<16xi32>, vector<16xi32>], vector<16xf32>,
        %swap3A_496 = arith.constant 7 : i32
        %swap3A_497 = arith.index_cast %swap3A_496 : i32 to index
        %swap3A_498 = arith.constant 16 : index
        %swap3A_499 = tpu.vector_load %arg10[%swap3A_497, %swap3A_498] {strides = array<i32>} : memref<16x128xf32, #tpu.memory_space<vmem>>, vector<16xf32>,
        tpu.vector_store %arg10[%swap3A_497, %swap3A_498], %gather3A_495 {strides = array<i32>} : memref<16x128xf32, #tpu.memory_space<vmem>>, vector<16xf32>,
        %add3A_500 = arith.constant 32 : i32
        %add3A_501 = vector.broadcast %add3A_500 : i32 to vector<16xi32>
        %add3A_502 = arith.addi %iota3A, %add3A_501 : vector<16xi32>
        %gather3A_503 = tpu.vector_load_idx %arg9[%add3A_502, %broadcast_in_dim3A_483] : memref<64x512xf32, #tpu.memory_space<vmem>>[vector<16xi32>, vector<16xi32>], vector<16xf32>,
        %swap3A_504 = arith.constant 7 : i32
        %swap3A_505 = arith.index_cast %swap3A_504 : i32 to index
        %swap3A_506 = arith.constant 32 : index
        %swap3A_507 = tpu.vector_load %arg10[%swap3A_505, %swap3A_506] {strides = array<i32>} : memref<16x128xf32, #tpu.memory_space<vmem>>, vector<16xf32>,
        tpu.vector_store %arg10[%swap3A_505, %swap3A_506], %gather3A_503 {strides = array<i32>} : memref<16x128xf32, #tpu.memory_space<vmem>>, vector<16xf32>,
        %add3A_508 = arith.constant 48 : i32
        %add3A_509 = vector.broadcast %add3A_508 : i32 to vector<16xi32>
        %add3A_510 = arith.addi %iota3A, %add3A_509 : vector<16xi32>
        %gather3A_511 = tpu.vector_load_idx %arg9[%add3A_510, %broadcast_in_dim3A_483] : memref<64x512xf32, #tpu.memory_space<vmem>>[vector<16xi32>, vector<16xi32>], vector<16xf32>,
        %swap3A_512 = arith.constant 7 : i32
        %swap3A_513 = arith.index_cast %swap3A_512 : i32 to index
        %swap3A_514 = arith.constant 48 : index
        %swap3A_515 = tpu.vector_load %arg10[%swap3A_513, %swap3A_514] {strides = array<i32>} : memref<16x128xf32, #tpu.memory_space<vmem>>, vector<16xf32>,
        tpu.vector_store %arg10[%swap3A_513, %swap3A_514], %gather3A_511 {strides = array<i32>} : memref<16x128xf32, #tpu.memory_space<vmem>>, vector<16xf32>,
        %slice3A_516 = vector.extract_strided_slice %min3A_231 {offsets = [8], sizes = [1], strides = [1]} : vector<16xi32> to vector<1xi32>
        %squeeze3A_517 = vector.extract %slice3A_516[0] : i32 from vector<1xi32>
        %broadcast_in_dim3A_518 = vector.broadcast %squeeze3A_517 : i32 to vector<16xi32>
        %add3A_519 = arith.constant 0 : i32
        %add3A_520 = vector.broadcast %add3A_519 : i32 to vector<16xi32>
        %add3A_521 = arith.addi %iota3A, %add3A_520 : vector<16xi32>
        %gather3A_522 = tpu.vector_load_idx %arg9[%add3A_521, %broadcast_in_dim3A_518] : memref<64x512xf32, #tpu.memory_space<vmem>>[vector<16xi32>, vector<16xi32>], vector<16xf32>,
        %swap3A_523 = arith.constant 8 : i32
        %swap3A_524 = arith.index_cast %swap3A_523 : i32 to index
        %swap3A_525 = arith.constant 0 : index
        %swap3A_526 = tpu.vector_load %arg10[%swap3A_524, %swap3A_525] {strides = array<i32>} : memref<16x128xf32, #tpu.memory_space<vmem>>, vector<16xf32>,
        tpu.vector_store %arg10[%swap3A_524, %swap3A_525], %gather3A_522 {strides = array<i32>} : memref<16x128xf32, #tpu.memory_space<vmem>>, vector<16xf32>,
        %add3A_527 = arith.constant 16 : i32
        %add3A_528 = vector.broadcast %add3A_527 : i32 to vector<16xi32>
        %add3A_529 = arith.addi %iota3A, %add3A_528 : vector<16xi32>
        %gather3A_530 = tpu.vector_load_idx %arg9[%add3A_529, %broadcast_in_dim3A_518] : memref<64x512xf32, #tpu.memory_space<vmem>>[vector<16xi32>, vector<16xi32>], vector<16xf32>,
        %swap3A_531 = arith.constant 8 : i32
        %swap3A_532 = arith.index_cast %swap3A_531 : i32 to index
        %swap3A_533 = arith.constant 16 : index
        %swap3A_534 = tpu.vector_load %arg10[%swap3A_532, %swap3A_533] {strides = array<i32>} : memref<16x128xf32, #tpu.memory_space<vmem>>, vector<16xf32>,
        tpu.vector_store %arg10[%swap3A_532, %swap3A_533], %gather3A_530 {strides = array<i32>} : memref<16x128xf32, #tpu.memory_space<vmem>>, vector<16xf32>,
        %add3A_535 = arith.constant 32 : i32
        %add3A_536 = vector.broadcast %add3A_535 : i32 to vector<16xi32>
        %add3A_537 = arith.addi %iota3A, %add3A_536 : vector<16xi32>
        %gather3A_538 = tpu.vector_load_idx %arg9[%add3A_537, %broadcast_in_dim3A_518] : memref<64x512xf32, #tpu.memory_space<vmem>>[vector<16xi32>, vector<16xi32>], vector<16xf32>,
        %swap3A_539 = arith.constant 8 : i32
        %swap3A_540 = arith.index_cast %swap3A_539 : i32 to index
        %swap3A_541 = arith.constant 32 : index
        %swap3A_542 = tpu.vector_load %arg10[%swap3A_540, %swap3A_541] {strides = array<i32>} : memref<16x128xf32, #tpu.memory_space<vmem>>, vector<16xf32>,
        tpu.vector_store %arg10[%swap3A_540, %swap3A_541], %gather3A_538 {strides = array<i32>} : memref<16x128xf32, #tpu.memory_space<vmem>>, vector<16xf32>,
        %add3A_543 = arith.constant 48 : i32
        %add3A_544 = vector.broadcast %add3A_543 : i32 to vector<16xi32>
        %add3A_545 = arith.addi %iota3A, %add3A_544 : vector<16xi32>
        %gather3A_546 = tpu.vector_load_idx %arg9[%add3A_545, %broadcast_in_dim3A_518] : memref<64x512xf32, #tpu.memory_space<vmem>>[vector<16xi32>, vector<16xi32>], vector<16xf32>,
        %swap3A_547 = arith.constant 8 : i32
        %swap3A_548 = arith.index_cast %swap3A_547 : i32 to index
        %swap3A_549 = arith.constant 48 : index
        %swap3A_550 = tpu.vector_load %arg10[%swap3A_548, %swap3A_549] {strides = array<i32>} : memref<16x128xf32, #tpu.memory_space<vmem>>, vector<16xf32>,
        tpu.vector_store %arg10[%swap3A_548, %swap3A_549], %gather3A_546 {strides = array<i32>} : memref<16x128xf32, #tpu.memory_space<vmem>>, vector<16xf32>,
        %slice3A_551 = vector.extract_strided_slice %min3A_231 {offsets = [9], sizes = [1], strides = [1]} : vector<16xi32> to vector<1xi32>
        %squeeze3A_552 = vector.extract %slice3A_551[0] : i32 from vector<1xi32>
        %broadcast_in_dim3A_553 = vector.broadcast %squeeze3A_552 : i32 to vector<16xi32>
        %add3A_554 = arith.constant 0 : i32
        %add3A_555 = vector.broadcast %add3A_554 : i32 to vector<16xi32>
        %add3A_556 = arith.addi %iota3A, %add3A_555 : vector<16xi32>
        %gather3A_557 = tpu.vector_load_idx %arg9[%add3A_556, %broadcast_in_dim3A_553] : memref<64x512xf32, #tpu.memory_space<vmem>>[vector<16xi32>, vector<16xi32>], vector<16xf32>,
        %swap3A_558 = arith.constant 9 : i32
        %swap3A_559 = arith.index_cast %swap3A_558 : i32 to index
        %swap3A_560 = arith.constant 0 : index
        %swap3A_561 = tpu.vector_load %arg10[%swap3A_559, %swap3A_560] {strides = array<i32>} : memref<16x128xf32, #tpu.memory_space<vmem>>, vector<16xf32>,
        tpu.vector_store %arg10[%swap3A_559, %swap3A_560], %gather3A_557 {strides = array<i32>} : memref<16x128xf32, #tpu.memory_space<vmem>>, vector<16xf32>,
        %add3A_562 = arith.constant 16 : i32
        %add3A_563 = vector.broadcast %add3A_562 : i32 to vector<16xi32>
        %add3A_564 = arith.addi %iota3A, %add3A_563 : vector<16xi32>
        %gather3A_565 = tpu.vector_load_idx %arg9[%add3A_564, %broadcast_in_dim3A_553] : memref<64x512xf32, #tpu.memory_space<vmem>>[vector<16xi32>, vector<16xi32>], vector<16xf32>,
        %swap3A_566 = arith.constant 9 : i32
        %swap3A_567 = arith.index_cast %swap3A_566 : i32 to index
        %swap3A_568 = arith.constant 16 : index
        %swap3A_569 = tpu.vector_load %arg10[%swap3A_567, %swap3A_568] {strides = array<i32>} : memref<16x128xf32, #tpu.memory_space<vmem>>, vector<16xf32>,
        tpu.vector_store %arg10[%swap3A_567, %swap3A_568], %gather3A_565 {strides = array<i32>} : memref<16x128xf32, #tpu.memory_space<vmem>>, vector<16xf32>,
        %add3A_570 = arith.constant 32 : i32
        %add3A_571 = vector.broadcast %add3A_570 : i32 to vector<16xi32>
        %add3A_572 = arith.addi %iota3A, %add3A_571 : vector<16xi32>
        %gather3A_573 = tpu.vector_load_idx %arg9[%add3A_572, %broadcast_in_dim3A_553] : memref<64x512xf32, #tpu.memory_space<vmem>>[vector<16xi32>, vector<16xi32>], vector<16xf32>,
        %swap3A_574 = arith.constant 9 : i32
        %swap3A_575 = arith.index_cast %swap3A_574 : i32 to index
        %swap3A_576 = arith.constant 32 : index
        %swap3A_577 = tpu.vector_load %arg10[%swap3A_575, %swap3A_576] {strides = array<i32>} : memref<16x128xf32, #tpu.memory_space<vmem>>, vector<16xf32>,
        tpu.vector_store %arg10[%swap3A_575, %swap3A_576], %gather3A_573 {strides = array<i32>} : memref<16x128xf32, #tpu.memory_space<vmem>>, vector<16xf32>,
        %add3A_578 = arith.constant 48 : i32
        %add3A_579 = vector.broadcast %add3A_578 : i32 to vector<16xi32>
        %add3A_580 = arith.addi %iota3A, %add3A_579 : vector<16xi32>
        %gather3A_581 = tpu.vector_load_idx %arg9[%add3A_580, %broadcast_in_dim3A_553] : memref<64x512xf32, #tpu.memory_space<vmem>>[vector<16xi32>, vector<16xi32>], vector<16xf32>,
        %swap3A_582 = arith.constant 9 : i32
        %swap3A_583 = arith.index_cast %swap3A_582 : i32 to index
        %swap3A_584 = arith.constant 48 : index
        %swap3A_585 = tpu.vector_load %arg10[%swap3A_583, %swap3A_584] {strides = array<i32>} : memref<16x128xf32, #tpu.memory_space<vmem>>, vector<16xf32>,
        tpu.vector_store %arg10[%swap3A_583, %swap3A_584], %gather3A_581 {strides = array<i32>} : memref<16x128xf32, #tpu.memory_space<vmem>>, vector<16xf32>,
        %slice3A_586 = vector.extract_strided_slice %min3A_231 {offsets = [10], sizes = [1], strides = [1]} : vector<16xi32> to vector<1xi32>
        %squeeze3A_587 = vector.extract %slice3A_586[0] : i32 from vector<1xi32>
        %broadcast_in_dim3A_588 = vector.broadcast %squeeze3A_587 : i32 to vector<16xi32>
        %add3A_589 = arith.constant 0 : i32
        %add3A_590 = vector.broadcast %add3A_589 : i32 to vector<16xi32>
        %add3A_591 = arith.addi %iota3A, %add3A_590 : vector<16xi32>
        %gather3A_592 = tpu.vector_load_idx %arg9[%add3A_591, %broadcast_in_dim3A_588] : memref<64x512xf32, #tpu.memory_space<vmem>>[vector<16xi32>, vector<16xi32>], vector<16xf32>,
        %swap3A_593 = arith.constant 10 : i32
        %swap3A_594 = arith.index_cast %swap3A_593 : i32 to index
        %swap3A_595 = arith.constant 0 : index
        %swap3A_596 = tpu.vector_load %arg10[%swap3A_594, %swap3A_595] {strides = array<i32>} : memref<16x128xf32, #tpu.memory_space<vmem>>, vector<16xf32>,
        tpu.vector_store %arg10[%swap3A_594, %swap3A_595], %gather3A_592 {strides = array<i32>} : memref<16x128xf32, #tpu.memory_space<vmem>>, vector<16xf32>,
        %add3A_597 = arith.constant 16 : i32
        %add3A_598 = vector.broadcast %add3A_597 : i32 to vector<16xi32>
        %add3A_599 = arith.addi %iota3A, %add3A_598 : vector<16xi32>
        %gather3A_600 = tpu.vector_load_idx %arg9[%add3A_599, %broadcast_in_dim3A_588] : memref<64x512xf32, #tpu.memory_space<vmem>>[vector<16xi32>, vector<16xi32>], vector<16xf32>,
        %swap3A_601 = arith.constant 10 : i32
        %swap3A_602 = arith.index_cast %swap3A_601 : i32 to index
        %swap3A_603 = arith.constant 16 : index
        %swap3A_604 = tpu.vector_load %arg10[%swap3A_602, %swap3A_603] {strides = array<i32>} : memref<16x128xf32, #tpu.memory_space<vmem>>, vector<16xf32>,
        tpu.vector_store %arg10[%swap3A_602, %swap3A_603], %gather3A_600 {strides = array<i32>} : memref<16x128xf32, #tpu.memory_space<vmem>>, vector<16xf32>,
        %add3A_605 = arith.constant 32 : i32
        %add3A_606 = vector.broadcast %add3A_605 : i32 to vector<16xi32>
        %add3A_607 = arith.addi %iota3A, %add3A_606 : vector<16xi32>
        %gather3A_608 = tpu.vector_load_idx %arg9[%add3A_607, %broadcast_in_dim3A_588] : memref<64x512xf32, #tpu.memory_space<vmem>>[vector<16xi32>, vector<16xi32>], vector<16xf32>,
        %swap3A_609 = arith.constant 10 : i32
        %swap3A_610 = arith.index_cast %swap3A_609 : i32 to index
        %swap3A_611 = arith.constant 32 : index
        %swap3A_612 = tpu.vector_load %arg10[%swap3A_610, %swap3A_611] {strides = array<i32>} : memref<16x128xf32, #tpu.memory_space<vmem>>, vector<16xf32>,
        tpu.vector_store %arg10[%swap3A_610, %swap3A_611], %gather3A_608 {strides = array<i32>} : memref<16x128xf32, #tpu.memory_space<vmem>>, vector<16xf32>,
        %add3A_613 = arith.constant 48 : i32
        %add3A_614 = vector.broadcast %add3A_613 : i32 to vector<16xi32>
        %add3A_615 = arith.addi %iota3A, %add3A_614 : vector<16xi32>
        %gather3A_616 = tpu.vector_load_idx %arg9[%add3A_615, %broadcast_in_dim3A_588] : memref<64x512xf32, #tpu.memory_space<vmem>>[vector<16xi32>, vector<16xi32>], vector<16xf32>,
        %swap3A_617 = arith.constant 10 : i32
        %swap3A_618 = arith.index_cast %swap3A_617 : i32 to index
        %swap3A_619 = arith.constant 48 : index
        %swap3A_620 = tpu.vector_load %arg10[%swap3A_618, %swap3A_619] {strides = array<i32>} : memref<16x128xf32, #tpu.memory_space<vmem>>, vector<16xf32>,
        tpu.vector_store %arg10[%swap3A_618, %swap3A_619], %gather3A_616 {strides = array<i32>} : memref<16x128xf32, #tpu.memory_space<vmem>>, vector<16xf32>,
        %slice3A_621 = vector.extract_strided_slice %min3A_231 {offsets = [11], sizes = [1], strides = [1]} : vector<16xi32> to vector<1xi32>
        %squeeze3A_622 = vector.extract %slice3A_621[0] : i32 from vector<1xi32>
        %broadcast_in_dim3A_623 = vector.broadcast %squeeze3A_622 : i32 to vector<16xi32>
        %add3A_624 = arith.constant 0 : i32
        %add3A_625 = vector.broadcast %add3A_624 : i32 to vector<16xi32>
        %add3A_626 = arith.addi %iota3A, %add3A_625 : vector<16xi32>
        %gather3A_627 = tpu.vector_load_idx %arg9[%add3A_626, %broadcast_in_dim3A_623] : memref<64x512xf32, #tpu.memory_space<vmem>>[vector<16xi32>, vector<16xi32>], vector<16xf32>,
        %swap3A_628 = arith.constant 11 : i32
        %swap3A_629 = arith.index_cast %swap3A_628 : i32 to index
        %swap3A_630 = arith.constant 0 : index
        %swap3A_631 = tpu.vector_load %arg10[%swap3A_629, %swap3A_630] {strides = array<i32>} : memref<16x128xf32, #tpu.memory_space<vmem>>, vector<16xf32>,
        tpu.vector_store %arg10[%swap3A_629, %swap3A_630], %gather3A_627 {strides = array<i32>} : memref<16x128xf32, #tpu.memory_space<vmem>>, vector<16xf32>,
        %add3A_632 = arith.constant 16 : i32
        %add3A_633 = vector.broadcast %add3A_632 : i32 to vector<16xi32>
        %add3A_634 = arith.addi %iota3A, %add3A_633 : vector<16xi32>
        %gather3A_635 = tpu.vector_load_idx %arg9[%add3A_634, %broadcast_in_dim3A_623] : memref<64x512xf32, #tpu.memory_space<vmem>>[vector<16xi32>, vector<16xi32>], vector<16xf32>,
        %swap3A_636 = arith.constant 11 : i32
        %swap3A_637 = arith.index_cast %swap3A_636 : i32 to index
        %swap3A_638 = arith.constant 16 : index
        %swap3A_639 = tpu.vector_load %arg10[%swap3A_637, %swap3A_638] {strides = array<i32>} : memref<16x128xf32, #tpu.memory_space<vmem>>, vector<16xf32>,
        tpu.vector_store %arg10[%swap3A_637, %swap3A_638], %gather3A_635 {strides = array<i32>} : memref<16x128xf32, #tpu.memory_space<vmem>>, vector<16xf32>,
        %add3A_640 = arith.constant 32 : i32
        %add3A_641 = vector.broadcast %add3A_640 : i32 to vector<16xi32>
        %add3A_642 = arith.addi %iota3A, %add3A_641 : vector<16xi32>
        %gather3A_643 = tpu.vector_load_idx %arg9[%add3A_642, %broadcast_in_dim3A_623] : memref<64x512xf32, #tpu.memory_space<vmem>>[vector<16xi32>, vector<16xi32>], vector<16xf32>,
        %swap3A_644 = arith.constant 11 : i32
        %swap3A_645 = arith.index_cast %swap3A_644 : i32 to index
        %swap3A_646 = arith.constant 32 : index
        %swap3A_647 = tpu.vector_load %arg10[%swap3A_645, %swap3A_646] {strides = array<i32>} : memref<16x128xf32, #tpu.memory_space<vmem>>, vector<16xf32>,
        tpu.vector_store %arg10[%swap3A_645, %swap3A_646], %gather3A_643 {strides = array<i32>} : memref<16x128xf32, #tpu.memory_space<vmem>>, vector<16xf32>,
        %add3A_648 = arith.constant 48 : i32
        %add3A_649 = vector.broadcast %add3A_648 : i32 to vector<16xi32>
        %add3A_650 = arith.addi %iota3A, %add3A_649 : vector<16xi32>
        %gather3A_651 = tpu.vector_load_idx %arg9[%add3A_650, %broadcast_in_dim3A_623] : memref<64x512xf32, #tpu.memory_space<vmem>>[vector<16xi32>, vector<16xi32>], vector<16xf32>,
        %swap3A_652 = arith.constant 11 : i32
        %swap3A_653 = arith.index_cast %swap3A_652 : i32 to index
        %swap3A_654 = arith.constant 48 : index
        %swap3A_655 = tpu.vector_load %arg10[%swap3A_653, %swap3A_654] {strides = array<i32>} : memref<16x128xf32, #tpu.memory_space<vmem>>, vector<16xf32>,
        tpu.vector_store %arg10[%swap3A_653, %swap3A_654], %gather3A_651 {strides = array<i32>} : memref<16x128xf32, #tpu.memory_space<vmem>>, vector<16xf32>,
        %slice3A_656 = vector.extract_strided_slice %min3A_231 {offsets = [12], sizes = [1], strides = [1]} : vector<16xi32> to vector<1xi32>
        %squeeze3A_657 = vector.extract %slice3A_656[0] : i32 from vector<1xi32>
        %broadcast_in_dim3A_658 = vector.broadcast %squeeze3A_657 : i32 to vector<16xi32>
        %add3A_659 = arith.constant 0 : i32
        %add3A_660 = vector.broadcast %add3A_659 : i32 to vector<16xi32>
        %add3A_661 = arith.addi %iota3A, %add3A_660 : vector<16xi32>
        %gather3A_662 = tpu.vector_load_idx %arg9[%add3A_661, %broadcast_in_dim3A_658] : memref<64x512xf32, #tpu.memory_space<vmem>>[vector<16xi32>, vector<16xi32>], vector<16xf32>,
        %swap3A_663 = arith.constant 12 : i32
        %swap3A_664 = arith.index_cast %swap3A_663 : i32 to index
        %swap3A_665 = arith.constant 0 : index
        %swap3A_666 = tpu.vector_load %arg10[%swap3A_664, %swap3A_665] {strides = array<i32>} : memref<16x128xf32, #tpu.memory_space<vmem>>, vector<16xf32>,
        tpu.vector_store %arg10[%swap3A_664, %swap3A_665], %gather3A_662 {strides = array<i32>} : memref<16x128xf32, #tpu.memory_space<vmem>>, vector<16xf32>,
        %add3A_667 = arith.constant 16 : i32
        %add3A_668 = vector.broadcast %add3A_667 : i32 to vector<16xi32>
        %add3A_669 = arith.addi %iota3A, %add3A_668 : vector<16xi32>
        %gather3A_670 = tpu.vector_load_idx %arg9[%add3A_669, %broadcast_in_dim3A_658] : memref<64x512xf32, #tpu.memory_space<vmem>>[vector<16xi32>, vector<16xi32>], vector<16xf32>,
        %swap3A_671 = arith.constant 12 : i32
        %swap3A_672 = arith.index_cast %swap3A_671 : i32 to index
        %swap3A_673 = arith.constant 16 : index
        %swap3A_674 = tpu.vector_load %arg10[%swap3A_672, %swap3A_673] {strides = array<i32>} : memref<16x128xf32, #tpu.memory_space<vmem>>, vector<16xf32>,
        tpu.vector_store %arg10[%swap3A_672, %swap3A_673], %gather3A_670 {strides = array<i32>} : memref<16x128xf32, #tpu.memory_space<vmem>>, vector<16xf32>,
        %add3A_675 = arith.constant 32 : i32
        %add3A_676 = vector.broadcast %add3A_675 : i32 to vector<16xi32>
        %add3A_677 = arith.addi %iota3A, %add3A_676 : vector<16xi32>
        %gather3A_678 = tpu.vector_load_idx %arg9[%add3A_677, %broadcast_in_dim3A_658] : memref<64x512xf32, #tpu.memory_space<vmem>>[vector<16xi32>, vector<16xi32>], vector<16xf32>,
        %swap3A_679 = arith.constant 12 : i32
        %swap3A_680 = arith.index_cast %swap3A_679 : i32 to index
        %swap3A_681 = arith.constant 32 : index
        %swap3A_682 = tpu.vector_load %arg10[%swap3A_680, %swap3A_681] {strides = array<i32>} : memref<16x128xf32, #tpu.memory_space<vmem>>, vector<16xf32>,
        tpu.vector_store %arg10[%swap3A_680, %swap3A_681], %gather3A_678 {strides = array<i32>} : memref<16x128xf32, #tpu.memory_space<vmem>>, vector<16xf32>,
        %add3A_683 = arith.constant 48 : i32
        %add3A_684 = vector.broadcast %add3A_683 : i32 to vector<16xi32>
        %add3A_685 = arith.addi %iota3A, %add3A_684 : vector<16xi32>
        %gather3A_686 = tpu.vector_load_idx %arg9[%add3A_685, %broadcast_in_dim3A_658] : memref<64x512xf32, #tpu.memory_space<vmem>>[vector<16xi32>, vector<16xi32>], vector<16xf32>,
        %swap3A_687 = arith.constant 12 : i32
        %swap3A_688 = arith.index_cast %swap3A_687 : i32 to index
        %swap3A_689 = arith.constant 48 : index
        %swap3A_690 = tpu.vector_load %arg10[%swap3A_688, %swap3A_689] {strides = array<i32>} : memref<16x128xf32, #tpu.memory_space<vmem>>, vector<16xf32>,
        tpu.vector_store %arg10[%swap3A_688, %swap3A_689], %gather3A_686 {strides = array<i32>} : memref<16x128xf32, #tpu.memory_space<vmem>>, vector<16xf32>,
        %slice3A_691 = vector.extract_strided_slice %min3A_231 {offsets = [13], sizes = [1], strides = [1]} : vector<16xi32> to vector<1xi32>
        %squeeze3A_692 = vector.extract %slice3A_691[0] : i32 from vector<1xi32>
        %broadcast_in_dim3A_693 = vector.broadcast %squeeze3A_692 : i32 to vector<16xi32>
        %add3A_694 = arith.constant 0 : i32
        %add3A_695 = vector.broadcast %add3A_694 : i32 to vector<16xi32>
        %add3A_696 = arith.addi %iota3A, %add3A_695 : vector<16xi32>
        %gather3A_697 = tpu.vector_load_idx %arg9[%add3A_696, %broadcast_in_dim3A_693] : memref<64x512xf32, #tpu.memory_space<vmem>>[vector<16xi32>, vector<16xi32>], vector<16xf32>,
        %swap3A_698 = arith.constant 13 : i32
        %swap3A_699 = arith.index_cast %swap3A_698 : i32 to index
        %swap3A_700 = arith.constant 0 : index
        %swap3A_701 = tpu.vector_load %arg10[%swap3A_699, %swap3A_700] {strides = array<i32>} : memref<16x128xf32, #tpu.memory_space<vmem>>, vector<16xf32>,
        tpu.vector_store %arg10[%swap3A_699, %swap3A_700], %gather3A_697 {strides = array<i32>} : memref<16x128xf32, #tpu.memory_space<vmem>>, vector<16xf32>,
        %add3A_702 = arith.constant 16 : i32
        %add3A_703 = vector.broadcast %add3A_702 : i32 to vector<16xi32>
        %add3A_704 = arith.addi %iota3A, %add3A_703 : vector<16xi32>
        %gather3A_705 = tpu.vector_load_idx %arg9[%add3A_704, %broadcast_in_dim3A_693] : memref<64x512xf32, #tpu.memory_space<vmem>>[vector<16xi32>, vector<16xi32>], vector<16xf32>,
        %swap3A_706 = arith.constant 13 : i32
        %swap3A_707 = arith.index_cast %swap3A_706 : i32 to index
        %swap3A_708 = arith.constant 16 : index
        %swap3A_709 = tpu.vector_load %arg10[%swap3A_707, %swap3A_708] {strides = array<i32>} : memref<16x128xf32, #tpu.memory_space<vmem>>, vector<16xf32>,
        tpu.vector_store %arg10[%swap3A_707, %swap3A_708], %gather3A_705 {strides = array<i32>} : memref<16x128xf32, #tpu.memory_space<vmem>>, vector<16xf32>,
        %add3A_710 = arith.constant 32 : i32
        %add3A_711 = vector.broadcast %add3A_710 : i32 to vector<16xi32>
        %add3A_712 = arith.addi %iota3A, %add3A_711 : vector<16xi32>
        %gather3A_713 = tpu.vector_load_idx %arg9[%add3A_712, %broadcast_in_dim3A_693] : memref<64x512xf32, #tpu.memory_space<vmem>>[vector<16xi32>, vector<16xi32>], vector<16xf32>,
        %swap3A_714 = arith.constant 13 : i32
        %swap3A_715 = arith.index_cast %swap3A_714 : i32 to index
        %swap3A_716 = arith.constant 32 : index
        %swap3A_717 = tpu.vector_load %arg10[%swap3A_715, %swap3A_716] {strides = array<i32>} : memref<16x128xf32, #tpu.memory_space<vmem>>, vector<16xf32>,
        tpu.vector_store %arg10[%swap3A_715, %swap3A_716], %gather3A_713 {strides = array<i32>} : memref<16x128xf32, #tpu.memory_space<vmem>>, vector<16xf32>,
        %add3A_718 = arith.constant 48 : i32
        %add3A_719 = vector.broadcast %add3A_718 : i32 to vector<16xi32>
        %add3A_720 = arith.addi %iota3A, %add3A_719 : vector<16xi32>
        %gather3A_721 = tpu.vector_load_idx %arg9[%add3A_720, %broadcast_in_dim3A_693] : memref<64x512xf32, #tpu.memory_space<vmem>>[vector<16xi32>, vector<16xi32>], vector<16xf32>,
        %swap3A_722 = arith.constant 13 : i32
        %swap3A_723 = arith.index_cast %swap3A_722 : i32 to index
        %swap3A_724 = arith.constant 48 : index
        %swap3A_725 = tpu.vector_load %arg10[%swap3A_723, %swap3A_724] {strides = array<i32>} : memref<16x128xf32, #tpu.memory_space<vmem>>, vector<16xf32>,
        tpu.vector_store %arg10[%swap3A_723, %swap3A_724], %gather3A_721 {strides = array<i32>} : memref<16x128xf32, #tpu.memory_space<vmem>>, vector<16xf32>,
        %slice3A_726 = vector.extract_strided_slice %min3A_231 {offsets = [14], sizes = [1], strides = [1]} : vector<16xi32> to vector<1xi32>
        %squeeze3A_727 = vector.extract %slice3A_726[0] : i32 from vector<1xi32>
        %broadcast_in_dim3A_728 = vector.broadcast %squeeze3A_727 : i32 to vector<16xi32>
        %add3A_729 = arith.constant 0 : i32
        %add3A_730 = vector.broadcast %add3A_729 : i32 to vector<16xi32>
        %add3A_731 = arith.addi %iota3A, %add3A_730 : vector<16xi32>
        %gather3A_732 = tpu.vector_load_idx %arg9[%add3A_731, %broadcast_in_dim3A_728] : memref<64x512xf32, #tpu.memory_space<vmem>>[vector<16xi32>, vector<16xi32>], vector<16xf32>,
        %swap3A_733 = arith.constant 14 : i32
        %swap3A_734 = arith.index_cast %swap3A_733 : i32 to index
        %swap3A_735 = arith.constant 0 : index
        %swap3A_736 = tpu.vector_load %arg10[%swap3A_734, %swap3A_735] {strides = array<i32>} : memref<16x128xf32, #tpu.memory_space<vmem>>, vector<16xf32>,
        tpu.vector_store %arg10[%swap3A_734, %swap3A_735], %gather3A_732 {strides = array<i32>} : memref<16x128xf32, #tpu.memory_space<vmem>>, vector<16xf32>,
        %add3A_737 = arith.constant 16 : i32
        %add3A_738 = vector.broadcast %add3A_737 : i32 to vector<16xi32>
        %add3A_739 = arith.addi %iota3A, %add3A_738 : vector<16xi32>
        %gather3A_740 = tpu.vector_load_idx %arg9[%add3A_739, %broadcast_in_dim3A_728] : memref<64x512xf32, #tpu.memory_space<vmem>>[vector<16xi32>, vector<16xi32>], vector<16xf32>,
        %swap3A_741 = arith.constant 14 : i32
        %swap3A_742 = arith.index_cast %swap3A_741 : i32 to index
        %swap3A_743 = arith.constant 16 : index
        %swap3A_744 = tpu.vector_load %arg10[%swap3A_742, %swap3A_743] {strides = array<i32>} : memref<16x128xf32, #tpu.memory_space<vmem>>, vector<16xf32>,
        tpu.vector_store %arg10[%swap3A_742, %swap3A_743], %gather3A_740 {strides = array<i32>} : memref<16x128xf32, #tpu.memory_space<vmem>>, vector<16xf32>,
        %add3A_745 = arith.constant 32 : i32
        %add3A_746 = vector.broadcast %add3A_745 : i32 to vector<16xi32>
        %add3A_747 = arith.addi %iota3A, %add3A_746 : vector<16xi32>
        %gather3A_748 = tpu.vector_load_idx %arg9[%add3A_747, %broadcast_in_dim3A_728] : memref<64x512xf32, #tpu.memory_space<vmem>>[vector<16xi32>, vector<16xi32>], vector<16xf32>,
        %swap3A_749 = arith.constant 14 : i32
        %swap3A_750 = arith.index_cast %swap3A_749 : i32 to index
        %swap3A_751 = arith.constant 32 : index
        %swap3A_752 = tpu.vector_load %arg10[%swap3A_750, %swap3A_751] {strides = array<i32>} : memref<16x128xf32, #tpu.memory_space<vmem>>, vector<16xf32>,
        tpu.vector_store %arg10[%swap3A_750, %swap3A_751], %gather3A_748 {strides = array<i32>} : memref<16x128xf32, #tpu.memory_space<vmem>>, vector<16xf32>,
        %add3A_753 = arith.constant 48 : i32
        %add3A_754 = vector.broadcast %add3A_753 : i32 to vector<16xi32>
        %add3A_755 = arith.addi %iota3A, %add3A_754 : vector<16xi32>
        %gather3A_756 = tpu.vector_load_idx %arg9[%add3A_755, %broadcast_in_dim3A_728] : memref<64x512xf32, #tpu.memory_space<vmem>>[vector<16xi32>, vector<16xi32>], vector<16xf32>,
        %swap3A_757 = arith.constant 14 : i32
        %swap3A_758 = arith.index_cast %swap3A_757 : i32 to index
        %swap3A_759 = arith.constant 48 : index
        %swap3A_760 = tpu.vector_load %arg10[%swap3A_758, %swap3A_759] {strides = array<i32>} : memref<16x128xf32, #tpu.memory_space<vmem>>, vector<16xf32>,
        tpu.vector_store %arg10[%swap3A_758, %swap3A_759], %gather3A_756 {strides = array<i32>} : memref<16x128xf32, #tpu.memory_space<vmem>>, vector<16xf32>,
        %slice3A_761 = vector.extract_strided_slice %min3A_231 {offsets = [15], sizes = [1], strides = [1]} : vector<16xi32> to vector<1xi32>
        %squeeze3A_762 = vector.extract %slice3A_761[0] : i32 from vector<1xi32>
        %broadcast_in_dim3A_763 = vector.broadcast %squeeze3A_762 : i32 to vector<16xi32>
        %add3A_764 = arith.constant 0 : i32
        %add3A_765 = vector.broadcast %add3A_764 : i32 to vector<16xi32>
        %add3A_766 = arith.addi %iota3A, %add3A_765 : vector<16xi32>
        %gather3A_767 = tpu.vector_load_idx %arg9[%add3A_766, %broadcast_in_dim3A_763] : memref<64x512xf32, #tpu.memory_space<vmem>>[vector<16xi32>, vector<16xi32>], vector<16xf32>,
        %swap3A_768 = arith.constant 15 : i32
        %swap3A_769 = arith.index_cast %swap3A_768 : i32 to index
        %swap3A_770 = arith.constant 0 : index
        %swap3A_771 = tpu.vector_load %arg10[%swap3A_769, %swap3A_770] {strides = array<i32>} : memref<16x128xf32, #tpu.memory_space<vmem>>, vector<16xf32>,
        tpu.vector_store %arg10[%swap3A_769, %swap3A_770], %gather3A_767 {strides = array<i32>} : memref<16x128xf32, #tpu.memory_space<vmem>>, vector<16xf32>,
        %add3A_772 = arith.constant 16 : i32
        %add3A_773 = vector.broadcast %add3A_772 : i32 to vector<16xi32>
        %add3A_774 = arith.addi %iota3A, %add3A_773 : vector<16xi32>
        %gather3A_775 = tpu.vector_load_idx %arg9[%add3A_774, %broadcast_in_dim3A_763] : memref<64x512xf32, #tpu.memory_space<vmem>>[vector<16xi32>, vector<16xi32>], vector<16xf32>,
        %swap3A_776 = arith.constant 15 : i32
        %swap3A_777 = arith.index_cast %swap3A_776 : i32 to index
        %swap3A_778 = arith.constant 16 : index
        %swap3A_779 = tpu.vector_load %arg10[%swap3A_777, %swap3A_778] {strides = array<i32>} : memref<16x128xf32, #tpu.memory_space<vmem>>, vector<16xf32>,
        tpu.vector_store %arg10[%swap3A_777, %swap3A_778], %gather3A_775 {strides = array<i32>} : memref<16x128xf32, #tpu.memory_space<vmem>>, vector<16xf32>,
        %add3A_780 = arith.constant 32 : i32
        %add3A_781 = vector.broadcast %add3A_780 : i32 to vector<16xi32>
        %add3A_782 = arith.addi %iota3A, %add3A_781 : vector<16xi32>
        %gather3A_783 = tpu.vector_load_idx %arg9[%add3A_782, %broadcast_in_dim3A_763] : memref<64x512xf32, #tpu.memory_space<vmem>>[vector<16xi32>, vector<16xi32>], vector<16xf32>,
        %swap3A_784 = arith.constant 15 : i32
        %swap3A_785 = arith.index_cast %swap3A_784 : i32 to index
        %swap3A_786 = arith.constant 32 : index
        %swap3A_787 = tpu.vector_load %arg10[%swap3A_785, %swap3A_786] {strides = array<i32>} : memref<16x128xf32, #tpu.memory_space<vmem>>, vector<16xf32>,
        tpu.vector_store %arg10[%swap3A_785, %swap3A_786], %gather3A_783 {strides = array<i32>} : memref<16x128xf32, #tpu.memory_space<vmem>>, vector<16xf32>,
        %add3A_788 = arith.constant 48 : i32
        %add3A_789 = vector.broadcast %add3A_788 : i32 to vector<16xi32>
        %add3A_790 = arith.addi %iota3A, %add3A_789 : vector<16xi32>
        %gather3A_791 = tpu.vector_load_idx %arg9[%add3A_790, %broadcast_in_dim3A_763] : memref<64x512xf32, #tpu.memory_space<vmem>>[vector<16xi32>, vector<16xi32>], vector<16xf32>,
        %swap3A_792 = arith.constant 15 : i32
        %swap3A_793 = arith.index_cast %swap3A_792 : i32 to index
        %swap3A_794 = arith.constant 48 : index
        %swap3A_795 = tpu.vector_load %arg10[%swap3A_793, %swap3A_794] {strides = array<i32>} : memref<16x128xf32, #tpu.memory_space<vmem>>, vector<16xf32>,
        tpu.vector_store %arg10[%swap3A_793, %swap3A_794], %gather3A_791 {strides = array<i32>} : memref<16x128xf32, #tpu.memory_space<vmem>>, vector<16xf32>,
        %dma_start3A_796 = arith.constant 0 : i32
        %dma_start3A_797 = arith.constant 0 : i32
        %dma_start3A_798 = tpu.memref_slice %arg11[%dma_start3A_796, %dma_start3A_797] : memref<1x16xi32, #tpu.memory_space<vmem>> -> memref<1x16xi32, #tpu.memory_space<vmem>>
        %dma_start3A_799 = tpu.memref_squeeze %dma_start3A_798 : memref<1x16xi32, #tpu.memory_space<vmem>> -> memref<16xi32, #tpu.memory_space<vmem>>
        %dma_start3A_800 = arith.constant 0 : i32
        %dma_start3A_801 = arith.constant 0 : i32
        %dma_start3A_802 = tpu.memref_slice %arg4[%dma_start3A_800, %dma_start3A_801] : memref<16400x128xf32, #tpu.memory_space<hbm>> -> memref<16400x128xf32, #tpu.memory_space<hbm>>
        tpu.enqueue_indirect_dma source(%arg10 : memref<16x128xf32, #tpu.memory_space<vmem>>) target(%dma_start3A_802 : memref<16400x128xf32, #tpu.memory_space<hbm>>) offsets(%dma_start3A_799 : memref<16xi32, #tpu.memory_space<vmem>>) semaphore(%arg13 : memref<!tpu.dma_semaphore, #tpu.memory_space<semaphore_mem>>)
        %add3A_803 = arith.constant 1 : i32
        %add3A_804 = arith.addi %while3A_216, %add3A_803 : i32
        scf.yield %add3A_804 : i32
      }
      %while3A_206 = arith.constant 1 : i32
      %while3A_207 = scf.for %while3A_215 = %while3A_203 to %while3A_199 step %while3A_206 iter_args(%while3A_216 = %while3A_205) -> (i32)  : i32 {
        %mul3A_217 = arith.constant 16 : i32
        %mul3A_218 = arith.muli %while3A_215, %mul3A_217 : i32
        %gt3A_219 = arith.constant 0 : i32
        %gt3A_220 = arith.cmpi sgt, %while3A_216, %gt3A_219 : i32
        %convert_element_type3A_221 = arith.extui %gt3A_220 : i1 to i32
        %cond3A_222 = arith.constant 0 : i32
        %cond3A_223 = arith.cmpi ne, %convert_element_type3A_221, %cond3A_222 : i32
        scf.if %cond3A_223 {
          %dma_wait3A_805 = arith.constant 0 : i32
          %dma_wait3A_806 = arith.constant 0 : i32
          %dma_wait3A_807 = tpu.memref_slice %arg11[%dma_wait3A_805, %dma_wait3A_806] : memref<1x16xi32, #tpu.memory_space<vmem>> -> memref<1x16xi32, #tpu.memory_space<vmem>>
          %dma_wait3A_808 = tpu.memref_squeeze %dma_wait3A_807 : memref<1x16xi32, #tpu.memory_space<vmem>> -> memref<16xi32, #tpu.memory_space<vmem>>
          %dma_wait3A_809 = arith.constant 0 : i32
          %dma_wait3A_810 = arith.constant 0 : i32
          %dma_wait3A_811 = tpu.memref_slice %arg4[%dma_wait3A_809, %dma_wait3A_810] : memref<16400x128xf32, #tpu.memory_space<hbm>> -> memref<16400x128xf32, #tpu.memory_space<hbm>>
          tpu.wait_indirect_dma semaphore(%arg13 : memref<!tpu.dma_semaphore, #tpu.memory_space<semaphore_mem>>) src(%arg10 : memref<16x128xf32, #tpu.memory_space<vmem>>) dst(%dma_wait3A_811 : memref<16400x128xf32, #tpu.memory_space<hbm>>)
        } else {
        }
        %get3A = arith.index_cast %mul3A_218 : i32 to index
        %get3A_224 = tpu.vector_load %arg7[%get3A] {strides = array<i32>} : memref<16400xi32, #tpu.memory_space<vmem>>, vector<16xi32>,
        %shift_right_arithmetic3A = arith.constant 15 : i32
        %shift_right_arithmetic3A_225 = vector.broadcast %shift_right_arithmetic3A : i32 to vector<16xi32>
        %shift_right_arithmetic3A_226 = arith.shrsi %get3A_224, %shift_right_arithmetic3A_225 : vector<16xi32>
        %jit3A_227 = arith.constant 0 : i32
        %jit3A_228 = arith.constant 511 : i32
        %max3A = vector.broadcast %jit3A_227 : i32 to vector<16xi32>
        %max3A_229 = arith.maxsi %max3A, %shift_right_arithmetic3A_226 : vector<16xi32>
        %min3A_230 = vector.broadcast %jit3A_228 : i32 to vector<16xi32>
        %min3A_231 = arith.minsi %min3A_230, %max3A_229 : vector<16xi32>
        %and3A_232 = arith.constant 32767 : i32
        %and3A_233 = vector.broadcast %and3A_232 : i32 to vector<16xi32>
        %and3A_234 = arith.andi %get3A_224, %and3A_233 : vector<16xi32>
        %swap3A_235 = arith.constant 0 : i32
        %swap3A_236 = arith.index_cast %swap3A_235 : i32 to index
        %swap3A_237 = arith.constant 0 : index
        %swap3A_238 = tpu.vector_load %arg11[%swap3A_236, %swap3A_237] {strides = array<i32>} : memref<1x16xi32, #tpu.memory_space<vmem>>, vector<16xi32>,
        tpu.vector_store %arg11[%swap3A_236, %swap3A_237], %and3A_234 {strides = array<i32>} : memref<1x16xi32, #tpu.memory_space<vmem>>, vector<16xi32>,
        %slice3A = vector.extract_strided_slice %min3A_231 {offsets = [0], sizes = [1], strides = [1]} : vector<16xi32> to vector<1xi32>
        %squeeze3A = vector.extract %slice3A[0] : i32 from vector<1xi32>
        %broadcast_in_dim3A_239 = vector.broadcast %squeeze3A : i32 to vector<16xi32>
        %add3A_240 = arith.constant 0 : i32
        %add3A_241 = vector.broadcast %add3A_240 : i32 to vector<16xi32>
        %add3A_242 = arith.addi %iota3A, %add3A_241 : vector<16xi32>
        %gather3A = tpu.vector_load_idx %arg9[%add3A_242, %broadcast_in_dim3A_239] : memref<64x512xf32, #tpu.memory_space<vmem>>[vector<16xi32>, vector<16xi32>], vector<16xf32>,
        %swap3A_243 = arith.constant 0 : i32
        %swap3A_244 = arith.index_cast %swap3A_243 : i32 to index
        %swap3A_245 = arith.constant 0 : index
        %swap3A_246 = tpu.vector_load %arg10[%swap3A_244, %swap3A_245] {strides = array<i32>} : memref<16x128xf32, #tpu.memory_space<vmem>>, vector<16xf32>,
        tpu.vector_store %arg10[%swap3A_244, %swap3A_245], %gather3A {strides = array<i32>} : memref<16x128xf32, #tpu.memory_space<vmem>>, vector<16xf32>,
        %add3A_247 = arith.constant 16 : i32
        %add3A_248 = vector.broadcast %add3A_247 : i32 to vector<16xi32>
        %add3A_249 = arith.addi %iota3A, %add3A_248 : vector<16xi32>
        %gather3A_250 = tpu.vector_load_idx %arg9[%add3A_249, %broadcast_in_dim3A_239] : memref<64x512xf32, #tpu.memory_space<vmem>>[vector<16xi32>, vector<16xi32>], vector<16xf32>,
        %swap3A_251 = arith.constant 0 : i32
        %swap3A_252 = arith.index_cast %swap3A_251 : i32 to index
        %swap3A_253 = arith.constant 16 : index
        %swap3A_254 = tpu.vector_load %arg10[%swap3A_252, %swap3A_253] {strides = array<i32>} : memref<16x128xf32, #tpu.memory_space<vmem>>, vector<16xf32>,
        tpu.vector_store %arg10[%swap3A_252, %swap3A_253], %gather3A_250 {strides = array<i32>} : memref<16x128xf32, #tpu.memory_space<vmem>>, vector<16xf32>,
        %add3A_255 = arith.constant 32 : i32
        %add3A_256 = vector.broadcast %add3A_255 : i32 to vector<16xi32>
        %add3A_257 = arith.addi %iota3A, %add3A_256 : vector<16xi32>
        %gather3A_258 = tpu.vector_load_idx %arg9[%add3A_257, %broadcast_in_dim3A_239] : memref<64x512xf32, #tpu.memory_space<vmem>>[vector<16xi32>, vector<16xi32>], vector<16xf32>,
        %swap3A_259 = arith.constant 0 : i32
        %swap3A_260 = arith.index_cast %swap3A_259 : i32 to index
        %swap3A_261 = arith.constant 32 : index
        %swap3A_262 = tpu.vector_load %arg10[%swap3A_260, %swap3A_261] {strides = array<i32>} : memref<16x128xf32, #tpu.memory_space<vmem>>, vector<16xf32>,
        tpu.vector_store %arg10[%swap3A_260, %swap3A_261], %gather3A_258 {strides = array<i32>} : memref<16x128xf32, #tpu.memory_space<vmem>>, vector<16xf32>,
        %add3A_263 = arith.constant 48 : i32
        %add3A_264 = vector.broadcast %add3A_263 : i32 to vector<16xi32>
        %add3A_265 = arith.addi %iota3A, %add3A_264 : vector<16xi32>
        %gather3A_266 = tpu.vector_load_idx %arg9[%add3A_265, %broadcast_in_dim3A_239] : memref<64x512xf32, #tpu.memory_space<vmem>>[vector<16xi32>, vector<16xi32>], vector<16xf32>,
        %swap3A_267 = arith.constant 0 : i32
        %swap3A_268 = arith.index_cast %swap3A_267 : i32 to index
        %swap3A_269 = arith.constant 48 : index
        %swap3A_270 = tpu.vector_load %arg10[%swap3A_268, %swap3A_269] {strides = array<i32>} : memref<16x128xf32, #tpu.memory_space<vmem>>, vector<16xf32>,
        tpu.vector_store %arg10[%swap3A_268, %swap3A_269], %gather3A_266 {strides = array<i32>} : memref<16x128xf32, #tpu.memory_space<vmem>>, vector<16xf32>,
        %slice3A_271 = vector.extract_strided_slice %min3A_231 {offsets = [1], sizes = [1], strides = [1]} : vector<16xi32> to vector<1xi32>
        %squeeze3A_272 = vector.extract %slice3A_271[0] : i32 from vector<1xi32>
        %broadcast_in_dim3A_273 = vector.broadcast %squeeze3A_272 : i32 to vector<16xi32>
        %add3A_274 = arith.constant 0 : i32
        %add3A_275 = vector.broadcast %add3A_274 : i32 to vector<16xi32>
        %add3A_276 = arith.addi %iota3A, %add3A_275 : vector<16xi32>
        %gather3A_277 = tpu.vector_load_idx %arg9[%add3A_276, %broadcast_in_dim3A_273] : memref<64x512xf32, #tpu.memory_space<vmem>>[vector<16xi32>, vector<16xi32>], vector<16xf32>,
        %swap3A_278 = arith.constant 1 : i32
        %swap3A_279 = arith.index_cast %swap3A_278 : i32 to index
        %swap3A_280 = arith.constant 0 : index
        %swap3A_281 = tpu.vector_load %arg10[%swap3A_279, %swap3A_280] {strides = array<i32>} : memref<16x128xf32, #tpu.memory_space<vmem>>, vector<16xf32>,
        tpu.vector_store %arg10[%swap3A_279, %swap3A_280], %gather3A_277 {strides = array<i32>} : memref<16x128xf32, #tpu.memory_space<vmem>>, vector<16xf32>,
        %add3A_282 = arith.constant 16 : i32
        %add3A_283 = vector.broadcast %add3A_282 : i32 to vector<16xi32>
        %add3A_284 = arith.addi %iota3A, %add3A_283 : vector<16xi32>
        %gather3A_285 = tpu.vector_load_idx %arg9[%add3A_284, %broadcast_in_dim3A_273] : memref<64x512xf32, #tpu.memory_space<vmem>>[vector<16xi32>, vector<16xi32>], vector<16xf32>,
        %swap3A_286 = arith.constant 1 : i32
        %swap3A_287 = arith.index_cast %swap3A_286 : i32 to index
        %swap3A_288 = arith.constant 16 : index
        %swap3A_289 = tpu.vector_load %arg10[%swap3A_287, %swap3A_288] {strides = array<i32>} : memref<16x128xf32, #tpu.memory_space<vmem>>, vector<16xf32>,
        tpu.vector_store %arg10[%swap3A_287, %swap3A_288], %gather3A_285 {strides = array<i32>} : memref<16x128xf32, #tpu.memory_space<vmem>>, vector<16xf32>,
        %add3A_290 = arith.constant 32 : i32
        %add3A_291 = vector.broadcast %add3A_290 : i32 to vector<16xi32>
        %add3A_292 = arith.addi %iota3A, %add3A_291 : vector<16xi32>
        %gather3A_293 = tpu.vector_load_idx %arg9[%add3A_292, %broadcast_in_dim3A_273] : memref<64x512xf32, #tpu.memory_space<vmem>>[vector<16xi32>, vector<16xi32>], vector<16xf32>,
        %swap3A_294 = arith.constant 1 : i32
        %swap3A_295 = arith.index_cast %swap3A_294 : i32 to index
        %swap3A_296 = arith.constant 32 : index
        %swap3A_297 = tpu.vector_load %arg10[%swap3A_295, %swap3A_296] {strides = array<i32>} : memref<16x128xf32, #tpu.memory_space<vmem>>, vector<16xf32>,
        tpu.vector_store %arg10[%swap3A_295, %swap3A_296], %gather3A_293 {strides = array<i32>} : memref<16x128xf32, #tpu.memory_space<vmem>>, vector<16xf32>,
        %add3A_298 = arith.constant 48 : i32
        %add3A_299 = vector.broadcast %add3A_298 : i32 to vector<16xi32>
        %add3A_300 = arith.addi %iota3A, %add3A_299 : vector<16xi32>
        %gather3A_301 = tpu.vector_load_idx %arg9[%add3A_300, %broadcast_in_dim3A_273] : memref<64x512xf32, #tpu.memory_space<vmem>>[vector<16xi32>, vector<16xi32>], vector<16xf32>,
        %swap3A_302 = arith.constant 1 : i32
        %swap3A_303 = arith.index_cast %swap3A_302 : i32 to index
        %swap3A_304 = arith.constant 48 : index
        %swap3A_305 = tpu.vector_load %arg10[%swap3A_303, %swap3A_304] {strides = array<i32>} : memref<16x128xf32, #tpu.memory_space<vmem>>, vector<16xf32>,
        tpu.vector_store %arg10[%swap3A_303, %swap3A_304], %gather3A_301 {strides = array<i32>} : memref<16x128xf32, #tpu.memory_space<vmem>>, vector<16xf32>,
        %slice3A_306 = vector.extract_strided_slice %min3A_231 {offsets = [2], sizes = [1], strides = [1]} : vector<16xi32> to vector<1xi32>
        %squeeze3A_307 = vector.extract %slice3A_306[0] : i32 from vector<1xi32>
        %broadcast_in_dim3A_308 = vector.broadcast %squeeze3A_307 : i32 to vector<16xi32>
        %add3A_309 = arith.constant 0 : i32
        %add3A_310 = vector.broadcast %add3A_309 : i32 to vector<16xi32>
        %add3A_311 = arith.addi %iota3A, %add3A_310 : vector<16xi32>
        %gather3A_312 = tpu.vector_load_idx %arg9[%add3A_311, %broadcast_in_dim3A_308] : memref<64x512xf32, #tpu.memory_space<vmem>>[vector<16xi32>, vector<16xi32>], vector<16xf32>,
        %swap3A_313 = arith.constant 2 : i32
        %swap3A_314 = arith.index_cast %swap3A_313 : i32 to index
        %swap3A_315 = arith.constant 0 : index
        %swap3A_316 = tpu.vector_load %arg10[%swap3A_314, %swap3A_315] {strides = array<i32>} : memref<16x128xf32, #tpu.memory_space<vmem>>, vector<16xf32>,
        tpu.vector_store %arg10[%swap3A_314, %swap3A_315], %gather3A_312 {strides = array<i32>} : memref<16x128xf32, #tpu.memory_space<vmem>>, vector<16xf32>,
        %add3A_317 = arith.constant 16 : i32
        %add3A_318 = vector.broadcast %add3A_317 : i32 to vector<16xi32>
        %add3A_319 = arith.addi %iota3A, %add3A_318 : vector<16xi32>
        %gather3A_320 = tpu.vector_load_idx %arg9[%add3A_319, %broadcast_in_dim3A_308] : memref<64x512xf32, #tpu.memory_space<vmem>>[vector<16xi32>, vector<16xi32>], vector<16xf32>,
        %swap3A_321 = arith.constant 2 : i32
        %swap3A_322 = arith.index_cast %swap3A_321 : i32 to index
        %swap3A_323 = arith.constant 16 : index
        %swap3A_324 = tpu.vector_load %arg10[%swap3A_322, %swap3A_323] {strides = array<i32>} : memref<16x128xf32, #tpu.memory_space<vmem>>, vector<16xf32>,
        tpu.vector_store %arg10[%swap3A_322, %swap3A_323], %gather3A_320 {strides = array<i32>} : memref<16x128xf32, #tpu.memory_space<vmem>>, vector<16xf32>,
        %add3A_325 = arith.constant 32 : i32
        %add3A_326 = vector.broadcast %add3A_325 : i32 to vector<16xi32>
        %add3A_327 = arith.addi %iota3A, %add3A_326 : vector<16xi32>
        %gather3A_328 = tpu.vector_load_idx %arg9[%add3A_327, %broadcast_in_dim3A_308] : memref<64x512xf32, #tpu.memory_space<vmem>>[vector<16xi32>, vector<16xi32>], vector<16xf32>,
        %swap3A_329 = arith.constant 2 : i32
        %swap3A_330 = arith.index_cast %swap3A_329 : i32 to index
        %swap3A_331 = arith.constant 32 : index
        %swap3A_332 = tpu.vector_load %arg10[%swap3A_330, %swap3A_331] {strides = array<i32>} : memref<16x128xf32, #tpu.memory_space<vmem>>, vector<16xf32>,
        tpu.vector_store %arg10[%swap3A_330, %swap3A_331], %gather3A_328 {strides = array<i32>} : memref<16x128xf32, #tpu.memory_space<vmem>>, vector<16xf32>,
        %add3A_333 = arith.constant 48 : i32
        %add3A_334 = vector.broadcast %add3A_333 : i32 to vector<16xi32>
        %add3A_335 = arith.addi %iota3A, %add3A_334 : vector<16xi32>
        %gather3A_336 = tpu.vector_load_idx %arg9[%add3A_335, %broadcast_in_dim3A_308] : memref<64x512xf32, #tpu.memory_space<vmem>>[vector<16xi32>, vector<16xi32>], vector<16xf32>,
        %swap3A_337 = arith.constant 2 : i32
        %swap3A_338 = arith.index_cast %swap3A_337 : i32 to index
        %swap3A_339 = arith.constant 48 : index
        %swap3A_340 = tpu.vector_load %arg10[%swap3A_338, %swap3A_339] {strides = array<i32>} : memref<16x128xf32, #tpu.memory_space<vmem>>, vector<16xf32>,
        tpu.vector_store %arg10[%swap3A_338, %swap3A_339], %gather3A_336 {strides = array<i32>} : memref<16x128xf32, #tpu.memory_space<vmem>>, vector<16xf32>,
        %slice3A_341 = vector.extract_strided_slice %min3A_231 {offsets = [3], sizes = [1], strides = [1]} : vector<16xi32> to vector<1xi32>
        %squeeze3A_342 = vector.extract %slice3A_341[0] : i32 from vector<1xi32>
        %broadcast_in_dim3A_343 = vector.broadcast %squeeze3A_342 : i32 to vector<16xi32>
        %add3A_344 = arith.constant 0 : i32
        %add3A_345 = vector.broadcast %add3A_344 : i32 to vector<16xi32>
        %add3A_346 = arith.addi %iota3A, %add3A_345 : vector<16xi32>
        %gather3A_347 = tpu.vector_load_idx %arg9[%add3A_346, %broadcast_in_dim3A_343] : memref<64x512xf32, #tpu.memory_space<vmem>>[vector<16xi32>, vector<16xi32>], vector<16xf32>,
        %swap3A_348 = arith.constant 3 : i32
        %swap3A_349 = arith.index_cast %swap3A_348 : i32 to index
        %swap3A_350 = arith.constant 0 : index
        %swap3A_351 = tpu.vector_load %arg10[%swap3A_349, %swap3A_350] {strides = array<i32>} : memref<16x128xf32, #tpu.memory_space<vmem>>, vector<16xf32>,
        tpu.vector_store %arg10[%swap3A_349, %swap3A_350], %gather3A_347 {strides = array<i32>} : memref<16x128xf32, #tpu.memory_space<vmem>>, vector<16xf32>,
        %add3A_352 = arith.constant 16 : i32
        %add3A_353 = vector.broadcast %add3A_352 : i32 to vector<16xi32>
        %add3A_354 = arith.addi %iota3A, %add3A_353 : vector<16xi32>
        %gather3A_355 = tpu.vector_load_idx %arg9[%add3A_354, %broadcast_in_dim3A_343] : memref<64x512xf32, #tpu.memory_space<vmem>>[vector<16xi32>, vector<16xi32>], vector<16xf32>,
        %swap3A_356 = arith.constant 3 : i32
        %swap3A_357 = arith.index_cast %swap3A_356 : i32 to index
        %swap3A_358 = arith.constant 16 : index
        %swap3A_359 = tpu.vector_load %arg10[%swap3A_357, %swap3A_358] {strides = array<i32>} : memref<16x128xf32, #tpu.memory_space<vmem>>, vector<16xf32>,
        tpu.vector_store %arg10[%swap3A_357, %swap3A_358], %gather3A_355 {strides = array<i32>} : memref<16x128xf32, #tpu.memory_space<vmem>>, vector<16xf32>,
        %add3A_360 = arith.constant 32 : i32
        %add3A_361 = vector.broadcast %add3A_360 : i32 to vector<16xi32>
        %add3A_362 = arith.addi %iota3A, %add3A_361 : vector<16xi32>
        %gather3A_363 = tpu.vector_load_idx %arg9[%add3A_362, %broadcast_in_dim3A_343] : memref<64x512xf32, #tpu.memory_space<vmem>>[vector<16xi32>, vector<16xi32>], vector<16xf32>,
        %swap3A_364 = arith.constant 3 : i32
        %swap3A_365 = arith.index_cast %swap3A_364 : i32 to index
        %swap3A_366 = arith.constant 32 : index
        %swap3A_367 = tpu.vector_load %arg10[%swap3A_365, %swap3A_366] {strides = array<i32>} : memref<16x128xf32, #tpu.memory_space<vmem>>, vector<16xf32>,
        tpu.vector_store %arg10[%swap3A_365, %swap3A_366], %gather3A_363 {strides = array<i32>} : memref<16x128xf32, #tpu.memory_space<vmem>>, vector<16xf32>,
        %add3A_368 = arith.constant 48 : i32
        %add3A_369 = vector.broadcast %add3A_368 : i32 to vector<16xi32>
        %add3A_370 = arith.addi %iota3A, %add3A_369 : vector<16xi32>
        %gather3A_371 = tpu.vector_load_idx %arg9[%add3A_370, %broadcast_in_dim3A_343] : memref<64x512xf32, #tpu.memory_space<vmem>>[vector<16xi32>, vector<16xi32>], vector<16xf32>,
        %swap3A_372 = arith.constant 3 : i32
        %swap3A_373 = arith.index_cast %swap3A_372 : i32 to index
        %swap3A_374 = arith.constant 48 : index
        %swap3A_375 = tpu.vector_load %arg10[%swap3A_373, %swap3A_374] {strides = array<i32>} : memref<16x128xf32, #tpu.memory_space<vmem>>, vector<16xf32>,
        tpu.vector_store %arg10[%swap3A_373, %swap3A_374], %gather3A_371 {strides = array<i32>} : memref<16x128xf32, #tpu.memory_space<vmem>>, vector<16xf32>,
        %slice3A_376 = vector.extract_strided_slice %min3A_231 {offsets = [4], sizes = [1], strides = [1]} : vector<16xi32> to vector<1xi32>
        %squeeze3A_377 = vector.extract %slice3A_376[0] : i32 from vector<1xi32>
        %broadcast_in_dim3A_378 = vector.broadcast %squeeze3A_377 : i32 to vector<16xi32>
        %add3A_379 = arith.constant 0 : i32
        %add3A_380 = vector.broadcast %add3A_379 : i32 to vector<16xi32>
        %add3A_381 = arith.addi %iota3A, %add3A_380 : vector<16xi32>
        %gather3A_382 = tpu.vector_load_idx %arg9[%add3A_381, %broadcast_in_dim3A_378] : memref<64x512xf32, #tpu.memory_space<vmem>>[vector<16xi32>, vector<16xi32>], vector<16xf32>,
        %swap3A_383 = arith.constant 4 : i32
        %swap3A_384 = arith.index_cast %swap3A_383 : i32 to index
        %swap3A_385 = arith.constant 0 : index
        %swap3A_386 = tpu.vector_load %arg10[%swap3A_384, %swap3A_385] {strides = array<i32>} : memref<16x128xf32, #tpu.memory_space<vmem>>, vector<16xf32>,
        tpu.vector_store %arg10[%swap3A_384, %swap3A_385], %gather3A_382 {strides = array<i32>} : memref<16x128xf32, #tpu.memory_space<vmem>>, vector<16xf32>,
        %add3A_387 = arith.constant 16 : i32
        %add3A_388 = vector.broadcast %add3A_387 : i32 to vector<16xi32>
        %add3A_389 = arith.addi %iota3A, %add3A_388 : vector<16xi32>
        %gather3A_390 = tpu.vector_load_idx %arg9[%add3A_389, %broadcast_in_dim3A_378] : memref<64x512xf32, #tpu.memory_space<vmem>>[vector<16xi32>, vector<16xi32>], vector<16xf32>,
        %swap3A_391 = arith.constant 4 : i32
        %swap3A_392 = arith.index_cast %swap3A_391 : i32 to index
        %swap3A_393 = arith.constant 16 : index
        %swap3A_394 = tpu.vector_load %arg10[%swap3A_392, %swap3A_393] {strides = array<i32>} : memref<16x128xf32, #tpu.memory_space<vmem>>, vector<16xf32>,
        tpu.vector_store %arg10[%swap3A_392, %swap3A_393], %gather3A_390 {strides = array<i32>} : memref<16x128xf32, #tpu.memory_space<vmem>>, vector<16xf32>,
        %add3A_395 = arith.constant 32 : i32
        %add3A_396 = vector.broadcast %add3A_395 : i32 to vector<16xi32>
        %add3A_397 = arith.addi %iota3A, %add3A_396 : vector<16xi32>
        %gather3A_398 = tpu.vector_load_idx %arg9[%add3A_397, %broadcast_in_dim3A_378] : memref<64x512xf32, #tpu.memory_space<vmem>>[vector<16xi32>, vector<16xi32>], vector<16xf32>,
        %swap3A_399 = arith.constant 4 : i32
        %swap3A_400 = arith.index_cast %swap3A_399 : i32 to index
        %swap3A_401 = arith.constant 32 : index
        %swap3A_402 = tpu.vector_load %arg10[%swap3A_400, %swap3A_401] {strides = array<i32>} : memref<16x128xf32, #tpu.memory_space<vmem>>, vector<16xf32>,
        tpu.vector_store %arg10[%swap3A_400, %swap3A_401], %gather3A_398 {strides = array<i32>} : memref<16x128xf32, #tpu.memory_space<vmem>>, vector<16xf32>,
        %add3A_403 = arith.constant 48 : i32
        %add3A_404 = vector.broadcast %add3A_403 : i32 to vector<16xi32>
        %add3A_405 = arith.addi %iota3A, %add3A_404 : vector<16xi32>
        %gather3A_406 = tpu.vector_load_idx %arg9[%add3A_405, %broadcast_in_dim3A_378] : memref<64x512xf32, #tpu.memory_space<vmem>>[vector<16xi32>, vector<16xi32>], vector<16xf32>,
        %swap3A_407 = arith.constant 4 : i32
        %swap3A_408 = arith.index_cast %swap3A_407 : i32 to index
        %swap3A_409 = arith.constant 48 : index
        %swap3A_410 = tpu.vector_load %arg10[%swap3A_408, %swap3A_409] {strides = array<i32>} : memref<16x128xf32, #tpu.memory_space<vmem>>, vector<16xf32>,
        tpu.vector_store %arg10[%swap3A_408, %swap3A_409], %gather3A_406 {strides = array<i32>} : memref<16x128xf32, #tpu.memory_space<vmem>>, vector<16xf32>,
        %slice3A_411 = vector.extract_strided_slice %min3A_231 {offsets = [5], sizes = [1], strides = [1]} : vector<16xi32> to vector<1xi32>
        %squeeze3A_412 = vector.extract %slice3A_411[0] : i32 from vector<1xi32>
        %broadcast_in_dim3A_413 = vector.broadcast %squeeze3A_412 : i32 to vector<16xi32>
        %add3A_414 = arith.constant 0 : i32
        %add3A_415 = vector.broadcast %add3A_414 : i32 to vector<16xi32>
        %add3A_416 = arith.addi %iota3A, %add3A_415 : vector<16xi32>
        %gather3A_417 = tpu.vector_load_idx %arg9[%add3A_416, %broadcast_in_dim3A_413] : memref<64x512xf32, #tpu.memory_space<vmem>>[vector<16xi32>, vector<16xi32>], vector<16xf32>,
        %swap3A_418 = arith.constant 5 : i32
        %swap3A_419 = arith.index_cast %swap3A_418 : i32 to index
        %swap3A_420 = arith.constant 0 : index
        %swap3A_421 = tpu.vector_load %arg10[%swap3A_419, %swap3A_420] {strides = array<i32>} : memref<16x128xf32, #tpu.memory_space<vmem>>, vector<16xf32>,
        tpu.vector_store %arg10[%swap3A_419, %swap3A_420], %gather3A_417 {strides = array<i32>} : memref<16x128xf32, #tpu.memory_space<vmem>>, vector<16xf32>,
        %add3A_422 = arith.constant 16 : i32
        %add3A_423 = vector.broadcast %add3A_422 : i32 to vector<16xi32>
        %add3A_424 = arith.addi %iota3A, %add3A_423 : vector<16xi32>
        %gather3A_425 = tpu.vector_load_idx %arg9[%add3A_424, %broadcast_in_dim3A_413] : memref<64x512xf32, #tpu.memory_space<vmem>>[vector<16xi32>, vector<16xi32>], vector<16xf32>,
        %swap3A_426 = arith.constant 5 : i32
        %swap3A_427 = arith.index_cast %swap3A_426 : i32 to index
        %swap3A_428 = arith.constant 16 : index
        %swap3A_429 = tpu.vector_load %arg10[%swap3A_427, %swap3A_428] {strides = array<i32>} : memref<16x128xf32, #tpu.memory_space<vmem>>, vector<16xf32>,
        tpu.vector_store %arg10[%swap3A_427, %swap3A_428], %gather3A_425 {strides = array<i32>} : memref<16x128xf32, #tpu.memory_space<vmem>>, vector<16xf32>,
        %add3A_430 = arith.constant 32 : i32
        %add3A_431 = vector.broadcast %add3A_430 : i32 to vector<16xi32>
        %add3A_432 = arith.addi %iota3A, %add3A_431 : vector<16xi32>
        %gather3A_433 = tpu.vector_load_idx %arg9[%add3A_432, %broadcast_in_dim3A_413] : memref<64x512xf32, #tpu.memory_space<vmem>>[vector<16xi32>, vector<16xi32>], vector<16xf32>,
        %swap3A_434 = arith.constant 5 : i32
        %swap3A_435 = arith.index_cast %swap3A_434 : i32 to index
        %swap3A_436 = arith.constant 32 : index
        %swap3A_437 = tpu.vector_load %arg10[%swap3A_435, %swap3A_436] {strides = array<i32>} : memref<16x128xf32, #tpu.memory_space<vmem>>, vector<16xf32>,
        tpu.vector_store %arg10[%swap3A_435, %swap3A_436], %gather3A_433 {strides = array<i32>} : memref<16x128xf32, #tpu.memory_space<vmem>>, vector<16xf32>,
        %add3A_438 = arith.constant 48 : i32
        %add3A_439 = vector.broadcast %add3A_438 : i32 to vector<16xi32>
        %add3A_440 = arith.addi %iota3A, %add3A_439 : vector<16xi32>
        %gather3A_441 = tpu.vector_load_idx %arg9[%add3A_440, %broadcast_in_dim3A_413] : memref<64x512xf32, #tpu.memory_space<vmem>>[vector<16xi32>, vector<16xi32>], vector<16xf32>,
        %swap3A_442 = arith.constant 5 : i32
        %swap3A_443 = arith.index_cast %swap3A_442 : i32 to index
        %swap3A_444 = arith.constant 48 : index
        %swap3A_445 = tpu.vector_load %arg10[%swap3A_443, %swap3A_444] {strides = array<i32>} : memref<16x128xf32, #tpu.memory_space<vmem>>, vector<16xf32>,
        tpu.vector_store %arg10[%swap3A_443, %swap3A_444], %gather3A_441 {strides = array<i32>} : memref<16x128xf32, #tpu.memory_space<vmem>>, vector<16xf32>,
        %slice3A_446 = vector.extract_strided_slice %min3A_231 {offsets = [6], sizes = [1], strides = [1]} : vector<16xi32> to vector<1xi32>
        %squeeze3A_447 = vector.extract %slice3A_446[0] : i32 from vector<1xi32>
        %broadcast_in_dim3A_448 = vector.broadcast %squeeze3A_447 : i32 to vector<16xi32>
        %add3A_449 = arith.constant 0 : i32
        %add3A_450 = vector.broadcast %add3A_449 : i32 to vector<16xi32>
        %add3A_451 = arith.addi %iota3A, %add3A_450 : vector<16xi32>
        %gather3A_452 = tpu.vector_load_idx %arg9[%add3A_451, %broadcast_in_dim3A_448] : memref<64x512xf32, #tpu.memory_space<vmem>>[vector<16xi32>, vector<16xi32>], vector<16xf32>,
        %swap3A_453 = arith.constant 6 : i32
        %swap3A_454 = arith.index_cast %swap3A_453 : i32 to index
        %swap3A_455 = arith.constant 0 : index
        %swap3A_456 = tpu.vector_load %arg10[%swap3A_454, %swap3A_455] {strides = array<i32>} : memref<16x128xf32, #tpu.memory_space<vmem>>, vector<16xf32>,
        tpu.vector_store %arg10[%swap3A_454, %swap3A_455], %gather3A_452 {strides = array<i32>} : memref<16x128xf32, #tpu.memory_space<vmem>>, vector<16xf32>,
        %add3A_457 = arith.constant 16 : i32
        %add3A_458 = vector.broadcast %add3A_457 : i32 to vector<16xi32>
        %add3A_459 = arith.addi %iota3A, %add3A_458 : vector<16xi32>
        %gather3A_460 = tpu.vector_load_idx %arg9[%add3A_459, %broadcast_in_dim3A_448] : memref<64x512xf32, #tpu.memory_space<vmem>>[vector<16xi32>, vector<16xi32>], vector<16xf32>,
        %swap3A_461 = arith.constant 6 : i32
        %swap3A_462 = arith.index_cast %swap3A_461 : i32 to index
        %swap3A_463 = arith.constant 16 : index
        %swap3A_464 = tpu.vector_load %arg10[%swap3A_462, %swap3A_463] {strides = array<i32>} : memref<16x128xf32, #tpu.memory_space<vmem>>, vector<16xf32>,
        tpu.vector_store %arg10[%swap3A_462, %swap3A_463], %gather3A_460 {strides = array<i32>} : memref<16x128xf32, #tpu.memory_space<vmem>>, vector<16xf32>,
        %add3A_465 = arith.constant 32 : i32
        %add3A_466 = vector.broadcast %add3A_465 : i32 to vector<16xi32>
        %add3A_467 = arith.addi %iota3A, %add3A_466 : vector<16xi32>
        %gather3A_468 = tpu.vector_load_idx %arg9[%add3A_467, %broadcast_in_dim3A_448] : memref<64x512xf32, #tpu.memory_space<vmem>>[vector<16xi32>, vector<16xi32>], vector<16xf32>,
        %swap3A_469 = arith.constant 6 : i32
        %swap3A_470 = arith.index_cast %swap3A_469 : i32 to index
        %swap3A_471 = arith.constant 32 : index
        %swap3A_472 = tpu.vector_load %arg10[%swap3A_470, %swap3A_471] {strides = array<i32>} : memref<16x128xf32, #tpu.memory_space<vmem>>, vector<16xf32>,
        tpu.vector_store %arg10[%swap3A_470, %swap3A_471], %gather3A_468 {strides = array<i32>} : memref<16x128xf32, #tpu.memory_space<vmem>>, vector<16xf32>,
        %add3A_473 = arith.constant 48 : i32
        %add3A_474 = vector.broadcast %add3A_473 : i32 to vector<16xi32>
        %add3A_475 = arith.addi %iota3A, %add3A_474 : vector<16xi32>
        %gather3A_476 = tpu.vector_load_idx %arg9[%add3A_475, %broadcast_in_dim3A_448] : memref<64x512xf32, #tpu.memory_space<vmem>>[vector<16xi32>, vector<16xi32>], vector<16xf32>,
        %swap3A_477 = arith.constant 6 : i32
        %swap3A_478 = arith.index_cast %swap3A_477 : i32 to index
        %swap3A_479 = arith.constant 48 : index
        %swap3A_480 = tpu.vector_load %arg10[%swap3A_478, %swap3A_479] {strides = array<i32>} : memref<16x128xf32, #tpu.memory_space<vmem>>, vector<16xf32>,
        tpu.vector_store %arg10[%swap3A_478, %swap3A_479], %gather3A_476 {strides = array<i32>} : memref<16x128xf32, #tpu.memory_space<vmem>>, vector<16xf32>,
        %slice3A_481 = vector.extract_strided_slice %min3A_231 {offsets = [7], sizes = [1], strides = [1]} : vector<16xi32> to vector<1xi32>
        %squeeze3A_482 = vector.extract %slice3A_481[0] : i32 from vector<1xi32>
        %broadcast_in_dim3A_483 = vector.broadcast %squeeze3A_482 : i32 to vector<16xi32>
        %add3A_484 = arith.constant 0 : i32
        %add3A_485 = vector.broadcast %add3A_484 : i32 to vector<16xi32>
        %add3A_486 = arith.addi %iota3A, %add3A_485 : vector<16xi32>
        %gather3A_487 = tpu.vector_load_idx %arg9[%add3A_486, %broadcast_in_dim3A_483] : memref<64x512xf32, #tpu.memory_space<vmem>>[vector<16xi32>, vector<16xi32>], vector<16xf32>,
        %swap3A_488 = arith.constant 7 : i32
        %swap3A_489 = arith.index_cast %swap3A_488 : i32 to index
        %swap3A_490 = arith.constant 0 : index
        %swap3A_491 = tpu.vector_load %arg10[%swap3A_489, %swap3A_490] {strides = array<i32>} : memref<16x128xf32, #tpu.memory_space<vmem>>, vector<16xf32>,
        tpu.vector_store %arg10[%swap3A_489, %swap3A_490], %gather3A_487 {strides = array<i32>} : memref<16x128xf32, #tpu.memory_space<vmem>>, vector<16xf32>,
        %add3A_492 = arith.constant 16 : i32
        %add3A_493 = vector.broadcast %add3A_492 : i32 to vector<16xi32>
        %add3A_494 = arith.addi %iota3A, %add3A_493 : vector<16xi32>
        %gather3A_495 = tpu.vector_load_idx %arg9[%add3A_494, %broadcast_in_dim3A_483] : memref<64x512xf32, #tpu.memory_space<vmem>>[vector<16xi32>, vector<16xi32>], vector<16xf32>,
        %swap3A_496 = arith.constant 7 : i32
        %swap3A_497 = arith.index_cast %swap3A_496 : i32 to index
        %swap3A_498 = arith.constant 16 : index
        %swap3A_499 = tpu.vector_load %arg10[%swap3A_497, %swap3A_498] {strides = array<i32>} : memref<16x128xf32, #tpu.memory_space<vmem>>, vector<16xf32>,
        tpu.vector_store %arg10[%swap3A_497, %swap3A_498], %gather3A_495 {strides = array<i32>} : memref<16x128xf32, #tpu.memory_space<vmem>>, vector<16xf32>,
        %add3A_500 = arith.constant 32 : i32
        %add3A_501 = vector.broadcast %add3A_500 : i32 to vector<16xi32>
        %add3A_502 = arith.addi %iota3A, %add3A_501 : vector<16xi32>
        %gather3A_503 = tpu.vector_load_idx %arg9[%add3A_502, %broadcast_in_dim3A_483] : memref<64x512xf32, #tpu.memory_space<vmem>>[vector<16xi32>, vector<16xi32>], vector<16xf32>,
        %swap3A_504 = arith.constant 7 : i32
        %swap3A_505 = arith.index_cast %swap3A_504 : i32 to index
        %swap3A_506 = arith.constant 32 : index
        %swap3A_507 = tpu.vector_load %arg10[%swap3A_505, %swap3A_506] {strides = array<i32>} : memref<16x128xf32, #tpu.memory_space<vmem>>, vector<16xf32>,
        tpu.vector_store %arg10[%swap3A_505, %swap3A_506], %gather3A_503 {strides = array<i32>} : memref<16x128xf32, #tpu.memory_space<vmem>>, vector<16xf32>,
        %add3A_508 = arith.constant 48 : i32
        %add3A_509 = vector.broadcast %add3A_508 : i32 to vector<16xi32>
        %add3A_510 = arith.addi %iota3A, %add3A_509 : vector<16xi32>
        %gather3A_511 = tpu.vector_load_idx %arg9[%add3A_510, %broadcast_in_dim3A_483] : memref<64x512xf32, #tpu.memory_space<vmem>>[vector<16xi32>, vector<16xi32>], vector<16xf32>,
        %swap3A_512 = arith.constant 7 : i32
        %swap3A_513 = arith.index_cast %swap3A_512 : i32 to index
        %swap3A_514 = arith.constant 48 : index
        %swap3A_515 = tpu.vector_load %arg10[%swap3A_513, %swap3A_514] {strides = array<i32>} : memref<16x128xf32, #tpu.memory_space<vmem>>, vector<16xf32>,
        tpu.vector_store %arg10[%swap3A_513, %swap3A_514], %gather3A_511 {strides = array<i32>} : memref<16x128xf32, #tpu.memory_space<vmem>>, vector<16xf32>,
        %slice3A_516 = vector.extract_strided_slice %min3A_231 {offsets = [8], sizes = [1], strides = [1]} : vector<16xi32> to vector<1xi32>
        %squeeze3A_517 = vector.extract %slice3A_516[0] : i32 from vector<1xi32>
        %broadcast_in_dim3A_518 = vector.broadcast %squeeze3A_517 : i32 to vector<16xi32>
        %add3A_519 = arith.constant 0 : i32
        %add3A_520 = vector.broadcast %add3A_519 : i32 to vector<16xi32>
        %add3A_521 = arith.addi %iota3A, %add3A_520 : vector<16xi32>
        %gather3A_522 = tpu.vector_load_idx %arg9[%add3A_521, %broadcast_in_dim3A_518] : memref<64x512xf32, #tpu.memory_space<vmem>>[vector<16xi32>, vector<16xi32>], vector<16xf32>,
        %swap3A_523 = arith.constant 8 : i32
        %swap3A_524 = arith.index_cast %swap3A_523 : i32 to index
        %swap3A_525 = arith.constant 0 : index
        %swap3A_526 = tpu.vector_load %arg10[%swap3A_524, %swap3A_525] {strides = array<i32>} : memref<16x128xf32, #tpu.memory_space<vmem>>, vector<16xf32>,
        tpu.vector_store %arg10[%swap3A_524, %swap3A_525], %gather3A_522 {strides = array<i32>} : memref<16x128xf32, #tpu.memory_space<vmem>>, vector<16xf32>,
        %add3A_527 = arith.constant 16 : i32
        %add3A_528 = vector.broadcast %add3A_527 : i32 to vector<16xi32>
        %add3A_529 = arith.addi %iota3A, %add3A_528 : vector<16xi32>
        %gather3A_530 = tpu.vector_load_idx %arg9[%add3A_529, %broadcast_in_dim3A_518] : memref<64x512xf32, #tpu.memory_space<vmem>>[vector<16xi32>, vector<16xi32>], vector<16xf32>,
        %swap3A_531 = arith.constant 8 : i32
        %swap3A_532 = arith.index_cast %swap3A_531 : i32 to index
        %swap3A_533 = arith.constant 16 : index
        %swap3A_534 = tpu.vector_load %arg10[%swap3A_532, %swap3A_533] {strides = array<i32>} : memref<16x128xf32, #tpu.memory_space<vmem>>, vector<16xf32>,
        tpu.vector_store %arg10[%swap3A_532, %swap3A_533], %gather3A_530 {strides = array<i32>} : memref<16x128xf32, #tpu.memory_space<vmem>>, vector<16xf32>,
        %add3A_535 = arith.constant 32 : i32
        %add3A_536 = vector.broadcast %add3A_535 : i32 to vector<16xi32>
        %add3A_537 = arith.addi %iota3A, %add3A_536 : vector<16xi32>
        %gather3A_538 = tpu.vector_load_idx %arg9[%add3A_537, %broadcast_in_dim3A_518] : memref<64x512xf32, #tpu.memory_space<vmem>>[vector<16xi32>, vector<16xi32>], vector<16xf32>,
        %swap3A_539 = arith.constant 8 : i32
        %swap3A_540 = arith.index_cast %swap3A_539 : i32 to index
        %swap3A_541 = arith.constant 32 : index
        %swap3A_542 = tpu.vector_load %arg10[%swap3A_540, %swap3A_541] {strides = array<i32>} : memref<16x128xf32, #tpu.memory_space<vmem>>, vector<16xf32>,
        tpu.vector_store %arg10[%swap3A_540, %swap3A_541], %gather3A_538 {strides = array<i32>} : memref<16x128xf32, #tpu.memory_space<vmem>>, vector<16xf32>,
        %add3A_543 = arith.constant 48 : i32
        %add3A_544 = vector.broadcast %add3A_543 : i32 to vector<16xi32>
        %add3A_545 = arith.addi %iota3A, %add3A_544 : vector<16xi32>
        %gather3A_546 = tpu.vector_load_idx %arg9[%add3A_545, %broadcast_in_dim3A_518] : memref<64x512xf32, #tpu.memory_space<vmem>>[vector<16xi32>, vector<16xi32>], vector<16xf32>,
        %swap3A_547 = arith.constant 8 : i32
        %swap3A_548 = arith.index_cast %swap3A_547 : i32 to index
        %swap3A_549 = arith.constant 48 : index
        %swap3A_550 = tpu.vector_load %arg10[%swap3A_548, %swap3A_549] {strides = array<i32>} : memref<16x128xf32, #tpu.memory_space<vmem>>, vector<16xf32>,
        tpu.vector_store %arg10[%swap3A_548, %swap3A_549], %gather3A_546 {strides = array<i32>} : memref<16x128xf32, #tpu.memory_space<vmem>>, vector<16xf32>,
        %slice3A_551 = vector.extract_strided_slice %min3A_231 {offsets = [9], sizes = [1], strides = [1]} : vector<16xi32> to vector<1xi32>
        %squeeze3A_552 = vector.extract %slice3A_551[0] : i32 from vector<1xi32>
        %broadcast_in_dim3A_553 = vector.broadcast %squeeze3A_552 : i32 to vector<16xi32>
        %add3A_554 = arith.constant 0 : i32
        %add3A_555 = vector.broadcast %add3A_554 : i32 to vector<16xi32>
        %add3A_556 = arith.addi %iota3A, %add3A_555 : vector<16xi32>
        %gather3A_557 = tpu.vector_load_idx %arg9[%add3A_556, %broadcast_in_dim3A_553] : memref<64x512xf32, #tpu.memory_space<vmem>>[vector<16xi32>, vector<16xi32>], vector<16xf32>,
        %swap3A_558 = arith.constant 9 : i32
        %swap3A_559 = arith.index_cast %swap3A_558 : i32 to index
        %swap3A_560 = arith.constant 0 : index
        %swap3A_561 = tpu.vector_load %arg10[%swap3A_559, %swap3A_560] {strides = array<i32>} : memref<16x128xf32, #tpu.memory_space<vmem>>, vector<16xf32>,
        tpu.vector_store %arg10[%swap3A_559, %swap3A_560], %gather3A_557 {strides = array<i32>} : memref<16x128xf32, #tpu.memory_space<vmem>>, vector<16xf32>,
        %add3A_562 = arith.constant 16 : i32
        %add3A_563 = vector.broadcast %add3A_562 : i32 to vector<16xi32>
        %add3A_564 = arith.addi %iota3A, %add3A_563 : vector<16xi32>
        %gather3A_565 = tpu.vector_load_idx %arg9[%add3A_564, %broadcast_in_dim3A_553] : memref<64x512xf32, #tpu.memory_space<vmem>>[vector<16xi32>, vector<16xi32>], vector<16xf32>,
        %swap3A_566 = arith.constant 9 : i32
        %swap3A_567 = arith.index_cast %swap3A_566 : i32 to index
        %swap3A_568 = arith.constant 16 : index
        %swap3A_569 = tpu.vector_load %arg10[%swap3A_567, %swap3A_568] {strides = array<i32>} : memref<16x128xf32, #tpu.memory_space<vmem>>, vector<16xf32>,
        tpu.vector_store %arg10[%swap3A_567, %swap3A_568], %gather3A_565 {strides = array<i32>} : memref<16x128xf32, #tpu.memory_space<vmem>>, vector<16xf32>,
        %add3A_570 = arith.constant 32 : i32
        %add3A_571 = vector.broadcast %add3A_570 : i32 to vector<16xi32>
        %add3A_572 = arith.addi %iota3A, %add3A_571 : vector<16xi32>
        %gather3A_573 = tpu.vector_load_idx %arg9[%add3A_572, %broadcast_in_dim3A_553] : memref<64x512xf32, #tpu.memory_space<vmem>>[vector<16xi32>, vector<16xi32>], vector<16xf32>,
        %swap3A_574 = arith.constant 9 : i32
        %swap3A_575 = arith.index_cast %swap3A_574 : i32 to index
        %swap3A_576 = arith.constant 32 : index
        %swap3A_577 = tpu.vector_load %arg10[%swap3A_575, %swap3A_576] {strides = array<i32>} : memref<16x128xf32, #tpu.memory_space<vmem>>, vector<16xf32>,
        tpu.vector_store %arg10[%swap3A_575, %swap3A_576], %gather3A_573 {strides = array<i32>} : memref<16x128xf32, #tpu.memory_space<vmem>>, vector<16xf32>,
        %add3A_578 = arith.constant 48 : i32
        %add3A_579 = vector.broadcast %add3A_578 : i32 to vector<16xi32>
        %add3A_580 = arith.addi %iota3A, %add3A_579 : vector<16xi32>
        %gather3A_581 = tpu.vector_load_idx %arg9[%add3A_580, %broadcast_in_dim3A_553] : memref<64x512xf32, #tpu.memory_space<vmem>>[vector<16xi32>, vector<16xi32>], vector<16xf32>,
        %swap3A_582 = arith.constant 9 : i32
        %swap3A_583 = arith.index_cast %swap3A_582 : i32 to index
        %swap3A_584 = arith.constant 48 : index
        %swap3A_585 = tpu.vector_load %arg10[%swap3A_583, %swap3A_584] {strides = array<i32>} : memref<16x128xf32, #tpu.memory_space<vmem>>, vector<16xf32>,
        tpu.vector_store %arg10[%swap3A_583, %swap3A_584], %gather3A_581 {strides = array<i32>} : memref<16x128xf32, #tpu.memory_space<vmem>>, vector<16xf32>,
        %slice3A_586 = vector.extract_strided_slice %min3A_231 {offsets = [10], sizes = [1], strides = [1]} : vector<16xi32> to vector<1xi32>
        %squeeze3A_587 = vector.extract %slice3A_586[0] : i32 from vector<1xi32>
        %broadcast_in_dim3A_588 = vector.broadcast %squeeze3A_587 : i32 to vector<16xi32>
        %add3A_589 = arith.constant 0 : i32
        %add3A_590 = vector.broadcast %add3A_589 : i32 to vector<16xi32>
        %add3A_591 = arith.addi %iota3A, %add3A_590 : vector<16xi32>
        %gather3A_592 = tpu.vector_load_idx %arg9[%add3A_591, %broadcast_in_dim3A_588] : memref<64x512xf32, #tpu.memory_space<vmem>>[vector<16xi32>, vector<16xi32>], vector<16xf32>,
        %swap3A_593 = arith.constant 10 : i32
        %swap3A_594 = arith.index_cast %swap3A_593 : i32 to index
        %swap3A_595 = arith.constant 0 : index
        %swap3A_596 = tpu.vector_load %arg10[%swap3A_594, %swap3A_595] {strides = array<i32>} : memref<16x128xf32, #tpu.memory_space<vmem>>, vector<16xf32>,
        tpu.vector_store %arg10[%swap3A_594, %swap3A_595], %gather3A_592 {strides = array<i32>} : memref<16x128xf32, #tpu.memory_space<vmem>>, vector<16xf32>,
        %add3A_597 = arith.constant 16 : i32
        %add3A_598 = vector.broadcast %add3A_597 : i32 to vector<16xi32>
        %add3A_599 = arith.addi %iota3A, %add3A_598 : vector<16xi32>
        %gather3A_600 = tpu.vector_load_idx %arg9[%add3A_599, %broadcast_in_dim3A_588] : memref<64x512xf32, #tpu.memory_space<vmem>>[vector<16xi32>, vector<16xi32>], vector<16xf32>,
        %swap3A_601 = arith.constant 10 : i32
        %swap3A_602 = arith.index_cast %swap3A_601 : i32 to index
        %swap3A_603 = arith.constant 16 : index
        %swap3A_604 = tpu.vector_load %arg10[%swap3A_602, %swap3A_603] {strides = array<i32>} : memref<16x128xf32, #tpu.memory_space<vmem>>, vector<16xf32>,
        tpu.vector_store %arg10[%swap3A_602, %swap3A_603], %gather3A_600 {strides = array<i32>} : memref<16x128xf32, #tpu.memory_space<vmem>>, vector<16xf32>,
        %add3A_605 = arith.constant 32 : i32
        %add3A_606 = vector.broadcast %add3A_605 : i32 to vector<16xi32>
        %add3A_607 = arith.addi %iota3A, %add3A_606 : vector<16xi32>
        %gather3A_608 = tpu.vector_load_idx %arg9[%add3A_607, %broadcast_in_dim3A_588] : memref<64x512xf32, #tpu.memory_space<vmem>>[vector<16xi32>, vector<16xi32>], vector<16xf32>,
        %swap3A_609 = arith.constant 10 : i32
        %swap3A_610 = arith.index_cast %swap3A_609 : i32 to index
        %swap3A_611 = arith.constant 32 : index
        %swap3A_612 = tpu.vector_load %arg10[%swap3A_610, %swap3A_611] {strides = array<i32>} : memref<16x128xf32, #tpu.memory_space<vmem>>, vector<16xf32>,
        tpu.vector_store %arg10[%swap3A_610, %swap3A_611], %gather3A_608 {strides = array<i32>} : memref<16x128xf32, #tpu.memory_space<vmem>>, vector<16xf32>,
        %add3A_613 = arith.constant 48 : i32
        %add3A_614 = vector.broadcast %add3A_613 : i32 to vector<16xi32>
        %add3A_615 = arith.addi %iota3A, %add3A_614 : vector<16xi32>
        %gather3A_616 = tpu.vector_load_idx %arg9[%add3A_615, %broadcast_in_dim3A_588] : memref<64x512xf32, #tpu.memory_space<vmem>>[vector<16xi32>, vector<16xi32>], vector<16xf32>,
        %swap3A_617 = arith.constant 10 : i32
        %swap3A_618 = arith.index_cast %swap3A_617 : i32 to index
        %swap3A_619 = arith.constant 48 : index
        %swap3A_620 = tpu.vector_load %arg10[%swap3A_618, %swap3A_619] {strides = array<i32>} : memref<16x128xf32, #tpu.memory_space<vmem>>, vector<16xf32>,
        tpu.vector_store %arg10[%swap3A_618, %swap3A_619], %gather3A_616 {strides = array<i32>} : memref<16x128xf32, #tpu.memory_space<vmem>>, vector<16xf32>,
        %slice3A_621 = vector.extract_strided_slice %min3A_231 {offsets = [11], sizes = [1], strides = [1]} : vector<16xi32> to vector<1xi32>
        %squeeze3A_622 = vector.extract %slice3A_621[0] : i32 from vector<1xi32>
        %broadcast_in_dim3A_623 = vector.broadcast %squeeze3A_622 : i32 to vector<16xi32>
        %add3A_624 = arith.constant 0 : i32
        %add3A_625 = vector.broadcast %add3A_624 : i32 to vector<16xi32>
        %add3A_626 = arith.addi %iota3A, %add3A_625 : vector<16xi32>
        %gather3A_627 = tpu.vector_load_idx %arg9[%add3A_626, %broadcast_in_dim3A_623] : memref<64x512xf32, #tpu.memory_space<vmem>>[vector<16xi32>, vector<16xi32>], vector<16xf32>,
        %swap3A_628 = arith.constant 11 : i32
        %swap3A_629 = arith.index_cast %swap3A_628 : i32 to index
        %swap3A_630 = arith.constant 0 : index
        %swap3A_631 = tpu.vector_load %arg10[%swap3A_629, %swap3A_630] {strides = array<i32>} : memref<16x128xf32, #tpu.memory_space<vmem>>, vector<16xf32>,
        tpu.vector_store %arg10[%swap3A_629, %swap3A_630], %gather3A_627 {strides = array<i32>} : memref<16x128xf32, #tpu.memory_space<vmem>>, vector<16xf32>,
        %add3A_632 = arith.constant 16 : i32
        %add3A_633 = vector.broadcast %add3A_632 : i32 to vector<16xi32>
        %add3A_634 = arith.addi %iota3A, %add3A_633 : vector<16xi32>
        %gather3A_635 = tpu.vector_load_idx %arg9[%add3A_634, %broadcast_in_dim3A_623] : memref<64x512xf32, #tpu.memory_space<vmem>>[vector<16xi32>, vector<16xi32>], vector<16xf32>,
        %swap3A_636 = arith.constant 11 : i32
        %swap3A_637 = arith.index_cast %swap3A_636 : i32 to index
        %swap3A_638 = arith.constant 16 : index
        %swap3A_639 = tpu.vector_load %arg10[%swap3A_637, %swap3A_638] {strides = array<i32>} : memref<16x128xf32, #tpu.memory_space<vmem>>, vector<16xf32>,
        tpu.vector_store %arg10[%swap3A_637, %swap3A_638], %gather3A_635 {strides = array<i32>} : memref<16x128xf32, #tpu.memory_space<vmem>>, vector<16xf32>,
        %add3A_640 = arith.constant 32 : i32
        %add3A_641 = vector.broadcast %add3A_640 : i32 to vector<16xi32>
        %add3A_642 = arith.addi %iota3A, %add3A_641 : vector<16xi32>
        %gather3A_643 = tpu.vector_load_idx %arg9[%add3A_642, %broadcast_in_dim3A_623] : memref<64x512xf32, #tpu.memory_space<vmem>>[vector<16xi32>, vector<16xi32>], vector<16xf32>,
        %swap3A_644 = arith.constant 11 : i32
        %swap3A_645 = arith.index_cast %swap3A_644 : i32 to index
        %swap3A_646 = arith.constant 32 : index
        %swap3A_647 = tpu.vector_load %arg10[%swap3A_645, %swap3A_646] {strides = array<i32>} : memref<16x128xf32, #tpu.memory_space<vmem>>, vector<16xf32>,
        tpu.vector_store %arg10[%swap3A_645, %swap3A_646], %gather3A_643 {strides = array<i32>} : memref<16x128xf32, #tpu.memory_space<vmem>>, vector<16xf32>,
        %add3A_648 = arith.constant 48 : i32
        %add3A_649 = vector.broadcast %add3A_648 : i32 to vector<16xi32>
        %add3A_650 = arith.addi %iota3A, %add3A_649 : vector<16xi32>
        %gather3A_651 = tpu.vector_load_idx %arg9[%add3A_650, %broadcast_in_dim3A_623] : memref<64x512xf32, #tpu.memory_space<vmem>>[vector<16xi32>, vector<16xi32>], vector<16xf32>,
        %swap3A_652 = arith.constant 11 : i32
        %swap3A_653 = arith.index_cast %swap3A_652 : i32 to index
        %swap3A_654 = arith.constant 48 : index
        %swap3A_655 = tpu.vector_load %arg10[%swap3A_653, %swap3A_654] {strides = array<i32>} : memref<16x128xf32, #tpu.memory_space<vmem>>, vector<16xf32>,
        tpu.vector_store %arg10[%swap3A_653, %swap3A_654], %gather3A_651 {strides = array<i32>} : memref<16x128xf32, #tpu.memory_space<vmem>>, vector<16xf32>,
        %slice3A_656 = vector.extract_strided_slice %min3A_231 {offsets = [12], sizes = [1], strides = [1]} : vector<16xi32> to vector<1xi32>
        %squeeze3A_657 = vector.extract %slice3A_656[0] : i32 from vector<1xi32>
        %broadcast_in_dim3A_658 = vector.broadcast %squeeze3A_657 : i32 to vector<16xi32>
        %add3A_659 = arith.constant 0 : i32
        %add3A_660 = vector.broadcast %add3A_659 : i32 to vector<16xi32>
        %add3A_661 = arith.addi %iota3A, %add3A_660 : vector<16xi32>
        %gather3A_662 = tpu.vector_load_idx %arg9[%add3A_661, %broadcast_in_dim3A_658] : memref<64x512xf32, #tpu.memory_space<vmem>>[vector<16xi32>, vector<16xi32>], vector<16xf32>,
        %swap3A_663 = arith.constant 12 : i32
        %swap3A_664 = arith.index_cast %swap3A_663 : i32 to index
        %swap3A_665 = arith.constant 0 : index
        %swap3A_666 = tpu.vector_load %arg10[%swap3A_664, %swap3A_665] {strides = array<i32>} : memref<16x128xf32, #tpu.memory_space<vmem>>, vector<16xf32>,
        tpu.vector_store %arg10[%swap3A_664, %swap3A_665], %gather3A_662 {strides = array<i32>} : memref<16x128xf32, #tpu.memory_space<vmem>>, vector<16xf32>,
        %add3A_667 = arith.constant 16 : i32
        %add3A_668 = vector.broadcast %add3A_667 : i32 to vector<16xi32>
        %add3A_669 = arith.addi %iota3A, %add3A_668 : vector<16xi32>
        %gather3A_670 = tpu.vector_load_idx %arg9[%add3A_669, %broadcast_in_dim3A_658] : memref<64x512xf32, #tpu.memory_space<vmem>>[vector<16xi32>, vector<16xi32>], vector<16xf32>,
        %swap3A_671 = arith.constant 12 : i32
        %swap3A_672 = arith.index_cast %swap3A_671 : i32 to index
        %swap3A_673 = arith.constant 16 : index
        %swap3A_674 = tpu.vector_load %arg10[%swap3A_672, %swap3A_673] {strides = array<i32>} : memref<16x128xf32, #tpu.memory_space<vmem>>, vector<16xf32>,
        tpu.vector_store %arg10[%swap3A_672, %swap3A_673], %gather3A_670 {strides = array<i32>} : memref<16x128xf32, #tpu.memory_space<vmem>>, vector<16xf32>,
        %add3A_675 = arith.constant 32 : i32
        %add3A_676 = vector.broadcast %add3A_675 : i32 to vector<16xi32>
        %add3A_677 = arith.addi %iota3A, %add3A_676 : vector<16xi32>
        %gather3A_678 = tpu.vector_load_idx %arg9[%add3A_677, %broadcast_in_dim3A_658] : memref<64x512xf32, #tpu.memory_space<vmem>>[vector<16xi32>, vector<16xi32>], vector<16xf32>,
        %swap3A_679 = arith.constant 12 : i32
        %swap3A_680 = arith.index_cast %swap3A_679 : i32 to index
        %swap3A_681 = arith.constant 32 : index
        %swap3A_682 = tpu.vector_load %arg10[%swap3A_680, %swap3A_681] {strides = array<i32>} : memref<16x128xf32, #tpu.memory_space<vmem>>, vector<16xf32>,
        tpu.vector_store %arg10[%swap3A_680, %swap3A_681], %gather3A_678 {strides = array<i32>} : memref<16x128xf32, #tpu.memory_space<vmem>>, vector<16xf32>,
        %add3A_683 = arith.constant 48 : i32
        %add3A_684 = vector.broadcast %add3A_683 : i32 to vector<16xi32>
        %add3A_685 = arith.addi %iota3A, %add3A_684 : vector<16xi32>
        %gather3A_686 = tpu.vector_load_idx %arg9[%add3A_685, %broadcast_in_dim3A_658] : memref<64x512xf32, #tpu.memory_space<vmem>>[vector<16xi32>, vector<16xi32>], vector<16xf32>,
        %swap3A_687 = arith.constant 12 : i32
        %swap3A_688 = arith.index_cast %swap3A_687 : i32 to index
        %swap3A_689 = arith.constant 48 : index
        %swap3A_690 = tpu.vector_load %arg10[%swap3A_688, %swap3A_689] {strides = array<i32>} : memref<16x128xf32, #tpu.memory_space<vmem>>, vector<16xf32>,
        tpu.vector_store %arg10[%swap3A_688, %swap3A_689], %gather3A_686 {strides = array<i32>} : memref<16x128xf32, #tpu.memory_space<vmem>>, vector<16xf32>,
        %slice3A_691 = vector.extract_strided_slice %min3A_231 {offsets = [13], sizes = [1], strides = [1]} : vector<16xi32> to vector<1xi32>
        %squeeze3A_692 = vector.extract %slice3A_691[0] : i32 from vector<1xi32>
        %broadcast_in_dim3A_693 = vector.broadcast %squeeze3A_692 : i32 to vector<16xi32>
        %add3A_694 = arith.constant 0 : i32
        %add3A_695 = vector.broadcast %add3A_694 : i32 to vector<16xi32>
        %add3A_696 = arith.addi %iota3A, %add3A_695 : vector<16xi32>
        %gather3A_697 = tpu.vector_load_idx %arg9[%add3A_696, %broadcast_in_dim3A_693] : memref<64x512xf32, #tpu.memory_space<vmem>>[vector<16xi32>, vector<16xi32>], vector<16xf32>,
        %swap3A_698 = arith.constant 13 : i32
        %swap3A_699 = arith.index_cast %swap3A_698 : i32 to index
        %swap3A_700 = arith.constant 0 : index
        %swap3A_701 = tpu.vector_load %arg10[%swap3A_699, %swap3A_700] {strides = array<i32>} : memref<16x128xf32, #tpu.memory_space<vmem>>, vector<16xf32>,
        tpu.vector_store %arg10[%swap3A_699, %swap3A_700], %gather3A_697 {strides = array<i32>} : memref<16x128xf32, #tpu.memory_space<vmem>>, vector<16xf32>,
        %add3A_702 = arith.constant 16 : i32
        %add3A_703 = vector.broadcast %add3A_702 : i32 to vector<16xi32>
        %add3A_704 = arith.addi %iota3A, %add3A_703 : vector<16xi32>
        %gather3A_705 = tpu.vector_load_idx %arg9[%add3A_704, %broadcast_in_dim3A_693] : memref<64x512xf32, #tpu.memory_space<vmem>>[vector<16xi32>, vector<16xi32>], vector<16xf32>,
        %swap3A_706 = arith.constant 13 : i32
        %swap3A_707 = arith.index_cast %swap3A_706 : i32 to index
        %swap3A_708 = arith.constant 16 : index
        %swap3A_709 = tpu.vector_load %arg10[%swap3A_707, %swap3A_708] {strides = array<i32>} : memref<16x128xf32, #tpu.memory_space<vmem>>, vector<16xf32>,
        tpu.vector_store %arg10[%swap3A_707, %swap3A_708], %gather3A_705 {strides = array<i32>} : memref<16x128xf32, #tpu.memory_space<vmem>>, vector<16xf32>,
        %add3A_710 = arith.constant 32 : i32
        %add3A_711 = vector.broadcast %add3A_710 : i32 to vector<16xi32>
        %add3A_712 = arith.addi %iota3A, %add3A_711 : vector<16xi32>
        %gather3A_713 = tpu.vector_load_idx %arg9[%add3A_712, %broadcast_in_dim3A_693] : memref<64x512xf32, #tpu.memory_space<vmem>>[vector<16xi32>, vector<16xi32>], vector<16xf32>,
        %swap3A_714 = arith.constant 13 : i32
        %swap3A_715 = arith.index_cast %swap3A_714 : i32 to index
        %swap3A_716 = arith.constant 32 : index
        %swap3A_717 = tpu.vector_load %arg10[%swap3A_715, %swap3A_716] {strides = array<i32>} : memref<16x128xf32, #tpu.memory_space<vmem>>, vector<16xf32>,
        tpu.vector_store %arg10[%swap3A_715, %swap3A_716], %gather3A_713 {strides = array<i32>} : memref<16x128xf32, #tpu.memory_space<vmem>>, vector<16xf32>,
        %add3A_718 = arith.constant 48 : i32
        %add3A_719 = vector.broadcast %add3A_718 : i32 to vector<16xi32>
        %add3A_720 = arith.addi %iota3A, %add3A_719 : vector<16xi32>
        %gather3A_721 = tpu.vector_load_idx %arg9[%add3A_720, %broadcast_in_dim3A_693] : memref<64x512xf32, #tpu.memory_space<vmem>>[vector<16xi32>, vector<16xi32>], vector<16xf32>,
        %swap3A_722 = arith.constant 13 : i32
        %swap3A_723 = arith.index_cast %swap3A_722 : i32 to index
        %swap3A_724 = arith.constant 48 : index
        %swap3A_725 = tpu.vector_load %arg10[%swap3A_723, %swap3A_724] {strides = array<i32>} : memref<16x128xf32, #tpu.memory_space<vmem>>, vector<16xf32>,
        tpu.vector_store %arg10[%swap3A_723, %swap3A_724], %gather3A_721 {strides = array<i32>} : memref<16x128xf32, #tpu.memory_space<vmem>>, vector<16xf32>,
        %slice3A_726 = vector.extract_strided_slice %min3A_231 {offsets = [14], sizes = [1], strides = [1]} : vector<16xi32> to vector<1xi32>
        %squeeze3A_727 = vector.extract %slice3A_726[0] : i32 from vector<1xi32>
        %broadcast_in_dim3A_728 = vector.broadcast %squeeze3A_727 : i32 to vector<16xi32>
        %add3A_729 = arith.constant 0 : i32
        %add3A_730 = vector.broadcast %add3A_729 : i32 to vector<16xi32>
        %add3A_731 = arith.addi %iota3A, %add3A_730 : vector<16xi32>
        %gather3A_732 = tpu.vector_load_idx %arg9[%add3A_731, %broadcast_in_dim3A_728] : memref<64x512xf32, #tpu.memory_space<vmem>>[vector<16xi32>, vector<16xi32>], vector<16xf32>,
        %swap3A_733 = arith.constant 14 : i32
        %swap3A_734 = arith.index_cast %swap3A_733 : i32 to index
        %swap3A_735 = arith.constant 0 : index
        %swap3A_736 = tpu.vector_load %arg10[%swap3A_734, %swap3A_735] {strides = array<i32>} : memref<16x128xf32, #tpu.memory_space<vmem>>, vector<16xf32>,
        tpu.vector_store %arg10[%swap3A_734, %swap3A_735], %gather3A_732 {strides = array<i32>} : memref<16x128xf32, #tpu.memory_space<vmem>>, vector<16xf32>,
        %add3A_737 = arith.constant 16 : i32
        %add3A_738 = vector.broadcast %add3A_737 : i32 to vector<16xi32>
        %add3A_739 = arith.addi %iota3A, %add3A_738 : vector<16xi32>
        %gather3A_740 = tpu.vector_load_idx %arg9[%add3A_739, %broadcast_in_dim3A_728] : memref<64x512xf32, #tpu.memory_space<vmem>>[vector<16xi32>, vector<16xi32>], vector<16xf32>,
        %swap3A_741 = arith.constant 14 : i32
        %swap3A_742 = arith.index_cast %swap3A_741 : i32 to index
        %swap3A_743 = arith.constant 16 : index
        %swap3A_744 = tpu.vector_load %arg10[%swap3A_742, %swap3A_743] {strides = array<i32>} : memref<16x128xf32, #tpu.memory_space<vmem>>, vector<16xf32>,
        tpu.vector_store %arg10[%swap3A_742, %swap3A_743], %gather3A_740 {strides = array<i32>} : memref<16x128xf32, #tpu.memory_space<vmem>>, vector<16xf32>,
        %add3A_745 = arith.constant 32 : i32
        %add3A_746 = vector.broadcast %add3A_745 : i32 to vector<16xi32>
        %add3A_747 = arith.addi %iota3A, %add3A_746 : vector<16xi32>
        %gather3A_748 = tpu.vector_load_idx %arg9[%add3A_747, %broadcast_in_dim3A_728] : memref<64x512xf32, #tpu.memory_space<vmem>>[vector<16xi32>, vector<16xi32>], vector<16xf32>,
        %swap3A_749 = arith.constant 14 : i32
        %swap3A_750 = arith.index_cast %swap3A_749 : i32 to index
        %swap3A_751 = arith.constant 32 : index
        %swap3A_752 = tpu.vector_load %arg10[%swap3A_750, %swap3A_751] {strides = array<i32>} : memref<16x128xf32, #tpu.memory_space<vmem>>, vector<16xf32>,
        tpu.vector_store %arg10[%swap3A_750, %swap3A_751], %gather3A_748 {strides = array<i32>} : memref<16x128xf32, #tpu.memory_space<vmem>>, vector<16xf32>,
        %add3A_753 = arith.constant 48 : i32
        %add3A_754 = vector.broadcast %add3A_753 : i32 to vector<16xi32>
        %add3A_755 = arith.addi %iota3A, %add3A_754 : vector<16xi32>
        %gather3A_756 = tpu.vector_load_idx %arg9[%add3A_755, %broadcast_in_dim3A_728] : memref<64x512xf32, #tpu.memory_space<vmem>>[vector<16xi32>, vector<16xi32>], vector<16xf32>,
        %swap3A_757 = arith.constant 14 : i32
        %swap3A_758 = arith.index_cast %swap3A_757 : i32 to index
        %swap3A_759 = arith.constant 48 : index
        %swap3A_760 = tpu.vector_load %arg10[%swap3A_758, %swap3A_759] {strides = array<i32>} : memref<16x128xf32, #tpu.memory_space<vmem>>, vector<16xf32>,
        tpu.vector_store %arg10[%swap3A_758, %swap3A_759], %gather3A_756 {strides = array<i32>} : memref<16x128xf32, #tpu.memory_space<vmem>>, vector<16xf32>,
        %slice3A_761 = vector.extract_strided_slice %min3A_231 {offsets = [15], sizes = [1], strides = [1]} : vector<16xi32> to vector<1xi32>
        %squeeze3A_762 = vector.extract %slice3A_761[0] : i32 from vector<1xi32>
        %broadcast_in_dim3A_763 = vector.broadcast %squeeze3A_762 : i32 to vector<16xi32>
        %add3A_764 = arith.constant 0 : i32
        %add3A_765 = vector.broadcast %add3A_764 : i32 to vector<16xi32>
        %add3A_766 = arith.addi %iota3A, %add3A_765 : vector<16xi32>
        %gather3A_767 = tpu.vector_load_idx %arg9[%add3A_766, %broadcast_in_dim3A_763] : memref<64x512xf32, #tpu.memory_space<vmem>>[vector<16xi32>, vector<16xi32>], vector<16xf32>,
        %swap3A_768 = arith.constant 15 : i32
        %swap3A_769 = arith.index_cast %swap3A_768 : i32 to index
        %swap3A_770 = arith.constant 0 : index
        %swap3A_771 = tpu.vector_load %arg10[%swap3A_769, %swap3A_770] {strides = array<i32>} : memref<16x128xf32, #tpu.memory_space<vmem>>, vector<16xf32>,
        tpu.vector_store %arg10[%swap3A_769, %swap3A_770], %gather3A_767 {strides = array<i32>} : memref<16x128xf32, #tpu.memory_space<vmem>>, vector<16xf32>,
        %add3A_772 = arith.constant 16 : i32
        %add3A_773 = vector.broadcast %add3A_772 : i32 to vector<16xi32>
        %add3A_774 = arith.addi %iota3A, %add3A_773 : vector<16xi32>
        %gather3A_775 = tpu.vector_load_idx %arg9[%add3A_774, %broadcast_in_dim3A_763] : memref<64x512xf32, #tpu.memory_space<vmem>>[vector<16xi32>, vector<16xi32>], vector<16xf32>,
        %swap3A_776 = arith.constant 15 : i32
        %swap3A_777 = arith.index_cast %swap3A_776 : i32 to index
        %swap3A_778 = arith.constant 16 : index
        %swap3A_779 = tpu.vector_load %arg10[%swap3A_777, %swap3A_778] {strides = array<i32>} : memref<16x128xf32, #tpu.memory_space<vmem>>, vector<16xf32>,
        tpu.vector_store %arg10[%swap3A_777, %swap3A_778], %gather3A_775 {strides = array<i32>} : memref<16x128xf32, #tpu.memory_space<vmem>>, vector<16xf32>,
        %add3A_780 = arith.constant 32 : i32
        %add3A_781 = vector.broadcast %add3A_780 : i32 to vector<16xi32>
        %add3A_782 = arith.addi %iota3A, %add3A_781 : vector<16xi32>
        %gather3A_783 = tpu.vector_load_idx %arg9[%add3A_782, %broadcast_in_dim3A_763] : memref<64x512xf32, #tpu.memory_space<vmem>>[vector<16xi32>, vector<16xi32>], vector<16xf32>,
        %swap3A_784 = arith.constant 15 : i32
        %swap3A_785 = arith.index_cast %swap3A_784 : i32 to index
        %swap3A_786 = arith.constant 32 : index
        %swap3A_787 = tpu.vector_load %arg10[%swap3A_785, %swap3A_786] {strides = array<i32>} : memref<16x128xf32, #tpu.memory_space<vmem>>, vector<16xf32>,
        tpu.vector_store %arg10[%swap3A_785, %swap3A_786], %gather3A_783 {strides = array<i32>} : memref<16x128xf32, #tpu.memory_space<vmem>>, vector<16xf32>,
        %add3A_788 = arith.constant 48 : i32
        %add3A_789 = vector.broadcast %add3A_788 : i32 to vector<16xi32>
        %add3A_790 = arith.addi %iota3A, %add3A_789 : vector<16xi32>
        %gather3A_791 = tpu.vector_load_idx %arg9[%add3A_790, %broadcast_in_dim3A_763] : memref<64x512xf32, #tpu.memory_space<vmem>>[vector<16xi32>, vector<16xi32>], vector<16xf32>,
        %swap3A_792 = arith.constant 15 : i32
        %swap3A_793 = arith.index_cast %swap3A_792 : i32 to index
        %swap3A_794 = arith.constant 48 : index
        %swap3A_795 = tpu.vector_load %arg10[%swap3A_793, %swap3A_794] {strides = array<i32>} : memref<16x128xf32, #tpu.memory_space<vmem>>, vector<16xf32>,
        tpu.vector_store %arg10[%swap3A_793, %swap3A_794], %gather3A_791 {strides = array<i32>} : memref<16x128xf32, #tpu.memory_space<vmem>>, vector<16xf32>,
        %dma_start3A_796 = arith.constant 0 : i32
        %dma_start3A_797 = arith.constant 0 : i32
        %dma_start3A_798 = tpu.memref_slice %arg11[%dma_start3A_796, %dma_start3A_797] : memref<1x16xi32, #tpu.memory_space<vmem>> -> memref<1x16xi32, #tpu.memory_space<vmem>>
        %dma_start3A_799 = tpu.memref_squeeze %dma_start3A_798 : memref<1x16xi32, #tpu.memory_space<vmem>> -> memref<16xi32, #tpu.memory_space<vmem>>
        %dma_start3A_800 = arith.constant 0 : i32
        %dma_start3A_801 = arith.constant 0 : i32
        %dma_start3A_802 = tpu.memref_slice %arg4[%dma_start3A_800, %dma_start3A_801] : memref<16400x128xf32, #tpu.memory_space<hbm>> -> memref<16400x128xf32, #tpu.memory_space<hbm>>
        tpu.enqueue_indirect_dma source(%arg10 : memref<16x128xf32, #tpu.memory_space<vmem>>) target(%dma_start3A_802 : memref<16400x128xf32, #tpu.memory_space<hbm>>) offsets(%dma_start3A_799 : memref<16xi32, #tpu.memory_space<vmem>>) semaphore(%arg13 : memref<!tpu.dma_semaphore, #tpu.memory_space<semaphore_mem>>)
        %add3A_803 = arith.constant 1 : i32
        %add3A_804 = arith.addi %while3A_216, %add3A_803 : i32
        scf.yield %add3A_804 : i32
      }
      %add3A_208 = arith.constant 2 : i32
      %add3A_209 = arith.addi %add3A_137, %add3A_208 : i32
      %lt3A_210 = arith.constant 62 : i32
      %lt3A_211 = arith.cmpi slt, %add3A_209, %lt3A_210 : i32
      %convert_element_type3A_212 = arith.extui %lt3A_211 : i1 to i32
      %cond3A_213 = arith.constant 0 : i32
      %cond3A_214 = arith.cmpi ne, %convert_element_type3A_212, %cond3A_213 : i32
      scf.if %cond3A_214 {
        %add3A_215 = arith.constant 2 : i32
        %add3A_216 = arith.addi %add3A_137, %add3A_215 : i32
        %mul3A_217 = arith.constant 512 : i32
        %mul3A_218 = arith.muli %add3A_216, %mul3A_217 : i32
        %add3A_219 = arith.addi %mul3A_2, %mul3A_218 : i32
        %min3A_220 = arith.constant 999552 : i32
        %min3A_221 = arith.minsi %add3A_219, %min3A_220 : i32
        %multiple_of3A_222 = tpu.assume_multiple %min3A_221, 128 : i32
        %dma_start3A_223 = arith.constant 0 : i32
        %dma_start3A_224 = tpu.memref_slice %arg3[%dma_start3A_223, %multiple_of3A_222] : memref<64x1000001xf32, #tpu.memory_space<hbm>> -> memref<64x512xf32, #tpu.memory_space<hbm>>
        %dma_start3A_225 = arith.constant 0 : i32
        %dma_start3A_226 = tpu.memref_slice %arg3[%dma_start3A_225, %multiple_of3A_222] : memref<64x1000001xf32, #tpu.memory_space<hbm>> -> memref<64x512xf32, #tpu.memory_space<hbm>>
        tpu.enqueue_dma source(%dma_start3A_226 : memref<64x512xf32, #tpu.memory_space<hbm>>) target(%arg9 : memref<64x512xf32, #tpu.memory_space<vmem>>) target_semaphore(%arg12 : memref<!tpu.dma_semaphore, #tpu.memory_space<semaphore_mem>>)
      } else {
      }
      scf.yield %while3A_207 : i32
    }
    %scan3A_54 = arith.constant 31 : i32
    %gt3A = arith.constant 0 : i32
    %gt3A_55 = arith.cmpi sgt, %scan3A_53, %gt3A : i32
    %convert_element_type3A = arith.extui %gt3A_55 : i1 to i32
    %cond3A = arith.constant 0 : i32
    %cond3A_56 = arith.cmpi ne, %convert_element_type3A, %cond3A : i32
    scf.if %cond3A_56 {
      %dma_wait3A = arith.constant 0 : i32
      %dma_wait3A_57 = arith.constant 0 : i32
      %dma_wait3A_58 = tpu.memref_slice %arg11[%dma_wait3A, %dma_wait3A_57] : memref<1x16xi32, #tpu.memory_space<vmem>> -> memref<1x16xi32, #tpu.memory_space<vmem>>
      %dma_wait3A_59 = tpu.memref_squeeze %dma_wait3A_58 : memref<1x16xi32, #tpu.memory_space<vmem>> -> memref<16xi32, #tpu.memory_space<vmem>>
      %dma_wait3A_60 = arith.constant 0 : i32
      %dma_wait3A_61 = arith.constant 0 : i32
      %dma_wait3A_62 = tpu.memref_slice %arg4[%dma_wait3A_60, %dma_wait3A_61] : memref<16400x128xf32, #tpu.memory_space<hbm>> -> memref<16400x128xf32, #tpu.memory_space<hbm>>
      tpu.wait_indirect_dma semaphore(%arg13 : memref<!tpu.dma_semaphore, #tpu.memory_space<semaphore_mem>>) src(%arg10 : memref<16x128xf32, #tpu.memory_space<vmem>>) dst(%dma_wait3A_62 : memref<16400x128xf32, #tpu.memory_space<hbm>>)
    } else {
    }
    return
  }
}

module attributes {stable_mosaic.version = 14 : i64} {
  func.func @_fnn_body(%arg0: i32, %arg1: memref<2048x128xf32, #tpu.memory_space<vmem>>, %arg2: memref<64x64xf32, #tpu.memory_space<vmem>>, %arg3: memref<1x64xf32, #tpu.memory_space<vmem>>, %arg4: memref<64x64xf32, #tpu.memory_space<vmem>>, %arg5: memref<1x64xf32, #tpu.memory_space<vmem>>, %arg6: memref<2048x64xf32, #tpu.memory_space<vmem>>) attributes {dimension_semantics = [#tpu.dimension_semantics<arbitrary>], iteration_bounds = array<i64: 8>, scalar_prefetch = 0 : i64, scratch_operands = 0 : i64, tpu.core_type = #tpu.core_type<tc>, window_params = [{transform_indices = @transform_0, window_bounds = array<i64: 2048, 128>}, {pipeline_mode = #tpu.pipeline_mode<synchronous>, transform_indices = @transform_1, window_bounds = array<i64: 64, 64>}, {pipeline_mode = #tpu.pipeline_mode<synchronous>, transform_indices = @transform_2, window_bounds = array<i64: 1, 64>}, {pipeline_mode = #tpu.pipeline_mode<synchronous>, transform_indices = @transform_3, window_bounds = array<i64: 64, 64>}, {pipeline_mode = #tpu.pipeline_mode<synchronous>, transform_indices = @transform_4, window_bounds = array<i64: 1, 64>}, {transform_indices = @transform_5, window_bounds = array<i64: 2048, 64>}]} {
    %get3A = arith.constant 0 : index
    %get3A_0 = arith.constant 0 : index
    %get3A_1 = vector.load %arg1[%get3A, %get3A_0] : memref<2048x128xf32, #tpu.memory_space<vmem>>, vector<2048x128xf32>
    %slice3A = vector.extract_strided_slice %get3A_1 {offsets = [0, 0], sizes = [2048, 64], strides = [1, 1]} : vector<2048x128xf32> to vector<2048x64xf32>
    %get3A_2 = arith.constant 0 : index
    %get3A_3 = arith.constant 0 : index
    %get3A_4 = vector.load %arg2[%get3A_2, %get3A_3] : memref<64x64xf32, #tpu.memory_space<vmem>>, vector<64x64xf32>
    %dot_general3A = arith.constant dense<0.000000e+00> : vector<2048x64xf32>
    %dot_general3A_5 = tpu.matmul %slice3A, %get3A_4, %dot_general3A {dimension_numbers = #tpu.dot_dimension_numbers<[1], [0], [0], [1], [0, 0, 1, 1], [], []>, transpose_lhs_hint = false} : vector<2048x64xf32>, vector<64x64xf32>, vector<2048x64xf32> -> vector<2048x64xf32>
    %get3A_6 = arith.constant 0 : index
    %get3A_7 = arith.constant 0 : index
    %get3A_8 = vector.load %arg3[%get3A_6, %get3A_7] : memref<1x64xf32, #tpu.memory_space<vmem>>, vector<1x64xf32>
    %add3A = vector.broadcast %get3A_8 : vector<1x64xf32> to vector<2048x64xf32>
    %add3A_9 = arith.addf %dot_general3A_5, %add3A : vector<2048x64xf32>
    %max3A = arith.constant 0.000000e+00 : f32
    %max3A_10 = vector.broadcast %max3A : f32 to vector<2048x64xf32>
    %max3A_11 = arith.maximumf %add3A_9, %max3A_10 : vector<2048x64xf32>
    %get3A_12 = arith.constant 0 : index
    %get3A_13 = arith.constant 0 : index
    %get3A_14 = vector.load %arg4[%get3A_12, %get3A_13] : memref<64x64xf32, #tpu.memory_space<vmem>>, vector<64x64xf32>
    %dot_general3A_15 = arith.constant dense<0.000000e+00> : vector<2048x64xf32>
    %dot_general3A_16 = tpu.matmul %max3A_11, %get3A_14, %dot_general3A_15 {dimension_numbers = #tpu.dot_dimension_numbers<[1], [0], [0], [1], [0, 0, 1, 1], [], []>, transpose_lhs_hint = false} : vector<2048x64xf32>, vector<64x64xf32>, vector<2048x64xf32> -> vector<2048x64xf32>
    %get3A_17 = arith.constant 0 : index
    %get3A_18 = arith.constant 0 : index
    %get3A_19 = vector.load %arg5[%get3A_17, %get3A_18] : memref<1x64xf32, #tpu.memory_space<vmem>>, vector<1x64xf32>
    %add3A_20 = vector.broadcast %get3A_19 : vector<1x64xf32> to vector<2048x64xf32>
    %add3A_21 = arith.addf %dot_general3A_16, %add3A_20 : vector<2048x64xf32>
    %swap3A = arith.constant 0 : index
    %swap3A_22 = arith.constant 0 : index
    %swap3A_23 = vector.load %arg6[%swap3A, %swap3A_22] : memref<2048x64xf32, #tpu.memory_space<vmem>>, vector<2048x64xf32>
    tpu.vector_store %arg6[%swap3A, %swap3A_22], %add3A_21 {strides = array<i32>} : memref<2048x64xf32, #tpu.memory_space<vmem>>, vector<2048x64xf32>,
    return
  }
  func.func @transform_0(%arg0: i32) -> (i32, i32) {
    %c0_i32 = arith.constant 0 : i32
    %c0_i32_0 = arith.constant 0 : i32
    return %arg0, %c0_i32 : i32, i32
  }
  func.func @transform_1(%arg0: i32) -> (i32, i32) {
    %c0_i32 = arith.constant 0 : i32
    %c0_i32_0 = arith.constant 0 : i32
    %c0_i32_1 = arith.constant 0 : i32
    return %c0_i32, %c0_i32_0 : i32, i32
  }
  func.func @transform_2(%arg0: i32) -> (i32, i32) {
    %c0_i32 = arith.constant 0 : i32
    %c0_i32_0 = arith.constant 0 : i32
    %c0_i32_1 = arith.constant 0 : i32
    return %c0_i32, %c0_i32_0 : i32, i32
  }
  func.func @transform_3(%arg0: i32) -> (i32, i32) {
    %c0_i32 = arith.constant 0 : i32
    %c0_i32_0 = arith.constant 0 : i32
    %c0_i32_1 = arith.constant 0 : i32
    return %c0_i32, %c0_i32_0 : i32, i32
  }
  func.func @transform_4(%arg0: i32) -> (i32, i32) {
    %c0_i32 = arith.constant 0 : i32
    %c0_i32_0 = arith.constant 0 : i32
    %c0_i32_1 = arith.constant 0 : i32
    return %c0_i32, %c0_i32_0 : i32, i32
  }
  func.func @transform_5(%arg0: i32) -> (i32, i32) {
    %c0_i32 = arith.constant 0 : i32
    %c0_i32_0 = arith.constant 0 : i32
    return %arg0, %c0_i32 : i32, i32
  }
}

</mosaic_0001>

<sc_bundles>
// kernel: kernel.4.cloned.1.call-start
scs
__scs_entry_jumppad:
0x0: {  	(pc) =	sbr.rel $0x88, $3  }
0x1: {  	(tag) =	ssettag $0x0;
	lr =	simm.s32 $0x1  }
0x2: {  	[smem:$0x3F9B] =	sst lr;
	_ =	strace $0xD0000000  }
0x3: {  	_ = 	snop  }
0x4: {  	_ = 	snop  }
0x5: {  	_ = 	snop  }
0x6: {  	_ = 	snop  }
0x7: {  	_ = 	snop  }
__scs_overlays_trampoline_lowered:
0x8: {  	[smem:$0x3FAA] =	sst s0  }
0x9: {  	[smem:$0x3FAB] =	sst s1  }
0xa: {  	[smem:$0x3FAC] =	sst s2  }
0xb: {  	[smem:$0x3FAD] =	sst s3  }
0xc: {  	[smem:$0x3FAE] =	sst s4  }
0xd: {  	[smem:$0x3FAF] =	sst s5  }
0xe: {  	[smem:$0x3FB0] =	sst s6  }
0xf: {  	[smem:$0x3FB1] =	sst s7  }
0x10: {  	[smem:$0x3FB2] =	sst s8  }
0x11: {  	[smem:$0x3FB3] =	sst s9;
	s0 =	simm.s32 @!p0 $0x0  }
0x12: {  	s1 =	sld [smem:$0x3F99];
	s0 =	simm.s32 @p0 $0x1  }
0x13: {  	[smem:$0x3FB4] =	sst s0;
	s0 =	simm.s32 @!p1 $0x0  }
0x14: {  	s2 =	sld [smem:$0x3F98];
	s0 =	simm.s32 @p1 $0x1  }
0x15: {  	[smem:$0x3FB5] =	sst s0;
	s0 =	simm.s32 @!p2 $0x0  }
0x16: {  	s3 =	sld [smem:$0x3FDB];
	s0 =	simm.s32 @p2 $0x1  }
0x17: {  	s4 =	simm.s32 $0x1BF5;
	[smem:$0x3FB7] =	sst s0  }
0x18: {  	s0 =	sld [smem:$0x3F9A];
	_ =	swait.ge [sflag:s4], $0x0  }
0x19: {  	s7 =	sld [smem:$0x3F9B]  }
0x1a: {  	s8 =	sadd.s32 $0xFFFFE003, lr  }
0x1b: {  	s9 =	sadd.s32 $0xFFFFFEF7, lr;
	s5 =	simm.s32 $0xFFFFFFFF;
	p2 =	slt.u32 s8, $0xFFFFF086  }
0x1c: {  	p1 =	slt.u32 s9, $0xF7A;
	s5 =	simm.s32 @!p2 $0x0  }
0x1d: {  	s5 =	simm.s32 @p1 $0x1;
	p0 =	seq.s32 s7, s2  }
0x1e: {  	s7 =	smul.u32 @!p0 $0xF7A, s2;
	p2 =	seq.s32 @!p0 s5, $0x0  }
0x1f: {  	s9 =	smul.u32 $0xF7A, s1;
	s8 =	simm.s32 @!p0 $0x1BF5;
	p2 =	por !p2, p0  }
0x20: {  	[sflag:s8] =	ssyncset.s32 @!p0 $0xFFFFF086;
	s6 =	sadd.s32 @!p0 s3, s7;
	s7 =	simm.s32 @!p0 $0x108  }
0x21: {  	s3 =	sadd.s32 s3, s9;
	s6 =	sadd.s32 @!p0 $0x88, s6;
	s7 =	simm.s32 @p2 $0x1082  }
0x22: {  	[simem:s7], [sflag:s8] =	dma.local @!p0 [hbm:s6], $0xF7A  }
0x23: {  	s9 =	sor.u32 $0xD0000000, s2;
	s6 =	simm.s32 $0x108;
	_ =	swait.ge @!p0 [sflag:s8], $0x0  }
0x24: {  	s3 =	sadd.s32 $0x88, s3;
	s6 =	simm.s32 @!p1 $0x1082;
	[sflag:s4] =	ssyncset.s32 $0xFFFFF086  }
0x25: {  	[simem:s6], [sflag:s4] =	dma.local [hbm:s3], $0xF7A  }
0x26: {  	[smem:$0x3F9B] =	sst s1;
	(tag) =	ssettag s2;
	_ =	strace s9  }
0x27: {  	s1 =	sld [smem:$0x3FAB]  }
0x28: {  	s2 =	sld [smem:$0x3FAC]  }
0x29: {  	s4 =	sld [smem:$0x3FAE]  }
0x2a: {  	p0 =	seq.s32 s5, $0x0;
	s5 =	sld [smem:$0x3FAF]  }
0x2b: {  	s6 =	sld [smem:$0x3FB0]  }
0x2c: {  	s7 =	sld [smem:$0x3FB1]  }
0x2d: {  	s3 =	simm.s32 $0x108;
	s8 =	sld [smem:$0x3FB2]  }
0x2e: {  	s3 =	simm.s32 @!p0 $0x1082;
	s9 =	sld [smem:$0x3FB3]  }
0x2f: {  	lr =	sadd.s32 s0, s3;
	s0 =	sld [smem:$0x3FAA]  }
0x30: {  	s3 =	sld [smem:$0x3FAD]  }
0x31: {  	[smem:$0x3FB6] =	sst s10  }
0x32: {  	s10 =	sld [smem:$0x3FB4];
	_ =	sdelay $0x3  }
0x33: {  	p0 =	seq.s32 s10, $0x1;
	s10 =	sld [smem:$0x3FB6];
	_ =	sdelay $0x3  }
0x34: {  	[smem:$0x3FB6] =	sst s10  }
0x35: {  	s10 =	sld [smem:$0x3FB5];
	_ =	sdelay $0x3  }
0x36: {  	p1 =	seq.s32 s10, $0x1;
	s10 =	sld [smem:$0x3FB6];
	_ =	sdelay $0x3  }
0x37: {  	[smem:$0x3FB6] =	sst s10  }
0x38: {  	s10 =	sld [smem:$0x3FB7]  }
0x39: {  	_ = 	snop;
	(pc) =	sbr.ind lr, $3  }
0x3a: {  	_ = 	snop  }
0x3b: {  	_ = 	snop  }
0x3c: {  	p2 =	seq.s32 s10, $0x1;
	s10 =	sld [smem:$0x3FB6]  }
0x3d: {  	_ =	shalt  }
0x3e: {  	_ =	shalt  }
0x3f: {  	_ =	shalt  }
0x40: {  	_ =	shalt  }
0x41: {  	_ =	shalt  }
0x42: {  	_ =	shalt  }
0x43: {  	_ =	shalt  }
0x44: {  	_ =	shalt  }
0x45: {  	_ =	shalt  }
0x46: {  	_ =	shalt  }
0x47: {  	_ =	shalt  }
0x48: {  	_ =	shalt  }
0x49: {  	_ =	shalt  }
0x4a: {  	_ =	shalt  }
0x4b: {  	_ =	shalt  }
0x4c: {  	_ =	shalt  }
0x4d: {  	_ =	shalt  }
0x4e: {  	_ =	shalt  }
0x4f: {  	_ =	shalt  }
0x50: {  	_ =	shalt  }
0x51: {  	_ =	shalt  }
0x52: {  	_ =	shalt  }
0x53: {  	_ =	shalt  }
0x54: {  	_ =	shalt  }
0x55: {  	_ =	shalt  }
0x56: {  	_ =	shalt  }
0x57: {  	_ =	shalt  }
0x58: {  	_ =	shalt  }
0x59: {  	_ =	shalt  }
0x5a: {  	_ =	shalt  }
0x5b: {  	_ =	shalt  }
0x5c: {  	_ =	shalt  }
0x5d: {  	_ =	shalt  }
0x5e: {  	_ =	shalt  }
0x5f: {  	_ =	shalt  }
0x60: {  	_ =	shalt  }
0x61: {  	_ =	shalt  }
0x62: {  	_ =	shalt  }
0x63: {  	_ =	shalt  }
0x64: {  	_ =	shalt  }
0x65: {  	_ =	shalt  }
0x66: {  	_ =	shalt  }
0x67: {  	_ =	shalt  }
0x68: {  	_ =	shalt  }
0x69: {  	_ =	shalt  }
0x6a: {  	_ =	shalt  }
0x6b: {  	_ =	shalt  }
0x6c: {  	_ =	shalt  }
0x6d: {  	_ =	shalt  }
0x6e: {  	_ =	shalt  }
0x6f: {  	_ =	shalt  }
0x70: {  	_ =	shalt  }
0x71: {  	_ =	shalt  }
0x72: {  	_ =	shalt  }
0x73: {  	_ =	shalt  }
0x74: {  	_ =	shalt  }
0x75: {  	_ =	shalt  }
0x76: {  	_ =	shalt  }
0x77: {  	_ =	shalt  }
0x78: {  	_ =	shalt  }
0x79: {  	_ =	shalt  }
0x7a: {  	_ =	shalt  }
0x7b: {  	_ =	shalt  }
0x7c: {  	_ =	shalt  }
0x7d: {  	_ =	shalt  }
0x7e: {  	_ =	shalt  }
0x7f: {  	_ =	shalt  }
0x80: {  	_ =	shalt  }
0x81: {  	_ =	shalt  }
0x82: {  	_ =	shalt  }
0x83: {  	_ =	shalt  }
0x84: {  	_ =	shalt  }
0x85: {  	_ =	shalt  }
0x86: {  	_ =	shalt  }
0x87: {  	_ =	shalt  }
.Lfunc_end0:
.L_simem_size_0:
called_computation_lowered:
.L_overlay_start_0:
0x88: {  	s2 =	sld [smem:$0x3FD9]  }
0x89: {  	s3 =	sld [smem:$0x3FFE];
	_ =	sdelay $0x1  }
0x8a: {  	s1 =	srdreg.scid  }
0x8b: {  	s0 =	sand.u32 $0x1, s1  }
0x8c: {  	s17 =	sshll.u32 s0, $0xA;
	s2 =	sadd.s32 s3, s2  }
0x8d: {  	s2 =	sadd.s32 s2, s17  }
0x8e: {  	[smem:$0x3FC2] =	sst s2  }
0x8f: {  	_ = 	snop  }
0x90: {  	s2 =	sld [smem:$0x3FC9]  }
0x91: {  	s18 =	sld [smem:$0x3FC8];
	(tm) =	ssettm $0x1  }
0x92: {  	s4 =	sld [smem:$0x3FFB];
	_ =	sdelay $0x3  }
0x93: {  	_ =	strace s4  }
0x94: {  	s4 =	sld [smem:$0x3FFC];
	_ =	sdelay $0x3  }
0x95: {  	_ =	strace s4  }
0x96: {  	s4 =	sld [smem:$0x3FFD];
	_ =	sdelay $0x3  }
0x97: {  	_ =	strace s4  }
0x98: {  	_ =	strace $0x8FFFFFFF  }
0x99: {  	s19 =	sld [smem:$0x3FDB];
	_ =	sdelay $0x1  }
0x9a: {  	s5 =	simm.s32 $_scs_section_size  }
0x9b: {  	s6 =	simm.s32 $_size__tile_overlayer_lowered;
	s7 =	simm.s32 $_tile_overlayer_lowered  }
0x9c: {  	s22 =	simm.s32 $0x1BFF;
	s21 =	sshll.u32 s7, $0x1;
	s4 =	sadd.s32 s5, s19  }
0x9d: {  	s8 =	simm.s32 $0x0;
	s20 =	sshll.u32 s6, $0x1;
	s6 =	sadd.s32 s21, s4  }
0x9e: {  	[timem:s8], [sflag:s22] =	dma.local [hbm:s6], s20  }
0x9f: {  	_ =	swait.ge [sflag:s22], s20  }
0xa0: {  	s5 =	ssub.s32 $0x0, s20;
	[sflag:s22] =	ssyncset.done $0x0  }
0xa1: {  	[sflag:s22] =	ssyncadd.s32 s5;
	_ =	sdelay $0x1  }
0xa2: {  	s23 =	simm.s32 $0x1B8B  }
0xa3: {  	_ =	swait.ge [sflag:s23], $0x1  }
0xa4: {  	[sflag:s23] =	ssyncset.done $0x0  }
0xa5: {  	s25 =	simm.s32 $0x1B8E;
	s24 =	sld [smem:$0x3FFE];
	[sflag:s23] =	ssyncadd.s32 $0xFFFFFFFF  }
0xa6: {  	s26 =	simm.s32 $execute0_lowered;
	[smem:$0x3FD2] =	sst s25  }
0xa7: {  	s6 =	sshll.u32 s26, $0x1;
	_ =	strace $0x80000046;
	[dreg:$0x1] =	wrdreg $0xFFFFFFFF  }
0xa8: {  	s28 =	simm.s32 $_size_execute0_lowered;
	s4 =	sadd.s32 s4, s6;
	[dreg:$0x0] =	wrdreg $0x0  }
0xa9: {  	s6 =	sshll.u32 s28, $0x1;
	[dreg:$0x2] =	wrdreg s4  }
0xaa: {  	[dreg:$0x3] =	wrdreg s6  }
0xab: {  	[dreg:$0x4] =	wrdreg $0xC0  }
0xac: {  	_ =	task [dreg:s8], $0x5FFFF  }
0xad: {  	[dreg:$0x1] =	wrdreg $0xFFFFFFFF  }
0xae: {  	[dreg:$0x0] =	wrdreg $0x60  }
0xaf: {  	[dreg:$0x2] =	wrdreg s2  }
0xb0: {  	[dreg:$0x3] =	wrdreg s18  }
0xb1: {  	[dreg:$0x4] =	wrdreg s24  }
0xb2: {  	[dreg:$0x5] =	wrdreg $0x9  }
0xb3: {  	_ =	task.clear_ibuf [dreg:s8], $0x6FFFF;
	_ =	strace $0x90000046  }
0xb4: {  	s29 =	simm.s32 $0x9;
	_ =	strace $0x80000048  }
0xb5: {  	_ =	swait.ge [sflag:s29], $0x1  }
0xb6: {  	[sflag:s29] =	ssyncadd.s32 $0xFFFFFFFF  }
0xb7: {  	_ =	strace $0x90000048  }
0xb8: {  	_ =	sfence  }
0xb9: {  	s30 =	sld [smem:$0x0];
	_ =	sdelay $0x2  }
0xba: {  	s31 =	sshll.u32 s1, $0xD;
	s1 =	sshrl.u32 s1, $0x2  }
0xbb: {  	s3 =	sand.u32 $0x4000, s31;
	s1 =	sadd.s32 s1, s30  }
0xbc: {  	s0 =	sor.u32 s3, s0;
	s1 =	sshll.u32 s1, $0x11  }
0xbd: {  	s0 =	sor.u32 s1, s0  }
0xbe: {  	s0 =	sadd.s32 $0x8F2B, s0  }
0xbf: {  	[sflag:s0] =	ssyncadd.remote.s32 $0x1  }
0xc0: {  	_ =	sfence.sel $0xFFFF  }
0xc1: {  	[dreg:$0x0] =	wrdreg $0xFFFFFFFF;
	(pc) =	sbr.abs _section_cstart, $3  }
0xc2: {  	[dreg:$0x1] =	wrdreg $0xFFFFFFFF  }
0xc3: {  	_ =	task.clear_ibuf [dreg:s8], $0x2FFFF;
	_ =	strace $0x9FFFFFFF  }
0xc4: {  	(tm) =	ssettm $0x7FFFFFFF  }
0xc5: {  	_ =	shalt  }
tec
execute0_lowered:
.L_overlay_start_1:
0x0: {  	(tag) =	ssettag $0x1  }
0x1: {  	v0 =	vimm.s32 $0x1380;
	vm14 =	vcmask $0x300  }
0x2: {  	vm13 =	vcmask $0x704;
	vm12 =	vcmask $0xB08;
	vm11 =	vcmask $0xF0C  }
0x3: {  	vm10 =	vcmask $0x1310;
	vm9 =	vcmask $0x1714;
	vm8 =	vcmask $0x1B18  }
0x4: {  	vm7 =	vcmask $0x1F1C;
	vm6 =	vcmask $0x2320;
	vm5 =	vcmask $0x2724  }
0x5: {  	vm4 =	vcmask $0x2B28;
	vm3 =	vcmask $0x2F2C;
	vm2 =	vcmask $0x3330  }
0x6: {  	vm0 =	vcmask $0x3734;
	vm1 =	vcmask $0x3B38;
	v5 =	vimm.s32 $0x3380  }
0x7: {  	v6 =	vimm.s32 $0x5380;
	v7 =	vimm.s32 $0x7380;
	v0 =	vsel vm14, $0x0, v0  }
0x8: {  	v5 =	vsel vm14, $0x2000, v5;
	v6 =	vsel vm14, $0x4000, v6;
	v7 =	vsel vm14, $0x6000, v7  }
0x9: {  	v0 =	vsel vm13, $0x80, v0;
	v5 =	vsel vm13, $0x2080, v5;
	v6 =	vsel vm13, $0x4080, v6  }
0xa: {  	v7 =	vsel vm13, $0x6080, v7;
	v0 =	vsel vm12, $0x100, v0;
	v5 =	vsel vm12, $0x2100, v5  }
0xb: {  	v6 =	vsel vm12, $0x4100, v6;
	v7 =	vsel vm12, $0x6100, v7;
	v0 =	vsel vm11, $0x180, v0  }
0xc: {  	v5 =	vsel vm11, $0x2180, v5;
	v6 =	vsel vm11, $0x4180, v6;
	v7 =	vsel vm11, $0x6180, v7  }
0xd: {  	v0 =	vsel vm10, $0x200, v0;
	v5 =	vsel vm10, $0x2200, v5;
	v6 =	vsel vm10, $0x4200, v6  }
0xe: {  	v7 =	vsel vm10, $0x6200, v7;
	v0 =	vsel vm9, $0x280, v0;
	v5 =	vsel vm9, $0x2280, v5  }
0xf: {  	v6 =	vsel vm9, $0x4280, v6;
	v7 =	vsel vm9, $0x6280, v7;
	v0 =	vsel vm8, $0x300, v0  }
0x10: {  	v5 =	vsel vm8, $0x2300, v5;
	v6 =	vsel vm8, $0x4300, v6;
	v7 =	vsel vm8, $0x6300, v7  }
0x11: {  	s0 =	srdreg.scid;
	s1 =	stileid.u32;
	v0 =	vsel vm7, $0x380, v0;
	v5 =	vsel vm7, $0x2380, v5;
	v6 =	vsel vm7, $0x4380, v6  }
0x12: {  	s3 =	rddreg [dreg:$0x1];
	s0 =	sand.u32 $0x1, s0;
	s1 =	sshll.u32 s1, $0x1;
	v7 =	vsel vm7, $0x6380, v7;
	v0 =	vsel vm6, $0x1000, v0;
	v5 =	vsel vm6, $0x3000, v5  }
0x13: {  	s4 =	rddreg [dreg:$0x2];
	s1 =	sor.u32 s0, s1;
	v6 =	vsel vm6, $0x5000, v6;
	v7 =	vsel vm6, $0x7000, v7;
	v0 =	vsel vm5, $0x1080, v0  }
0x14: {  	s5 =	simm.s32 $0x0;
	s12 =	simm.s32 $0x3;
	s1 =	smul.u32 $0x7A80, s1;
	v5 =	vsel vm5, $0x3080, v5;
	v6 =	vsel vm5, $0x5080, v6;
	v7 =	vsel vm5, $0x7080, v7  }
0x15: {  	s13 =	simm.s32 $0x1;
	s14 =	simm.s32 $0x1000;
	s15 =	simm.s32 $0x7A1400;
	v0 =	vsel vm4, $0x1100, v0;
	v5 =	vsel vm4, $0x3100, v5;
	v6 =	vsel vm4, $0x5100, v6  }
0x16: {  	s16 =	simm.s32 $0xC100;
	s17 =	simm.s32 $0x14100;
	s18 =	simm.s32 $0x10;
	v7 =	vsel vm4, $0x7100, v7;
	v1 =	vsel vm3, $0x1180, v0;
	v0 =	vmov s1  }
0x17: {  	s19 =	simm.s32 $0x1C900;
	s20 =	simm.s32 $0x1C100;
	s21 =	simm.s32 $0x0;
	v5 =	vsel vm3, $0x3180, v5;
	v6 =	vsel vm3, $0x5180, v6;
	v7 =	vsel vm3, $0x7180, v7  }
.Ltmp0:
0x18: {  	s0 =	ssub.s32 $0x2, s0;
	s2 =	smin.u32 s1, $0xEC7C1;
	v2 =	vsel vm2, $0x1200, v1;
	v1 =	vlaneseq.u32;
	v5 =	vsel vm2, $0x3200, v5;
	(pc) =	sbr.rel .LBB2_1-.Ltmp0, $4  }
0x19: {  	[smem:$0x7FF] =	sst s5;
	s31 =	sshrl.u32 s0, $0x1;
	s2 =	sadd.s32 $0x7A80, s2;
	v6 =	vsel vm2, $0x5200, v6;
	v7 =	vsel vm2, $0x7200, v7;
	v4 =	vsel vm0, $0x1280, v2  }
0x1a: {  	s6 =	sadd.s32 $0xE00, s4;
	s0 =	ssub.s32 s0, s31;
	s7 =	sadd.s32 s3, s1;
	v2 =	vmov s2;
	v3 =	vor.u32 $0x4000, v1;
	v5 =	vsel vm0, $0x3280, v5  }
0x1b: {  	s9 =	sadd.s32 $0x400, s1;
	s10 =	sadd.s32 $0x600, s1;
	s11 =	smax.u32 s0, $0x1;
	v6 =	vsel vm0, $0x5280, v6;
	v7 =	vsel vm0, $0x7280, v7;
	v4 =	vsel vm1, $0x1300, v4  }
0x1c: {  	s8 =	sadd.s32 $0x200, s7;
	s2 =	rddreg [dreg:$0x0];
	_ =	strace $0x80000047;
	v5 =	vsel vm1, $0x3300, v5;
	v6 =	vsel vm1, $0x5300, v6;
	v7 =	vsel vm1, $0x7300, v7  }
.LBB2_27:
0x1d: {  	s21 =	sadd.s32 $0x1, s21  }
0x1e: {  	p1 =	sne.s32 s21, s11  }
.Ltmp1:
0x1f: {  	p0 =	slt.s32 s4, $0x1;
	(pc) =	sbr.rel @!p1 .LBB2_28-.Ltmp1, $4  }
0x20: {  	s0 =	simm.s32 @!p0 $0x2  }
0x21: {  	_ =	swait.ge @!p0 [sflag:s0], $0x800  }
0x22: {  	[sflag:s0] =	ssyncset.done @!p0 $0x0  }
0x23: {  	[sflag:s0] =	ssyncadd.s32 @!p0 $0xFFFFF800  }
.LBB2_1:
0x24: {  	[tilespmem:s5], [sflag:$0x3] =	stream.linear.gather [hbm4b:s2+s5], $0x4000, $0x38;
	[tilespmem:$0x1C980] =	vst v63  }
0x25: {  	_ =	swait.ge [sflag:s12], $0x4000  }
0x26: {  	[sflag:s12] =	ssyncset.done $0x0  }
0x27: {  	s23 =	simm.s32 $0x10;
	[sflag:s12] =	ssyncadd.s32 $0xFFFFC000  }
0x28: {  	s22 =	simm.s32 $0x0;
	s4 =	simm.s32 $0x0;
	s24 =	simm.s32 $0x0;
	v8 =	vld [tilespmem:s5+$0x0]  }
.LBB2_2:
0x29: {  	p0 =	sne.s32 s23, $0x3FF0;
	_ =	sdelay $0x3  }
0x2a: {  	v9 =	vsub.s32 v8, v0  }
0x2b: {  	v9 =	vshll.u32 v9, $0xF  }
0x2c: {  	v9 =	vadd.s32 s22, v9;
	s22 =	smov.u32 s23  }
0x2d: {  	vm0 =	vge.s32 v8, v0;
	vm1 =	vlt.s32 v8, v2;
	v8 =	vadd.s32 v1, v9  }
0x2e: {  	vm0 =	vmand vm0, vm1;
	v9 =	vxor.u32 $0x80000000, v8  }
0x2f: {  	v10 =	vmpcnt.ones.xlane vm0;
	v9 =	vnsel vm0, $0xFFFFFFFF, v9  }
0x30: {  	(xrf1) =	vsort.ascd.msk.u32 $0xffff, v9, v8  }
0x31: {  	(v2sf) =	vpush v10, $0x0;
	_ =	sdelay $0xb  }
.Ltmp2:
0x32: {  	(pc) =	sbr.rel @p0 .LBB2_2-.Ltmp2, $4  }
0x33: {  	v8, _, _ =	vpop (xrf1)  }
0x34: {  	v8 =	vxor.u32 $0x80000000, v8  }
0x35: {  	s24 =	sadd.s32 $0x10, s24;
	[tilespmem:s4+$0x4000] =	vst v8;
	s0 =	spop (v2sf)  }
0x36: {  	s23 =	sadd.s32 $0x10, s23;
	v8 =	vld [tilespmem:s24+$0x0];
	s4 =	sadd.s32 s4, s0  }
0x37: {  	_ =	sdelay $0x3  }
0x38: {  	vm0 =	vge.s32 v8, v0;
	vm1 =	vlt.s32 v8, v2  }
0x39: {  	v8 =	vsub.s32 v8, v0;
	vm0 =	vmand vm0, vm1  }
0x3a: {  	v8 =	vshll.u32 v8, $0xF;
	v9 =	vmpcnt.ones.xlane vm0  }
0x3b: {  	v8 =	vadd.s32 s22, v8  }
0x3c: {  	v8 =	vadd.s32 v1, v8;
	(v2sf) =	vpush v9, $0x0  }
0x3d: {  	v9 =	vxor.u32 $0x80000000, v8  }
0x3e: {  	v9 =	vnsel vm0, $0xFFFFFFFF, v9  }
0x3f: {  	(xrf1) =	vsort.ascd.msk.u32 $0xffff, v9, v8;
	_ =	sdelay $0xb  }
0x40: {  	s0 =	spop (v2sf)  }
0x41: {  	s0 =	sadd.s32 s4, s0  }
0x42: {  	v8, _, _ =	vpop (xrf1);
	s29 =	sadd.s32 $0xF, s0  }
0x43: {  	v8 =	vxor.u32 $0x80000000, v8;
	s23 =	sand.u32 $0xF, s29  }
0x44: {  	s30 =	sshra.s32 s29, $0x1F;
	p1 =	slt.s32 s29, $0x1;
	[tilespmem:s4+$0x4000] =	vst v8;
	p0 =	sne.s32 s23, $0x0  }
0x45: {  	[tilespmem:s16], [sflag:$0x1] =	stream.strided.gather [hbm4b:s7+s14], $0x8000, s15, s14, $0x38;
	[tilespmem:$0x1C980] =	vst v63  }
0x46: {  	s23 =	sshrl.u32 s30, $0x1C;
	p0 =	por !p1, !p0  }
0x47: {  	s22 =	simm.s32 $0x1;
	s31 =	sadd.s32 s23, s29;
	p0 =	por !p0, !p0  }
0x48: {  	[tilespmem:s17], [sflag:$0x1] =	stream.strided.gather [hbm4b:s8+s14], $0x8000, s15, s14, $0x38;
	[tilespmem:$0x1C980] =	vst v63  }
0x49: {  	s4 =	sshra.s32 s31, $0x4;
	s22 =	simm.s32 @!p0 $0x0  }
0x4a: {  	s22 =	ssub.s32 s4, s22  }
0x4b: {  	s24 =	simm.s32 $0x0;
	v8 =	vmov s0;
	s4 =	simm.s32 $0x0;
	p0 =	slt.s32 s22, $0x1  }
.LBB2_4:
.Ltmp3:
0x4c: {  	(pc) =	sbr.rel @p0 .LBB2_11-.Ltmp3, $4  }
0x4d: {  	_ = 	snop  }
0x4e: {  	_ =	swait.ge [sflag:s13], $0x8000  }
0x4f: {  	s25 =	sshll.u32 s24, $0xA;
	[sflag:s13] =	ssyncset.done $0x0  }
0x50: {  	s0 =	simm.s32 $0x0;
	s26 =	sor.u32 $0x200, s25;
	[sflag:s13] =	ssyncadd.s32 $0xFFFF8000  }
0x51: {  	p2 =	sne.s32 s22, $0x1  }
.Ltmp4:
0x52: {  	s0 =	sadd.s32 s1, s25;
	(pc) =	sbr.rel @!p2 .LBB2_6-.Ltmp4, $4  }
0x53: {  	s0 =	smin.u32 s0, $0xF4080  }
0x54: {  	s0 =	ssub.s32 s1, s0  }
0x55: {  	s28 =	simm.s32 $0x4000;
	s0 =	sshll.u32 s0, $0xF  }
0x56: {  	v9 =	vmov s25;
	v11 =	vmov s26;
	s23 =	simm.s32 $0x0;
	p1 =	por $0x0, $0x0;
	v10 =	vmov s0;
	s0 =	sadd.s32 $0xFFFFFFFF, s22  }
0x57: {  	v12 =	vld [tilespmem:s28+$0x0];
	_ =	sdelay $0x4  }
0x58: {  	v14 =	vor.u32 s23, v1;
	v13 =	vshra.s32 v12, $0xF  }
0x59: {  	vm0 =	vlt.s32 v14, v8;
	vm1 =	vlt.s32 v13, v11  }
0x5a: {  	v12 =	vadd.s32 v10, v12;
	vm2 =	vge.s32 v13, v9;
	vm0 =	vmand vm1, vm0  }
0x5b: {  	v62 =	vxor.u32 $0x80000000, v12;
	vm0 =	vmand vm0, vm2  }
0x5c: {  	v63 =	vmpcnt.ones.xlane vm0;
	v13 =	vnsel vm0, $0xFFFFFFFF, v62  }
0x5d: {  	(xrf1) =	vsort.ascd.msk.u32 $0xffff, v13, v12  }
0x5e: {  	(v2sf) =	vpush v63, $0x0;
	_ =	sdelay $0x9  }
0x5f: {  	p2 =	sne.s32 s0, $0x1  }
.Ltmp5:
0x60: {  	_ = 	snop;
	(pc) =	sbr.rel @!p2 .LBB2_8-.Ltmp5, $4  }
0x61: {  	_ = 	snop  }
0x62: {  	v12, _, _ =	vpop (xrf1)  }
0x63: {  	s31 =	sadd.s32 $0xFFFFFFFF, s0;
	s28 =	simm.s32 $0x4010;
	p1 =	por $0x1, $0x1;
	v12 =	vxor.u32 $0x80000000, v12  }
0x64: {  	s29 =	simm.s32 $0x0;
	s30 =	simm.s32 $0x0;
	s0 =	spop (v2sf);
	[tilespmem:s23+$0x8080] =	vst v12  }
.LBB2_9:
0x65: {  	p2 =	sne.s32 s31, $0x1;
	v12 =	vld [tilespmem:s28+$0x0];
	s29 =	sadd.s32 s29, s0;
	_ =	sdelay $0x3  }
0x66: {  	s30 =	sadd.s32 $0x10, s30  }
0x67: {  	v14 =	vor.u32 s30, v1;
	v13 =	vshra.s32 v12, $0xF  }
0x68: {  	vm0 =	vlt.s32 v14, v8;
	vm1 =	vlt.s32 v13, v11  }
0x69: {  	v12 =	vadd.s32 v10, v12;
	vm2 =	vge.s32 v13, v9;
	vm0 =	vmand vm1, vm0  }
0x6a: {  	v13 =	vxor.u32 $0x80000000, v12;
	vm0 =	vmand vm0, vm2  }
0x6b: {  	v13 =	vnsel vm0, $0xFFFFFFFF, v13;
	v14 =	vmpcnt.ones.xlane vm0  }
0x6c: {  	(xrf1) =	vsort.ascd.msk.u32 $0xffff, v13, v12  }
0x6d: {  	(v2sf) =	vpush v14, $0x0;
	_ =	sdelay $0xa  }
.Ltmp6:
0x6e: {  	(pc) =	sbr.rel @p2 .LBB2_9-.Ltmp6, $4  }
0x6f: {  	_ = 	snop  }
0x70: {  	v12, _, _ =	vpop (xrf1)  }
0x71: {  	v12 =	vxor.u32 $0x80000000, v12  }
0x72: {  	s31 =	sadd.s32 $0xFFFFFFFF, s31;
	s28 =	sadd.s32 $0x10, s28;
	[tilespmem:s29+$0x8080] =	vst v12;
	s0 =	spop (v2sf)  }
.LBB2_10:
0x73: {  	v12 =	vld [tilespmem:s28+$0x0];
	_ =	sdelay $0x2  }
0x74: {  	s28 =	sadd.s32 @p1 $0x10, s30;
	s30 =	simm.s32 $0x0  }
0x75: {  	s30 =	smov.u32 @p1 s28  }
0x76: {  	v14 =	vor.u32 s30, v1;
	v13 =	vshra.s32 v12, $0xF  }
0x77: {  	vm0 =	vlt.s32 v14, v8;
	vm1 =	vlt.s32 v13, v11  }
0x78: {  	vm2 =	vge.s32 v13, v9;
	vm0 =	vmand vm1, vm0  }
0x79: {  	v9 =	vadd.s32 v10, v12;
	vm0 =	vmand vm0, vm2  }
0x7a: {  	v10 =	vxor.u32 $0x80000000, v9;
	v11 =	vmpcnt.ones.xlane vm0  }
0x7b: {  	v10 =	vnsel vm0, $0xFFFFFFFF, v10  }
0x7c: {  	(xrf1) =	vsort.ascd.msk.u32 $0xffff, v10, v9;
	(v2sf) =	vpush v11, $0x0;
	_ =	sdelay $0xd  }
0x7d: {  	s0 =	sadd.s32 @p1 s29, s0;
	v9, _, _ =	vpop (xrf1)  }
0x7e: {  	s23 =	smov.u32 @p1 s0;
	v9 =	vxor.u32 $0x80000000, v9;
	s31 =	spop (v2sf)  }
0x7f: {  	[tilespmem:s23+$0x8080] =	vst v9;
	s0 =	sadd.s32 s23, s31  }
.LBB2_11:
0x80: {  	s23 =	sadd.s32 $0xF, s0  }
0x81: {  	s28 =	sand.u32 $0xF, s23  }
0x82: {  	s29 =	sshra.s32 s23, $0x1F;
	p1 =	slt.s32 s23, $0x1;
	p2 =	sne.s32 s28, $0x0  }
0x83: {  	s28 =	sshrl.u32 s29, $0x1C;
	p1 =	por !p1, !p2  }
0x84: {  	s29 =	simm.s32 $0x1;
	s23 =	sadd.s32 s28, s23;
	p1 =	por !p1, !p1  }
0x85: {  	s28 =	sshra.s32 s23, $0x4;
	s29 =	simm.s32 @!p1 $0x0  }
0x86: {  	s29 =	ssub.s32 s28, s29  }
0x87: {  	p2 =	slt.s32 s29, $0x1  }
.Ltmp7:
0x88: {  	_ = 	snop;
	(pc) =	sbr.rel @p2 .LBB2_15-.Ltmp7, $2  }
0x89: {  	_ =	sdelay $0x2  }
0x8a: {  	[tilespmem:s0+$0x8080] =	vst v3  }
0x8b: {  	s30 =	simm.s32 $0xFFFFFFFF  }
0x8c: {  	s31 =	simm.s32 $0x8080;
	s23 =	smov.u32 s4;
	s30 =	simm.s32 @!p1 $0x0  }
.LBB2_13:
0x8d: {  	p1 =	slt.s32 s23, $0x1  }
0x8e: {  	s0 =	simm.s32 @!p1 $0x2  }
0x8f: {  	_ =	swait.ge @!p1 [sflag:s0], $0x800  }
0x90: {  	[sflag:s0] =	ssyncset.done @!p1 $0x0  }
0x91: {  	[sflag:s0] =	ssyncadd.s32 @!p1 $0xFFFFF800  }
0x92: {  	v10 =	vld [tilespmem:s31+$0x0];
	_ =	sdelay $0x4  }
0x93: {  	v9 =	vshra.s32 v10, $0xF  }
0x94: {  	vm0 =	vgt.s32 v9, $0x0  }
0x95: {  	v9 =	vnsel vm0, $0x0, v9  }
0x96: {  	v9 =	vmin.u32 v9, $0x1FF  }
0x97: {  	v11 =	vbroadcast v9, $0x0;
	_ =	sdelay $0x1  }
0x98: {  	v12 =	vshll.u32 v11, $0x3  }
0x99: {  	v11 =	vand.u32 $0x7F, v11;
	v12 =	vand.u32 $0xC00, v12  }
0x9a: {  	v11 =	vor.u32 v11, v12  }
0x9b: {  	v12 =	vor.u32 v4, v11;
	_ =	sdelay $0x2  }
0x9c: {  	v10 =	vand.u32 $0x7FFF, v10  }
0x9d: {  	[tilespmem:$0x1C900] =	vst v10  }
0x9e: {  	v10 =	vld.idx.msk [tilespmem:v12+s16+$0x0], $0xffff  }
0x9f: {  	v40 =	vor.u32 v5, v11;
	_ =	sdelay $0x3  }
0xa0: {  	[tilespmem:$0x1C100] =	vst v10  }
0xa1: {  	v10 =	vld.idx.msk [tilespmem:v40+s16+$0x0], $0xffff  }
0xa2: {  	v41 =	vor.u32 v6, v11;
	_ =	sdelay $0x3  }
0xa3: {  	[tilespmem:$0x1C110] =	vst v10  }
0xa4: {  	v10 =	vld.idx.msk [tilespmem:v41+s16+$0x0], $0xffff  }
0xa5: {  	v11 =	vor.u32 v7, v11  }
0xa6: {  	v42 =	vbroadcast v9, $0x1;
	_ =	sdelay $0x1  }
0xa7: {  	v13 =	vshll.u32 v42, $0x3  }
0xa8: {  	v43 =	vand.u32 $0xC00, v13;
	[tilespmem:$0x1C120] =	vst v10;
	v10 =	vand.u32 $0x7F, v42  }
0xa9: {  	v11 =	vld.idx.msk [tilespmem:v11+s16+$0x0], $0xffff;
	v10 =	vor.u32 v10, v43  }
0xaa: {  	v12 =	vor.u32 v4, v10;
	_ =	sdelay $0x3  }
0xab: {  	[tilespmem:$0x1C130] =	vst v11  }
0xac: {  	v11 =	vld.idx.msk [tilespmem:v12+s16+$0x0], $0xffff  }
0xad: {  	v44 =	vor.u32 v5, v10;
	_ =	sdelay $0x3  }
0xae: {  	[tilespmem:$0x1C180] =	vst v11  }
0xaf: {  	v11 =	vld.idx.msk [tilespmem:v44+s16+$0x0], $0xffff  }
0xb0: {  	v45 =	vor.u32 v6, v10;
	_ =	sdelay $0x3  }
0xb1: {  	[tilespmem:$0x1C190] =	vst v11  }
0xb2: {  	v11 =	vld.idx.msk [tilespmem:v45+s16+$0x0], $0xffff  }
0xb3: {  	v10 =	vor.u32 v7, v10  }
0xb4: {  	v46 =	vbroadcast v9, $0x2;
	_ =	sdelay $0x1  }
0xb5: {  	v47 =	vshll.u32 v46, $0x3  }
0xb6: {  	v48 =	vand.u32 $0xC00, v47;
	[tilespmem:$0x1C1A0] =	vst v11;
	v11 =	vand.u32 $0x7F, v46  }
0xb7: {  	v10 =	vld.idx.msk [tilespmem:v10+s16+$0x0], $0xffff;
	v11 =	vor.u32 v11, v48  }
0xb8: {  	v12 =	vor.u32 v4, v11;
	_ =	sdelay $0x3  }
0xb9: {  	[tilespmem:$0x1C1B0] =	vst v10  }
0xba: {  	v10 =	vld.idx.msk [tilespmem:v12+s16+$0x0], $0xffff  }
0xbb: {  	v49 =	vor.u32 v5, v11;
	_ =	sdelay $0x3  }
0xbc: {  	[tilespmem:$0x1C200] =	vst v10  }
0xbd: {  	v10 =	vld.idx.msk [tilespmem:v49+s16+$0x0], $0xffff  }
0xbe: {  	v50 =	vor.u32 v6, v11;
	_ =	sdelay $0x3  }
0xbf: {  	[tilespmem:$0x1C210] =	vst v10  }
0xc0: {  	v10 =	vld.idx.msk [tilespmem:v50+s16+$0x0], $0xffff  }
0xc1: {  	v11 =	vor.u32 v7, v11  }
0xc2: {  	v51 =	vbroadcast v9, $0x3;
	_ =	sdelay $0x1  }
0xc3: {  	v52 =	vshll.u32 v51, $0x3  }
0xc4: {  	v53 =	vand.u32 $0xC00, v52;
	[tilespmem:$0x1C220] =	vst v10;
	v10 =	vand.u32 $0x7F, v51  }
0xc5: {  	v11 =	vld.idx.msk [tilespmem:v11+s16+$0x0], $0xffff;
	v10 =	vor.u32 v10, v53  }
0xc6: {  	v12 =	vor.u32 v4, v10;
	_ =	sdelay $0x3  }
0xc7: {  	[tilespmem:$0x1C230] =	vst v11  }
0xc8: {  	v11 =	vld.idx.msk [tilespmem:v12+s16+$0x0], $0xffff  }
0xc9: {  	v54 =	vor.u32 v5, v10;
	_ =	sdelay $0x3  }
0xca: {  	[tilespmem:$0x1C280] =	vst v11  }
0xcb: {  	v11 =	vld.idx.msk [tilespmem:v54+s16+$0x0], $0xffff  }
0xcc: {  	v55 =	vor.u32 v6, v10;
	_ =	sdelay $0x3  }
0xcd: {  	[tilespmem:$0x1C290] =	vst v11  }
0xce: {  	v11 =	vld.idx.msk [tilespmem:v55+s16+$0x0], $0xffff  }
0xcf: {  	v10 =	vor.u32 v7, v10  }
0xd0: {  	v56 =	vbroadcast v9, $0x4;
	_ =	sdelay $0x1  }
0xd1: {  	v57 =	vshll.u32 v56, $0x3  }
0xd2: {  	v58 =	vand.u32 $0xC00, v57;
	[tilespmem:$0x1C2A0] =	vst v11;
	v11 =	vand.u32 $0x7F, v56  }
0xd3: {  	v10 =	vld.idx.msk [tilespmem:v10+s16+$0x0], $0xffff;
	v11 =	vor.u32 v11, v58  }
0xd4: {  	v12 =	vor.u32 v4, v11;
	_ =	sdelay $0x3  }
0xd5: {  	[tilespmem:$0x1C2B0] =	vst v10  }
0xd6: {  	v10 =	vld.idx.msk [tilespmem:v12+s16+$0x0], $0xffff  }
0xd7: {  	v59 =	vor.u32 v5, v11;
	_ =	sdelay $0x3  }
0xd8: {  	[tilespmem:$0x1C300] =	vst v10  }
0xd9: {  	v10 =	vld.idx.msk [tilespmem:v59+s16+$0x0], $0xffff  }
0xda: {  	v60 =	vor.u32 v6, v11;
	_ =	sdelay $0x3  }
0xdb: {  	[tilespmem:$0x1C310] =	vst v10  }
0xdc: {  	v10 =	vld.idx.msk [tilespmem:v60+s16+$0x0], $0xffff  }
0xdd: {  	v11 =	vor.u32 v7, v11  }
0xde: {  	v61 =	vbroadcast v9, $0x5;
	_ =	sdelay $0x1  }
0xdf: {  	v62 =	vshll.u32 v61, $0x3  }
0xe0: {  	v63 =	vand.u32 $0xC00, v62;
	[tilespmem:$0x1C320] =	vst v10;
	v10 =	vand.u32 $0x7F, v61  }
0xe1: {  	v11 =	vld.idx.msk [tilespmem:v11+s16+$0x0], $0xffff;
	v10 =	vor.u32 v10, v63  }
0xe2: {  	v12 =	vor.u32 v4, v10;
	_ =	sdelay $0x3  }
0xe3: {  	[tilespmem:$0x1C330] =	vst v11  }
0xe4: {  	v11 =	vld.idx.msk [tilespmem:v12+s16+$0x0], $0xffff  }
0xe5: {  	v16 =	vor.u32 v5, v10;
	_ =	sdelay $0x3  }
0xe6: {  	[tilespmem:$0x1C380] =	vst v11  }
0xe7: {  	v11 =	vld.idx.msk [tilespmem:v16+s16+$0x0], $0xffff  }
0xe8: {  	v17 =	vor.u32 v6, v10;
	_ =	sdelay $0x3  }
0xe9: {  	[tilespmem:$0x1C390] =	vst v11  }
0xea: {  	v11 =	vld.idx.msk [tilespmem:v17+s16+$0x0], $0xffff  }
0xeb: {  	v10 =	vor.u32 v7, v10  }
0xec: {  	v18 =	vbroadcast v9, $0x6;
	_ =	sdelay $0x1  }
0xed: {  	v19 =	vshll.u32 v18, $0x3  }
0xee: {  	v20 =	vand.u32 $0xC00, v19;
	[tilespmem:$0x1C3A0] =	vst v11;
	v11 =	vand.u32 $0x7F, v18  }
0xef: {  	v10 =	vld.idx.msk [tilespmem:v10+s16+$0x0], $0xffff;
	v11 =	vor.u32 v11, v20  }
0xf0: {  	v12 =	vor.u32 v4, v11;
	_ =	sdelay $0x3  }
0xf1: {  	[tilespmem:$0x1C3B0] =	vst v10  }
0xf2: {  	v10 =	vld.idx.msk [tilespmem:v12+s16+$0x0], $0xffff  }
0xf3: {  	v21 =	vor.u32 v5, v11;
	_ =	sdelay $0x3  }
0xf4: {  	[tilespmem:$0x1C400] =	vst v10  }
0xf5: {  	v10 =	vld.idx.msk [tilespmem:v21+s16+$0x0], $0xffff  }
0xf6: {  	v22 =	vor.u32 v6, v11;
	_ =	sdelay $0x3  }
0xf7: {  	[tilespmem:$0x1C410] =	vst v10  }
0xf8: {  	v10 =	vld.idx.msk [tilespmem:v22+s16+$0x0], $0xffff  }
0xf9: {  	v11 =	vor.u32 v7, v11  }
0xfa: {  	v23 =	vbroadcast v9, $0x7;
	_ =	sdelay $0x1  }
0xfb: {  	v24 =	vshll.u32 v23, $0x3  }
0xfc: {  	v25 =	vand.u32 $0xC00, v24;
	[tilespmem:$0x1C420] =	vst v10;
	v10 =	vand.u32 $0x7F, v23  }
0xfd: {  	v11 =	vld.idx.msk [tilespmem:v11+s16+$0x0], $0xffff;
	v10 =	vor.u32 v10, v25  }
0xfe: {  	v12 =	vor.u32 v4, v10;
	_ =	sdelay $0x3  }
0xff: {  	[tilespmem:$0x1C430] =	vst v11  }
0x100: {  	v11 =	vld.idx.msk [tilespmem:v12+s16+$0x0], $0xffff  }
0x101: {  	v26 =	vor.u32 v5, v10;
	_ =	sdelay $0x3  }
0x102: {  	[tilespmem:$0x1C480] =	vst v11  }
0x103: {  	v11 =	vld.idx.msk [tilespmem:v26+s16+$0x0], $0xffff  }
0x104: {  	v27 =	vor.u32 v6, v10;
	_ =	sdelay $0x3  }
0x105: {  	[tilespmem:$0x1C490] =	vst v11  }
0x106: {  	v11 =	vld.idx.msk [tilespmem:v27+s16+$0x0], $0xffff  }
0x107: {  	v10 =	vor.u32 v7, v10  }
0x108: {  	v28 =	vbroadcast v9, $0x8;
	_ =	sdelay $0x1  }
0x109: {  	v29 =	vshll.u32 v28, $0x3  }
0x10a: {  	v30 =	vand.u32 $0xC00, v29;
	[tilespmem:$0x1C4A0] =	vst v11;
	v11 =	vand.u32 $0x7F, v28  }
0x10b: {  	v10 =	vld.idx.msk [tilespmem:v10+s16+$0x0], $0xffff;
	v11 =	vor.u32 v11, v30  }
0x10c: {  	v12 =	vor.u32 v4, v11;
	_ =	sdelay $0x3  }
0x10d: {  	[tilespmem:$0x1C4B0] =	vst v10  }
0x10e: {  	v10 =	vld.idx.msk [tilespmem:v12+s16+$0x0], $0xffff  }
0x10f: {  	v31 =	vor.u32 v5, v11;
	_ =	sdelay $0x3  }
0x110: {  	[tilespmem:$0x1C500] =	vst v10  }
0x111: {  	v10 =	vld.idx.msk [tilespmem:v31+s16+$0x0], $0xffff  }
0x112: {  	v32 =	vor.u32 v6, v11;
	_ =	sdelay $0x3  }
0x113: {  	[tilespmem:$0x1C510] =	vst v10  }
0x114: {  	v10 =	vld.idx.msk [tilespmem:v32+s16+$0x0], $0xffff  }
0x115: {  	v11 =	vor.u32 v7, v11  }
0x116: {  	v33 =	vbroadcast v9, $0x9;
	_ =	sdelay $0x1  }
0x117: {  	v34 =	vshll.u32 v33, $0x3  }
0x118: {  	v35 =	vand.u32 $0xC00, v34;
	[tilespmem:$0x1C520] =	vst v10;
	v10 =	vand.u32 $0x7F, v33  }
0x119: {  	v11 =	vld.idx.msk [tilespmem:v11+s16+$0x0], $0xffff;
	v10 =	vor.u32 v10, v35  }
0x11a: {  	v12 =	vor.u32 v4, v10;
	_ =	sdelay $0x3  }
0x11b: {  	[tilespmem:$0x1C530] =	vst v11  }
0x11c: {  	v11 =	vld.idx.msk [tilespmem:v12+s16+$0x0], $0xffff  }
0x11d: {  	v36 =	vor.u32 v5, v10;
	_ =	sdelay $0x3  }
0x11e: {  	[tilespmem:$0x1C580] =	vst v11  }
0x11f: {  	v11 =	vld.idx.msk [tilespmem:v36+s16+$0x0], $0xffff  }
0x120: {  	v37 =	vor.u32 v6, v10;
	_ =	sdelay $0x3  }
0x121: {  	[tilespmem:$0x1C590] =	vst v11  }
0x122: {  	v11 =	vld.idx.msk [tilespmem:v37+s16+$0x0], $0xffff  }
0x123: {  	v10 =	vor.u32 v7, v10  }
0x124: {  	v38 =	vbroadcast v9, $0xA;
	_ =	sdelay $0x1  }
0x125: {  	v39 =	vshll.u32 v38, $0x3  }
0x126: {  	v40 =	vand.u32 $0xC00, v39;
	[tilespmem:$0x1C5A0] =	vst v11;
	v11 =	vand.u32 $0x7F, v38  }
0x127: {  	v10 =	vld.idx.msk [tilespmem:v10+s16+$0x0], $0xffff;
	v11 =	vor.u32 v11, v40  }
0x128: {  	v12 =	vor.u32 v4, v11;
	_ =	sdelay $0x3  }
0x129: {  	[tilespmem:$0x1C5B0] =	vst v10  }
0x12a: {  	v10 =	vld.idx.msk [tilespmem:v12+s16+$0x0], $0xffff  }
0x12b: {  	v41 =	vor.u32 v5, v11;
	_ =	sdelay $0x3  }
0x12c: {  	[tilespmem:$0x1C600] =	vst v10  }
0x12d: {  	v10 =	vld.idx.msk [tilespmem:v41+s16+$0x0], $0xffff  }
0x12e: {  	v42 =	vor.u32 v6, v11;
	_ =	sdelay $0x3  }
0x12f: {  	[tilespmem:$0x1C610] =	vst v10  }
0x130: {  	v10 =	vld.idx.msk [tilespmem:v42+s16+$0x0], $0xffff  }
0x131: {  	v11 =	vor.u32 v7, v11  }
0x132: {  	v43 =	vbroadcast v9, $0xB;
	_ =	sdelay $0x1  }
0x133: {  	v44 =	vshll.u32 v43, $0x3  }
0x134: {  	v45 =	vand.u32 $0xC00, v44;
	[tilespmem:$0x1C620] =	vst v10;
	v10 =	vand.u32 $0x7F, v43  }
0x135: {  	v11 =	vld.idx.msk [tilespmem:v11+s16+$0x0], $0xffff;
	v10 =	vor.u32 v10, v45  }
0x136: {  	v12 =	vor.u32 v4, v10;
	_ =	sdelay $0x3  }
0x137: {  	[tilespmem:$0x1C630] =	vst v11  }
0x138: {  	v11 =	vld.idx.msk [tilespmem:v12+s16+$0x0], $0xffff  }
0x139: {  	v46 =	vor.u32 v5, v10;
	_ =	sdelay $0x3  }
0x13a: {  	[tilespmem:$0x1C680] =	vst v11  }
0x13b: {  	v11 =	vld.idx.msk [tilespmem:v46+s16+$0x0], $0xffff  }
0x13c: {  	v47 =	vor.u32 v6, v10;
	_ =	sdelay $0x3  }
0x13d: {  	[tilespmem:$0x1C690] =	vst v11  }
0x13e: {  	v11 =	vld.idx.msk [tilespmem:v47+s16+$0x0], $0xffff  }
0x13f: {  	v10 =	vor.u32 v7, v10  }
0x140: {  	v48 =	vbroadcast v9, $0xC;
	_ =	sdelay $0x1  }
0x141: {  	v49 =	vshll.u32 v48, $0x3  }
0x142: {  	v50 =	vand.u32 $0xC00, v49;
	[tilespmem:$0x1C6A0] =	vst v11;
	v11 =	vand.u32 $0x7F, v48  }
0x143: {  	v10 =	vld.idx.msk [tilespmem:v10+s16+$0x0], $0xffff;
	v11 =	vor.u32 v11, v50  }
0x144: {  	v12 =	vor.u32 v4, v11;
	_ =	sdelay $0x3  }
0x145: {  	[tilespmem:$0x1C6B0] =	vst v10  }
0x146: {  	v10 =	vld.idx.msk [tilespmem:v12+s16+$0x0], $0xffff  }
0x147: {  	v51 =	vor.u32 v5, v11;
	_ =	sdelay $0x3  }
0x148: {  	[tilespmem:$0x1C700] =	vst v10  }
0x149: {  	v10 =	vld.idx.msk [tilespmem:v51+s16+$0x0], $0xffff  }
0x14a: {  	v52 =	vor.u32 v6, v11;
	_ =	sdelay $0x3  }
0x14b: {  	[tilespmem:$0x1C710] =	vst v10  }
0x14c: {  	v10 =	vld.idx.msk [tilespmem:v52+s16+$0x0], $0xffff  }
0x14d: {  	v11 =	vor.u32 v7, v11  }
0x14e: {  	v53 =	vbroadcast v9, $0xD;
	_ =	sdelay $0x1  }
0x14f: {  	v54 =	vshll.u32 v53, $0x3  }
0x150: {  	v55 =	vand.u32 $0xC00, v54;
	[tilespmem:$0x1C720] =	vst v10;
	v10 =	vand.u32 $0x7F, v53  }
0x151: {  	v11 =	vld.idx.msk [tilespmem:v11+s16+$0x0], $0xffff;
	v10 =	vor.u32 v10, v55  }
0x152: {  	v12 =	vor.u32 v4, v10;
	_ =	sdelay $0x3  }
0x153: {  	[tilespmem:$0x1C730] =	vst v11  }
0x154: {  	v11 =	vld.idx.msk [tilespmem:v12+s16+$0x0], $0xffff  }
0x155: {  	v56 =	vor.u32 v5, v10;
	_ =	sdelay $0x3  }
0x156: {  	[tilespmem:$0x1C780] =	vst v11  }
0x157: {  	v11 =	vld.idx.msk [tilespmem:v56+s16+$0x0], $0xffff  }
0x158: {  	v57 =	vor.u32 v6, v10;
	_ =	sdelay $0x3  }
0x159: {  	[tilespmem:$0x1C790] =	vst v11  }
0x15a: {  	v11 =	vld.idx.msk [tilespmem:v57+s16+$0x0], $0xffff  }
0x15b: {  	v10 =	vor.u32 v7, v10  }
0x15c: {  	v58 =	vbroadcast v9, $0xE;
	_ =	sdelay $0x1  }
0x15d: {  	v59 =	vshll.u32 v58, $0x3  }
0x15e: {  	v60 =	vand.u32 $0xC00, v59;
	[tilespmem:$0x1C7A0] =	vst v11;
	v11 =	vand.u32 $0x7F, v58  }
0x15f: {  	v10 =	vld.idx.msk [tilespmem:v10+s16+$0x0], $0xffff;
	v11 =	vor.u32 v11, v60  }
0x160: {  	v12 =	vor.u32 v4, v11;
	_ =	sdelay $0x3  }
0x161: {  	[tilespmem:$0x1C7B0] =	vst v10  }
0x162: {  	v10 =	vld.idx.msk [tilespmem:v12+s16+$0x0], $0xffff  }
0x163: {  	v61 =	vor.u32 v5, v11;
	_ =	sdelay $0x3  }
0x164: {  	[tilespmem:$0x1C800] =	vst v10  }
0x165: {  	v10 =	vld.idx.msk [tilespmem:v61+s16+$0x0], $0xffff  }
0x166: {  	v62 =	vor.u32 v6, v11;
	_ =	sdelay $0x3  }
0x167: {  	[tilespmem:$0x1C810] =	vst v10  }
0x168: {  	v10 =	vld.idx.msk [tilespmem:v62+s16+$0x0], $0xffff  }
0x169: {  	v11 =	vor.u32 v7, v11  }
0x16a: {  	v9 =	vbroadcast v9, $0xF;
	_ =	sdelay $0x1  }
0x16b: {  	v63 =	vshll.u32 v9, $0x3  }
0x16c: {  	v9 =	vand.u32 $0x7F, v9;
	[tilespmem:$0x1C820] =	vst v10;
	v10 =	vand.u32 $0xC00, v63  }
0x16d: {  	v11 =	vld.idx.msk [tilespmem:v11+s16+$0x0], $0xffff;
	v9 =	vor.u32 v9, v10  }
0x16e: {  	v10 =	vor.u32 v4, v9;
	_ =	sdelay $0x3  }
0x16f: {  	[tilespmem:$0x1C830] =	vst v11  }
0x170: {  	v10 =	vld.idx.msk [tilespmem:v10+s16+$0x0], $0xffff  }
0x171: {  	v11 =	vor.u32 v5, v9;
	_ =	sdelay $0x3  }
0x172: {  	[tilespmem:$0x1C880] =	vst v10  }
0x173: {  	v10 =	vld.idx.msk [tilespmem:v11+s16+$0x0], $0xffff  }
0x174: {  	v11 =	vor.u32 v6, v9;
	_ =	sdelay $0x3  }
0x175: {  	[tilespmem:$0x1C890] =	vst v10  }
0x176: {  	v10 =	vld.idx.msk [tilespmem:v11+s16+$0x0], $0xffff  }
0x177: {  	v9 =	vor.u32 v7, v9;
	_ =	sdelay $0x3  }
0x178: {  	[tilespmem:$0x1C8A0] =	vst v10  }
0x179: {  	s29 =	sadd.s32 $0xFFFFFFFF, s29;
	v9 =	vld.idx.msk [tilespmem:v9+s16+$0x0], $0xffff  }
0x17a: {  	p1 =	sne.s32 s29, $0x0  }
.Ltmp8:
0x17b: {  	_ = 	snop;
	(pc) =	sbr.rel @p1 .LBB2_13-.Ltmp8, $3  }
0x17c: {  	_ =	sdelay $0x1  }
0x17d: {  	s23 =	sadd.s32 $0x1, s23;
	s31 =	sadd.s32 $0x10, s31;
	[tilespmem:$0x1C8B0] =	vst v9  }
0x17e: {  	[hbm4b:s6+s18] =	stream.indirect.scatter [tilespmem:s20], [sflag:$0x2], $0x80, s19, s18, $0xb8;
	[tilespmem:$0x1C980] =	vst v63  }
0x17f: {  	s0 =	sadd.s32 s28, s4  }
0x180: {  	s4 =	sadd.s32 s30, s0  }
.LBB2_15:
0x181: {  	p1 =	seq.s32 s24, $0x1E  }
0x182: {  	s0 =	sadd.s32 @!p1 s25, s9  }
0x183: {  	s23 =	simm.s32 @!p1 $0x1000;
	s28 =	simm.s32 @!p1 $0x7A1400;
	s0 =	smin.u32 @!p1 s0, $0xF4080  }
.Ltmp9:
0x184: {  	s29 =	simm.s32 @!p1 $0xC100;
	s0 =	sadd.s32 @!p1 s3, s0;
	(pc) =	sbr.rel @p0 .LBB2_16-.Ltmp9, $4  }
0x185: {  	[tilespmem:s29], [sflag:$0x1] =	stream.strided.gather @!p1 [hbm4b:s0+s23], $0x8000, s28, s23, $0x38;
	[tilespmem:$0x1C980] =	vst v63  }
0x186: {  	_ =	swait.ge [sflag:s13], $0x8000  }
0x187: {  	[sflag:s13] =	ssyncset.done $0x0  }
0x188: {  	[sflag:s13] =	ssyncadd.s32 $0xFFFF8000  }
0x189: {  	p3 =	sne.s32 s22, $0x1  }
.Ltmp10:
0x18a: {  	s0 =	sadd.s32 s1, s26;
	(pc) =	sbr.rel @!p3 .LBB2_18-.Ltmp10, $4  }
0x18b: {  	s0 =	smin.u32 s0, $0xF4080  }
0x18c: {  	s0 =	ssub.s32 s1, s0  }
0x18d: {  	s23 =	sadd.s32 $0x400, s25;
	s28 =	simm.s32 $0x4000;
	s0 =	sshll.u32 s0, $0xF  }
0x18e: {  	v9 =	vmov s26;
	p2 =	por $0x0, $0x0;
	v11 =	vmov s23;
	s23 =	simm.s32 $0x0;
	v10 =	vmov s0;
	s0 =	sadd.s32 $0xFFFFFFFF, s22  }
0x18f: {  	v12 =	vld [tilespmem:s28+$0x0];
	_ =	sdelay $0x4  }
0x190: {  	v14 =	vor.u32 s23, v1;
	v13 =	vshra.s32 v12, $0xF  }
0x191: {  	vm0 =	vlt.s32 v14, v8;
	vm1 =	vlt.s32 v13, v11  }
0x192: {  	v12 =	vadd.s32 v10, v12;
	vm2 =	vge.s32 v13, v9;
	vm0 =	vmand vm1, vm0  }
0x193: {  	v62 =	vxor.u32 $0x80000000, v12;
	vm0 =	vmand vm0, vm2  }
0x194: {  	v63 =	vmpcnt.ones.xlane vm0;
	v13 =	vnsel vm0, $0xFFFFFFFF, v62  }
0x195: {  	(xrf1) =	vsort.ascd.msk.u32 $0xffff, v13, v12  }
0x196: {  	(v2sf) =	vpush v63, $0x0;
	_ =	sdelay $0x9  }
0x197: {  	p3 =	sne.s32 s0, $0x1  }
.Ltmp11:
0x198: {  	_ = 	snop;
	(pc) =	sbr.rel @!p3 .LBB2_20-.Ltmp11, $4  }
0x199: {  	_ = 	snop  }
0x19a: {  	v12, _, _ =	vpop (xrf1)  }
0x19b: {  	s30 =	sadd.s32 $0xFFFFFFFF, s0;
	s28 =	simm.s32 $0x4010;
	p2 =	por $0x1, $0x1;
	v12 =	vxor.u32 $0x80000000, v12  }
0x19c: {  	s26 =	simm.s32 $0x0;
	s29 =	simm.s32 $0x0;
	s0 =	spop (v2sf);
	[tilespmem:s23+$0x8080] =	vst v12  }
.LBB2_21:
0x19d: {  	p3 =	sne.s32 s30, $0x1;
	v12 =	vld [tilespmem:s28+$0x0];
	s26 =	sadd.s32 s26, s0;
	_ =	sdelay $0x3  }
0x19e: {  	s29 =	sadd.s32 $0x10, s29  }
0x19f: {  	v14 =	vor.u32 s29, v1;
	v13 =	vshra.s32 v12, $0xF  }
0x1a0: {  	vm0 =	vlt.s32 v14, v8;
	vm1 =	vlt.s32 v13, v11  }
0x1a1: {  	v12 =	vadd.s32 v10, v12;
	vm2 =	vge.s32 v13, v9;
	vm0 =	vmand vm1, vm0  }
0x1a2: {  	v13 =	vxor.u32 $0x80000000, v12;
	vm0 =	vmand vm0, vm2  }
0x1a3: {  	v13 =	vnsel vm0, $0xFFFFFFFF, v13;
	v14 =	vmpcnt.ones.xlane vm0  }
0x1a4: {  	(xrf1) =	vsort.ascd.msk.u32 $0xffff, v13, v12  }
0x1a5: {  	(v2sf) =	vpush v14, $0x0;
	_ =	sdelay $0xa  }
.Ltmp12:
0x1a6: {  	(pc) =	sbr.rel @p3 .LBB2_21-.Ltmp12, $4  }
0x1a7: {  	_ = 	snop  }
0x1a8: {  	v12, _, _ =	vpop (xrf1)  }
0x1a9: {  	v12 =	vxor.u32 $0x80000000, v12  }
0x1aa: {  	s30 =	sadd.s32 $0xFFFFFFFF, s30;
	s28 =	sadd.s32 $0x10, s28;
	[tilespmem:s26+$0x8080] =	vst v12;
	s0 =	spop (v2sf)  }
.LBB2_22:
0x1ab: {  	v12 =	vld [tilespmem:s28+$0x0];
	_ =	sdelay $0x2  }
0x1ac: {  	s28 =	sadd.s32 @p2 $0x10, s29;
	s29 =	simm.s32 $0x0  }
0x1ad: {  	s29 =	smov.u32 @p2 s28  }
0x1ae: {  	v14 =	vor.u32 s29, v1;
	v13 =	vshra.s32 v12, $0xF  }
0x1af: {  	vm0 =	vlt.s32 v14, v8;
	vm1 =	vlt.s32 v13, v11  }
0x1b0: {  	vm2 =	vge.s32 v13, v9;
	vm0 =	vmand vm1, vm0  }
0x1b1: {  	v9 =	vadd.s32 v10, v12;
	vm0 =	vmand vm0, vm2  }
0x1b2: {  	v10 =	vxor.u32 $0x80000000, v9;
	v11 =	vmpcnt.ones.xlane vm0  }
0x1b3: {  	v10 =	vnsel vm0, $0xFFFFFFFF, v10  }
0x1b4: {  	(xrf1) =	vsort.ascd.msk.u32 $0xffff, v10, v9;
	(v2sf) =	vpush v11, $0x0;
	_ =	sdelay $0xb  }
.Ltmp13:
0x1b5: {  	_ = 	snop;
	(pc) =	sbr.rel .LBB2_23-.Ltmp13, $4  }
0x1b6: {  	_ = 	snop  }
0x1b7: {  	s0 =	sadd.s32 @p2 s26, s0;
	v9, _, _ =	vpop (xrf1)  }
0x1b8: {  	s23 =	smov.u32 @p2 s0;
	v9 =	vxor.u32 $0x80000000, v9;
	s31 =	spop (v2sf)  }
0x1b9: {  	[tilespmem:s23+$0x8080] =	vst v9;
	s0 =	sadd.s32 s23, s31  }
.LBB2_16:
0x1ba: {  	s0 =	simm.s32 $0x0  }
.LBB2_23:
0x1bb: {  	s23 =	sadd.s32 $0xF, s0  }
0x1bc: {  	s26 =	sand.u32 $0xF, s23  }
0x1bd: {  	s31 =	sshra.s32 s23, $0x1F;
	p3 =	slt.s32 s23, $0x1;
	p2 =	sne.s32 s26, $0x0  }
0x1be: {  	s26 =	sshrl.u32 s31, $0x1C;
	p2 =	por !p3, !p2  }
0x1bf: {  	s23 =	sadd.s32 s26, s23;
	s26 =	simm.s32 $0x1;
	p2 =	por !p2, !p2  }
0x1c0: {  	s23 =	sshra.s32 s23, $0x4;
	s26 =	simm.s32 @!p2 $0x0  }
0x1c1: {  	s26 =	ssub.s32 s23, s26  }
0x1c2: {  	p2 =	slt.s32 s26, $0x1  }
.Ltmp14:
0x1c3: {  	_ = 	snop;
	(pc) =	sbr.rel @p2 .LBB2_25-.Ltmp14, $2  }
0x1c4: {  	_ =	sdelay $0x2  }
0x1c5: {  	[tilespmem:s0+$0x8080] =	vst v3;
	s28 =	simm.s32 $0x8080  }
.LBB2_24:
0x1c6: {  	p2 =	slt.s32 s4, $0x1  }
0x1c7: {  	s0 =	simm.s32 @!p2 $0x2  }
0x1c8: {  	_ =	swait.ge @!p2 [sflag:s0], $0x800  }
0x1c9: {  	[sflag:s0] =	ssyncset.done @!p2 $0x0  }
0x1ca: {  	[sflag:s0] =	ssyncadd.s32 @!p2 $0xFFFFF800  }
0x1cb: {  	v10 =	vld [tilespmem:s28+$0x0];
	_ =	sdelay $0x4  }
0x1cc: {  	v9 =	vshra.s32 v10, $0xF  }
0x1cd: {  	vm0 =	vgt.s32 v9, $0x0  }
0x1ce: {  	v9 =	vnsel vm0, $0x0, v9  }
0x1cf: {  	v9 =	vmin.u32 v9, $0x1FF  }
0x1d0: {  	v11 =	vbroadcast v9, $0x0;
	_ =	sdelay $0x1  }
0x1d1: {  	v12 =	vshll.u32 v11, $0x3  }
0x1d2: {  	v11 =	vand.u32 $0x7F, v11;
	v12 =	vand.u32 $0xC00, v12  }
0x1d3: {  	v11 =	vor.u32 v11, v12  }
0x1d4: {  	v12 =	vor.u32 v4, v11;
	_ =	sdelay $0x2  }
0x1d5: {  	v10 =	vand.u32 $0x7FFF, v10  }
0x1d6: {  	[tilespmem:$0x1C900] =	vst v10  }
0x1d7: {  	v10 =	vld.idx.msk [tilespmem:v12+s17+$0x0], $0xffff  }
0x1d8: {  	v40 =	vor.u32 v5, v11;
	_ =	sdelay $0x3  }
0x1d9: {  	[tilespmem:$0x1C100] =	vst v10  }
0x1da: {  	v10 =	vld.idx.msk [tilespmem:v40+s17+$0x0], $0xffff  }
0x1db: {  	v41 =	vor.u32 v6, v11;
	_ =	sdelay $0x3  }
0x1dc: {  	[tilespmem:$0x1C110] =	vst v10  }
0x1dd: {  	v10 =	vld.idx.msk [tilespmem:v41+s17+$0x0], $0xffff  }
0x1de: {  	v11 =	vor.u32 v7, v11  }
0x1df: {  	v42 =	vbroadcast v9, $0x1;
	_ =	sdelay $0x1  }
0x1e0: {  	v13 =	vshll.u32 v42, $0x3  }
0x1e1: {  	v43 =	vand.u32 $0xC00, v13;
	[tilespmem:$0x1C120] =	vst v10;
	v10 =	vand.u32 $0x7F, v42  }
0x1e2: {  	v11 =	vld.idx.msk [tilespmem:v11+s17+$0x0], $0xffff;
	v10 =	vor.u32 v10, v43  }
0x1e3: {  	v12 =	vor.u32 v4, v10;
	_ =	sdelay $0x3  }
0x1e4: {  	[tilespmem:$0x1C130] =	vst v11  }
0x1e5: {  	v11 =	vld.idx.msk [tilespmem:v12+s17+$0x0], $0xffff  }
0x1e6: {  	v44 =	vor.u32 v5, v10;
	_ =	sdelay $0x3  }
0x1e7: {  	[tilespmem:$0x1C180] =	vst v11  }
0x1e8: {  	v11 =	vld.idx.msk [tilespmem:v44+s17+$0x0], $0xffff  }
0x1e9: {  	v45 =	vor.u32 v6, v10;
	_ =	sdelay $0x3  }
0x1ea: {  	[tilespmem:$0x1C190] =	vst v11  }
0x1eb: {  	v11 =	vld.idx.msk [tilespmem:v45+s17+$0x0], $0xffff  }
0x1ec: {  	v10 =	vor.u32 v7, v10  }
0x1ed: {  	v46 =	vbroadcast v9, $0x2;
	_ =	sdelay $0x1  }
0x1ee: {  	v47 =	vshll.u32 v46, $0x3  }
0x1ef: {  	v48 =	vand.u32 $0xC00, v47;
	[tilespmem:$0x1C1A0] =	vst v11;
	v11 =	vand.u32 $0x7F, v46  }
0x1f0: {  	v10 =	vld.idx.msk [tilespmem:v10+s17+$0x0], $0xffff;
	v11 =	vor.u32 v11, v48  }
0x1f1: {  	v12 =	vor.u32 v4, v11;
	_ =	sdelay $0x3  }
0x1f2: {  	[tilespmem:$0x1C1B0] =	vst v10  }
0x1f3: {  	v10 =	vld.idx.msk [tilespmem:v12+s17+$0x0], $0xffff  }
0x1f4: {  	v49 =	vor.u32 v5, v11;
	_ =	sdelay $0x3  }
0x1f5: {  	[tilespmem:$0x1C200] =	vst v10  }
0x1f6: {  	v10 =	vld.idx.msk [tilespmem:v49+s17+$0x0], $0xffff  }
0x1f7: {  	v50 =	vor.u32 v6, v11;
	_ =	sdelay $0x3  }
0x1f8: {  	[tilespmem:$0x1C210] =	vst v10  }
0x1f9: {  	v10 =	vld.idx.msk [tilespmem:v50+s17+$0x0], $0xffff  }
0x1fa: {  	v11 =	vor.u32 v7, v11  }
0x1fb: {  	v51 =	vbroadcast v9, $0x3;
	_ =	sdelay $0x1  }
0x1fc: {  	v52 =	vshll.u32 v51, $0x3  }
0x1fd: {  	v53 =	vand.u32 $0xC00, v52;
	[tilespmem:$0x1C220] =	vst v10;
	v10 =	vand.u32 $0x7F, v51  }
0x1fe: {  	v11 =	vld.idx.msk [tilespmem:v11+s17+$0x0], $0xffff;
	v10 =	vor.u32 v10, v53  }
0x1ff: {  	v12 =	vor.u32 v4, v10;
	_ =	sdelay $0x3  }
0x200: {  	[tilespmem:$0x1C230] =	vst v11  }
0x201: {  	v11 =	vld.idx.msk [tilespmem:v12+s17+$0x0], $0xffff  }
0x202: {  	v54 =	vor.u32 v5, v10;
	_ =	sdelay $0x3  }
0x203: {  	[tilespmem:$0x1C280] =	vst v11  }
0x204: {  	v11 =	vld.idx.msk [tilespmem:v54+s17+$0x0], $0xffff  }
0x205: {  	v55 =	vor.u32 v6, v10;
	_ =	sdelay $0x3  }
0x206: {  	[tilespmem:$0x1C290] =	vst v11  }
0x207: {  	v11 =	vld.idx.msk [tilespmem:v55+s17+$0x0], $0xffff  }
0x208: {  	v10 =	vor.u32 v7, v10  }
0x209: {  	v56 =	vbroadcast v9, $0x4;
	_ =	sdelay $0x1  }
0x20a: {  	v57 =	vshll.u32 v56, $0x3  }
0x20b: {  	v58 =	vand.u32 $0xC00, v57;
	[tilespmem:$0x1C2A0] =	vst v11;
	v11 =	vand.u32 $0x7F, v56  }
0x20c: {  	v10 =	vld.idx.msk [tilespmem:v10+s17+$0x0], $0xffff;
	v11 =	vor.u32 v11, v58  }
0x20d: {  	v12 =	vor.u32 v4, v11;
	_ =	sdelay $0x3  }
0x20e: {  	[tilespmem:$0x1C2B0] =	vst v10  }
0x20f: {  	v10 =	vld.idx.msk [tilespmem:v12+s17+$0x0], $0xffff  }
0x210: {  	v59 =	vor.u32 v5, v11;
	_ =	sdelay $0x3  }
0x211: {  	[tilespmem:$0x1C300] =	vst v10  }
0x212: {  	v10 =	vld.idx.msk [tilespmem:v59+s17+$0x0], $0xffff  }
0x213: {  	v60 =	vor.u32 v6, v11;
	_ =	sdelay $0x3  }
0x214: {  	[tilespmem:$0x1C310] =	vst v10  }
0x215: {  	v10 =	vld.idx.msk [tilespmem:v60+s17+$0x0], $0xffff  }
0x216: {  	v11 =	vor.u32 v7, v11  }
0x217: {  	v61 =	vbroadcast v9, $0x5;
	_ =	sdelay $0x1  }
0x218: {  	v62 =	vshll.u32 v61, $0x3  }
0x219: {  	v63 =	vand.u32 $0xC00, v62;
	[tilespmem:$0x1C320] =	vst v10;
	v10 =	vand.u32 $0x7F, v61  }
0x21a: {  	v11 =	vld.idx.msk [tilespmem:v11+s17+$0x0], $0xffff;
	v10 =	vor.u32 v10, v63  }
0x21b: {  	v12 =	vor.u32 v4, v10;
	_ =	sdelay $0x3  }
0x21c: {  	[tilespmem:$0x1C330] =	vst v11  }
0x21d: {  	v11 =	vld.idx.msk [tilespmem:v12+s17+$0x0], $0xffff  }
0x21e: {  	v16 =	vor.u32 v5, v10;
	_ =	sdelay $0x3  }
0x21f: {  	[tilespmem:$0x1C380] =	vst v11  }
0x220: {  	v11 =	vld.idx.msk [tilespmem:v16+s17+$0x0], $0xffff  }
0x221: {  	v17 =	vor.u32 v6, v10;
	_ =	sdelay $0x3  }
0x222: {  	[tilespmem:$0x1C390] =	vst v11  }
0x223: {  	v11 =	vld.idx.msk [tilespmem:v17+s17+$0x0], $0xffff  }
0x224: {  	v10 =	vor.u32 v7, v10  }
0x225: {  	v18 =	vbroadcast v9, $0x6;
	_ =	sdelay $0x1  }
0x226: {  	v19 =	vshll.u32 v18, $0x3  }
0x227: {  	v20 =	vand.u32 $0xC00, v19;
	[tilespmem:$0x1C3A0] =	vst v11;
	v11 =	vand.u32 $0x7F, v18  }
0x228: {  	v10 =	vld.idx.msk [tilespmem:v10+s17+$0x0], $0xffff;
	v11 =	vor.u32 v11, v20  }
0x229: {  	v12 =	vor.u32 v4, v11;
	_ =	sdelay $0x3  }
0x22a: {  	[tilespmem:$0x1C3B0] =	vst v10  }
0x22b: {  	v10 =	vld.idx.msk [tilespmem:v12+s17+$0x0], $0xffff  }
0x22c: {  	v21 =	vor.u32 v5, v11;
	_ =	sdelay $0x3  }
0x22d: {  	[tilespmem:$0x1C400] =	vst v10  }
0x22e: {  	v10 =	vld.idx.msk [tilespmem:v21+s17+$0x0], $0xffff  }
0x22f: {  	v22 =	vor.u32 v6, v11;
	_ =	sdelay $0x3  }
0x230: {  	[tilespmem:$0x1C410] =	vst v10  }
0x231: {  	v10 =	vld.idx.msk [tilespmem:v22+s17+$0x0], $0xffff  }
0x232: {  	v11 =	vor.u32 v7, v11  }
0x233: {  	v23 =	vbroadcast v9, $0x7;
	_ =	sdelay $0x1  }
0x234: {  	v24 =	vshll.u32 v23, $0x3  }
0x235: {  	v25 =	vand.u32 $0xC00, v24;
	[tilespmem:$0x1C420] =	vst v10;
	v10 =	vand.u32 $0x7F, v23  }
0x236: {  	v11 =	vld.idx.msk [tilespmem:v11+s17+$0x0], $0xffff;
	v10 =	vor.u32 v10, v25  }
0x237: {  	v12 =	vor.u32 v4, v10;
	_ =	sdelay $0x3  }
0x238: {  	[tilespmem:$0x1C430] =	vst v11  }
0x239: {  	v11 =	vld.idx.msk [tilespmem:v12+s17+$0x0], $0xffff  }
0x23a: {  	v26 =	vor.u32 v5, v10;
	_ =	sdelay $0x3  }
0x23b: {  	[tilespmem:$0x1C480] =	vst v11  }
0x23c: {  	v11 =	vld.idx.msk [tilespmem:v26+s17+$0x0], $0xffff  }
0x23d: {  	v27 =	vor.u32 v6, v10;
	_ =	sdelay $0x3  }
0x23e: {  	[tilespmem:$0x1C490] =	vst v11  }
0x23f: {  	v11 =	vld.idx.msk [tilespmem:v27+s17+$0x0], $0xffff  }
0x240: {  	v10 =	vor.u32 v7, v10  }
0x241: {  	v28 =	vbroadcast v9, $0x8;
	_ =	sdelay $0x1  }
0x242: {  	v29 =	vshll.u32 v28, $0x3  }
0x243: {  	v30 =	vand.u32 $0xC00, v29;
	[tilespmem:$0x1C4A0] =	vst v11;
	v11 =	vand.u32 $0x7F, v28  }
0x244: {  	v10 =	vld.idx.msk [tilespmem:v10+s17+$0x0], $0xffff;
	v11 =	vor.u32 v11, v30  }
0x245: {  	v12 =	vor.u32 v4, v11;
	_ =	sdelay $0x3  }
0x246: {  	[tilespmem:$0x1C4B0] =	vst v10  }
0x247: {  	v10 =	vld.idx.msk [tilespmem:v12+s17+$0x0], $0xffff  }
0x248: {  	v31 =	vor.u32 v5, v11;
	_ =	sdelay $0x3  }
0x249: {  	[tilespmem:$0x1C500] =	vst v10  }
0x24a: {  	v10 =	vld.idx.msk [tilespmem:v31+s17+$0x0], $0xffff  }
0x24b: {  	v32 =	vor.u32 v6, v11;
	_ =	sdelay $0x3  }
0x24c: {  	[tilespmem:$0x1C510] =	vst v10  }
0x24d: {  	v10 =	vld.idx.msk [tilespmem:v32+s17+$0x0], $0xffff  }
0x24e: {  	v11 =	vor.u32 v7, v11  }
0x24f: {  	v33 =	vbroadcast v9, $0x9;
	_ =	sdelay $0x1  }
0x250: {  	v34 =	vshll.u32 v33, $0x3  }
0x251: {  	v35 =	vand.u32 $0xC00, v34;
	[tilespmem:$0x1C520] =	vst v10;
	v10 =	vand.u32 $0x7F, v33  }
0x252: {  	v11 =	vld.idx.msk [tilespmem:v11+s17+$0x0], $0xffff;
	v10 =	vor.u32 v10, v35  }
0x253: {  	v12 =	vor.u32 v4, v10;
	_ =	sdelay $0x3  }
0x254: {  	[tilespmem:$0x1C530] =	vst v11  }
0x255: {  	v11 =	vld.idx.msk [tilespmem:v12+s17+$0x0], $0xffff  }
0x256: {  	v36 =	vor.u32 v5, v10;
	_ =	sdelay $0x3  }
0x257: {  	[tilespmem:$0x1C580] =	vst v11  }
0x258: {  	v11 =	vld.idx.msk [tilespmem:v36+s17+$0x0], $0xffff  }
0x259: {  	v37 =	vor.u32 v6, v10;
	_ =	sdelay $0x3  }
0x25a: {  	[tilespmem:$0x1C590] =	vst v11  }
0x25b: {  	v11 =	vld.idx.msk [tilespmem:v37+s17+$0x0], $0xffff  }
0x25c: {  	v10 =	vor.u32 v7, v10  }
0x25d: {  	v38 =	vbroadcast v9, $0xA;
	_ =	sdelay $0x1  }
0x25e: {  	v39 =	vshll.u32 v38, $0x3  }
0x25f: {  	v40 =	vand.u32 $0xC00, v39;
	[tilespmem:$0x1C5A0] =	vst v11;
	v11 =	vand.u32 $0x7F, v38  }
0x260: {  	v10 =	vld.idx.msk [tilespmem:v10+s17+$0x0], $0xffff;
	v11 =	vor.u32 v11, v40  }
0x261: {  	v12 =	vor.u32 v4, v11;
	_ =	sdelay $0x3  }
0x262: {  	[tilespmem:$0x1C5B0] =	vst v10  }
0x263: {  	v10 =	vld.idx.msk [tilespmem:v12+s17+$0x0], $0xffff  }
0x264: {  	v41 =	vor.u32 v5, v11;
	_ =	sdelay $0x3  }
0x265: {  	[tilespmem:$0x1C600] =	vst v10  }
0x266: {  	v10 =	vld.idx.msk [tilespmem:v41+s17+$0x0], $0xffff  }
0x267: {  	v42 =	vor.u32 v6, v11;
	_ =	sdelay $0x3  }
0x268: {  	[tilespmem:$0x1C610] =	vst v10  }
0x269: {  	v10 =	vld.idx.msk [tilespmem:v42+s17+$0x0], $0xffff  }
0x26a: {  	v11 =	vor.u32 v7, v11  }
0x26b: {  	v43 =	vbroadcast v9, $0xB;
	_ =	sdelay $0x1  }
0x26c: {  	v44 =	vshll.u32 v43, $0x3  }
0x26d: {  	v45 =	vand.u32 $0xC00, v44;
	[tilespmem:$0x1C620] =	vst v10;
	v10 =	vand.u32 $0x7F, v43  }
0x26e: {  	v11 =	vld.idx.msk [tilespmem:v11+s17+$0x0], $0xffff;
	v10 =	vor.u32 v10, v45  }
0x26f: {  	v12 =	vor.u32 v4, v10;
	_ =	sdelay $0x3  }
0x270: {  	[tilespmem:$0x1C630] =	vst v11  }
0x271: {  	v11 =	vld.idx.msk [tilespmem:v12+s17+$0x0], $0xffff  }
0x272: {  	v46 =	vor.u32 v5, v10;
	_ =	sdelay $0x3  }
0x273: {  	[tilespmem:$0x1C680] =	vst v11  }
0x274: {  	v11 =	vld.idx.msk [tilespmem:v46+s17+$0x0], $0xffff  }
0x275: {  	v47 =	vor.u32 v6, v10;
	_ =	sdelay $0x3  }
0x276: {  	[tilespmem:$0x1C690] =	vst v11  }
0x277: {  	v11 =	vld.idx.msk [tilespmem:v47+s17+$0x0], $0xffff  }
0x278: {  	v10 =	vor.u32 v7, v10  }
0x279: {  	v48 =	vbroadcast v9, $0xC;
	_ =	sdelay $0x1  }
0x27a: {  	v49 =	vshll.u32 v48, $0x3  }
0x27b: {  	v50 =	vand.u32 $0xC00, v49;
	[tilespmem:$0x1C6A0] =	vst v11;
	v11 =	vand.u32 $0x7F, v48  }
0x27c: {  	v10 =	vld.idx.msk [tilespmem:v10+s17+$0x0], $0xffff;
	v11 =	vor.u32 v11, v50  }
0x27d: {  	v12 =	vor.u32 v4, v11;
	_ =	sdelay $0x3  }
0x27e: {  	[tilespmem:$0x1C6B0] =	vst v10  }
0x27f: {  	v10 =	vld.idx.msk [tilespmem:v12+s17+$0x0], $0xffff  }
0x280: {  	v51 =	vor.u32 v5, v11;
	_ =	sdelay $0x3  }
0x281: {  	[tilespmem:$0x1C700] =	vst v10  }
0x282: {  	v10 =	vld.idx.msk [tilespmem:v51+s17+$0x0], $0xffff  }
0x283: {  	v52 =	vor.u32 v6, v11;
	_ =	sdelay $0x3  }
0x284: {  	[tilespmem:$0x1C710] =	vst v10  }
0x285: {  	v10 =	vld.idx.msk [tilespmem:v52+s17+$0x0], $0xffff  }
0x286: {  	v11 =	vor.u32 v7, v11  }
0x287: {  	v53 =	vbroadcast v9, $0xD;
	_ =	sdelay $0x1  }
0x288: {  	v54 =	vshll.u32 v53, $0x3  }
0x289: {  	v55 =	vand.u32 $0xC00, v54;
	[tilespmem:$0x1C720] =	vst v10;
	v10 =	vand.u32 $0x7F, v53  }
0x28a: {  	v11 =	vld.idx.msk [tilespmem:v11+s17+$0x0], $0xffff;
	v10 =	vor.u32 v10, v55  }
0x28b: {  	v12 =	vor.u32 v4, v10;
	_ =	sdelay $0x3  }
0x28c: {  	[tilespmem:$0x1C730] =	vst v11  }
0x28d: {  	v11 =	vld.idx.msk [tilespmem:v12+s17+$0x0], $0xffff  }
0x28e: {  	v56 =	vor.u32 v5, v10;
	_ =	sdelay $0x3  }
0x28f: {  	[tilespmem:$0x1C780] =	vst v11  }
0x290: {  	v11 =	vld.idx.msk [tilespmem:v56+s17+$0x0], $0xffff  }
0x291: {  	v57 =	vor.u32 v6, v10;
	_ =	sdelay $0x3  }
0x292: {  	[tilespmem:$0x1C790] =	vst v11  }
0x293: {  	v11 =	vld.idx.msk [tilespmem:v57+s17+$0x0], $0xffff  }
0x294: {  	v10 =	vor.u32 v7, v10  }
0x295: {  	v58 =	vbroadcast v9, $0xE;
	_ =	sdelay $0x1  }
0x296: {  	v59 =	vshll.u32 v58, $0x3  }
0x297: {  	v60 =	vand.u32 $0xC00, v59;
	[tilespmem:$0x1C7A0] =	vst v11;
	v11 =	vand.u32 $0x7F, v58  }
0x298: {  	v10 =	vld.idx.msk [tilespmem:v10+s17+$0x0], $0xffff;
	v11 =	vor.u32 v11, v60  }
0x299: {  	v12 =	vor.u32 v4, v11;
	_ =	sdelay $0x3  }
0x29a: {  	[tilespmem:$0x1C7B0] =	vst v10  }
0x29b: {  	v10 =	vld.idx.msk [tilespmem:v12+s17+$0x0], $0xffff  }
0x29c: {  	v61 =	vor.u32 v5, v11;
	_ =	sdelay $0x3  }
0x29d: {  	[tilespmem:$0x1C800] =	vst v10  }
0x29e: {  	v10 =	vld.idx.msk [tilespmem:v61+s17+$0x0], $0xffff  }
0x29f: {  	v62 =	vor.u32 v6, v11;
	_ =	sdelay $0x3  }
0x2a0: {  	[tilespmem:$0x1C810] =	vst v10  }
0x2a1: {  	v10 =	vld.idx.msk [tilespmem:v62+s17+$0x0], $0xffff  }
0x2a2: {  	v11 =	vor.u32 v7, v11  }
0x2a3: {  	v9 =	vbroadcast v9, $0xF;
	_ =	sdelay $0x1  }
0x2a4: {  	v63 =	vshll.u32 v9, $0x3  }
0x2a5: {  	v9 =	vand.u32 $0x7F, v9;
	[tilespmem:$0x1C820] =	vst v10;
	v10 =	vand.u32 $0xC00, v63  }
0x2a6: {  	v11 =	vld.idx.msk [tilespmem:v11+s17+$0x0], $0xffff;
	v9 =	vor.u32 v9, v10  }
0x2a7: {  	v10 =	vor.u32 v4, v9;
	_ =	sdelay $0x3  }
0x2a8: {  	[tilespmem:$0x1C830] =	vst v11  }
0x2a9: {  	v10 =	vld.idx.msk [tilespmem:v10+s17+$0x0], $0xffff  }
0x2aa: {  	v11 =	vor.u32 v5, v9;
	_ =	sdelay $0x3  }
0x2ab: {  	[tilespmem:$0x1C880] =	vst v10  }
0x2ac: {  	v10 =	vld.idx.msk [tilespmem:v11+s17+$0x0], $0xffff  }
0x2ad: {  	v11 =	vor.u32 v6, v9;
	_ =	sdelay $0x3  }
0x2ae: {  	[tilespmem:$0x1C890] =	vst v10  }
0x2af: {  	v10 =	vld.idx.msk [tilespmem:v11+s17+$0x0], $0xffff  }
0x2b0: {  	v9 =	vor.u32 v7, v9;
	_ =	sdelay $0x3  }
0x2b1: {  	[tilespmem:$0x1C8A0] =	vst v10  }
0x2b2: {  	s26 =	sadd.s32 $0xFFFFFFFF, s26;
	v9 =	vld.idx.msk [tilespmem:v9+s17+$0x0], $0xffff  }
0x2b3: {  	p2 =	sne.s32 s26, $0x0  }
.Ltmp15:
0x2b4: {  	_ = 	snop;
	(pc) =	sbr.rel @p2 .LBB2_24-.Ltmp15, $3  }
0x2b5: {  	_ =	sdelay $0x1  }
0x2b6: {  	s4 =	sadd.s32 $0x1, s4;
	s28 =	sadd.s32 $0x10, s28;
	[tilespmem:$0x1C8B0] =	vst v9  }
0x2b7: {  	[hbm4b:s6+s18] =	stream.indirect.scatter [tilespmem:s20], [sflag:$0x2], $0x80, s19, s18, $0xb8;
	[tilespmem:$0x1C980] =	vst v63  }
.LBB2_25:
.Ltmp16:
0x2b8: {  	(pc) =	sbr.rel @p1 .LBB2_27-.Ltmp16, $1  }
0x2b9: {  	_ =	sdelay $0x3  }
.Ltmp17:
0x2ba: {  	(pc) =	sbr.rel .LBB2_4-.Ltmp17, $4  }
0x2bb: {  	s0 =	sadd.s32 s25, s10  }
0x2bc: {  	s0 =	smin.u32 s0, $0xF4080  }
0x2bd: {  	s24 =	sadd.s32 $0x1, s24;
	s0 =	sadd.s32 s3, s0  }
0x2be: {  	[tilespmem:s17], [sflag:$0x1] =	stream.strided.gather [hbm4b:s0+s14], $0x8000, s15, s14, $0x38;
	[tilespmem:$0x1C980] =	vst v63  }
.LBB2_6:
.Ltmp18:
0x2bf: {  	(pc) =	sbr.rel .LBB2_10-.Ltmp18, $2  }
0x2c0: {  	_ =	sdelay $0x2  }
0x2c1: {  	s29 =	simm.s32 $0x0;
	s30 =	simm.s32 $0x0  }
.LBB2_18:
.Ltmp19:
0x2c2: {  	(pc) =	sbr.rel .LBB2_22-.Ltmp19, $2  }
0x2c3: {  	_ =	sdelay $0x2  }
0x2c4: {  	s26 =	simm.s32 $0x0;
	s29 =	simm.s32 $0x0  }
.LBB2_8:
.Ltmp20:
0x2c5: {  	(pc) =	sbr.rel .LBB2_10-.Ltmp20, $2  }
0x2c6: {  	_ =	sdelay $0x2  }
0x2c7: {  	s29 =	simm.s32 $0x0;
	s30 =	simm.s32 $0x0  }
.LBB2_20:
.Ltmp21:
0x2c8: {  	(pc) =	sbr.rel .LBB2_22-.Ltmp21, $2  }
0x2c9: {  	_ =	sdelay $0x2  }
0x2ca: {  	s26 =	simm.s32 $0x0;
	s29 =	simm.s32 $0x0  }
.LBB2_28:
0x2cb: {  	_ =	sfence.sel $0x180000  }
0x2cc: {  	[bflag:$0x0] =	sbarrier.arrive $0xFFFF  }
0x2cd: {  	_ =	strace $0x90000047  }
0x2ce: {  	s0 =	stileid.u32;
	[bflag:$0x2] =	sbarrier.arrive $0xFFFF  }
0x2cf: {  	p0 =	sne.s32 s0, $0x0;
	s0 =	rddreg [dreg:$0x3]  }
0x2d0: {  	s0 =	sadd.s32 @!p0 $0x100000, s0  }
0x2d1: {  	[sflag:s0] =	ssyncadd.tile.s32 @!p0 $0x1;
	_ =	shalt  }
.Lfunc_end2:
_tile_overlayer_lowered:
.L_overlay_start_2:
0x2d2: {  	(tag) =	ssettag $0x2  }
0x2d3: {  	s0 =	rddreg [dreg:$0x0];
	s2 =	stileid.u32  }
0x2d4: {  	s1 =	rddreg [dreg:$0x1];
	p0 =	sne.s32 s2, $0x0  }
0x2d5: {  	s3 =	rddreg [dreg:$0x2];
	[bflag:$0x3] =	sbarrier.arrive $0xFFFF;
	s2 =	simm.s32 @!p0 $0x1C03  }
0x2d6: {  	[timem:s3], [sflag:s2] =	dma.local @!p0 [hbm:s0], s1  }
0x2d7: {  	s0 =	simm.s32 @!p0 $0x3  }
0x2d8: {  	_ =	swait.ge @!p0 [sflag:s0], s1  }
0x2d9: {  	s1 =	ssub.s32 @!p0 $0x0, s1;
	[sflag:s0] =	ssyncset.done @!p0 $0x0  }
0x2da: {  	[sflag:s0] =	ssyncadd.s32 @!p0 s1  }
0x2db: {  	[bflag:$0x3] =	sbarrier.arrive $0xFFFF  }
0x2dc: {  	_ =	shalt  }

</sc_bundles>
